<compile_context>
chip_gen: v7x
topology: tpu7x:2x2x1
jax: 0.10.2.dev20260603
libtpu: 0.0.44.dev20260713+nightly
codegen_flags: <defaults>
</compile_context>

<pallas_src>
import jax
import jax.numpy as jnp
from jax import lax
from jax.experimental import pallas as pl
from jax.experimental.pallas import tpu as pltpu
from jax.experimental.pallas import tpu_sc as plsc

_NC = 2
_NS = 16
_NW = _NC * _NS
_L = 16
_NBUF = 8
_LAST_FULL = 7811
_TAIL = (_LAST_FULL + 1) * 128
_N = 1000000
_TAILBASE = _N - 128
_BW = 512


def _fire(t_hbm, blk, sem, slot, col):
    c = jnp.minimum(col >> 7, _LAST_FULL)
    base = pl.multiple_of(c * 128, 128)
    pltpu.async_copy(t_hbm.at[:, pl.ds(base, 128)], blk.at[slot], sem.at[slot])


def _drain(t_hbm, blk, sem, slot):
    pltpu.make_async_copy(t_hbm.at[:, pl.ds(0, 128)], blk.at[slot],
                          sem.at[slot]).wait()


def _wmf_body(user_hbm, item_hbm, weight_hbm, ut_hbm, it_hbm, tu_hbm, ti_hbm,
              out_hbm, idx_us, idx_is, w_v, out_v, blku, blki, sem_u, sem_i):
    wid = lax.axis_index("s") * _NC + lax.axis_index("c")
    base = wid * _BW

    pltpu.sync_copy(user_hbm.at[pl.ds(base, _BW)], idx_us)
    pltpu.sync_copy(item_hbm.at[pl.ds(base, _BW)], idx_is)
    pltpu.sync_copy(weight_hbm.at[pl.ds(base, _BW)], w_v)
    pltpu.sync_copy(tu_hbm, blku.at[_NBUF])
    pltpu.sync_copy(ti_hbm, blki.at[_NBUF])

    fvec = lax.iota(jnp.int32, _L)
    f2 = fvec + _L

    iu0 = idx_us[pl.ds(0, _L)]
    ii0 = idx_is[pl.ds(0, _L)]
    for k in range(_NBUF):
        _fire(ut_hbm, blku, sem_u, k, iu0[k])
        _fire(it_hbm, blki, sem_i, k, ii0[k])

    def _dot_one(cu, ci, slot):
        tail_u = cu >= _TAIL
        tail_i = ci >= _TAIL
        slot_u = jnp.full((_L,), jnp.where(tail_u, _NBUF, slot), jnp.int32)
        slot_i = jnp.full((_L,), jnp.where(tail_i, _NBUF, slot), jnp.int32)
        su = jnp.full((_L,), jnp.where(tail_u, cu - _TAILBASE, cu & 127),
                      jnp.int32)
        si = jnp.full((_L,), jnp.where(tail_i, ci - _TAILBASE, ci & 127),
                      jnp.int32)
        u0 = plsc.load_gather(blku, [slot_u, fvec, su])
        u1 = plsc.load_gather(blku, [slot_u, f2, su])
        v0 = plsc.load_gather(blki, [slot_i, fvec, si])
        v1 = plsc.load_gather(blki, [slot_i, f2, si])
        return lax.reduce_sum(u0 * v0 + u1 * v1, axes=(0,))

    def body(g, carry):
        gb = pl.multiple_of(g * _L, _L)
        iu = idx_us[pl.ds(gb, _L)]
        ii = idx_is[pl.ds(gb, _L)]
        gn = jnp.minimum(g + 1, _BW // _L - 1)
        gnb = pl.multiple_of(gn * _L, _L)
        iun = idx_us[pl.ds(gnb, _L)]
        iin = idx_is[pl.ds(gnb, _L)]

        acc = jnp.zeros((_L,), jnp.float32)
        for k in range(_L):
            slot = k & (_NBUF - 1)
            _drain(ut_hbm, blku, sem_u, slot)
            _drain(it_hbm, blki, sem_i, slot)
            dot = _dot_one(iu[k], ii[k], slot)
            acc = jnp.where(fvec == k, jnp.full((_L,), dot, jnp.float32), acc)

            if k < _NBUF:
                _fire(ut_hbm, blku, sem_u, slot, iu[k + _NBUF])
                _fire(it_hbm, blki, sem_i, slot, ii[k + _NBUF])
            else:
                @pl.when(g < _BW // _L - 1)
                def _():
                    _fire(ut_hbm, blku, sem_u, slot, iun[k - _NBUF])
                    _fire(it_hbm, blki, sem_i, slot, iin[k - _NBUF])

        x = acc * w_v[pl.ds(gb, _L)]
        out_v[pl.ds(gb, _L)] = 1.0 / (1.0 + jnp.exp(-x))
        return carry

    lax.fori_loop(0, _BW // _L, body, 0)
    pltpu.sync_copy(out_v, out_hbm.at[pl.ds(base, _BW)])


@jax.jit
def kernel(user, item, weight, user_table, item_table):
    b = user.shape[0]
    ut = user_table.T
    it = item_table.T
    tail_u = ut[:, _TAILBASE:]
    tail_i = it[:, _TAILBASE:]

    mesh = plsc.VectorSubcoreMesh(core_axis_name="c", subcore_axis_name="s")
    run = pl.kernel(
        _wmf_body,
        out_type=jax.ShapeDtypeStruct((b,), jnp.float32),
        mesh=mesh,
        compiler_params=pltpu.CompilerParams(needs_layout_passes=False),
        scratch_types=[
            pltpu.VMEM((_BW,), jnp.int32),
            pltpu.VMEM((_BW,), jnp.int32),
            pltpu.VMEM((_BW,), jnp.float32),
            pltpu.VMEM((_BW,), jnp.float32),
            pltpu.VMEM((_NBUF + 1, 32, 128), jnp.float32),
            pltpu.VMEM((_NBUF + 1, 32, 128), jnp.float32),
            pltpu.SemaphoreType.DMA((_NBUF,)),
            pltpu.SemaphoreType.DMA((_NBUF,)),
        ],
    )
    return run(user.astype(jnp.int32), item.astype(jnp.int32), weight,
               ut, it, tail_u, tail_i)

# --- scband reference (transcript-rebuilt; emitter-appended) ---
"""Pipeline reference for scband-wmf-86612310491877 (READ-ONLY COPY).

The authoritative reference and input builder live on the scoring server;
editing this copy changes nothing except your own understanding.
"""

import jax, jax.numpy as jnp
import numpy as np

NUM_USERS = 1000000
NUM_ITEMS = 1000000
NUM_FACTORS = 32
BATCH = 16384


def setup_inputs(seed: int = 0) -> dict:
    key = jax.random.key(seed)
    k_user, k_item, k_weight, k_ut, k_it = jax.random.split(key, 5)
    user = jax.random.randint(k_user, (BATCH,), 0, NUM_USERS, dtype=jnp.int64) if jax.config.jax_enable_x64 else jax.random.randint(k_user, (BATCH,), 0, NUM_USERS, dtype=jnp.int32)
    item = jax.random.randint(k_item, (BATCH,), 0, NUM_ITEMS, dtype=jnp.int32)
    user = jax.random.randint(k_user, (BATCH,), 0, NUM_USERS, dtype=jnp.int32)
    weight = jax.random.uniform(k_weight, (BATCH,), dtype=jnp.float32)
    # learned parameters (embedding tables), init like nn.Embedding default N(0,1)
    user_table = jax.random.normal(k_ut, (NUM_USERS, NUM_FACTORS), dtype=jnp.float32)
    item_table = jax.random.normal(k_it, (NUM_ITEMS, NUM_FACTORS), dtype=jnp.float32)
    return {"user": user, "item": item, "weight": weight, "user_table": user_table, "item_table": item_table}


def reference(user, item, weight, user_table, item_table):
    user_emb = jnp.take(user_table, user, axis=0)   # [B, F] gather
    item_emb = jnp.take(item_table, item, axis=0)   # [B, F] gather
    interaction = jnp.sum(user_emb * item_emb, axis=1)  # [B]
    output = interaction * weight
    return jax.nn.sigmoid(output)

if __name__ == "__main__":
    import jax
    _d = setup_inputs()
    print(jax.jit(kernel)(*tuple(_d.values())))

</pallas_src>

<mosaic_0001>
#map = affine_map<(d0, d1) -> (0)>
#map1 = affine_map<(d0, d1) -> (0, 0)>
module attributes {stable_mosaic.version = 14 : i64} {
  func.func @_wmf_body(%arg0: i32, %arg1: i32, %arg2: memref<16384xi32, #tpu.memory_space<hbm>>, %arg3: memref<16384xi32, #tpu.memory_space<hbm>>, %arg4: memref<16384xf32, #tpu.memory_space<hbm>>, %arg5: memref<32x1000000xf32, #tpu.memory_space<hbm>>, %arg6: memref<32x1000000xf32, #tpu.memory_space<hbm>>, %arg7: memref<32x128xf32, #tpu.memory_space<hbm>>, %arg8: memref<32x128xf32, #tpu.memory_space<hbm>>, %arg9: memref<16384xf32, #tpu.memory_space<hbm>>, %arg10: memref<512xi32, #tpu.memory_space<vmem>>, %arg11: memref<512xi32, #tpu.memory_space<vmem>>, %arg12: memref<512xf32, #tpu.memory_space<vmem>>, %arg13: memref<512xf32, #tpu.memory_space<vmem>>, %arg14: memref<9x32x128xf32, #tpu.memory_space<vmem>>, %arg15: memref<9x32x128xf32, #tpu.memory_space<vmem>>, %arg16: memref<8x!tpu.dma_semaphore, #tpu.memory_space<semaphore_mem>>, %arg17: memref<8x!tpu.dma_semaphore, #tpu.memory_space<semaphore_mem>>) attributes {dimension_semantics = [#tpu.dimension_semantics<core_parallel>, #tpu.dimension_semantics<subcore_parallel>], iteration_bounds = array<i64: 2, 16>, scalar_prefetch = 0 : i64, scratch_operands = 8 : i64, tpu.core_type = #tpu.core_type<sc_vector_subcore>, window_params = [{transform_indices = #map}, {transform_indices = #map}, {transform_indices = #map}, {transform_indices = #map1}, {transform_indices = #map1}, {transform_indices = #map1}, {transform_indices = #map1}, {transform_indices = #map}]} {
    %mul3A = arith.constant 2 : i32
    %mul3A_0 = arith.muli %arg1, %mul3A : i32
    %add3A = arith.addi %mul3A_0, %arg0 : i32
    %mul3A_1 = arith.constant 512 : i32
    %mul3A_2 = arith.muli %add3A, %mul3A_1 : i32
    "tpu.region"() ({
      %run_scoped3A_409 = tpu.sem_alloc : memref<!tpu.dma_semaphore, #tpu.memory_space<semaphore_mem>>
      %dma_start3A_410 = tpu.memref_slice %arg2[%mul3A_2] : memref<16384xi32, #tpu.memory_space<hbm>> -> memref<512xi32, #tpu.memory_space<hbm>>
      %dma_start3A_411 = tpu.memref_slice %arg2[%mul3A_2] : memref<16384xi32, #tpu.memory_space<hbm>> -> memref<512xi32, #tpu.memory_space<hbm>>
      tpu.enqueue_dma source(%dma_start3A_411 : memref<512xi32, #tpu.memory_space<hbm>>) target(%arg10 : memref<512xi32, #tpu.memory_space<vmem>>) target_semaphore(%run_scoped3A_409 : memref<!tpu.dma_semaphore, #tpu.memory_space<semaphore_mem>>)
      %dma_wait3A = tpu.memref_slice %arg2[%mul3A_2] : memref<16384xi32, #tpu.memory_space<hbm>> -> memref<512xi32, #tpu.memory_space<hbm>>
      %dma_wait3A_412 = tpu.memref_slice %arg2[%mul3A_2] : memref<16384xi32, #tpu.memory_space<hbm>> -> memref<512xi32, #tpu.memory_space<hbm>>
      tpu.wait_dma2 semaphore(%run_scoped3A_409 : memref<!tpu.dma_semaphore, #tpu.memory_space<semaphore_mem>>) src(%dma_wait3A_412 : memref<512xi32, #tpu.memory_space<hbm>>) dst(%arg10 : memref<512xi32, #tpu.memory_space<vmem>>)
      tpu.yield
    }) : () -> ()
    "tpu.region"() ({
      %run_scoped3A_409 = tpu.sem_alloc : memref<!tpu.dma_semaphore, #tpu.memory_space<semaphore_mem>>
      %dma_start3A_410 = tpu.memref_slice %arg3[%mul3A_2] : memref<16384xi32, #tpu.memory_space<hbm>> -> memref<512xi32, #tpu.memory_space<hbm>>
      %dma_start3A_411 = tpu.memref_slice %arg3[%mul3A_2] : memref<16384xi32, #tpu.memory_space<hbm>> -> memref<512xi32, #tpu.memory_space<hbm>>
      tpu.enqueue_dma source(%dma_start3A_411 : memref<512xi32, #tpu.memory_space<hbm>>) target(%arg11 : memref<512xi32, #tpu.memory_space<vmem>>) target_semaphore(%run_scoped3A_409 : memref<!tpu.dma_semaphore, #tpu.memory_space<semaphore_mem>>)
      %dma_wait3A = tpu.memref_slice %arg3[%mul3A_2] : memref<16384xi32, #tpu.memory_space<hbm>> -> memref<512xi32, #tpu.memory_space<hbm>>
      %dma_wait3A_412 = tpu.memref_slice %arg3[%mul3A_2] : memref<16384xi32, #tpu.memory_space<hbm>> -> memref<512xi32, #tpu.memory_space<hbm>>
      tpu.wait_dma2 semaphore(%run_scoped3A_409 : memref<!tpu.dma_semaphore, #tpu.memory_space<semaphore_mem>>) src(%dma_wait3A_412 : memref<512xi32, #tpu.memory_space<hbm>>) dst(%arg11 : memref<512xi32, #tpu.memory_space<vmem>>)
      tpu.yield
    }) : () -> ()
    "tpu.region"() ({
      %run_scoped3A_409 = tpu.sem_alloc : memref<!tpu.dma_semaphore, #tpu.memory_space<semaphore_mem>>
      %dma_start3A_410 = tpu.memref_slice %arg4[%mul3A_2] : memref<16384xf32, #tpu.memory_space<hbm>> -> memref<512xf32, #tpu.memory_space<hbm>>
      %dma_start3A_411 = tpu.memref_slice %arg4[%mul3A_2] : memref<16384xf32, #tpu.memory_space<hbm>> -> memref<512xf32, #tpu.memory_space<hbm>>
      tpu.enqueue_dma source(%dma_start3A_411 : memref<512xf32, #tpu.memory_space<hbm>>) target(%arg12 : memref<512xf32, #tpu.memory_space<vmem>>) target_semaphore(%run_scoped3A_409 : memref<!tpu.dma_semaphore, #tpu.memory_space<semaphore_mem>>)
      %dma_wait3A = tpu.memref_slice %arg4[%mul3A_2] : memref<16384xf32, #tpu.memory_space<hbm>> -> memref<512xf32, #tpu.memory_space<hbm>>
      %dma_wait3A_412 = tpu.memref_slice %arg4[%mul3A_2] : memref<16384xf32, #tpu.memory_space<hbm>> -> memref<512xf32, #tpu.memory_space<hbm>>
      tpu.wait_dma2 semaphore(%run_scoped3A_409 : memref<!tpu.dma_semaphore, #tpu.memory_space<semaphore_mem>>) src(%dma_wait3A_412 : memref<512xf32, #tpu.memory_space<hbm>>) dst(%arg12 : memref<512xf32, #tpu.memory_space<vmem>>)
      tpu.yield
    }) : () -> ()
    %run_scoped3A = arith.constant 8 : i32
    "tpu.region"() ({
      %run_scoped3A_409 = tpu.sem_alloc : memref<!tpu.dma_semaphore, #tpu.memory_space<semaphore_mem>>
      %dma_start3A_410 = arith.constant 0 : i32
      %dma_start3A_411 = arith.constant 0 : i32
      %dma_start3A_412 = tpu.memref_slice %arg14[%run_scoped3A, %dma_start3A_410, %dma_start3A_411] : memref<9x32x128xf32, #tpu.memory_space<vmem>> -> memref<1x32x128xf32, #tpu.memory_space<vmem>>
      %dma_start3A_413 = tpu.memref_squeeze %dma_start3A_412 : memref<1x32x128xf32, #tpu.memory_space<vmem>> -> memref<32x128xf32, #tpu.memory_space<vmem>>
      %dma_start3A_414 = arith.constant 0 : i32
      %dma_start3A_415 = arith.constant 0 : i32
      %dma_start3A_416 = tpu.memref_slice %arg14[%run_scoped3A, %dma_start3A_414, %dma_start3A_415] : memref<9x32x128xf32, #tpu.memory_space<vmem>> -> memref<1x32x128xf32, #tpu.memory_space<vmem>>
      %dma_start3A_417 = tpu.memref_squeeze %dma_start3A_416 : memref<1x32x128xf32, #tpu.memory_space<vmem>> -> memref<32x128xf32, #tpu.memory_space<vmem>>
      tpu.enqueue_dma source(%arg7 : memref<32x128xf32, #tpu.memory_space<hbm>>) target(%dma_start3A_417 : memref<32x128xf32, #tpu.memory_space<vmem>>) target_semaphore(%run_scoped3A_409 : memref<!tpu.dma_semaphore, #tpu.memory_space<semaphore_mem>>)
      %dma_wait3A = arith.constant 0 : i32
      %dma_wait3A_418 = arith.constant 0 : i32
      %dma_wait3A_419 = tpu.memref_slice %arg14[%run_scoped3A, %dma_wait3A, %dma_wait3A_418] : memref<9x32x128xf32, #tpu.memory_space<vmem>> -> memref<1x32x128xf32, #tpu.memory_space<vmem>>
      %dma_wait3A_420 = tpu.memref_squeeze %dma_wait3A_419 : memref<1x32x128xf32, #tpu.memory_space<vmem>> -> memref<32x128xf32, #tpu.memory_space<vmem>>
      %dma_wait3A_421 = arith.constant 0 : i32
      %dma_wait3A_422 = arith.constant 0 : i32
      %dma_wait3A_423 = tpu.memref_slice %arg14[%run_scoped3A, %dma_wait3A_421, %dma_wait3A_422] : memref<9x32x128xf32, #tpu.memory_space<vmem>> -> memref<1x32x128xf32, #tpu.memory_space<vmem>>
      %dma_wait3A_424 = tpu.memref_squeeze %dma_wait3A_423 : memref<1x32x128xf32, #tpu.memory_space<vmem>> -> memref<32x128xf32, #tpu.memory_space<vmem>>
      tpu.wait_dma2 semaphore(%run_scoped3A_409 : memref<!tpu.dma_semaphore, #tpu.memory_space<semaphore_mem>>) src(%arg7 : memref<32x128xf32, #tpu.memory_space<hbm>>) dst(%dma_wait3A_424 : memref<32x128xf32, #tpu.memory_space<vmem>>)
      tpu.yield
    }) : () -> ()
    %run_scoped3A_3 = arith.constant 8 : i32
    "tpu.region"() ({
      %run_scoped3A_409 = tpu.sem_alloc : memref<!tpu.dma_semaphore, #tpu.memory_space<semaphore_mem>>
      %dma_start3A_410 = arith.constant 0 : i32
      %dma_start3A_411 = arith.constant 0 : i32
      %dma_start3A_412 = tpu.memref_slice %arg15[%run_scoped3A_3, %dma_start3A_410, %dma_start3A_411] : memref<9x32x128xf32, #tpu.memory_space<vmem>> -> memref<1x32x128xf32, #tpu.memory_space<vmem>>
      %dma_start3A_413 = tpu.memref_squeeze %dma_start3A_412 : memref<1x32x128xf32, #tpu.memory_space<vmem>> -> memref<32x128xf32, #tpu.memory_space<vmem>>
      %dma_start3A_414 = arith.constant 0 : i32
      %dma_start3A_415 = arith.constant 0 : i32
      %dma_start3A_416 = tpu.memref_slice %arg15[%run_scoped3A_3, %dma_start3A_414, %dma_start3A_415] : memref<9x32x128xf32, #tpu.memory_space<vmem>> -> memref<1x32x128xf32, #tpu.memory_space<vmem>>
      %dma_start3A_417 = tpu.memref_squeeze %dma_start3A_416 : memref<1x32x128xf32, #tpu.memory_space<vmem>> -> memref<32x128xf32, #tpu.memory_space<vmem>>
      tpu.enqueue_dma source(%arg8 : memref<32x128xf32, #tpu.memory_space<hbm>>) target(%dma_start3A_417 : memref<32x128xf32, #tpu.memory_space<vmem>>) target_semaphore(%run_scoped3A_409 : memref<!tpu.dma_semaphore, #tpu.memory_space<semaphore_mem>>)
      %dma_wait3A = arith.constant 0 : i32
      %dma_wait3A_418 = arith.constant 0 : i32
      %dma_wait3A_419 = tpu.memref_slice %arg15[%run_scoped3A_3, %dma_wait3A, %dma_wait3A_418] : memref<9x32x128xf32, #tpu.memory_space<vmem>> -> memref<1x32x128xf32, #tpu.memory_space<vmem>>
      %dma_wait3A_420 = tpu.memref_squeeze %dma_wait3A_419 : memref<1x32x128xf32, #tpu.memory_space<vmem>> -> memref<32x128xf32, #tpu.memory_space<vmem>>
      %dma_wait3A_421 = arith.constant 0 : i32
      %dma_wait3A_422 = arith.constant 0 : i32
      %dma_wait3A_423 = tpu.memref_slice %arg15[%run_scoped3A_3, %dma_wait3A_421, %dma_wait3A_422] : memref<9x32x128xf32, #tpu.memory_space<vmem>> -> memref<1x32x128xf32, #tpu.memory_space<vmem>>
      %dma_wait3A_424 = tpu.memref_squeeze %dma_wait3A_423 : memref<1x32x128xf32, #tpu.memory_space<vmem>> -> memref<32x128xf32, #tpu.memory_space<vmem>>
      tpu.wait_dma2 semaphore(%run_scoped3A_409 : memref<!tpu.dma_semaphore, #tpu.memory_space<semaphore_mem>>) src(%arg8 : memref<32x128xf32, #tpu.memory_space<hbm>>) dst(%dma_wait3A_424 : memref<32x128xf32, #tpu.memory_space<vmem>>)
      tpu.yield
    }) : () -> ()
    %iota3A = tpu.iota {dimensions = array<i32: 0>} : vector<16xi32>
    %add3A_4 = arith.constant 16 : i32
    %add3A_5 = vector.broadcast %add3A_4 : i32 to vector<16xi32>
    %add3A_6 = arith.addi %iota3A, %add3A_5 : vector<16xi32>
    %get3A = arith.constant 0 : index
    %get3A_7 = tpu.vector_load %arg10[%get3A] {strides = array<i32>} : memref<512xi32, #tpu.memory_space<vmem>>, vector<16xi32>,
    %get3A_8 = arith.constant 0 : index
    %get3A_9 = tpu.vector_load %arg11[%get3A_8] {strides = array<i32>} : memref<512xi32, #tpu.memory_space<vmem>>, vector<16xi32>,
    %slice3A = vector.extract_strided_slice %get3A_7 {offsets = [0], sizes = [1], strides = [1]} : vector<16xi32> to vector<1xi32>
    %squeeze3A = vector.extract %slice3A[0] : i32 from vector<1xi32>
    %shift_right_arithmetic3A = arith.constant 7 : i32
    %shift_right_arithmetic3A_10 = arith.shrsi %squeeze3A, %shift_right_arithmetic3A : i32
    %min3A = arith.constant 7811 : i32
    %min3A_11 = arith.minsi %shift_right_arithmetic3A_10, %min3A : i32
    %mul3A_12 = arith.constant 128 : i32
    %mul3A_13 = arith.muli %min3A_11, %mul3A_12 : i32
    %multiple_of3A = tpu.assume_multiple %mul3A_13, 128 : i32
    %dma_start3A = arith.constant 0 : i32
    %dma_start3A_14 = arith.constant 0 : i32
    %dma_start3A_15 = arith.constant 0 : i32
    %dma_start3A_16 = arith.constant 0 : i32
    %dma_start3A_17 = tpu.memref_slice %arg14[%dma_start3A, %dma_start3A_15, %dma_start3A_16] : memref<9x32x128xf32, #tpu.memory_space<vmem>> -> memref<1x32x128xf32, #tpu.memory_space<vmem>>
    %dma_start3A_18 = tpu.memref_squeeze %dma_start3A_17 : memref<1x32x128xf32, #tpu.memory_space<vmem>> -> memref<32x128xf32, #tpu.memory_space<vmem>>
    %dma_start3A_19 = arith.constant 0 : i32
    %dma_start3A_20 = tpu.memref_slice %arg5[%dma_start3A_19, %multiple_of3A] : memref<32x1000000xf32, #tpu.memory_space<hbm>> -> memref<32x128xf32, #tpu.memory_space<hbm>>
    %dma_start3A_21 = tpu.memref_slice %arg16[%dma_start3A_14] : memref<8x!tpu.dma_semaphore, #tpu.memory_space<semaphore_mem>> -> memref<1x!tpu.dma_semaphore, #tpu.memory_space<semaphore_mem>>
    %dma_start3A_22 = tpu.memref_squeeze %dma_start3A_21 : memref<1x!tpu.dma_semaphore, #tpu.memory_space<semaphore_mem>> -> memref<!tpu.dma_semaphore, #tpu.memory_space<semaphore_mem>>
    %dma_start3A_23 = arith.constant 0 : i32
    %dma_start3A_24 = arith.constant 0 : i32
    %dma_start3A_25 = tpu.memref_slice %arg14[%dma_start3A, %dma_start3A_23, %dma_start3A_24] : memref<9x32x128xf32, #tpu.memory_space<vmem>> -> memref<1x32x128xf32, #tpu.memory_space<vmem>>
    %dma_start3A_26 = tpu.memref_squeeze %dma_start3A_25 : memref<1x32x128xf32, #tpu.memory_space<vmem>> -> memref<32x128xf32, #tpu.memory_space<vmem>>
    %dma_start3A_27 = arith.constant 0 : i32
    %dma_start3A_28 = tpu.memref_slice %arg5[%dma_start3A_27, %multiple_of3A] : memref<32x1000000xf32, #tpu.memory_space<hbm>> -> memref<32x128xf32, #tpu.memory_space<hbm>>
    tpu.enqueue_dma source(%dma_start3A_28 : memref<32x128xf32, #tpu.memory_space<hbm>>) target(%dma_start3A_26 : memref<32x128xf32, #tpu.memory_space<vmem>>) target_semaphore(%dma_start3A_22 : memref<!tpu.dma_semaphore, #tpu.memory_space<semaphore_mem>>)
    %slice3A_29 = vector.extract_strided_slice %get3A_9 {offsets = [0], sizes = [1], strides = [1]} : vector<16xi32> to vector<1xi32>
    %squeeze3A_30 = vector.extract %slice3A_29[0] : i32 from vector<1xi32>
    %shift_right_arithmetic3A_31 = arith.constant 7 : i32
    %shift_right_arithmetic3A_32 = arith.shrsi %squeeze3A_30, %shift_right_arithmetic3A_31 : i32
    %min3A_33 = arith.constant 7811 : i32
    %min3A_34 = arith.minsi %shift_right_arithmetic3A_32, %min3A_33 : i32
    %mul3A_35 = arith.constant 128 : i32
    %mul3A_36 = arith.muli %min3A_34, %mul3A_35 : i32
    %multiple_of3A_37 = tpu.assume_multiple %mul3A_36, 128 : i32
    %dma_start3A_38 = arith.constant 0 : i32
    %dma_start3A_39 = arith.constant 0 : i32
    %dma_start3A_40 = arith.constant 0 : i32
    %dma_start3A_41 = arith.constant 0 : i32
    %dma_start3A_42 = tpu.memref_slice %arg15[%dma_start3A_38, %dma_start3A_40, %dma_start3A_41] : memref<9x32x128xf32, #tpu.memory_space<vmem>> -> memref<1x32x128xf32, #tpu.memory_space<vmem>>
    %dma_start3A_43 = tpu.memref_squeeze %dma_start3A_42 : memref<1x32x128xf32, #tpu.memory_space<vmem>> -> memref<32x128xf32, #tpu.memory_space<vmem>>
    %dma_start3A_44 = arith.constant 0 : i32
    %dma_start3A_45 = tpu.memref_slice %arg6[%dma_start3A_44, %multiple_of3A_37] : memref<32x1000000xf32, #tpu.memory_space<hbm>> -> memref<32x128xf32, #tpu.memory_space<hbm>>
    %dma_start3A_46 = tpu.memref_slice %arg17[%dma_start3A_39] : memref<8x!tpu.dma_semaphore, #tpu.memory_space<semaphore_mem>> -> memref<1x!tpu.dma_semaphore, #tpu.memory_space<semaphore_mem>>
    %dma_start3A_47 = tpu.memref_squeeze %dma_start3A_46 : memref<1x!tpu.dma_semaphore, #tpu.memory_space<semaphore_mem>> -> memref<!tpu.dma_semaphore, #tpu.memory_space<semaphore_mem>>
    %dma_start3A_48 = arith.constant 0 : i32
    %dma_start3A_49 = arith.constant 0 : i32
    %dma_start3A_50 = tpu.memref_slice %arg15[%dma_start3A_38, %dma_start3A_48, %dma_start3A_49] : memref<9x32x128xf32, #tpu.memory_space<vmem>> -> memref<1x32x128xf32, #tpu.memory_space<vmem>>
    %dma_start3A_51 = tpu.memref_squeeze %dma_start3A_50 : memref<1x32x128xf32, #tpu.memory_space<vmem>> -> memref<32x128xf32, #tpu.memory_space<vmem>>
    %dma_start3A_52 = arith.constant 0 : i32
    %dma_start3A_53 = tpu.memref_slice %arg6[%dma_start3A_52, %multiple_of3A_37] : memref<32x1000000xf32, #tpu.memory_space<hbm>> -> memref<32x128xf32, #tpu.memory_space<hbm>>
    tpu.enqueue_dma source(%dma_start3A_53 : memref<32x128xf32, #tpu.memory_space<hbm>>) target(%dma_start3A_51 : memref<32x128xf32, #tpu.memory_space<vmem>>) target_semaphore(%dma_start3A_47 : memref<!tpu.dma_semaphore, #tpu.memory_space<semaphore_mem>>)
    %slice3A_54 = vector.extract_strided_slice %get3A_7 {offsets = [1], sizes = [1], strides = [1]} : vector<16xi32> to vector<1xi32>
    %squeeze3A_55 = vector.extract %slice3A_54[0] : i32 from vector<1xi32>
    %shift_right_arithmetic3A_56 = arith.constant 7 : i32
    %shift_right_arithmetic3A_57 = arith.shrsi %squeeze3A_55, %shift_right_arithmetic3A_56 : i32
    %min3A_58 = arith.constant 7811 : i32
    %min3A_59 = arith.minsi %shift_right_arithmetic3A_57, %min3A_58 : i32
    %mul3A_60 = arith.constant 128 : i32
    %mul3A_61 = arith.muli %min3A_59, %mul3A_60 : i32
    %multiple_of3A_62 = tpu.assume_multiple %mul3A_61, 128 : i32
    %dma_start3A_63 = arith.constant 1 : i32
    %dma_start3A_64 = arith.constant 1 : i32
    %dma_start3A_65 = arith.constant 0 : i32
    %dma_start3A_66 = arith.constant 0 : i32
    %dma_start3A_67 = tpu.memref_slice %arg14[%dma_start3A_63, %dma_start3A_65, %dma_start3A_66] : memref<9x32x128xf32, #tpu.memory_space<vmem>> -> memref<1x32x128xf32, #tpu.memory_space<vmem>>
    %dma_start3A_68 = tpu.memref_squeeze %dma_start3A_67 : memref<1x32x128xf32, #tpu.memory_space<vmem>> -> memref<32x128xf32, #tpu.memory_space<vmem>>
    %dma_start3A_69 = arith.constant 0 : i32
    %dma_start3A_70 = tpu.memref_slice %arg5[%dma_start3A_69, %multiple_of3A_62] : memref<32x1000000xf32, #tpu.memory_space<hbm>> -> memref<32x128xf32, #tpu.memory_space<hbm>>
    %dma_start3A_71 = tpu.memref_slice %arg16[%dma_start3A_64] : memref<8x!tpu.dma_semaphore, #tpu.memory_space<semaphore_mem>> -> memref<1x!tpu.dma_semaphore, #tpu.memory_space<semaphore_mem>>
    %dma_start3A_72 = tpu.memref_squeeze %dma_start3A_71 : memref<1x!tpu.dma_semaphore, #tpu.memory_space<semaphore_mem>> -> memref<!tpu.dma_semaphore, #tpu.memory_space<semaphore_mem>>
    %dma_start3A_73 = arith.constant 0 : i32
    %dma_start3A_74 = arith.constant 0 : i32
    %dma_start3A_75 = tpu.memref_slice %arg14[%dma_start3A_63, %dma_start3A_73, %dma_start3A_74] : memref<9x32x128xf32, #tpu.memory_space<vmem>> -> memref<1x32x128xf32, #tpu.memory_space<vmem>>
    %dma_start3A_76 = tpu.memref_squeeze %dma_start3A_75 : memref<1x32x128xf32, #tpu.memory_space<vmem>> -> memref<32x128xf32, #tpu.memory_space<vmem>>
    %dma_start3A_77 = arith.constant 0 : i32
    %dma_start3A_78 = tpu.memref_slice %arg5[%dma_start3A_77, %multiple_of3A_62] : memref<32x1000000xf32, #tpu.memory_space<hbm>> -> memref<32x128xf32, #tpu.memory_space<hbm>>
    tpu.enqueue_dma source(%dma_start3A_78 : memref<32x128xf32, #tpu.memory_space<hbm>>) target(%dma_start3A_76 : memref<32x128xf32, #tpu.memory_space<vmem>>) target_semaphore(%dma_start3A_72 : memref<!tpu.dma_semaphore, #tpu.memory_space<semaphore_mem>>)
    %slice3A_79 = vector.extract_strided_slice %get3A_9 {offsets = [1], sizes = [1], strides = [1]} : vector<16xi32> to vector<1xi32>
    %squeeze3A_80 = vector.extract %slice3A_79[0] : i32 from vector<1xi32>
    %shift_right_arithmetic3A_81 = arith.constant 7 : i32
    %shift_right_arithmetic3A_82 = arith.shrsi %squeeze3A_80, %shift_right_arithmetic3A_81 : i32
    %min3A_83 = arith.constant 7811 : i32
    %min3A_84 = arith.minsi %shift_right_arithmetic3A_82, %min3A_83 : i32
    %mul3A_85 = arith.constant 128 : i32
    %mul3A_86 = arith.muli %min3A_84, %mul3A_85 : i32
    %multiple_of3A_87 = tpu.assume_multiple %mul3A_86, 128 : i32
    %dma_start3A_88 = arith.constant 1 : i32
    %dma_start3A_89 = arith.constant 1 : i32
    %dma_start3A_90 = arith.constant 0 : i32
    %dma_start3A_91 = arith.constant 0 : i32
    %dma_start3A_92 = tpu.memref_slice %arg15[%dma_start3A_88, %dma_start3A_90, %dma_start3A_91] : memref<9x32x128xf32, #tpu.memory_space<vmem>> -> memref<1x32x128xf32, #tpu.memory_space<vmem>>
    %dma_start3A_93 = tpu.memref_squeeze %dma_start3A_92 : memref<1x32x128xf32, #tpu.memory_space<vmem>> -> memref<32x128xf32, #tpu.memory_space<vmem>>
    %dma_start3A_94 = arith.constant 0 : i32
    %dma_start3A_95 = tpu.memref_slice %arg6[%dma_start3A_94, %multiple_of3A_87] : memref<32x1000000xf32, #tpu.memory_space<hbm>> -> memref<32x128xf32, #tpu.memory_space<hbm>>
    %dma_start3A_96 = tpu.memref_slice %arg17[%dma_start3A_89] : memref<8x!tpu.dma_semaphore, #tpu.memory_space<semaphore_mem>> -> memref<1x!tpu.dma_semaphore, #tpu.memory_space<semaphore_mem>>
    %dma_start3A_97 = tpu.memref_squeeze %dma_start3A_96 : memref<1x!tpu.dma_semaphore, #tpu.memory_space<semaphore_mem>> -> memref<!tpu.dma_semaphore, #tpu.memory_space<semaphore_mem>>
    %dma_start3A_98 = arith.constant 0 : i32
    %dma_start3A_99 = arith.constant 0 : i32
    %dma_start3A_100 = tpu.memref_slice %arg15[%dma_start3A_88, %dma_start3A_98, %dma_start3A_99] : memref<9x32x128xf32, #tpu.memory_space<vmem>> -> memref<1x32x128xf32, #tpu.memory_space<vmem>>
    %dma_start3A_101 = tpu.memref_squeeze %dma_start3A_100 : memref<1x32x128xf32, #tpu.memory_space<vmem>> -> memref<32x128xf32, #tpu.memory_space<vmem>>
    %dma_start3A_102 = arith.constant 0 : i32
    %dma_start3A_103 = tpu.memref_slice %arg6[%dma_start3A_102, %multiple_of3A_87] : memref<32x1000000xf32, #tpu.memory_space<hbm>> -> memref<32x128xf32, #tpu.memory_space<hbm>>
    tpu.enqueue_dma source(%dma_start3A_103 : memref<32x128xf32, #tpu.memory_space<hbm>>) target(%dma_start3A_101 : memref<32x128xf32, #tpu.memory_space<vmem>>) target_semaphore(%dma_start3A_97 : memref<!tpu.dma_semaphore, #tpu.memory_space<semaphore_mem>>)
    %slice3A_104 = vector.extract_strided_slice %get3A_7 {offsets = [2], sizes = [1], strides = [1]} : vector<16xi32> to vector<1xi32>
    %squeeze3A_105 = vector.extract %slice3A_104[0] : i32 from vector<1xi32>
    %shift_right_arithmetic3A_106 = arith.constant 7 : i32
    %shift_right_arithmetic3A_107 = arith.shrsi %squeeze3A_105, %shift_right_arithmetic3A_106 : i32
    %min3A_108 = arith.constant 7811 : i32
    %min3A_109 = arith.minsi %shift_right_arithmetic3A_107, %min3A_108 : i32
    %mul3A_110 = arith.constant 128 : i32
    %mul3A_111 = arith.muli %min3A_109, %mul3A_110 : i32
    %multiple_of3A_112 = tpu.assume_multiple %mul3A_111, 128 : i32
    %dma_start3A_113 = arith.constant 2 : i32
    %dma_start3A_114 = arith.constant 2 : i32
    %dma_start3A_115 = arith.constant 0 : i32
    %dma_start3A_116 = arith.constant 0 : i32
    %dma_start3A_117 = tpu.memref_slice %arg14[%dma_start3A_113, %dma_start3A_115, %dma_start3A_116] : memref<9x32x128xf32, #tpu.memory_space<vmem>> -> memref<1x32x128xf32, #tpu.memory_space<vmem>>
    %dma_start3A_118 = tpu.memref_squeeze %dma_start3A_117 : memref<1x32x128xf32, #tpu.memory_space<vmem>> -> memref<32x128xf32, #tpu.memory_space<vmem>>
    %dma_start3A_119 = arith.constant 0 : i32
    %dma_start3A_120 = tpu.memref_slice %arg5[%dma_start3A_119, %multiple_of3A_112] : memref<32x1000000xf32, #tpu.memory_space<hbm>> -> memref<32x128xf32, #tpu.memory_space<hbm>>
    %dma_start3A_121 = tpu.memref_slice %arg16[%dma_start3A_114] : memref<8x!tpu.dma_semaphore, #tpu.memory_space<semaphore_mem>> -> memref<1x!tpu.dma_semaphore, #tpu.memory_space<semaphore_mem>>
    %dma_start3A_122 = tpu.memref_squeeze %dma_start3A_121 : memref<1x!tpu.dma_semaphore, #tpu.memory_space<semaphore_mem>> -> memref<!tpu.dma_semaphore, #tpu.memory_space<semaphore_mem>>
    %dma_start3A_123 = arith.constant 0 : i32
    %dma_start3A_124 = arith.constant 0 : i32
    %dma_start3A_125 = tpu.memref_slice %arg14[%dma_start3A_113, %dma_start3A_123, %dma_start3A_124] : memref<9x32x128xf32, #tpu.memory_space<vmem>> -> memref<1x32x128xf32, #tpu.memory_space<vmem>>
    %dma_start3A_126 = tpu.memref_squeeze %dma_start3A_125 : memref<1x32x128xf32, #tpu.memory_space<vmem>> -> memref<32x128xf32, #tpu.memory_space<vmem>>
    %dma_start3A_127 = arith.constant 0 : i32
    %dma_start3A_128 = tpu.memref_slice %arg5[%dma_start3A_127, %multiple_of3A_112] : memref<32x1000000xf32, #tpu.memory_space<hbm>> -> memref<32x128xf32, #tpu.memory_space<hbm>>
    tpu.enqueue_dma source(%dma_start3A_128 : memref<32x128xf32, #tpu.memory_space<hbm>>) target(%dma_start3A_126 : memref<32x128xf32, #tpu.memory_space<vmem>>) target_semaphore(%dma_start3A_122 : memref<!tpu.dma_semaphore, #tpu.memory_space<semaphore_mem>>)
    %slice3A_129 = vector.extract_strided_slice %get3A_9 {offsets = [2], sizes = [1], strides = [1]} : vector<16xi32> to vector<1xi32>
    %squeeze3A_130 = vector.extract %slice3A_129[0] : i32 from vector<1xi32>
    %shift_right_arithmetic3A_131 = arith.constant 7 : i32
    %shift_right_arithmetic3A_132 = arith.shrsi %squeeze3A_130, %shift_right_arithmetic3A_131 : i32
    %min3A_133 = arith.constant 7811 : i32
    %min3A_134 = arith.minsi %shift_right_arithmetic3A_132, %min3A_133 : i32
    %mul3A_135 = arith.constant 128 : i32
    %mul3A_136 = arith.muli %min3A_134, %mul3A_135 : i32
    %multiple_of3A_137 = tpu.assume_multiple %mul3A_136, 128 : i32
    %dma_start3A_138 = arith.constant 2 : i32
    %dma_start3A_139 = arith.constant 2 : i32
    %dma_start3A_140 = arith.constant 0 : i32
    %dma_start3A_141 = arith.constant 0 : i32
    %dma_start3A_142 = tpu.memref_slice %arg15[%dma_start3A_138, %dma_start3A_140, %dma_start3A_141] : memref<9x32x128xf32, #tpu.memory_space<vmem>> -> memref<1x32x128xf32, #tpu.memory_space<vmem>>
    %dma_start3A_143 = tpu.memref_squeeze %dma_start3A_142 : memref<1x32x128xf32, #tpu.memory_space<vmem>> -> memref<32x128xf32, #tpu.memory_space<vmem>>
    %dma_start3A_144 = arith.constant 0 : i32
    %dma_start3A_145 = tpu.memref_slice %arg6[%dma_start3A_144, %multiple_of3A_137] : memref<32x1000000xf32, #tpu.memory_space<hbm>> -> memref<32x128xf32, #tpu.memory_space<hbm>>
    %dma_start3A_146 = tpu.memref_slice %arg17[%dma_start3A_139] : memref<8x!tpu.dma_semaphore, #tpu.memory_space<semaphore_mem>> -> memref<1x!tpu.dma_semaphore, #tpu.memory_space<semaphore_mem>>
    %dma_start3A_147 = tpu.memref_squeeze %dma_start3A_146 : memref<1x!tpu.dma_semaphore, #tpu.memory_space<semaphore_mem>> -> memref<!tpu.dma_semaphore, #tpu.memory_space<semaphore_mem>>
    %dma_start3A_148 = arith.constant 0 : i32
    %dma_start3A_149 = arith.constant 0 : i32
    %dma_start3A_150 = tpu.memref_slice %arg15[%dma_start3A_138, %dma_start3A_148, %dma_start3A_149] : memref<9x32x128xf32, #tpu.memory_space<vmem>> -> memref<1x32x128xf32, #tpu.memory_space<vmem>>
    %dma_start3A_151 = tpu.memref_squeeze %dma_start3A_150 : memref<1x32x128xf32, #tpu.memory_space<vmem>> -> memref<32x128xf32, #tpu.memory_space<vmem>>
    %dma_start3A_152 = arith.constant 0 : i32
    %dma_start3A_153 = tpu.memref_slice %arg6[%dma_start3A_152, %multiple_of3A_137] : memref<32x1000000xf32, #tpu.memory_space<hbm>> -> memref<32x128xf32, #tpu.memory_space<hbm>>
    tpu.enqueue_dma source(%dma_start3A_153 : memref<32x128xf32, #tpu.memory_space<hbm>>) target(%dma_start3A_151 : memref<32x128xf32, #tpu.memory_space<vmem>>) target_semaphore(%dma_start3A_147 : memref<!tpu.dma_semaphore, #tpu.memory_space<semaphore_mem>>)
    %slice3A_154 = vector.extract_strided_slice %get3A_7 {offsets = [3], sizes = [1], strides = [1]} : vector<16xi32> to vector<1xi32>
    %squeeze3A_155 = vector.extract %slice3A_154[0] : i32 from vector<1xi32>
    %shift_right_arithmetic3A_156 = arith.constant 7 : i32
    %shift_right_arithmetic3A_157 = arith.shrsi %squeeze3A_155, %shift_right_arithmetic3A_156 : i32
    %min3A_158 = arith.constant 7811 : i32
    %min3A_159 = arith.minsi %shift_right_arithmetic3A_157, %min3A_158 : i32
    %mul3A_160 = arith.constant 128 : i32
    %mul3A_161 = arith.muli %min3A_159, %mul3A_160 : i32
    %multiple_of3A_162 = tpu.assume_multiple %mul3A_161, 128 : i32
    %dma_start3A_163 = arith.constant 3 : i32
    %dma_start3A_164 = arith.constant 3 : i32
    %dma_start3A_165 = arith.constant 0 : i32
    %dma_start3A_166 = arith.constant 0 : i32
    %dma_start3A_167 = tpu.memref_slice %arg14[%dma_start3A_163, %dma_start3A_165, %dma_start3A_166] : memref<9x32x128xf32, #tpu.memory_space<vmem>> -> memref<1x32x128xf32, #tpu.memory_space<vmem>>
    %dma_start3A_168 = tpu.memref_squeeze %dma_start3A_167 : memref<1x32x128xf32, #tpu.memory_space<vmem>> -> memref<32x128xf32, #tpu.memory_space<vmem>>
    %dma_start3A_169 = arith.constant 0 : i32
    %dma_start3A_170 = tpu.memref_slice %arg5[%dma_start3A_169, %multiple_of3A_162] : memref<32x1000000xf32, #tpu.memory_space<hbm>> -> memref<32x128xf32, #tpu.memory_space<hbm>>
    %dma_start3A_171 = tpu.memref_slice %arg16[%dma_start3A_164] : memref<8x!tpu.dma_semaphore, #tpu.memory_space<semaphore_mem>> -> memref<1x!tpu.dma_semaphore, #tpu.memory_space<semaphore_mem>>
    %dma_start3A_172 = tpu.memref_squeeze %dma_start3A_171 : memref<1x!tpu.dma_semaphore, #tpu.memory_space<semaphore_mem>> -> memref<!tpu.dma_semaphore, #tpu.memory_space<semaphore_mem>>
    %dma_start3A_173 = arith.constant 0 : i32
    %dma_start3A_174 = arith.constant 0 : i32
    %dma_start3A_175 = tpu.memref_slice %arg14[%dma_start3A_163, %dma_start3A_173, %dma_start3A_174] : memref<9x32x128xf32, #tpu.memory_space<vmem>> -> memref<1x32x128xf32, #tpu.memory_space<vmem>>
    %dma_start3A_176 = tpu.memref_squeeze %dma_start3A_175 : memref<1x32x128xf32, #tpu.memory_space<vmem>> -> memref<32x128xf32, #tpu.memory_space<vmem>>
    %dma_start3A_177 = arith.constant 0 : i32
    %dma_start3A_178 = tpu.memref_slice %arg5[%dma_start3A_177, %multiple_of3A_162] : memref<32x1000000xf32, #tpu.memory_space<hbm>> -> memref<32x128xf32, #tpu.memory_space<hbm>>
    tpu.enqueue_dma source(%dma_start3A_178 : memref<32x128xf32, #tpu.memory_space<hbm>>) target(%dma_start3A_176 : memref<32x128xf32, #tpu.memory_space<vmem>>) target_semaphore(%dma_start3A_172 : memref<!tpu.dma_semaphore, #tpu.memory_space<semaphore_mem>>)
    %slice3A_179 = vector.extract_strided_slice %get3A_9 {offsets = [3], sizes = [1], strides = [1]} : vector<16xi32> to vector<1xi32>
    %squeeze3A_180 = vector.extract %slice3A_179[0] : i32 from vector<1xi32>
    %shift_right_arithmetic3A_181 = arith.constant 7 : i32
    %shift_right_arithmetic3A_182 = arith.shrsi %squeeze3A_180, %shift_right_arithmetic3A_181 : i32
    %min3A_183 = arith.constant 7811 : i32
    %min3A_184 = arith.minsi %shift_right_arithmetic3A_182, %min3A_183 : i32
    %mul3A_185 = arith.constant 128 : i32
    %mul3A_186 = arith.muli %min3A_184, %mul3A_185 : i32
    %multiple_of3A_187 = tpu.assume_multiple %mul3A_186, 128 : i32
    %dma_start3A_188 = arith.constant 3 : i32
    %dma_start3A_189 = arith.constant 3 : i32
    %dma_start3A_190 = arith.constant 0 : i32
    %dma_start3A_191 = arith.constant 0 : i32
    %dma_start3A_192 = tpu.memref_slice %arg15[%dma_start3A_188, %dma_start3A_190, %dma_start3A_191] : memref<9x32x128xf32, #tpu.memory_space<vmem>> -> memref<1x32x128xf32, #tpu.memory_space<vmem>>
    %dma_start3A_193 = tpu.memref_squeeze %dma_start3A_192 : memref<1x32x128xf32, #tpu.memory_space<vmem>> -> memref<32x128xf32, #tpu.memory_space<vmem>>
    %dma_start3A_194 = arith.constant 0 : i32
    %dma_start3A_195 = tpu.memref_slice %arg6[%dma_start3A_194, %multiple_of3A_187] : memref<32x1000000xf32, #tpu.memory_space<hbm>> -> memref<32x128xf32, #tpu.memory_space<hbm>>
    %dma_start3A_196 = tpu.memref_slice %arg17[%dma_start3A_189] : memref<8x!tpu.dma_semaphore, #tpu.memory_space<semaphore_mem>> -> memref<1x!tpu.dma_semaphore, #tpu.memory_space<semaphore_mem>>
    %dma_start3A_197 = tpu.memref_squeeze %dma_start3A_196 : memref<1x!tpu.dma_semaphore, #tpu.memory_space<semaphore_mem>> -> memref<!tpu.dma_semaphore, #tpu.memory_space<semaphore_mem>>
    %dma_start3A_198 = arith.constant 0 : i32
    %dma_start3A_199 = arith.constant 0 : i32
    %dma_start3A_200 = tpu.memref_slice %arg15[%dma_start3A_188, %dma_start3A_198, %dma_start3A_199] : memref<9x32x128xf32, #tpu.memory_space<vmem>> -> memref<1x32x128xf32, #tpu.memory_space<vmem>>
    %dma_start3A_201 = tpu.memref_squeeze %dma_start3A_200 : memref<1x32x128xf32, #tpu.memory_space<vmem>> -> memref<32x128xf32, #tpu.memory_space<vmem>>
    %dma_start3A_202 = arith.constant 0 : i32
    %dma_start3A_203 = tpu.memref_slice %arg6[%dma_start3A_202, %multiple_of3A_187] : memref<32x1000000xf32, #tpu.memory_space<hbm>> -> memref<32x128xf32, #tpu.memory_space<hbm>>
    tpu.enqueue_dma source(%dma_start3A_203 : memref<32x128xf32, #tpu.memory_space<hbm>>) target(%dma_start3A_201 : memref<32x128xf32, #tpu.memory_space<vmem>>) target_semaphore(%dma_start3A_197 : memref<!tpu.dma_semaphore, #tpu.memory_space<semaphore_mem>>)
    %slice3A_204 = vector.extract_strided_slice %get3A_7 {offsets = [4], sizes = [1], strides = [1]} : vector<16xi32> to vector<1xi32>
    %squeeze3A_205 = vector.extract %slice3A_204[0] : i32 from vector<1xi32>
    %shift_right_arithmetic3A_206 = arith.constant 7 : i32
    %shift_right_arithmetic3A_207 = arith.shrsi %squeeze3A_205, %shift_right_arithmetic3A_206 : i32
    %min3A_208 = arith.constant 7811 : i32
    %min3A_209 = arith.minsi %shift_right_arithmetic3A_207, %min3A_208 : i32
    %mul3A_210 = arith.constant 128 : i32
    %mul3A_211 = arith.muli %min3A_209, %mul3A_210 : i32
    %multiple_of3A_212 = tpu.assume_multiple %mul3A_211, 128 : i32
    %dma_start3A_213 = arith.constant 4 : i32
    %dma_start3A_214 = arith.constant 4 : i32
    %dma_start3A_215 = arith.constant 0 : i32
    %dma_start3A_216 = arith.constant 0 : i32
    %dma_start3A_217 = tpu.memref_slice %arg14[%dma_start3A_213, %dma_start3A_215, %dma_start3A_216] : memref<9x32x128xf32, #tpu.memory_space<vmem>> -> memref<1x32x128xf32, #tpu.memory_space<vmem>>
    %dma_start3A_218 = tpu.memref_squeeze %dma_start3A_217 : memref<1x32x128xf32, #tpu.memory_space<vmem>> -> memref<32x128xf32, #tpu.memory_space<vmem>>
    %dma_start3A_219 = arith.constant 0 : i32
    %dma_start3A_220 = tpu.memref_slice %arg5[%dma_start3A_219, %multiple_of3A_212] : memref<32x1000000xf32, #tpu.memory_space<hbm>> -> memref<32x128xf32, #tpu.memory_space<hbm>>
    %dma_start3A_221 = tpu.memref_slice %arg16[%dma_start3A_214] : memref<8x!tpu.dma_semaphore, #tpu.memory_space<semaphore_mem>> -> memref<1x!tpu.dma_semaphore, #tpu.memory_space<semaphore_mem>>
    %dma_start3A_222 = tpu.memref_squeeze %dma_start3A_221 : memref<1x!tpu.dma_semaphore, #tpu.memory_space<semaphore_mem>> -> memref<!tpu.dma_semaphore, #tpu.memory_space<semaphore_mem>>
    %dma_start3A_223 = arith.constant 0 : i32
    %dma_start3A_224 = arith.constant 0 : i32
    %dma_start3A_225 = tpu.memref_slice %arg14[%dma_start3A_213, %dma_start3A_223, %dma_start3A_224] : memref<9x32x128xf32, #tpu.memory_space<vmem>> -> memref<1x32x128xf32, #tpu.memory_space<vmem>>
    %dma_start3A_226 = tpu.memref_squeeze %dma_start3A_225 : memref<1x32x128xf32, #tpu.memory_space<vmem>> -> memref<32x128xf32, #tpu.memory_space<vmem>>
    %dma_start3A_227 = arith.constant 0 : i32
    %dma_start3A_228 = tpu.memref_slice %arg5[%dma_start3A_227, %multiple_of3A_212] : memref<32x1000000xf32, #tpu.memory_space<hbm>> -> memref<32x128xf32, #tpu.memory_space<hbm>>
    tpu.enqueue_dma source(%dma_start3A_228 : memref<32x128xf32, #tpu.memory_space<hbm>>) target(%dma_start3A_226 : memref<32x128xf32, #tpu.memory_space<vmem>>) target_semaphore(%dma_start3A_222 : memref<!tpu.dma_semaphore, #tpu.memory_space<semaphore_mem>>)
    %slice3A_229 = vector.extract_strided_slice %get3A_9 {offsets = [4], sizes = [1], strides = [1]} : vector<16xi32> to vector<1xi32>
    %squeeze3A_230 = vector.extract %slice3A_229[0] : i32 from vector<1xi32>
    %shift_right_arithmetic3A_231 = arith.constant 7 : i32
    %shift_right_arithmetic3A_232 = arith.shrsi %squeeze3A_230, %shift_right_arithmetic3A_231 : i32
    %min3A_233 = arith.constant 7811 : i32
    %min3A_234 = arith.minsi %shift_right_arithmetic3A_232, %min3A_233 : i32
    %mul3A_235 = arith.constant 128 : i32
    %mul3A_236 = arith.muli %min3A_234, %mul3A_235 : i32
    %multiple_of3A_237 = tpu.assume_multiple %mul3A_236, 128 : i32
    %dma_start3A_238 = arith.constant 4 : i32
    %dma_start3A_239 = arith.constant 4 : i32
    %dma_start3A_240 = arith.constant 0 : i32
    %dma_start3A_241 = arith.constant 0 : i32
    %dma_start3A_242 = tpu.memref_slice %arg15[%dma_start3A_238, %dma_start3A_240, %dma_start3A_241] : memref<9x32x128xf32, #tpu.memory_space<vmem>> -> memref<1x32x128xf32, #tpu.memory_space<vmem>>
    %dma_start3A_243 = tpu.memref_squeeze %dma_start3A_242 : memref<1x32x128xf32, #tpu.memory_space<vmem>> -> memref<32x128xf32, #tpu.memory_space<vmem>>
    %dma_start3A_244 = arith.constant 0 : i32
    %dma_start3A_245 = tpu.memref_slice %arg6[%dma_start3A_244, %multiple_of3A_237] : memref<32x1000000xf32, #tpu.memory_space<hbm>> -> memref<32x128xf32, #tpu.memory_space<hbm>>
    %dma_start3A_246 = tpu.memref_slice %arg17[%dma_start3A_239] : memref<8x!tpu.dma_semaphore, #tpu.memory_space<semaphore_mem>> -> memref<1x!tpu.dma_semaphore, #tpu.memory_space<semaphore_mem>>
    %dma_start3A_247 = tpu.memref_squeeze %dma_start3A_246 : memref<1x!tpu.dma_semaphore, #tpu.memory_space<semaphore_mem>> -> memref<!tpu.dma_semaphore, #tpu.memory_space<semaphore_mem>>
    %dma_start3A_248 = arith.constant 0 : i32
    %dma_start3A_249 = arith.constant 0 : i32
    %dma_start3A_250 = tpu.memref_slice %arg15[%dma_start3A_238, %dma_start3A_248, %dma_start3A_249] : memref<9x32x128xf32, #tpu.memory_space<vmem>> -> memref<1x32x128xf32, #tpu.memory_space<vmem>>
    %dma_start3A_251 = tpu.memref_squeeze %dma_start3A_250 : memref<1x32x128xf32, #tpu.memory_space<vmem>> -> memref<32x128xf32, #tpu.memory_space<vmem>>
    %dma_start3A_252 = arith.constant 0 : i32
    %dma_start3A_253 = tpu.memref_slice %arg6[%dma_start3A_252, %multiple_of3A_237] : memref<32x1000000xf32, #tpu.memory_space<hbm>> -> memref<32x128xf32, #tpu.memory_space<hbm>>
    tpu.enqueue_dma source(%dma_start3A_253 : memref<32x128xf32, #tpu.memory_space<hbm>>) target(%dma_start3A_251 : memref<32x128xf32, #tpu.memory_space<vmem>>) target_semaphore(%dma_start3A_247 : memref<!tpu.dma_semaphore, #tpu.memory_space<semaphore_mem>>)
    %slice3A_254 = vector.extract_strided_slice %get3A_7 {offsets = [5], sizes = [1], strides = [1]} : vector<16xi32> to vector<1xi32>
    %squeeze3A_255 = vector.extract %slice3A_254[0] : i32 from vector<1xi32>
    %shift_right_arithmetic3A_256 = arith.constant 7 : i32
    %shift_right_arithmetic3A_257 = arith.shrsi %squeeze3A_255, %shift_right_arithmetic3A_256 : i32
    %min3A_258 = arith.constant 7811 : i32
    %min3A_259 = arith.minsi %shift_right_arithmetic3A_257, %min3A_258 : i32
    %mul3A_260 = arith.constant 128 : i32
    %mul3A_261 = arith.muli %min3A_259, %mul3A_260 : i32
    %multiple_of3A_262 = tpu.assume_multiple %mul3A_261, 128 : i32
    %dma_start3A_263 = arith.constant 5 : i32
    %dma_start3A_264 = arith.constant 5 : i32
    %dma_start3A_265 = arith.constant 0 : i32
    %dma_start3A_266 = arith.constant 0 : i32
    %dma_start3A_267 = tpu.memref_slice %arg14[%dma_start3A_263, %dma_start3A_265, %dma_start3A_266] : memref<9x32x128xf32, #tpu.memory_space<vmem>> -> memref<1x32x128xf32, #tpu.memory_space<vmem>>
    %dma_start3A_268 = tpu.memref_squeeze %dma_start3A_267 : memref<1x32x128xf32, #tpu.memory_space<vmem>> -> memref<32x128xf32, #tpu.memory_space<vmem>>
    %dma_start3A_269 = arith.constant 0 : i32
    %dma_start3A_270 = tpu.memref_slice %arg5[%dma_start3A_269, %multiple_of3A_262] : memref<32x1000000xf32, #tpu.memory_space<hbm>> -> memref<32x128xf32, #tpu.memory_space<hbm>>
    %dma_start3A_271 = tpu.memref_slice %arg16[%dma_start3A_264] : memref<8x!tpu.dma_semaphore, #tpu.memory_space<semaphore_mem>> -> memref<1x!tpu.dma_semaphore, #tpu.memory_space<semaphore_mem>>
    %dma_start3A_272 = tpu.memref_squeeze %dma_start3A_271 : memref<1x!tpu.dma_semaphore, #tpu.memory_space<semaphore_mem>> -> memref<!tpu.dma_semaphore, #tpu.memory_space<semaphore_mem>>
    %dma_start3A_273 = arith.constant 0 : i32
    %dma_start3A_274 = arith.constant 0 : i32
    %dma_start3A_275 = tpu.memref_slice %arg14[%dma_start3A_263, %dma_start3A_273, %dma_start3A_274] : memref<9x32x128xf32, #tpu.memory_space<vmem>> -> memref<1x32x128xf32, #tpu.memory_space<vmem>>
    %dma_start3A_276 = tpu.memref_squeeze %dma_start3A_275 : memref<1x32x128xf32, #tpu.memory_space<vmem>> -> memref<32x128xf32, #tpu.memory_space<vmem>>
    %dma_start3A_277 = arith.constant 0 : i32
    %dma_start3A_278 = tpu.memref_slice %arg5[%dma_start3A_277, %multiple_of3A_262] : memref<32x1000000xf32, #tpu.memory_space<hbm>> -> memref<32x128xf32, #tpu.memory_space<hbm>>
    tpu.enqueue_dma source(%dma_start3A_278 : memref<32x128xf32, #tpu.memory_space<hbm>>) target(%dma_start3A_276 : memref<32x128xf32, #tpu.memory_space<vmem>>) target_semaphore(%dma_start3A_272 : memref<!tpu.dma_semaphore, #tpu.memory_space<semaphore_mem>>)
    %slice3A_279 = vector.extract_strided_slice %get3A_9 {offsets = [5], sizes = [1], strides = [1]} : vector<16xi32> to vector<1xi32>
    %squeeze3A_280 = vector.extract %slice3A_279[0] : i32 from vector<1xi32>
    %shift_right_arithmetic3A_281 = arith.constant 7 : i32
    %shift_right_arithmetic3A_282 = arith.shrsi %squeeze3A_280, %shift_right_arithmetic3A_281 : i32
    %min3A_283 = arith.constant 7811 : i32
    %min3A_284 = arith.minsi %shift_right_arithmetic3A_282, %min3A_283 : i32
    %mul3A_285 = arith.constant 128 : i32
    %mul3A_286 = arith.muli %min3A_284, %mul3A_285 : i32
    %multiple_of3A_287 = tpu.assume_multiple %mul3A_286, 128 : i32
    %dma_start3A_288 = arith.constant 5 : i32
    %dma_start3A_289 = arith.constant 5 : i32
    %dma_start3A_290 = arith.constant 0 : i32
    %dma_start3A_291 = arith.constant 0 : i32
    %dma_start3A_292 = tpu.memref_slice %arg15[%dma_start3A_288, %dma_start3A_290, %dma_start3A_291] : memref<9x32x128xf32, #tpu.memory_space<vmem>> -> memref<1x32x128xf32, #tpu.memory_space<vmem>>
    %dma_start3A_293 = tpu.memref_squeeze %dma_start3A_292 : memref<1x32x128xf32, #tpu.memory_space<vmem>> -> memref<32x128xf32, #tpu.memory_space<vmem>>
    %dma_start3A_294 = arith.constant 0 : i32
    %dma_start3A_295 = tpu.memref_slice %arg6[%dma_start3A_294, %multiple_of3A_287] : memref<32x1000000xf32, #tpu.memory_space<hbm>> -> memref<32x128xf32, #tpu.memory_space<hbm>>
    %dma_start3A_296 = tpu.memref_slice %arg17[%dma_start3A_289] : memref<8x!tpu.dma_semaphore, #tpu.memory_space<semaphore_mem>> -> memref<1x!tpu.dma_semaphore, #tpu.memory_space<semaphore_mem>>
    %dma_start3A_297 = tpu.memref_squeeze %dma_start3A_296 : memref<1x!tpu.dma_semaphore, #tpu.memory_space<semaphore_mem>> -> memref<!tpu.dma_semaphore, #tpu.memory_space<semaphore_mem>>
    %dma_start3A_298 = arith.constant 0 : i32
    %dma_start3A_299 = arith.constant 0 : i32
    %dma_start3A_300 = tpu.memref_slice %arg15[%dma_start3A_288, %dma_start3A_298, %dma_start3A_299] : memref<9x32x128xf32, #tpu.memory_space<vmem>> -> memref<1x32x128xf32, #tpu.memory_space<vmem>>
    %dma_start3A_301 = tpu.memref_squeeze %dma_start3A_300 : memref<1x32x128xf32, #tpu.memory_space<vmem>> -> memref<32x128xf32, #tpu.memory_space<vmem>>
    %dma_start3A_302 = arith.constant 0 : i32
    %dma_start3A_303 = tpu.memref_slice %arg6[%dma_start3A_302, %multiple_of3A_287] : memref<32x1000000xf32, #tpu.memory_space<hbm>> -> memref<32x128xf32, #tpu.memory_space<hbm>>
    tpu.enqueue_dma source(%dma_start3A_303 : memref<32x128xf32, #tpu.memory_space<hbm>>) target(%dma_start3A_301 : memref<32x128xf32, #tpu.memory_space<vmem>>) target_semaphore(%dma_start3A_297 : memref<!tpu.dma_semaphore, #tpu.memory_space<semaphore_mem>>)
    %slice3A_304 = vector.extract_strided_slice %get3A_7 {offsets = [6], sizes = [1], strides = [1]} : vector<16xi32> to vector<1xi32>
    %squeeze3A_305 = vector.extract %slice3A_304[0] : i32 from vector<1xi32>
    %shift_right_arithmetic3A_306 = arith.constant 7 : i32
    %shift_right_arithmetic3A_307 = arith.shrsi %squeeze3A_305, %shift_right_arithmetic3A_306 : i32
    %min3A_308 = arith.constant 7811 : i32
    %min3A_309 = arith.minsi %shift_right_arithmetic3A_307, %min3A_308 : i32
    %mul3A_310 = arith.constant 128 : i32
    %mul3A_311 = arith.muli %min3A_309, %mul3A_310 : i32
    %multiple_of3A_312 = tpu.assume_multiple %mul3A_311, 128 : i32
    %dma_start3A_313 = arith.constant 6 : i32
    %dma_start3A_314 = arith.constant 6 : i32
    %dma_start3A_315 = arith.constant 0 : i32
    %dma_start3A_316 = arith.constant 0 : i32
    %dma_start3A_317 = tpu.memref_slice %arg14[%dma_start3A_313, %dma_start3A_315, %dma_start3A_316] : memref<9x32x128xf32, #tpu.memory_space<vmem>> -> memref<1x32x128xf32, #tpu.memory_space<vmem>>
    %dma_start3A_318 = tpu.memref_squeeze %dma_start3A_317 : memref<1x32x128xf32, #tpu.memory_space<vmem>> -> memref<32x128xf32, #tpu.memory_space<vmem>>
    %dma_start3A_319 = arith.constant 0 : i32
    %dma_start3A_320 = tpu.memref_slice %arg5[%dma_start3A_319, %multiple_of3A_312] : memref<32x1000000xf32, #tpu.memory_space<hbm>> -> memref<32x128xf32, #tpu.memory_space<hbm>>
    %dma_start3A_321 = tpu.memref_slice %arg16[%dma_start3A_314] : memref<8x!tpu.dma_semaphore, #tpu.memory_space<semaphore_mem>> -> memref<1x!tpu.dma_semaphore, #tpu.memory_space<semaphore_mem>>
    %dma_start3A_322 = tpu.memref_squeeze %dma_start3A_321 : memref<1x!tpu.dma_semaphore, #tpu.memory_space<semaphore_mem>> -> memref<!tpu.dma_semaphore, #tpu.memory_space<semaphore_mem>>
    %dma_start3A_323 = arith.constant 0 : i32
    %dma_start3A_324 = arith.constant 0 : i32
    %dma_start3A_325 = tpu.memref_slice %arg14[%dma_start3A_313, %dma_start3A_323, %dma_start3A_324] : memref<9x32x128xf32, #tpu.memory_space<vmem>> -> memref<1x32x128xf32, #tpu.memory_space<vmem>>
    %dma_start3A_326 = tpu.memref_squeeze %dma_start3A_325 : memref<1x32x128xf32, #tpu.memory_space<vmem>> -> memref<32x128xf32, #tpu.memory_space<vmem>>
    %dma_start3A_327 = arith.constant 0 : i32
    %dma_start3A_328 = tpu.memref_slice %arg5[%dma_start3A_327, %multiple_of3A_312] : memref<32x1000000xf32, #tpu.memory_space<hbm>> -> memref<32x128xf32, #tpu.memory_space<hbm>>
    tpu.enqueue_dma source(%dma_start3A_328 : memref<32x128xf32, #tpu.memory_space<hbm>>) target(%dma_start3A_326 : memref<32x128xf32, #tpu.memory_space<vmem>>) target_semaphore(%dma_start3A_322 : memref<!tpu.dma_semaphore, #tpu.memory_space<semaphore_mem>>)
    %slice3A_329 = vector.extract_strided_slice %get3A_9 {offsets = [6], sizes = [1], strides = [1]} : vector<16xi32> to vector<1xi32>
    %squeeze3A_330 = vector.extract %slice3A_329[0] : i32 from vector<1xi32>
    %shift_right_arithmetic3A_331 = arith.constant 7 : i32
    %shift_right_arithmetic3A_332 = arith.shrsi %squeeze3A_330, %shift_right_arithmetic3A_331 : i32
    %min3A_333 = arith.constant 7811 : i32
    %min3A_334 = arith.minsi %shift_right_arithmetic3A_332, %min3A_333 : i32
    %mul3A_335 = arith.constant 128 : i32
    %mul3A_336 = arith.muli %min3A_334, %mul3A_335 : i32
    %multiple_of3A_337 = tpu.assume_multiple %mul3A_336, 128 : i32
    %dma_start3A_338 = arith.constant 6 : i32
    %dma_start3A_339 = arith.constant 6 : i32
    %dma_start3A_340 = arith.constant 0 : i32
    %dma_start3A_341 = arith.constant 0 : i32
    %dma_start3A_342 = tpu.memref_slice %arg15[%dma_start3A_338, %dma_start3A_340, %dma_start3A_341] : memref<9x32x128xf32, #tpu.memory_space<vmem>> -> memref<1x32x128xf32, #tpu.memory_space<vmem>>
    %dma_start3A_343 = tpu.memref_squeeze %dma_start3A_342 : memref<1x32x128xf32, #tpu.memory_space<vmem>> -> memref<32x128xf32, #tpu.memory_space<vmem>>
    %dma_start3A_344 = arith.constant 0 : i32
    %dma_start3A_345 = tpu.memref_slice %arg6[%dma_start3A_344, %multiple_of3A_337] : memref<32x1000000xf32, #tpu.memory_space<hbm>> -> memref<32x128xf32, #tpu.memory_space<hbm>>
    %dma_start3A_346 = tpu.memref_slice %arg17[%dma_start3A_339] : memref<8x!tpu.dma_semaphore, #tpu.memory_space<semaphore_mem>> -> memref<1x!tpu.dma_semaphore, #tpu.memory_space<semaphore_mem>>
    %dma_start3A_347 = tpu.memref_squeeze %dma_start3A_346 : memref<1x!tpu.dma_semaphore, #tpu.memory_space<semaphore_mem>> -> memref<!tpu.dma_semaphore, #tpu.memory_space<semaphore_mem>>
    %dma_start3A_348 = arith.constant 0 : i32
    %dma_start3A_349 = arith.constant 0 : i32
    %dma_start3A_350 = tpu.memref_slice %arg15[%dma_start3A_338, %dma_start3A_348, %dma_start3A_349] : memref<9x32x128xf32, #tpu.memory_space<vmem>> -> memref<1x32x128xf32, #tpu.memory_space<vmem>>
    %dma_start3A_351 = tpu.memref_squeeze %dma_start3A_350 : memref<1x32x128xf32, #tpu.memory_space<vmem>> -> memref<32x128xf32, #tpu.memory_space<vmem>>
    %dma_start3A_352 = arith.constant 0 : i32
    %dma_start3A_353 = tpu.memref_slice %arg6[%dma_start3A_352, %multiple_of3A_337] : memref<32x1000000xf32, #tpu.memory_space<hbm>> -> memref<32x128xf32, #tpu.memory_space<hbm>>
    tpu.enqueue_dma source(%dma_start3A_353 : memref<32x128xf32, #tpu.memory_space<hbm>>) target(%dma_start3A_351 : memref<32x128xf32, #tpu.memory_space<vmem>>) target_semaphore(%dma_start3A_347 : memref<!tpu.dma_semaphore, #tpu.memory_space<semaphore_mem>>)
    %slice3A_354 = vector.extract_strided_slice %get3A_7 {offsets = [7], sizes = [1], strides = [1]} : vector<16xi32> to vector<1xi32>
    %squeeze3A_355 = vector.extract %slice3A_354[0] : i32 from vector<1xi32>
    %shift_right_arithmetic3A_356 = arith.constant 7 : i32
    %shift_right_arithmetic3A_357 = arith.shrsi %squeeze3A_355, %shift_right_arithmetic3A_356 : i32
    %min3A_358 = arith.constant 7811 : i32
    %min3A_359 = arith.minsi %shift_right_arithmetic3A_357, %min3A_358 : i32
    %mul3A_360 = arith.constant 128 : i32
    %mul3A_361 = arith.muli %min3A_359, %mul3A_360 : i32
    %multiple_of3A_362 = tpu.assume_multiple %mul3A_361, 128 : i32
    %dma_start3A_363 = arith.constant 7 : i32
    %dma_start3A_364 = arith.constant 7 : i32
    %dma_start3A_365 = arith.constant 0 : i32
    %dma_start3A_366 = arith.constant 0 : i32
    %dma_start3A_367 = tpu.memref_slice %arg14[%dma_start3A_363, %dma_start3A_365, %dma_start3A_366] : memref<9x32x128xf32, #tpu.memory_space<vmem>> -> memref<1x32x128xf32, #tpu.memory_space<vmem>>
    %dma_start3A_368 = tpu.memref_squeeze %dma_start3A_367 : memref<1x32x128xf32, #tpu.memory_space<vmem>> -> memref<32x128xf32, #tpu.memory_space<vmem>>
    %dma_start3A_369 = arith.constant 0 : i32
    %dma_start3A_370 = tpu.memref_slice %arg5[%dma_start3A_369, %multiple_of3A_362] : memref<32x1000000xf32, #tpu.memory_space<hbm>> -> memref<32x128xf32, #tpu.memory_space<hbm>>
    %dma_start3A_371 = tpu.memref_slice %arg16[%dma_start3A_364] : memref<8x!tpu.dma_semaphore, #tpu.memory_space<semaphore_mem>> -> memref<1x!tpu.dma_semaphore, #tpu.memory_space<semaphore_mem>>
    %dma_start3A_372 = tpu.memref_squeeze %dma_start3A_371 : memref<1x!tpu.dma_semaphore, #tpu.memory_space<semaphore_mem>> -> memref<!tpu.dma_semaphore, #tpu.memory_space<semaphore_mem>>
    %dma_start3A_373 = arith.constant 0 : i32
    %dma_start3A_374 = arith.constant 0 : i32
    %dma_start3A_375 = tpu.memref_slice %arg14[%dma_start3A_363, %dma_start3A_373, %dma_start3A_374] : memref<9x32x128xf32, #tpu.memory_space<vmem>> -> memref<1x32x128xf32, #tpu.memory_space<vmem>>
    %dma_start3A_376 = tpu.memref_squeeze %dma_start3A_375 : memref<1x32x128xf32, #tpu.memory_space<vmem>> -> memref<32x128xf32, #tpu.memory_space<vmem>>
    %dma_start3A_377 = arith.constant 0 : i32
    %dma_start3A_378 = tpu.memref_slice %arg5[%dma_start3A_377, %multiple_of3A_362] : memref<32x1000000xf32, #tpu.memory_space<hbm>> -> memref<32x128xf32, #tpu.memory_space<hbm>>
    tpu.enqueue_dma source(%dma_start3A_378 : memref<32x128xf32, #tpu.memory_space<hbm>>) target(%dma_start3A_376 : memref<32x128xf32, #tpu.memory_space<vmem>>) target_semaphore(%dma_start3A_372 : memref<!tpu.dma_semaphore, #tpu.memory_space<semaphore_mem>>)
    %slice3A_379 = vector.extract_strided_slice %get3A_9 {offsets = [7], sizes = [1], strides = [1]} : vector<16xi32> to vector<1xi32>
    %squeeze3A_380 = vector.extract %slice3A_379[0] : i32 from vector<1xi32>
    %shift_right_arithmetic3A_381 = arith.constant 7 : i32
    %shift_right_arithmetic3A_382 = arith.shrsi %squeeze3A_380, %shift_right_arithmetic3A_381 : i32
    %min3A_383 = arith.constant 7811 : i32
    %min3A_384 = arith.minsi %shift_right_arithmetic3A_382, %min3A_383 : i32
    %mul3A_385 = arith.constant 128 : i32
    %mul3A_386 = arith.muli %min3A_384, %mul3A_385 : i32
    %multiple_of3A_387 = tpu.assume_multiple %mul3A_386, 128 : i32
    %dma_start3A_388 = arith.constant 7 : i32
    %dma_start3A_389 = arith.constant 7 : i32
    %dma_start3A_390 = arith.constant 0 : i32
    %dma_start3A_391 = arith.constant 0 : i32
    %dma_start3A_392 = tpu.memref_slice %arg15[%dma_start3A_388, %dma_start3A_390, %dma_start3A_391] : memref<9x32x128xf32, #tpu.memory_space<vmem>> -> memref<1x32x128xf32, #tpu.memory_space<vmem>>
    %dma_start3A_393 = tpu.memref_squeeze %dma_start3A_392 : memref<1x32x128xf32, #tpu.memory_space<vmem>> -> memref<32x128xf32, #tpu.memory_space<vmem>>
    %dma_start3A_394 = arith.constant 0 : i32
    %dma_start3A_395 = tpu.memref_slice %arg6[%dma_start3A_394, %multiple_of3A_387] : memref<32x1000000xf32, #tpu.memory_space<hbm>> -> memref<32x128xf32, #tpu.memory_space<hbm>>
    %dma_start3A_396 = tpu.memref_slice %arg17[%dma_start3A_389] : memref<8x!tpu.dma_semaphore, #tpu.memory_space<semaphore_mem>> -> memref<1x!tpu.dma_semaphore, #tpu.memory_space<semaphore_mem>>
    %dma_start3A_397 = tpu.memref_squeeze %dma_start3A_396 : memref<1x!tpu.dma_semaphore, #tpu.memory_space<semaphore_mem>> -> memref<!tpu.dma_semaphore, #tpu.memory_space<semaphore_mem>>
    %dma_start3A_398 = arith.constant 0 : i32
    %dma_start3A_399 = arith.constant 0 : i32
    %dma_start3A_400 = tpu.memref_slice %arg15[%dma_start3A_388, %dma_start3A_398, %dma_start3A_399] : memref<9x32x128xf32, #tpu.memory_space<vmem>> -> memref<1x32x128xf32, #tpu.memory_space<vmem>>
    %dma_start3A_401 = tpu.memref_squeeze %dma_start3A_400 : memref<1x32x128xf32, #tpu.memory_space<vmem>> -> memref<32x128xf32, #tpu.memory_space<vmem>>
    %dma_start3A_402 = arith.constant 0 : i32
    %dma_start3A_403 = tpu.memref_slice %arg6[%dma_start3A_402, %multiple_of3A_387] : memref<32x1000000xf32, #tpu.memory_space<hbm>> -> memref<32x128xf32, #tpu.memory_space<hbm>>
    tpu.enqueue_dma source(%dma_start3A_403 : memref<32x128xf32, #tpu.memory_space<hbm>>) target(%dma_start3A_401 : memref<32x128xf32, #tpu.memory_space<vmem>>) target_semaphore(%dma_start3A_397 : memref<!tpu.dma_semaphore, #tpu.memory_space<semaphore_mem>>)
    %scan3A = arith.constant 0 : i32
    %scan3A_404 = arith.constant 0 : i32
    %scan3A_405 = arith.constant 32 : i32
    %scan3A_406 = arith.addi %scan3A_404, %scan3A_405 : i32
    %scan3A_407 = arith.constant 1 : i32
    scf.for %scan3A_409 = %scan3A_404 to %scan3A_406 step %scan3A_407  : i32 {
      %mul3A_410 = arith.constant 16 : i32
      %mul3A_411 = arith.muli %scan3A_409, %mul3A_410 : i32
      %multiple_of3A_412 = tpu.assume_multiple %mul3A_411, 16 : i32
      %get3A_413 = arith.index_cast %multiple_of3A_412 : i32 to index
      %get3A_414 = tpu.vector_load %arg10[%get3A_413] {strides = array<i32>} : memref<512xi32, #tpu.memory_space<vmem>>, vector<16xi32>,
      %get3A_415 = arith.index_cast %multiple_of3A_412 : i32 to index
      %get3A_416 = tpu.vector_load %arg11[%get3A_415] {strides = array<i32>} : memref<512xi32, #tpu.memory_space<vmem>>, vector<16xi32>,
      %add3A_417 = arith.constant 1 : i32
      %add3A_418 = arith.addi %scan3A_409, %add3A_417 : i32
      %min3A_419 = arith.constant 31 : i32
      %min3A_420 = arith.minsi %add3A_418, %min3A_419 : i32
      %mul3A_421 = arith.constant 16 : i32
      %mul3A_422 = arith.muli %min3A_420, %mul3A_421 : i32
      %multiple_of3A_423 = tpu.assume_multiple %mul3A_422, 16 : i32
      %get3A_424 = arith.index_cast %multiple_of3A_423 : i32 to index
      %get3A_425 = tpu.vector_load %arg10[%get3A_424] {strides = array<i32>} : memref<512xi32, #tpu.memory_space<vmem>>, vector<16xi32>,
      %get3A_426 = arith.index_cast %multiple_of3A_423 : i32 to index
      %get3A_427 = tpu.vector_load %arg11[%get3A_426] {strides = array<i32>} : memref<512xi32, #tpu.memory_space<vmem>>, vector<16xi32>,
      %broadcast_in_dim3A = arith.constant 0.000000e+00 : f32
      %broadcast_in_dim3A_428 = vector.broadcast %broadcast_in_dim3A : f32 to vector<16xf32>
      %dma_wait3A = arith.constant 0 : i32
      %dma_wait3A_429 = arith.constant 0 : i32
      %dma_wait3A_430 = arith.constant 0 : i32
      %dma_wait3A_431 = arith.constant 0 : i32
      %dma_wait3A_432 = tpu.memref_slice %arg14[%dma_wait3A, %dma_wait3A_430, %dma_wait3A_431] : memref<9x32x128xf32, #tpu.memory_space<vmem>> -> memref<1x32x128xf32, #tpu.memory_space<vmem>>
      %dma_wait3A_433 = tpu.memref_squeeze %dma_wait3A_432 : memref<1x32x128xf32, #tpu.memory_space<vmem>> -> memref<32x128xf32, #tpu.memory_space<vmem>>
      %dma_wait3A_434 = arith.constant 0 : i32
      %dma_wait3A_435 = arith.constant 0 : i32
      %dma_wait3A_436 = tpu.memref_slice %arg5[%dma_wait3A_434, %dma_wait3A_435] : memref<32x1000000xf32, #tpu.memory_space<hbm>> -> memref<32x128xf32, #tpu.memory_space<hbm>>
      %dma_wait3A_437 = tpu.memref_slice %arg16[%dma_wait3A_429] : memref<8x!tpu.dma_semaphore, #tpu.memory_space<semaphore_mem>> -> memref<1x!tpu.dma_semaphore, #tpu.memory_space<semaphore_mem>>
      %dma_wait3A_438 = tpu.memref_squeeze %dma_wait3A_437 : memref<1x!tpu.dma_semaphore, #tpu.memory_space<semaphore_mem>> -> memref<!tpu.dma_semaphore, #tpu.memory_space<semaphore_mem>>
      %dma_wait3A_439 = arith.constant 0 : i32
      %dma_wait3A_440 = arith.constant 0 : i32
      %dma_wait3A_441 = tpu.memref_slice %arg14[%dma_wait3A, %dma_wait3A_439, %dma_wait3A_440] : memref<9x32x128xf32, #tpu.memory_space<vmem>> -> memref<1x32x128xf32, #tpu.memory_space<vmem>>
      %dma_wait3A_442 = tpu.memref_squeeze %dma_wait3A_441 : memref<1x32x128xf32, #tpu.memory_space<vmem>> -> memref<32x128xf32, #tpu.memory_space<vmem>>
      %dma_wait3A_443 = arith.constant 0 : i32
      %dma_wait3A_444 = arith.constant 0 : i32
      %dma_wait3A_445 = tpu.memref_slice %arg5[%dma_wait3A_443, %dma_wait3A_444] : memref<32x1000000xf32, #tpu.memory_space<hbm>> -> memref<32x128xf32, #tpu.memory_space<hbm>>
      tpu.wait_dma2 semaphore(%dma_wait3A_438 : memref<!tpu.dma_semaphore, #tpu.memory_space<semaphore_mem>>) src(%dma_wait3A_445 : memref<32x128xf32, #tpu.memory_space<hbm>>) dst(%dma_wait3A_442 : memref<32x128xf32, #tpu.memory_space<vmem>>)
      %dma_wait3A_446 = arith.constant 0 : i32
      %dma_wait3A_447 = arith.constant 0 : i32
      %dma_wait3A_448 = arith.constant 0 : i32
      %dma_wait3A_449 = arith.constant 0 : i32
      %dma_wait3A_450 = tpu.memref_slice %arg15[%dma_wait3A_446, %dma_wait3A_448, %dma_wait3A_449] : memref<9x32x128xf32, #tpu.memory_space<vmem>> -> memref<1x32x128xf32, #tpu.memory_space<vmem>>
      %dma_wait3A_451 = tpu.memref_squeeze %dma_wait3A_450 : memref<1x32x128xf32, #tpu.memory_space<vmem>> -> memref<32x128xf32, #tpu.memory_space<vmem>>
      %dma_wait3A_452 = arith.constant 0 : i32
      %dma_wait3A_453 = arith.constant 0 : i32
      %dma_wait3A_454 = tpu.memref_slice %arg6[%dma_wait3A_452, %dma_wait3A_453] : memref<32x1000000xf32, #tpu.memory_space<hbm>> -> memref<32x128xf32, #tpu.memory_space<hbm>>
      %dma_wait3A_455 = tpu.memref_slice %arg17[%dma_wait3A_447] : memref<8x!tpu.dma_semaphore, #tpu.memory_space<semaphore_mem>> -> memref<1x!tpu.dma_semaphore, #tpu.memory_space<semaphore_mem>>
      %dma_wait3A_456 = tpu.memref_squeeze %dma_wait3A_455 : memref<1x!tpu.dma_semaphore, #tpu.memory_space<semaphore_mem>> -> memref<!tpu.dma_semaphore, #tpu.memory_space<semaphore_mem>>
      %dma_wait3A_457 = arith.constant 0 : i32
      %dma_wait3A_458 = arith.constant 0 : i32
      %dma_wait3A_459 = tpu.memref_slice %arg15[%dma_wait3A_446, %dma_wait3A_457, %dma_wait3A_458] : memref<9x32x128xf32, #tpu.memory_space<vmem>> -> memref<1x32x128xf32, #tpu.memory_space<vmem>>
      %dma_wait3A_460 = tpu.memref_squeeze %dma_wait3A_459 : memref<1x32x128xf32, #tpu.memory_space<vmem>> -> memref<32x128xf32, #tpu.memory_space<vmem>>
      %dma_wait3A_461 = arith.constant 0 : i32
      %dma_wait3A_462 = arith.constant 0 : i32
      %dma_wait3A_463 = tpu.memref_slice %arg6[%dma_wait3A_461, %dma_wait3A_462] : memref<32x1000000xf32, #tpu.memory_space<hbm>> -> memref<32x128xf32, #tpu.memory_space<hbm>>
      tpu.wait_dma2 semaphore(%dma_wait3A_456 : memref<!tpu.dma_semaphore, #tpu.memory_space<semaphore_mem>>) src(%dma_wait3A_463 : memref<32x128xf32, #tpu.memory_space<hbm>>) dst(%dma_wait3A_460 : memref<32x128xf32, #tpu.memory_space<vmem>>)
      %slice3A_464 = vector.extract_strided_slice %get3A_414 {offsets = [0], sizes = [1], strides = [1]} : vector<16xi32> to vector<1xi32>
      %squeeze3A_465 = vector.extract %slice3A_464[0] : i32 from vector<1xi32>
      %slice3A_466 = vector.extract_strided_slice %get3A_416 {offsets = [0], sizes = [1], strides = [1]} : vector<16xi32> to vector<1xi32>
      %squeeze3A_467 = vector.extract %slice3A_466[0] : i32 from vector<1xi32>
      %ge3A = arith.constant 999936 : i32
      %ge3A_468 = arith.cmpi sge, %squeeze3A_465, %ge3A : i32
      %ge3A_469 = arith.constant 999936 : i32
      %ge3A_470 = arith.cmpi sge, %squeeze3A_467, %ge3A_469 : i32
      %jit3A = arith.constant 8 : i32
      %jit3A_471 = arith.constant 0 : i32
      %select_n3A = arith.select %ge3A_468, %jit3A, %jit3A_471 : i32
      %broadcast_in_dim3A_472 = vector.broadcast %select_n3A : i32 to vector<16xi32>
      %jit3A_473 = arith.constant 8 : i32
      %jit3A_474 = arith.constant 0 : i32
      %select_n3A_475 = arith.select %ge3A_470, %jit3A_473, %jit3A_474 : i32
      %broadcast_in_dim3A_476 = vector.broadcast %select_n3A_475 : i32 to vector<16xi32>
      %sub3A = arith.constant 999872 : i32
      %sub3A_477 = arith.subi %squeeze3A_465, %sub3A : i32
      %and3A = arith.constant 127 : i32
      %and3A_478 = arith.andi %squeeze3A_465, %and3A : i32
      %select_n3A_479 = arith.select %ge3A_468, %sub3A_477, %and3A_478 : i32
      %broadcast_in_dim3A_480 = vector.broadcast %select_n3A_479 : i32 to vector<16xi32>
      %sub3A_481 = arith.constant 999872 : i32
      %sub3A_482 = arith.subi %squeeze3A_467, %sub3A_481 : i32
      %and3A_483 = arith.constant 127 : i32
      %and3A_484 = arith.andi %squeeze3A_467, %and3A_483 : i32
      %select_n3A_485 = arith.select %ge3A_470, %sub3A_482, %and3A_484 : i32
      %broadcast_in_dim3A_486 = vector.broadcast %select_n3A_485 : i32 to vector<16xi32>
      %gather3A = tpu.vector_load_idx %arg14[%broadcast_in_dim3A_472, %iota3A, %broadcast_in_dim3A_480] : memref<9x32x128xf32, #tpu.memory_space<vmem>>[vector<16xi32>, vector<16xi32>, vector<16xi32>], vector<16xf32>,
      %gather3A_487 = tpu.vector_load_idx %arg14[%broadcast_in_dim3A_472, %add3A_6, %broadcast_in_dim3A_480] : memref<9x32x128xf32, #tpu.memory_space<vmem>>[vector<16xi32>, vector<16xi32>, vector<16xi32>], vector<16xf32>,
      %gather3A_488 = tpu.vector_load_idx %arg15[%broadcast_in_dim3A_476, %iota3A, %broadcast_in_dim3A_486] : memref<9x32x128xf32, #tpu.memory_space<vmem>>[vector<16xi32>, vector<16xi32>, vector<16xi32>], vector<16xf32>,
      %gather3A_489 = tpu.vector_load_idx %arg15[%broadcast_in_dim3A_476, %add3A_6, %broadcast_in_dim3A_486] : memref<9x32x128xf32, #tpu.memory_space<vmem>>[vector<16xi32>, vector<16xi32>, vector<16xi32>], vector<16xf32>,
      %mul3A_490 = arith.mulf %gather3A, %gather3A_488 : vector<16xf32>
      %mul3A_491 = arith.mulf %gather3A_487, %gather3A_489 : vector<16xf32>
      %add3A_492 = arith.addf %mul3A_490, %mul3A_491 : vector<16xf32>
      %reduce_sum3A = arith.constant true
      %reduce_sum3A_493 = vector.broadcast %reduce_sum3A : i1 to vector<16xi1>
      %reduce_sum3A_494 = tpu.scan <sum>, %add3A_492 masked %reduce_sum3A_493 : vector<16xf32>, vector<16xi1> -> vector<16xf32>
      %reduce_sum3A_495 = vector.extract %reduce_sum3A_494[15] : f32 from vector<16xf32>
      %eq3A = arith.constant 0 : i32
      %eq3A_496 = vector.broadcast %eq3A : i32 to vector<16xi32>
      %eq3A_497 = arith.cmpi eq, %iota3A, %eq3A_496 : vector<16xi32>
      %broadcast_in_dim3A_498 = vector.broadcast %reduce_sum3A_495 : f32 to vector<16xf32>
      %select_n3A_499 = arith.select %eq3A_497, %broadcast_in_dim3A_498, %broadcast_in_dim3A_428 : vector<16xi1>, vector<16xf32>
      %slice3A_500 = vector.extract_strided_slice %get3A_414 {offsets = [8], sizes = [1], strides = [1]} : vector<16xi32> to vector<1xi32>
      %squeeze3A_501 = vector.extract %slice3A_500[0] : i32 from vector<1xi32>
      %shift_right_arithmetic3A_502 = arith.constant 7 : i32
      %shift_right_arithmetic3A_503 = arith.shrsi %squeeze3A_501, %shift_right_arithmetic3A_502 : i32
      %min3A_504 = arith.constant 7811 : i32
      %min3A_505 = arith.minsi %shift_right_arithmetic3A_503, %min3A_504 : i32
      %mul3A_506 = arith.constant 128 : i32
      %mul3A_507 = arith.muli %min3A_505, %mul3A_506 : i32
      %multiple_of3A_508 = tpu.assume_multiple %mul3A_507, 128 : i32
      %dma_start3A_509 = arith.constant 0 : i32
      %dma_start3A_510 = arith.constant 0 : i32
      %dma_start3A_511 = arith.constant 0 : i32
      %dma_start3A_512 = arith.constant 0 : i32
      %dma_start3A_513 = tpu.memref_slice %arg14[%dma_start3A_509, %dma_start3A_511, %dma_start3A_512] : memref<9x32x128xf32, #tpu.memory_space<vmem>> -> memref<1x32x128xf32, #tpu.memory_space<vmem>>
      %dma_start3A_514 = tpu.memref_squeeze %dma_start3A_513 : memref<1x32x128xf32, #tpu.memory_space<vmem>> -> memref<32x128xf32, #tpu.memory_space<vmem>>
      %dma_start3A_515 = arith.constant 0 : i32
      %dma_start3A_516 = tpu.memref_slice %arg5[%dma_start3A_515, %multiple_of3A_508] : memref<32x1000000xf32, #tpu.memory_space<hbm>> -> memref<32x128xf32, #tpu.memory_space<hbm>>
      %dma_start3A_517 = tpu.memref_slice %arg16[%dma_start3A_510] : memref<8x!tpu.dma_semaphore, #tpu.memory_space<semaphore_mem>> -> memref<1x!tpu.dma_semaphore, #tpu.memory_space<semaphore_mem>>
      %dma_start3A_518 = tpu.memref_squeeze %dma_start3A_517 : memref<1x!tpu.dma_semaphore, #tpu.memory_space<semaphore_mem>> -> memref<!tpu.dma_semaphore, #tpu.memory_space<semaphore_mem>>
      %dma_start3A_519 = arith.constant 0 : i32
      %dma_start3A_520 = arith.constant 0 : i32
      %dma_start3A_521 = tpu.memref_slice %arg14[%dma_start3A_509, %dma_start3A_519, %dma_start3A_520] : memref<9x32x128xf32, #tpu.memory_space<vmem>> -> memref<1x32x128xf32, #tpu.memory_space<vmem>>
      %dma_start3A_522 = tpu.memref_squeeze %dma_start3A_521 : memref<1x32x128xf32, #tpu.memory_space<vmem>> -> memref<32x128xf32, #tpu.memory_space<vmem>>
      %dma_start3A_523 = arith.constant 0 : i32
      %dma_start3A_524 = tpu.memref_slice %arg5[%dma_start3A_523, %multiple_of3A_508] : memref<32x1000000xf32, #tpu.memory_space<hbm>> -> memref<32x128xf32, #tpu.memory_space<hbm>>
      tpu.enqueue_dma source(%dma_start3A_524 : memref<32x128xf32, #tpu.memory_space<hbm>>) target(%dma_start3A_522 : memref<32x128xf32, #tpu.memory_space<vmem>>) target_semaphore(%dma_start3A_518 : memref<!tpu.dma_semaphore, #tpu.memory_space<semaphore_mem>>)
      %slice3A_525 = vector.extract_strided_slice %get3A_416 {offsets = [8], sizes = [1], strides = [1]} : vector<16xi32> to vector<1xi32>
      %squeeze3A_526 = vector.extract %slice3A_525[0] : i32 from vector<1xi32>
      %shift_right_arithmetic3A_527 = arith.constant 7 : i32
      %shift_right_arithmetic3A_528 = arith.shrsi %squeeze3A_526, %shift_right_arithmetic3A_527 : i32
      %min3A_529 = arith.constant 7811 : i32
      %min3A_530 = arith.minsi %shift_right_arithmetic3A_528, %min3A_529 : i32
      %mul3A_531 = arith.constant 128 : i32
      %mul3A_532 = arith.muli %min3A_530, %mul3A_531 : i32
      %multiple_of3A_533 = tpu.assume_multiple %mul3A_532, 128 : i32
      %dma_start3A_534 = arith.constant 0 : i32
      %dma_start3A_535 = arith.constant 0 : i32
      %dma_start3A_536 = arith.constant 0 : i32
      %dma_start3A_537 = arith.constant 0 : i32
      %dma_start3A_538 = tpu.memref_slice %arg15[%dma_start3A_534, %dma_start3A_536, %dma_start3A_537] : memref<9x32x128xf32, #tpu.memory_space<vmem>> -> memref<1x32x128xf32, #tpu.memory_space<vmem>>
      %dma_start3A_539 = tpu.memref_squeeze %dma_start3A_538 : memref<1x32x128xf32, #tpu.memory_space<vmem>> -> memref<32x128xf32, #tpu.memory_space<vmem>>
      %dma_start3A_540 = arith.constant 0 : i32
      %dma_start3A_541 = tpu.memref_slice %arg6[%dma_start3A_540, %multiple_of3A_533] : memref<32x1000000xf32, #tpu.memory_space<hbm>> -> memref<32x128xf32, #tpu.memory_space<hbm>>
      %dma_start3A_542 = tpu.memref_slice %arg17[%dma_start3A_535] : memref<8x!tpu.dma_semaphore, #tpu.memory_space<semaphore_mem>> -> memref<1x!tpu.dma_semaphore, #tpu.memory_space<semaphore_mem>>
      %dma_start3A_543 = tpu.memref_squeeze %dma_start3A_542 : memref<1x!tpu.dma_semaphore, #tpu.memory_space<semaphore_mem>> -> memref<!tpu.dma_semaphore, #tpu.memory_space<semaphore_mem>>
      %dma_start3A_544 = arith.constant 0 : i32
      %dma_start3A_545 = arith.constant 0 : i32
      %dma_start3A_546 = tpu.memref_slice %arg15[%dma_start3A_534, %dma_start3A_544, %dma_start3A_545] : memref<9x32x128xf32, #tpu.memory_space<vmem>> -> memref<1x32x128xf32, #tpu.memory_space<vmem>>
      %dma_start3A_547 = tpu.memref_squeeze %dma_start3A_546 : memref<1x32x128xf32, #tpu.memory_space<vmem>> -> memref<32x128xf32, #tpu.memory_space<vmem>>
      %dma_start3A_548 = arith.constant 0 : i32
      %dma_start3A_549 = tpu.memref_slice %arg6[%dma_start3A_548, %multiple_of3A_533] : memref<32x1000000xf32, #tpu.memory_space<hbm>> -> memref<32x128xf32, #tpu.memory_space<hbm>>
      tpu.enqueue_dma source(%dma_start3A_549 : memref<32x128xf32, #tpu.memory_space<hbm>>) target(%dma_start3A_547 : memref<32x128xf32, #tpu.memory_space<vmem>>) target_semaphore(%dma_start3A_543 : memref<!tpu.dma_semaphore, #tpu.memory_space<semaphore_mem>>)
      %dma_wait3A_550 = arith.constant 1 : i32
      %dma_wait3A_551 = arith.constant 1 : i32
      %dma_wait3A_552 = arith.constant 0 : i32
      %dma_wait3A_553 = arith.constant 0 : i32
      %dma_wait3A_554 = tpu.memref_slice %arg14[%dma_wait3A_550, %dma_wait3A_552, %dma_wait3A_553] : memref<9x32x128xf32, #tpu.memory_space<vmem>> -> memref<1x32x128xf32, #tpu.memory_space<vmem>>
      %dma_wait3A_555 = tpu.memref_squeeze %dma_wait3A_554 : memref<1x32x128xf32, #tpu.memory_space<vmem>> -> memref<32x128xf32, #tpu.memory_space<vmem>>
      %dma_wait3A_556 = arith.constant 0 : i32
      %dma_wait3A_557 = arith.constant 0 : i32
      %dma_wait3A_558 = tpu.memref_slice %arg5[%dma_wait3A_556, %dma_wait3A_557] : memref<32x1000000xf32, #tpu.memory_space<hbm>> -> memref<32x128xf32, #tpu.memory_space<hbm>>
      %dma_wait3A_559 = tpu.memref_slice %arg16[%dma_wait3A_551] : memref<8x!tpu.dma_semaphore, #tpu.memory_space<semaphore_mem>> -> memref<1x!tpu.dma_semaphore, #tpu.memory_space<semaphore_mem>>
      %dma_wait3A_560 = tpu.memref_squeeze %dma_wait3A_559 : memref<1x!tpu.dma_semaphore, #tpu.memory_space<semaphore_mem>> -> memref<!tpu.dma_semaphore, #tpu.memory_space<semaphore_mem>>
      %dma_wait3A_561 = arith.constant 0 : i32
      %dma_wait3A_562 = arith.constant 0 : i32
      %dma_wait3A_563 = tpu.memref_slice %arg14[%dma_wait3A_550, %dma_wait3A_561, %dma_wait3A_562] : memref<9x32x128xf32, #tpu.memory_space<vmem>> -> memref<1x32x128xf32, #tpu.memory_space<vmem>>
      %dma_wait3A_564 = tpu.memref_squeeze %dma_wait3A_563 : memref<1x32x128xf32, #tpu.memory_space<vmem>> -> memref<32x128xf32, #tpu.memory_space<vmem>>
      %dma_wait3A_565 = arith.constant 0 : i32
      %dma_wait3A_566 = arith.constant 0 : i32
      %dma_wait3A_567 = tpu.memref_slice %arg5[%dma_wait3A_565, %dma_wait3A_566] : memref<32x1000000xf32, #tpu.memory_space<hbm>> -> memref<32x128xf32, #tpu.memory_space<hbm>>
      tpu.wait_dma2 semaphore(%dma_wait3A_560 : memref<!tpu.dma_semaphore, #tpu.memory_space<semaphore_mem>>) src(%dma_wait3A_567 : memref<32x128xf32, #tpu.memory_space<hbm>>) dst(%dma_wait3A_564 : memref<32x128xf32, #tpu.memory_space<vmem>>)
      %dma_wait3A_568 = arith.constant 1 : i32
      %dma_wait3A_569 = arith.constant 1 : i32
      %dma_wait3A_570 = arith.constant 0 : i32
      %dma_wait3A_571 = arith.constant 0 : i32
      %dma_wait3A_572 = tpu.memref_slice %arg15[%dma_wait3A_568, %dma_wait3A_570, %dma_wait3A_571] : memref<9x32x128xf32, #tpu.memory_space<vmem>> -> memref<1x32x128xf32, #tpu.memory_space<vmem>>
      %dma_wait3A_573 = tpu.memref_squeeze %dma_wait3A_572 : memref<1x32x128xf32, #tpu.memory_space<vmem>> -> memref<32x128xf32, #tpu.memory_space<vmem>>
      %dma_wait3A_574 = arith.constant 0 : i32
      %dma_wait3A_575 = arith.constant 0 : i32
      %dma_wait3A_576 = tpu.memref_slice %arg6[%dma_wait3A_574, %dma_wait3A_575] : memref<32x1000000xf32, #tpu.memory_space<hbm>> -> memref<32x128xf32, #tpu.memory_space<hbm>>
      %dma_wait3A_577 = tpu.memref_slice %arg17[%dma_wait3A_569] : memref<8x!tpu.dma_semaphore, #tpu.memory_space<semaphore_mem>> -> memref<1x!tpu.dma_semaphore, #tpu.memory_space<semaphore_mem>>
      %dma_wait3A_578 = tpu.memref_squeeze %dma_wait3A_577 : memref<1x!tpu.dma_semaphore, #tpu.memory_space<semaphore_mem>> -> memref<!tpu.dma_semaphore, #tpu.memory_space<semaphore_mem>>
      %dma_wait3A_579 = arith.constant 0 : i32
      %dma_wait3A_580 = arith.constant 0 : i32
      %dma_wait3A_581 = tpu.memref_slice %arg15[%dma_wait3A_568, %dma_wait3A_579, %dma_wait3A_580] : memref<9x32x128xf32, #tpu.memory_space<vmem>> -> memref<1x32x128xf32, #tpu.memory_space<vmem>>
      %dma_wait3A_582 = tpu.memref_squeeze %dma_wait3A_581 : memref<1x32x128xf32, #tpu.memory_space<vmem>> -> memref<32x128xf32, #tpu.memory_space<vmem>>
      %dma_wait3A_583 = arith.constant 0 : i32
      %dma_wait3A_584 = arith.constant 0 : i32
      %dma_wait3A_585 = tpu.memref_slice %arg6[%dma_wait3A_583, %dma_wait3A_584] : memref<32x1000000xf32, #tpu.memory_space<hbm>> -> memref<32x128xf32, #tpu.memory_space<hbm>>
      tpu.wait_dma2 semaphore(%dma_wait3A_578 : memref<!tpu.dma_semaphore, #tpu.memory_space<semaphore_mem>>) src(%dma_wait3A_585 : memref<32x128xf32, #tpu.memory_space<hbm>>) dst(%dma_wait3A_582 : memref<32x128xf32, #tpu.memory_space<vmem>>)
      %slice3A_586 = vector.extract_strided_slice %get3A_414 {offsets = [1], sizes = [1], strides = [1]} : vector<16xi32> to vector<1xi32>
      %squeeze3A_587 = vector.extract %slice3A_586[0] : i32 from vector<1xi32>
      %slice3A_588 = vector.extract_strided_slice %get3A_416 {offsets = [1], sizes = [1], strides = [1]} : vector<16xi32> to vector<1xi32>
      %squeeze3A_589 = vector.extract %slice3A_588[0] : i32 from vector<1xi32>
      %ge3A_590 = arith.constant 999936 : i32
      %ge3A_591 = arith.cmpi sge, %squeeze3A_587, %ge3A_590 : i32
      %ge3A_592 = arith.constant 999936 : i32
      %ge3A_593 = arith.cmpi sge, %squeeze3A_589, %ge3A_592 : i32
      %jit3A_594 = arith.constant 8 : i32
      %jit3A_595 = arith.constant 1 : i32
      %select_n3A_596 = arith.select %ge3A_591, %jit3A_594, %jit3A_595 : i32
      %broadcast_in_dim3A_597 = vector.broadcast %select_n3A_596 : i32 to vector<16xi32>
      %jit3A_598 = arith.constant 8 : i32
      %jit3A_599 = arith.constant 1 : i32
      %select_n3A_600 = arith.select %ge3A_593, %jit3A_598, %jit3A_599 : i32
      %broadcast_in_dim3A_601 = vector.broadcast %select_n3A_600 : i32 to vector<16xi32>
      %sub3A_602 = arith.constant 999872 : i32
      %sub3A_603 = arith.subi %squeeze3A_587, %sub3A_602 : i32
      %and3A_604 = arith.constant 127 : i32
      %and3A_605 = arith.andi %squeeze3A_587, %and3A_604 : i32
      %select_n3A_606 = arith.select %ge3A_591, %sub3A_603, %and3A_605 : i32
      %broadcast_in_dim3A_607 = vector.broadcast %select_n3A_606 : i32 to vector<16xi32>
      %sub3A_608 = arith.constant 999872 : i32
      %sub3A_609 = arith.subi %squeeze3A_589, %sub3A_608 : i32
      %and3A_610 = arith.constant 127 : i32
      %and3A_611 = arith.andi %squeeze3A_589, %and3A_610 : i32
      %select_n3A_612 = arith.select %ge3A_593, %sub3A_609, %and3A_611 : i32
      %broadcast_in_dim3A_613 = vector.broadcast %select_n3A_612 : i32 to vector<16xi32>
      %gather3A_614 = tpu.vector_load_idx %arg14[%broadcast_in_dim3A_597, %iota3A, %broadcast_in_dim3A_607] : memref<9x32x128xf32, #tpu.memory_space<vmem>>[vector<16xi32>, vector<16xi32>, vector<16xi32>], vector<16xf32>,
      %gather3A_615 = tpu.vector_load_idx %arg14[%broadcast_in_dim3A_597, %add3A_6, %broadcast_in_dim3A_607] : memref<9x32x128xf32, #tpu.memory_space<vmem>>[vector<16xi32>, vector<16xi32>, vector<16xi32>], vector<16xf32>,
      %gather3A_616 = tpu.vector_load_idx %arg15[%broadcast_in_dim3A_601, %iota3A, %broadcast_in_dim3A_613] : memref<9x32x128xf32, #tpu.memory_space<vmem>>[vector<16xi32>, vector<16xi32>, vector<16xi32>], vector<16xf32>,
      %gather3A_617 = tpu.vector_load_idx %arg15[%broadcast_in_dim3A_601, %add3A_6, %broadcast_in_dim3A_613] : memref<9x32x128xf32, #tpu.memory_space<vmem>>[vector<16xi32>, vector<16xi32>, vector<16xi32>], vector<16xf32>,
      %mul3A_618 = arith.mulf %gather3A_614, %gather3A_616 : vector<16xf32>
      %mul3A_619 = arith.mulf %gather3A_615, %gather3A_617 : vector<16xf32>
      %add3A_620 = arith.addf %mul3A_618, %mul3A_619 : vector<16xf32>
      %reduce_sum3A_621 = arith.constant true
      %reduce_sum3A_622 = vector.broadcast %reduce_sum3A_621 : i1 to vector<16xi1>
      %reduce_sum3A_623 = tpu.scan <sum>, %add3A_620 masked %reduce_sum3A_622 : vector<16xf32>, vector<16xi1> -> vector<16xf32>
      %reduce_sum3A_624 = vector.extract %reduce_sum3A_623[15] : f32 from vector<16xf32>
      %eq3A_625 = arith.constant 1 : i32
      %eq3A_626 = vector.broadcast %eq3A_625 : i32 to vector<16xi32>
      %eq3A_627 = arith.cmpi eq, %iota3A, %eq3A_626 : vector<16xi32>
      %broadcast_in_dim3A_628 = vector.broadcast %reduce_sum3A_624 : f32 to vector<16xf32>
      %select_n3A_629 = arith.select %eq3A_627, %broadcast_in_dim3A_628, %select_n3A_499 : vector<16xi1>, vector<16xf32>
      %slice3A_630 = vector.extract_strided_slice %get3A_414 {offsets = [9], sizes = [1], strides = [1]} : vector<16xi32> to vector<1xi32>
      %squeeze3A_631 = vector.extract %slice3A_630[0] : i32 from vector<1xi32>
      %shift_right_arithmetic3A_632 = arith.constant 7 : i32
      %shift_right_arithmetic3A_633 = arith.shrsi %squeeze3A_631, %shift_right_arithmetic3A_632 : i32
      %min3A_634 = arith.constant 7811 : i32
      %min3A_635 = arith.minsi %shift_right_arithmetic3A_633, %min3A_634 : i32
      %mul3A_636 = arith.constant 128 : i32
      %mul3A_637 = arith.muli %min3A_635, %mul3A_636 : i32
      %multiple_of3A_638 = tpu.assume_multiple %mul3A_637, 128 : i32
      %dma_start3A_639 = arith.constant 1 : i32
      %dma_start3A_640 = arith.constant 1 : i32
      %dma_start3A_641 = arith.constant 0 : i32
      %dma_start3A_642 = arith.constant 0 : i32
      %dma_start3A_643 = tpu.memref_slice %arg14[%dma_start3A_639, %dma_start3A_641, %dma_start3A_642] : memref<9x32x128xf32, #tpu.memory_space<vmem>> -> memref<1x32x128xf32, #tpu.memory_space<vmem>>
      %dma_start3A_644 = tpu.memref_squeeze %dma_start3A_643 : memref<1x32x128xf32, #tpu.memory_space<vmem>> -> memref<32x128xf32, #tpu.memory_space<vmem>>
      %dma_start3A_645 = arith.constant 0 : i32
      %dma_start3A_646 = tpu.memref_slice %arg5[%dma_start3A_645, %multiple_of3A_638] : memref<32x1000000xf32, #tpu.memory_space<hbm>> -> memref<32x128xf32, #tpu.memory_space<hbm>>
      %dma_start3A_647 = tpu.memref_slice %arg16[%dma_start3A_640] : memref<8x!tpu.dma_semaphore, #tpu.memory_space<semaphore_mem>> -> memref<1x!tpu.dma_semaphore, #tpu.memory_space<semaphore_mem>>
      %dma_start3A_648 = tpu.memref_squeeze %dma_start3A_647 : memref<1x!tpu.dma_semaphore, #tpu.memory_space<semaphore_mem>> -> memref<!tpu.dma_semaphore, #tpu.memory_space<semaphore_mem>>
      %dma_start3A_649 = arith.constant 0 : i32
      %dma_start3A_650 = arith.constant 0 : i32
      %dma_start3A_651 = tpu.memref_slice %arg14[%dma_start3A_639, %dma_start3A_649, %dma_start3A_650] : memref<9x32x128xf32, #tpu.memory_space<vmem>> -> memref<1x32x128xf32, #tpu.memory_space<vmem>>
      %dma_start3A_652 = tpu.memref_squeeze %dma_start3A_651 : memref<1x32x128xf32, #tpu.memory_space<vmem>> -> memref<32x128xf32, #tpu.memory_space<vmem>>
      %dma_start3A_653 = arith.constant 0 : i32
      %dma_start3A_654 = tpu.memref_slice %arg5[%dma_start3A_653, %multiple_of3A_638] : memref<32x1000000xf32, #tpu.memory_space<hbm>> -> memref<32x128xf32, #tpu.memory_space<hbm>>
      tpu.enqueue_dma source(%dma_start3A_654 : memref<32x128xf32, #tpu.memory_space<hbm>>) target(%dma_start3A_652 : memref<32x128xf32, #tpu.memory_space<vmem>>) target_semaphore(%dma_start3A_648 : memref<!tpu.dma_semaphore, #tpu.memory_space<semaphore_mem>>)
      %slice3A_655 = vector.extract_strided_slice %get3A_416 {offsets = [9], sizes = [1], strides = [1]} : vector<16xi32> to vector<1xi32>
      %squeeze3A_656 = vector.extract %slice3A_655[0] : i32 from vector<1xi32>
      %shift_right_arithmetic3A_657 = arith.constant 7 : i32
      %shift_right_arithmetic3A_658 = arith.shrsi %squeeze3A_656, %shift_right_arithmetic3A_657 : i32
      %min3A_659 = arith.constant 7811 : i32
      %min3A_660 = arith.minsi %shift_right_arithmetic3A_658, %min3A_659 : i32
      %mul3A_661 = arith.constant 128 : i32
      %mul3A_662 = arith.muli %min3A_660, %mul3A_661 : i32
      %multiple_of3A_663 = tpu.assume_multiple %mul3A_662, 128 : i32
      %dma_start3A_664 = arith.constant 1 : i32
      %dma_start3A_665 = arith.constant 1 : i32
      %dma_start3A_666 = arith.constant 0 : i32
      %dma_start3A_667 = arith.constant 0 : i32
      %dma_start3A_668 = tpu.memref_slice %arg15[%dma_start3A_664, %dma_start3A_666, %dma_start3A_667] : memref<9x32x128xf32, #tpu.memory_space<vmem>> -> memref<1x32x128xf32, #tpu.memory_space<vmem>>
      %dma_start3A_669 = tpu.memref_squeeze %dma_start3A_668 : memref<1x32x128xf32, #tpu.memory_space<vmem>> -> memref<32x128xf32, #tpu.memory_space<vmem>>
      %dma_start3A_670 = arith.constant 0 : i32
      %dma_start3A_671 = tpu.memref_slice %arg6[%dma_start3A_670, %multiple_of3A_663] : memref<32x1000000xf32, #tpu.memory_space<hbm>> -> memref<32x128xf32, #tpu.memory_space<hbm>>
      %dma_start3A_672 = tpu.memref_slice %arg17[%dma_start3A_665] : memref<8x!tpu.dma_semaphore, #tpu.memory_space<semaphore_mem>> -> memref<1x!tpu.dma_semaphore, #tpu.memory_space<semaphore_mem>>
      %dma_start3A_673 = tpu.memref_squeeze %dma_start3A_672 : memref<1x!tpu.dma_semaphore, #tpu.memory_space<semaphore_mem>> -> memref<!tpu.dma_semaphore, #tpu.memory_space<semaphore_mem>>
      %dma_start3A_674 = arith.constant 0 : i32
      %dma_start3A_675 = arith.constant 0 : i32
      %dma_start3A_676 = tpu.memref_slice %arg15[%dma_start3A_664, %dma_start3A_674, %dma_start3A_675] : memref<9x32x128xf32, #tpu.memory_space<vmem>> -> memref<1x32x128xf32, #tpu.memory_space<vmem>>
      %dma_start3A_677 = tpu.memref_squeeze %dma_start3A_676 : memref<1x32x128xf32, #tpu.memory_space<vmem>> -> memref<32x128xf32, #tpu.memory_space<vmem>>
      %dma_start3A_678 = arith.constant 0 : i32
      %dma_start3A_679 = tpu.memref_slice %arg6[%dma_start3A_678, %multiple_of3A_663] : memref<32x1000000xf32, #tpu.memory_space<hbm>> -> memref<32x128xf32, #tpu.memory_space<hbm>>
      tpu.enqueue_dma source(%dma_start3A_679 : memref<32x128xf32, #tpu.memory_space<hbm>>) target(%dma_start3A_677 : memref<32x128xf32, #tpu.memory_space<vmem>>) target_semaphore(%dma_start3A_673 : memref<!tpu.dma_semaphore, #tpu.memory_space<semaphore_mem>>)
      %dma_wait3A_680 = arith.constant 2 : i32
      %dma_wait3A_681 = arith.constant 2 : i32
      %dma_wait3A_682 = arith.constant 0 : i32
      %dma_wait3A_683 = arith.constant 0 : i32
      %dma_wait3A_684 = tpu.memref_slice %arg14[%dma_wait3A_680, %dma_wait3A_682, %dma_wait3A_683] : memref<9x32x128xf32, #tpu.memory_space<vmem>> -> memref<1x32x128xf32, #tpu.memory_space<vmem>>
      %dma_wait3A_685 = tpu.memref_squeeze %dma_wait3A_684 : memref<1x32x128xf32, #tpu.memory_space<vmem>> -> memref<32x128xf32, #tpu.memory_space<vmem>>
      %dma_wait3A_686 = arith.constant 0 : i32
      %dma_wait3A_687 = arith.constant 0 : i32
      %dma_wait3A_688 = tpu.memref_slice %arg5[%dma_wait3A_686, %dma_wait3A_687] : memref<32x1000000xf32, #tpu.memory_space<hbm>> -> memref<32x128xf32, #tpu.memory_space<hbm>>
      %dma_wait3A_689 = tpu.memref_slice %arg16[%dma_wait3A_681] : memref<8x!tpu.dma_semaphore, #tpu.memory_space<semaphore_mem>> -> memref<1x!tpu.dma_semaphore, #tpu.memory_space<semaphore_mem>>
      %dma_wait3A_690 = tpu.memref_squeeze %dma_wait3A_689 : memref<1x!tpu.dma_semaphore, #tpu.memory_space<semaphore_mem>> -> memref<!tpu.dma_semaphore, #tpu.memory_space<semaphore_mem>>
      %dma_wait3A_691 = arith.constant 0 : i32
      %dma_wait3A_692 = arith.constant 0 : i32
      %dma_wait3A_693 = tpu.memref_slice %arg14[%dma_wait3A_680, %dma_wait3A_691, %dma_wait3A_692] : memref<9x32x128xf32, #tpu.memory_space<vmem>> -> memref<1x32x128xf32, #tpu.memory_space<vmem>>
      %dma_wait3A_694 = tpu.memref_squeeze %dma_wait3A_693 : memref<1x32x128xf32, #tpu.memory_space<vmem>> -> memref<32x128xf32, #tpu.memory_space<vmem>>
      %dma_wait3A_695 = arith.constant 0 : i32
      %dma_wait3A_696 = arith.constant 0 : i32
      %dma_wait3A_697 = tpu.memref_slice %arg5[%dma_wait3A_695, %dma_wait3A_696] : memref<32x1000000xf32, #tpu.memory_space<hbm>> -> memref<32x128xf32, #tpu.memory_space<hbm>>
      tpu.wait_dma2 semaphore(%dma_wait3A_690 : memref<!tpu.dma_semaphore, #tpu.memory_space<semaphore_mem>>) src(%dma_wait3A_697 : memref<32x128xf32, #tpu.memory_space<hbm>>) dst(%dma_wait3A_694 : memref<32x128xf32, #tpu.memory_space<vmem>>)
      %dma_wait3A_698 = arith.constant 2 : i32
      %dma_wait3A_699 = arith.constant 2 : i32
      %dma_wait3A_700 = arith.constant 0 : i32
      %dma_wait3A_701 = arith.constant 0 : i32
      %dma_wait3A_702 = tpu.memref_slice %arg15[%dma_wait3A_698, %dma_wait3A_700, %dma_wait3A_701] : memref<9x32x128xf32, #tpu.memory_space<vmem>> -> memref<1x32x128xf32, #tpu.memory_space<vmem>>
      %dma_wait3A_703 = tpu.memref_squeeze %dma_wait3A_702 : memref<1x32x128xf32, #tpu.memory_space<vmem>> -> memref<32x128xf32, #tpu.memory_space<vmem>>
      %dma_wait3A_704 = arith.constant 0 : i32
      %dma_wait3A_705 = arith.constant 0 : i32
      %dma_wait3A_706 = tpu.memref_slice %arg6[%dma_wait3A_704, %dma_wait3A_705] : memref<32x1000000xf32, #tpu.memory_space<hbm>> -> memref<32x128xf32, #tpu.memory_space<hbm>>
      %dma_wait3A_707 = tpu.memref_slice %arg17[%dma_wait3A_699] : memref<8x!tpu.dma_semaphore, #tpu.memory_space<semaphore_mem>> -> memref<1x!tpu.dma_semaphore, #tpu.memory_space<semaphore_mem>>
      %dma_wait3A_708 = tpu.memref_squeeze %dma_wait3A_707 : memref<1x!tpu.dma_semaphore, #tpu.memory_space<semaphore_mem>> -> memref<!tpu.dma_semaphore, #tpu.memory_space<semaphore_mem>>
      %dma_wait3A_709 = arith.constant 0 : i32
      %dma_wait3A_710 = arith.constant 0 : i32
      %dma_wait3A_711 = tpu.memref_slice %arg15[%dma_wait3A_698, %dma_wait3A_709, %dma_wait3A_710] : memref<9x32x128xf32, #tpu.memory_space<vmem>> -> memref<1x32x128xf32, #tpu.memory_space<vmem>>
      %dma_wait3A_712 = tpu.memref_squeeze %dma_wait3A_711 : memref<1x32x128xf32, #tpu.memory_space<vmem>> -> memref<32x128xf32, #tpu.memory_space<vmem>>
      %dma_wait3A_713 = arith.constant 0 : i32
      %dma_wait3A_714 = arith.constant 0 : i32
      %dma_wait3A_715 = tpu.memref_slice %arg6[%dma_wait3A_713, %dma_wait3A_714] : memref<32x1000000xf32, #tpu.memory_space<hbm>> -> memref<32x128xf32, #tpu.memory_space<hbm>>
      tpu.wait_dma2 semaphore(%dma_wait3A_708 : memref<!tpu.dma_semaphore, #tpu.memory_space<semaphore_mem>>) src(%dma_wait3A_715 : memref<32x128xf32, #tpu.memory_space<hbm>>) dst(%dma_wait3A_712 : memref<32x128xf32, #tpu.memory_space<vmem>>)
      %slice3A_716 = vector.extract_strided_slice %get3A_414 {offsets = [2], sizes = [1], strides = [1]} : vector<16xi32> to vector<1xi32>
      %squeeze3A_717 = vector.extract %slice3A_716[0] : i32 from vector<1xi32>
      %slice3A_718 = vector.extract_strided_slice %get3A_416 {offsets = [2], sizes = [1], strides = [1]} : vector<16xi32> to vector<1xi32>
      %squeeze3A_719 = vector.extract %slice3A_718[0] : i32 from vector<1xi32>
      %ge3A_720 = arith.constant 999936 : i32
      %ge3A_721 = arith.cmpi sge, %squeeze3A_717, %ge3A_720 : i32
      %ge3A_722 = arith.constant 999936 : i32
      %ge3A_723 = arith.cmpi sge, %squeeze3A_719, %ge3A_722 : i32
      %jit3A_724 = arith.constant 8 : i32
      %jit3A_725 = arith.constant 2 : i32
      %select_n3A_726 = arith.select %ge3A_721, %jit3A_724, %jit3A_725 : i32
      %broadcast_in_dim3A_727 = vector.broadcast %select_n3A_726 : i32 to vector<16xi32>
      %jit3A_728 = arith.constant 8 : i32
      %jit3A_729 = arith.constant 2 : i32
      %select_n3A_730 = arith.select %ge3A_723, %jit3A_728, %jit3A_729 : i32
      %broadcast_in_dim3A_731 = vector.broadcast %select_n3A_730 : i32 to vector<16xi32>
      %sub3A_732 = arith.constant 999872 : i32
      %sub3A_733 = arith.subi %squeeze3A_717, %sub3A_732 : i32
      %and3A_734 = arith.constant 127 : i32
      %and3A_735 = arith.andi %squeeze3A_717, %and3A_734 : i32
      %select_n3A_736 = arith.select %ge3A_721, %sub3A_733, %and3A_735 : i32
      %broadcast_in_dim3A_737 = vector.broadcast %select_n3A_736 : i32 to vector<16xi32>
      %sub3A_738 = arith.constant 999872 : i32
      %sub3A_739 = arith.subi %squeeze3A_719, %sub3A_738 : i32
      %and3A_740 = arith.constant 127 : i32
      %and3A_741 = arith.andi %squeeze3A_719, %and3A_740 : i32
      %select_n3A_742 = arith.select %ge3A_723, %sub3A_739, %and3A_741 : i32
      %broadcast_in_dim3A_743 = vector.broadcast %select_n3A_742 : i32 to vector<16xi32>
      %gather3A_744 = tpu.vector_load_idx %arg14[%broadcast_in_dim3A_727, %iota3A, %broadcast_in_dim3A_737] : memref<9x32x128xf32, #tpu.memory_space<vmem>>[vector<16xi32>, vector<16xi32>, vector<16xi32>], vector<16xf32>,
      %gather3A_745 = tpu.vector_load_idx %arg14[%broadcast_in_dim3A_727, %add3A_6, %broadcast_in_dim3A_737] : memref<9x32x128xf32, #tpu.memory_space<vmem>>[vector<16xi32>, vector<16xi32>, vector<16xi32>], vector<16xf32>,
      %gather3A_746 = tpu.vector_load_idx %arg15[%broadcast_in_dim3A_731, %iota3A, %broadcast_in_dim3A_743] : memref<9x32x128xf32, #tpu.memory_space<vmem>>[vector<16xi32>, vector<16xi32>, vector<16xi32>], vector<16xf32>,
      %gather3A_747 = tpu.vector_load_idx %arg15[%broadcast_in_dim3A_731, %add3A_6, %broadcast_in_dim3A_743] : memref<9x32x128xf32, #tpu.memory_space<vmem>>[vector<16xi32>, vector<16xi32>, vector<16xi32>], vector<16xf32>,
      %mul3A_748 = arith.mulf %gather3A_744, %gather3A_746 : vector<16xf32>
      %mul3A_749 = arith.mulf %gather3A_745, %gather3A_747 : vector<16xf32>
      %add3A_750 = arith.addf %mul3A_748, %mul3A_749 : vector<16xf32>
      %reduce_sum3A_751 = arith.constant true
      %reduce_sum3A_752 = vector.broadcast %reduce_sum3A_751 : i1 to vector<16xi1>
      %reduce_sum3A_753 = tpu.scan <sum>, %add3A_750 masked %reduce_sum3A_752 : vector<16xf32>, vector<16xi1> -> vector<16xf32>
      %reduce_sum3A_754 = vector.extract %reduce_sum3A_753[15] : f32 from vector<16xf32>
      %eq3A_755 = arith.constant 2 : i32
      %eq3A_756 = vector.broadcast %eq3A_755 : i32 to vector<16xi32>
      %eq3A_757 = arith.cmpi eq, %iota3A, %eq3A_756 : vector<16xi32>
      %broadcast_in_dim3A_758 = vector.broadcast %reduce_sum3A_754 : f32 to vector<16xf32>
      %select_n3A_759 = arith.select %eq3A_757, %broadcast_in_dim3A_758, %select_n3A_629 : vector<16xi1>, vector<16xf32>
      %slice3A_760 = vector.extract_strided_slice %get3A_414 {offsets = [10], sizes = [1], strides = [1]} : vector<16xi32> to vector<1xi32>
      %squeeze3A_761 = vector.extract %slice3A_760[0] : i32 from vector<1xi32>
      %shift_right_arithmetic3A_762 = arith.constant 7 : i32
      %shift_right_arithmetic3A_763 = arith.shrsi %squeeze3A_761, %shift_right_arithmetic3A_762 : i32
      %min3A_764 = arith.constant 7811 : i32
      %min3A_765 = arith.minsi %shift_right_arithmetic3A_763, %min3A_764 : i32
      %mul3A_766 = arith.constant 128 : i32
      %mul3A_767 = arith.muli %min3A_765, %mul3A_766 : i32
      %multiple_of3A_768 = tpu.assume_multiple %mul3A_767, 128 : i32
      %dma_start3A_769 = arith.constant 2 : i32
      %dma_start3A_770 = arith.constant 2 : i32
      %dma_start3A_771 = arith.constant 0 : i32
      %dma_start3A_772 = arith.constant 0 : i32
      %dma_start3A_773 = tpu.memref_slice %arg14[%dma_start3A_769, %dma_start3A_771, %dma_start3A_772] : memref<9x32x128xf32, #tpu.memory_space<vmem>> -> memref<1x32x128xf32, #tpu.memory_space<vmem>>
      %dma_start3A_774 = tpu.memref_squeeze %dma_start3A_773 : memref<1x32x128xf32, #tpu.memory_space<vmem>> -> memref<32x128xf32, #tpu.memory_space<vmem>>
      %dma_start3A_775 = arith.constant 0 : i32
      %dma_start3A_776 = tpu.memref_slice %arg5[%dma_start3A_775, %multiple_of3A_768] : memref<32x1000000xf32, #tpu.memory_space<hbm>> -> memref<32x128xf32, #tpu.memory_space<hbm>>
      %dma_start3A_777 = tpu.memref_slice %arg16[%dma_start3A_770] : memref<8x!tpu.dma_semaphore, #tpu.memory_space<semaphore_mem>> -> memref<1x!tpu.dma_semaphore, #tpu.memory_space<semaphore_mem>>
      %dma_start3A_778 = tpu.memref_squeeze %dma_start3A_777 : memref<1x!tpu.dma_semaphore, #tpu.memory_space<semaphore_mem>> -> memref<!tpu.dma_semaphore, #tpu.memory_space<semaphore_mem>>
      %dma_start3A_779 = arith.constant 0 : i32
      %dma_start3A_780 = arith.constant 0 : i32
      %dma_start3A_781 = tpu.memref_slice %arg14[%dma_start3A_769, %dma_start3A_779, %dma_start3A_780] : memref<9x32x128xf32, #tpu.memory_space<vmem>> -> memref<1x32x128xf32, #tpu.memory_space<vmem>>
      %dma_start3A_782 = tpu.memref_squeeze %dma_start3A_781 : memref<1x32x128xf32, #tpu.memory_space<vmem>> -> memref<32x128xf32, #tpu.memory_space<vmem>>
      %dma_start3A_783 = arith.constant 0 : i32
      %dma_start3A_784 = tpu.memref_slice %arg5[%dma_start3A_783, %multiple_of3A_768] : memref<32x1000000xf32, #tpu.memory_space<hbm>> -> memref<32x128xf32, #tpu.memory_space<hbm>>
      tpu.enqueue_dma source(%dma_start3A_784 : memref<32x128xf32, #tpu.memory_space<hbm>>) target(%dma_start3A_782 : memref<32x128xf32, #tpu.memory_space<vmem>>) target_semaphore(%dma_start3A_778 : memref<!tpu.dma_semaphore, #tpu.memory_space<semaphore_mem>>)
      %slice3A_785 = vector.extract_strided_slice %get3A_416 {offsets = [10], sizes = [1], strides = [1]} : vector<16xi32> to vector<1xi32>
      %squeeze3A_786 = vector.extract %slice3A_785[0] : i32 from vector<1xi32>
      %shift_right_arithmetic3A_787 = arith.constant 7 : i32
      %shift_right_arithmetic3A_788 = arith.shrsi %squeeze3A_786, %shift_right_arithmetic3A_787 : i32
      %min3A_789 = arith.constant 7811 : i32
      %min3A_790 = arith.minsi %shift_right_arithmetic3A_788, %min3A_789 : i32
      %mul3A_791 = arith.constant 128 : i32
      %mul3A_792 = arith.muli %min3A_790, %mul3A_791 : i32
      %multiple_of3A_793 = tpu.assume_multiple %mul3A_792, 128 : i32
      %dma_start3A_794 = arith.constant 2 : i32
      %dma_start3A_795 = arith.constant 2 : i32
      %dma_start3A_796 = arith.constant 0 : i32
      %dma_start3A_797 = arith.constant 0 : i32
      %dma_start3A_798 = tpu.memref_slice %arg15[%dma_start3A_794, %dma_start3A_796, %dma_start3A_797] : memref<9x32x128xf32, #tpu.memory_space<vmem>> -> memref<1x32x128xf32, #tpu.memory_space<vmem>>
      %dma_start3A_799 = tpu.memref_squeeze %dma_start3A_798 : memref<1x32x128xf32, #tpu.memory_space<vmem>> -> memref<32x128xf32, #tpu.memory_space<vmem>>
      %dma_start3A_800 = arith.constant 0 : i32
      %dma_start3A_801 = tpu.memref_slice %arg6[%dma_start3A_800, %multiple_of3A_793] : memref<32x1000000xf32, #tpu.memory_space<hbm>> -> memref<32x128xf32, #tpu.memory_space<hbm>>
      %dma_start3A_802 = tpu.memref_slice %arg17[%dma_start3A_795] : memref<8x!tpu.dma_semaphore, #tpu.memory_space<semaphore_mem>> -> memref<1x!tpu.dma_semaphore, #tpu.memory_space<semaphore_mem>>
      %dma_start3A_803 = tpu.memref_squeeze %dma_start3A_802 : memref<1x!tpu.dma_semaphore, #tpu.memory_space<semaphore_mem>> -> memref<!tpu.dma_semaphore, #tpu.memory_space<semaphore_mem>>
      %dma_start3A_804 = arith.constant 0 : i32
      %dma_start3A_805 = arith.constant 0 : i32
      %dma_start3A_806 = tpu.memref_slice %arg15[%dma_start3A_794, %dma_start3A_804, %dma_start3A_805] : memref<9x32x128xf32, #tpu.memory_space<vmem>> -> memref<1x32x128xf32, #tpu.memory_space<vmem>>
      %dma_start3A_807 = tpu.memref_squeeze %dma_start3A_806 : memref<1x32x128xf32, #tpu.memory_space<vmem>> -> memref<32x128xf32, #tpu.memory_space<vmem>>
      %dma_start3A_808 = arith.constant 0 : i32
      %dma_start3A_809 = tpu.memref_slice %arg6[%dma_start3A_808, %multiple_of3A_793] : memref<32x1000000xf32, #tpu.memory_space<hbm>> -> memref<32x128xf32, #tpu.memory_space<hbm>>
      tpu.enqueue_dma source(%dma_start3A_809 : memref<32x128xf32, #tpu.memory_space<hbm>>) target(%dma_start3A_807 : memref<32x128xf32, #tpu.memory_space<vmem>>) target_semaphore(%dma_start3A_803 : memref<!tpu.dma_semaphore, #tpu.memory_space<semaphore_mem>>)
      %dma_wait3A_810 = arith.constant 3 : i32
      %dma_wait3A_811 = arith.constant 3 : i32
      %dma_wait3A_812 = arith.constant 0 : i32
      %dma_wait3A_813 = arith.constant 0 : i32
      %dma_wait3A_814 = tpu.memref_slice %arg14[%dma_wait3A_810, %dma_wait3A_812, %dma_wait3A_813] : memref<9x32x128xf32, #tpu.memory_space<vmem>> -> memref<1x32x128xf32, #tpu.memory_space<vmem>>
      %dma_wait3A_815 = tpu.memref_squeeze %dma_wait3A_814 : memref<1x32x128xf32, #tpu.memory_space<vmem>> -> memref<32x128xf32, #tpu.memory_space<vmem>>
      %dma_wait3A_816 = arith.constant 0 : i32
      %dma_wait3A_817 = arith.constant 0 : i32
      %dma_wait3A_818 = tpu.memref_slice %arg5[%dma_wait3A_816, %dma_wait3A_817] : memref<32x1000000xf32, #tpu.memory_space<hbm>> -> memref<32x128xf32, #tpu.memory_space<hbm>>
      %dma_wait3A_819 = tpu.memref_slice %arg16[%dma_wait3A_811] : memref<8x!tpu.dma_semaphore, #tpu.memory_space<semaphore_mem>> -> memref<1x!tpu.dma_semaphore, #tpu.memory_space<semaphore_mem>>
      %dma_wait3A_820 = tpu.memref_squeeze %dma_wait3A_819 : memref<1x!tpu.dma_semaphore, #tpu.memory_space<semaphore_mem>> -> memref<!tpu.dma_semaphore, #tpu.memory_space<semaphore_mem>>
      %dma_wait3A_821 = arith.constant 0 : i32
      %dma_wait3A_822 = arith.constant 0 : i32
      %dma_wait3A_823 = tpu.memref_slice %arg14[%dma_wait3A_810, %dma_wait3A_821, %dma_wait3A_822] : memref<9x32x128xf32, #tpu.memory_space<vmem>> -> memref<1x32x128xf32, #tpu.memory_space<vmem>>
      %dma_wait3A_824 = tpu.memref_squeeze %dma_wait3A_823 : memref<1x32x128xf32, #tpu.memory_space<vmem>> -> memref<32x128xf32, #tpu.memory_space<vmem>>
      %dma_wait3A_825 = arith.constant 0 : i32
      %dma_wait3A_826 = arith.constant 0 : i32
      %dma_wait3A_827 = tpu.memref_slice %arg5[%dma_wait3A_825, %dma_wait3A_826] : memref<32x1000000xf32, #tpu.memory_space<hbm>> -> memref<32x128xf32, #tpu.memory_space<hbm>>
      tpu.wait_dma2 semaphore(%dma_wait3A_820 : memref<!tpu.dma_semaphore, #tpu.memory_space<semaphore_mem>>) src(%dma_wait3A_827 : memref<32x128xf32, #tpu.memory_space<hbm>>) dst(%dma_wait3A_824 : memref<32x128xf32, #tpu.memory_space<vmem>>)
      %dma_wait3A_828 = arith.constant 3 : i32
      %dma_wait3A_829 = arith.constant 3 : i32
      %dma_wait3A_830 = arith.constant 0 : i32
      %dma_wait3A_831 = arith.constant 0 : i32
      %dma_wait3A_832 = tpu.memref_slice %arg15[%dma_wait3A_828, %dma_wait3A_830, %dma_wait3A_831] : memref<9x32x128xf32, #tpu.memory_space<vmem>> -> memref<1x32x128xf32, #tpu.memory_space<vmem>>
      %dma_wait3A_833 = tpu.memref_squeeze %dma_wait3A_832 : memref<1x32x128xf32, #tpu.memory_space<vmem>> -> memref<32x128xf32, #tpu.memory_space<vmem>>
      %dma_wait3A_834 = arith.constant 0 : i32
      %dma_wait3A_835 = arith.constant 0 : i32
      %dma_wait3A_836 = tpu.memref_slice %arg6[%dma_wait3A_834, %dma_wait3A_835] : memref<32x1000000xf32, #tpu.memory_space<hbm>> -> memref<32x128xf32, #tpu.memory_space<hbm>>
      %dma_wait3A_837 = tpu.memref_slice %arg17[%dma_wait3A_829] : memref<8x!tpu.dma_semaphore, #tpu.memory_space<semaphore_mem>> -> memref<1x!tpu.dma_semaphore, #tpu.memory_space<semaphore_mem>>
      %dma_wait3A_838 = tpu.memref_squeeze %dma_wait3A_837 : memref<1x!tpu.dma_semaphore, #tpu.memory_space<semaphore_mem>> -> memref<!tpu.dma_semaphore, #tpu.memory_space<semaphore_mem>>
      %dma_wait3A_839 = arith.constant 0 : i32
      %dma_wait3A_840 = arith.constant 0 : i32
      %dma_wait3A_841 = tpu.memref_slice %arg15[%dma_wait3A_828, %dma_wait3A_839, %dma_wait3A_840] : memref<9x32x128xf32, #tpu.memory_space<vmem>> -> memref<1x32x128xf32, #tpu.memory_space<vmem>>
      %dma_wait3A_842 = tpu.memref_squeeze %dma_wait3A_841 : memref<1x32x128xf32, #tpu.memory_space<vmem>> -> memref<32x128xf32, #tpu.memory_space<vmem>>
      %dma_wait3A_843 = arith.constant 0 : i32
      %dma_wait3A_844 = arith.constant 0 : i32
      %dma_wait3A_845 = tpu.memref_slice %arg6[%dma_wait3A_843, %dma_wait3A_844] : memref<32x1000000xf32, #tpu.memory_space<hbm>> -> memref<32x128xf32, #tpu.memory_space<hbm>>
      tpu.wait_dma2 semaphore(%dma_wait3A_838 : memref<!tpu.dma_semaphore, #tpu.memory_space<semaphore_mem>>) src(%dma_wait3A_845 : memref<32x128xf32, #tpu.memory_space<hbm>>) dst(%dma_wait3A_842 : memref<32x128xf32, #tpu.memory_space<vmem>>)
      %slice3A_846 = vector.extract_strided_slice %get3A_414 {offsets = [3], sizes = [1], strides = [1]} : vector<16xi32> to vector<1xi32>
      %squeeze3A_847 = vector.extract %slice3A_846[0] : i32 from vector<1xi32>
      %slice3A_848 = vector.extract_strided_slice %get3A_416 {offsets = [3], sizes = [1], strides = [1]} : vector<16xi32> to vector<1xi32>
      %squeeze3A_849 = vector.extract %slice3A_848[0] : i32 from vector<1xi32>
      %ge3A_850 = arith.constant 999936 : i32
      %ge3A_851 = arith.cmpi sge, %squeeze3A_847, %ge3A_850 : i32
      %ge3A_852 = arith.constant 999936 : i32
      %ge3A_853 = arith.cmpi sge, %squeeze3A_849, %ge3A_852 : i32
      %jit3A_854 = arith.constant 8 : i32
      %jit3A_855 = arith.constant 3 : i32
      %select_n3A_856 = arith.select %ge3A_851, %jit3A_854, %jit3A_855 : i32
      %broadcast_in_dim3A_857 = vector.broadcast %select_n3A_856 : i32 to vector<16xi32>
      %jit3A_858 = arith.constant 8 : i32
      %jit3A_859 = arith.constant 3 : i32
      %select_n3A_860 = arith.select %ge3A_853, %jit3A_858, %jit3A_859 : i32
      %broadcast_in_dim3A_861 = vector.broadcast %select_n3A_860 : i32 to vector<16xi32>
      %sub3A_862 = arith.constant 999872 : i32
      %sub3A_863 = arith.subi %squeeze3A_847, %sub3A_862 : i32
      %and3A_864 = arith.constant 127 : i32
      %and3A_865 = arith.andi %squeeze3A_847, %and3A_864 : i32
      %select_n3A_866 = arith.select %ge3A_851, %sub3A_863, %and3A_865 : i32
      %broadcast_in_dim3A_867 = vector.broadcast %select_n3A_866 : i32 to vector<16xi32>
      %sub3A_868 = arith.constant 999872 : i32
      %sub3A_869 = arith.subi %squeeze3A_849, %sub3A_868 : i32
      %and3A_870 = arith.constant 127 : i32
      %and3A_871 = arith.andi %squeeze3A_849, %and3A_870 : i32
      %select_n3A_872 = arith.select %ge3A_853, %sub3A_869, %and3A_871 : i32
      %broadcast_in_dim3A_873 = vector.broadcast %select_n3A_872 : i32 to vector<16xi32>
      %gather3A_874 = tpu.vector_load_idx %arg14[%broadcast_in_dim3A_857, %iota3A, %broadcast_in_dim3A_867] : memref<9x32x128xf32, #tpu.memory_space<vmem>>[vector<16xi32>, vector<16xi32>, vector<16xi32>], vector<16xf32>,
      %gather3A_875 = tpu.vector_load_idx %arg14[%broadcast_in_dim3A_857, %add3A_6, %broadcast_in_dim3A_867] : memref<9x32x128xf32, #tpu.memory_space<vmem>>[vector<16xi32>, vector<16xi32>, vector<16xi32>], vector<16xf32>,
      %gather3A_876 = tpu.vector_load_idx %arg15[%broadcast_in_dim3A_861, %iota3A, %broadcast_in_dim3A_873] : memref<9x32x128xf32, #tpu.memory_space<vmem>>[vector<16xi32>, vector<16xi32>, vector<16xi32>], vector<16xf32>,
      %gather3A_877 = tpu.vector_load_idx %arg15[%broadcast_in_dim3A_861, %add3A_6, %broadcast_in_dim3A_873] : memref<9x32x128xf32, #tpu.memory_space<vmem>>[vector<16xi32>, vector<16xi32>, vector<16xi32>], vector<16xf32>,
      %mul3A_878 = arith.mulf %gather3A_874, %gather3A_876 : vector<16xf32>
      %mul3A_879 = arith.mulf %gather3A_875, %gather3A_877 : vector<16xf32>
      %add3A_880 = arith.addf %mul3A_878, %mul3A_879 : vector<16xf32>
      %reduce_sum3A_881 = arith.constant true
      %reduce_sum3A_882 = vector.broadcast %reduce_sum3A_881 : i1 to vector<16xi1>
      %reduce_sum3A_883 = tpu.scan <sum>, %add3A_880 masked %reduce_sum3A_882 : vector<16xf32>, vector<16xi1> -> vector<16xf32>
      %reduce_sum3A_884 = vector.extract %reduce_sum3A_883[15] : f32 from vector<16xf32>
      %eq3A_885 = arith.constant 3 : i32
      %eq3A_886 = vector.broadcast %eq3A_885 : i32 to vector<16xi32>
      %eq3A_887 = arith.cmpi eq, %iota3A, %eq3A_886 : vector<16xi32>
      %broadcast_in_dim3A_888 = vector.broadcast %reduce_sum3A_884 : f32 to vector<16xf32>
      %select_n3A_889 = arith.select %eq3A_887, %broadcast_in_dim3A_888, %select_n3A_759 : vector<16xi1>, vector<16xf32>
      %slice3A_890 = vector.extract_strided_slice %get3A_414 {offsets = [11], sizes = [1], strides = [1]} : vector<16xi32> to vector<1xi32>
      %squeeze3A_891 = vector.extract %slice3A_890[0] : i32 from vector<1xi32>
      %shift_right_arithmetic3A_892 = arith.constant 7 : i32
      %shift_right_arithmetic3A_893 = arith.shrsi %squeeze3A_891, %shift_right_arithmetic3A_892 : i32
      %min3A_894 = arith.constant 7811 : i32
      %min3A_895 = arith.minsi %shift_right_arithmetic3A_893, %min3A_894 : i32
      %mul3A_896 = arith.constant 128 : i32
      %mul3A_897 = arith.muli %min3A_895, %mul3A_896 : i32
      %multiple_of3A_898 = tpu.assume_multiple %mul3A_897, 128 : i32
      %dma_start3A_899 = arith.constant 3 : i32
      %dma_start3A_900 = arith.constant 3 : i32
      %dma_start3A_901 = arith.constant 0 : i32
      %dma_start3A_902 = arith.constant 0 : i32
      %dma_start3A_903 = tpu.memref_slice %arg14[%dma_start3A_899, %dma_start3A_901, %dma_start3A_902] : memref<9x32x128xf32, #tpu.memory_space<vmem>> -> memref<1x32x128xf32, #tpu.memory_space<vmem>>
      %dma_start3A_904 = tpu.memref_squeeze %dma_start3A_903 : memref<1x32x128xf32, #tpu.memory_space<vmem>> -> memref<32x128xf32, #tpu.memory_space<vmem>>
      %dma_start3A_905 = arith.constant 0 : i32
      %dma_start3A_906 = tpu.memref_slice %arg5[%dma_start3A_905, %multiple_of3A_898] : memref<32x1000000xf32, #tpu.memory_space<hbm>> -> memref<32x128xf32, #tpu.memory_space<hbm>>
      %dma_start3A_907 = tpu.memref_slice %arg16[%dma_start3A_900] : memref<8x!tpu.dma_semaphore, #tpu.memory_space<semaphore_mem>> -> memref<1x!tpu.dma_semaphore, #tpu.memory_space<semaphore_mem>>
      %dma_start3A_908 = tpu.memref_squeeze %dma_start3A_907 : memref<1x!tpu.dma_semaphore, #tpu.memory_space<semaphore_mem>> -> memref<!tpu.dma_semaphore, #tpu.memory_space<semaphore_mem>>
      %dma_start3A_909 = arith.constant 0 : i32
      %dma_start3A_910 = arith.constant 0 : i32
      %dma_start3A_911 = tpu.memref_slice %arg14[%dma_start3A_899, %dma_start3A_909, %dma_start3A_910] : memref<9x32x128xf32, #tpu.memory_space<vmem>> -> memref<1x32x128xf32, #tpu.memory_space<vmem>>
      %dma_start3A_912 = tpu.memref_squeeze %dma_start3A_911 : memref<1x32x128xf32, #tpu.memory_space<vmem>> -> memref<32x128xf32, #tpu.memory_space<vmem>>
      %dma_start3A_913 = arith.constant 0 : i32
      %dma_start3A_914 = tpu.memref_slice %arg5[%dma_start3A_913, %multiple_of3A_898] : memref<32x1000000xf32, #tpu.memory_space<hbm>> -> memref<32x128xf32, #tpu.memory_space<hbm>>
      tpu.enqueue_dma source(%dma_start3A_914 : memref<32x128xf32, #tpu.memory_space<hbm>>) target(%dma_start3A_912 : memref<32x128xf32, #tpu.memory_space<vmem>>) target_semaphore(%dma_start3A_908 : memref<!tpu.dma_semaphore, #tpu.memory_space<semaphore_mem>>)
      %slice3A_915 = vector.extract_strided_slice %get3A_416 {offsets = [11], sizes = [1], strides = [1]} : vector<16xi32> to vector<1xi32>
      %squeeze3A_916 = vector.extract %slice3A_915[0] : i32 from vector<1xi32>
      %shift_right_arithmetic3A_917 = arith.constant 7 : i32
      %shift_right_arithmetic3A_918 = arith.shrsi %squeeze3A_916, %shift_right_arithmetic3A_917 : i32
      %min3A_919 = arith.constant 7811 : i32
      %min3A_920 = arith.minsi %shift_right_arithmetic3A_918, %min3A_919 : i32
      %mul3A_921 = arith.constant 128 : i32
      %mul3A_922 = arith.muli %min3A_920, %mul3A_921 : i32
      %multiple_of3A_923 = tpu.assume_multiple %mul3A_922, 128 : i32
      %dma_start3A_924 = arith.constant 3 : i32
      %dma_start3A_925 = arith.constant 3 : i32
      %dma_start3A_926 = arith.constant 0 : i32
      %dma_start3A_927 = arith.constant 0 : i32
      %dma_start3A_928 = tpu.memref_slice %arg15[%dma_start3A_924, %dma_start3A_926, %dma_start3A_927] : memref<9x32x128xf32, #tpu.memory_space<vmem>> -> memref<1x32x128xf32, #tpu.memory_space<vmem>>
      %dma_start3A_929 = tpu.memref_squeeze %dma_start3A_928 : memref<1x32x128xf32, #tpu.memory_space<vmem>> -> memref<32x128xf32, #tpu.memory_space<vmem>>
      %dma_start3A_930 = arith.constant 0 : i32
      %dma_start3A_931 = tpu.memref_slice %arg6[%dma_start3A_930, %multiple_of3A_923] : memref<32x1000000xf32, #tpu.memory_space<hbm>> -> memref<32x128xf32, #tpu.memory_space<hbm>>
      %dma_start3A_932 = tpu.memref_slice %arg17[%dma_start3A_925] : memref<8x!tpu.dma_semaphore, #tpu.memory_space<semaphore_mem>> -> memref<1x!tpu.dma_semaphore, #tpu.memory_space<semaphore_mem>>
      %dma_start3A_933 = tpu.memref_squeeze %dma_start3A_932 : memref<1x!tpu.dma_semaphore, #tpu.memory_space<semaphore_mem>> -> memref<!tpu.dma_semaphore, #tpu.memory_space<semaphore_mem>>
      %dma_start3A_934 = arith.constant 0 : i32
      %dma_start3A_935 = arith.constant 0 : i32
      %dma_start3A_936 = tpu.memref_slice %arg15[%dma_start3A_924, %dma_start3A_934, %dma_start3A_935] : memref<9x32x128xf32, #tpu.memory_space<vmem>> -> memref<1x32x128xf32, #tpu.memory_space<vmem>>
      %dma_start3A_937 = tpu.memref_squeeze %dma_start3A_936 : memref<1x32x128xf32, #tpu.memory_space<vmem>> -> memref<32x128xf32, #tpu.memory_space<vmem>>
      %dma_start3A_938 = arith.constant 0 : i32
      %dma_start3A_939 = tpu.memref_slice %arg6[%dma_start3A_938, %multiple_of3A_923] : memref<32x1000000xf32, #tpu.memory_space<hbm>> -> memref<32x128xf32, #tpu.memory_space<hbm>>
      tpu.enqueue_dma source(%dma_start3A_939 : memref<32x128xf32, #tpu.memory_space<hbm>>) target(%dma_start3A_937 : memref<32x128xf32, #tpu.memory_space<vmem>>) target_semaphore(%dma_start3A_933 : memref<!tpu.dma_semaphore, #tpu.memory_space<semaphore_mem>>)
      %dma_wait3A_940 = arith.constant 4 : i32
      %dma_wait3A_941 = arith.constant 4 : i32
      %dma_wait3A_942 = arith.constant 0 : i32
      %dma_wait3A_943 = arith.constant 0 : i32
      %dma_wait3A_944 = tpu.memref_slice %arg14[%dma_wait3A_940, %dma_wait3A_942, %dma_wait3A_943] : memref<9x32x128xf32, #tpu.memory_space<vmem>> -> memref<1x32x128xf32, #tpu.memory_space<vmem>>
      %dma_wait3A_945 = tpu.memref_squeeze %dma_wait3A_944 : memref<1x32x128xf32, #tpu.memory_space<vmem>> -> memref<32x128xf32, #tpu.memory_space<vmem>>
      %dma_wait3A_946 = arith.constant 0 : i32
      %dma_wait3A_947 = arith.constant 0 : i32
      %dma_wait3A_948 = tpu.memref_slice %arg5[%dma_wait3A_946, %dma_wait3A_947] : memref<32x1000000xf32, #tpu.memory_space<hbm>> -> memref<32x128xf32, #tpu.memory_space<hbm>>
      %dma_wait3A_949 = tpu.memref_slice %arg16[%dma_wait3A_941] : memref<8x!tpu.dma_semaphore, #tpu.memory_space<semaphore_mem>> -> memref<1x!tpu.dma_semaphore, #tpu.memory_space<semaphore_mem>>
      %dma_wait3A_950 = tpu.memref_squeeze %dma_wait3A_949 : memref<1x!tpu.dma_semaphore, #tpu.memory_space<semaphore_mem>> -> memref<!tpu.dma_semaphore, #tpu.memory_space<semaphore_mem>>
      %dma_wait3A_951 = arith.constant 0 : i32
      %dma_wait3A_952 = arith.constant 0 : i32
      %dma_wait3A_953 = tpu.memref_slice %arg14[%dma_wait3A_940, %dma_wait3A_951, %dma_wait3A_952] : memref<9x32x128xf32, #tpu.memory_space<vmem>> -> memref<1x32x128xf32, #tpu.memory_space<vmem>>
      %dma_wait3A_954 = tpu.memref_squeeze %dma_wait3A_953 : memref<1x32x128xf32, #tpu.memory_space<vmem>> -> memref<32x128xf32, #tpu.memory_space<vmem>>
      %dma_wait3A_955 = arith.constant 0 : i32
      %dma_wait3A_956 = arith.constant 0 : i32
      %dma_wait3A_957 = tpu.memref_slice %arg5[%dma_wait3A_955, %dma_wait3A_956] : memref<32x1000000xf32, #tpu.memory_space<hbm>> -> memref<32x128xf32, #tpu.memory_space<hbm>>
      tpu.wait_dma2 semaphore(%dma_wait3A_950 : memref<!tpu.dma_semaphore, #tpu.memory_space<semaphore_mem>>) src(%dma_wait3A_957 : memref<32x128xf32, #tpu.memory_space<hbm>>) dst(%dma_wait3A_954 : memref<32x128xf32, #tpu.memory_space<vmem>>)
      %dma_wait3A_958 = arith.constant 4 : i32
      %dma_wait3A_959 = arith.constant 4 : i32
      %dma_wait3A_960 = arith.constant 0 : i32
      %dma_wait3A_961 = arith.constant 0 : i32
      %dma_wait3A_962 = tpu.memref_slice %arg15[%dma_wait3A_958, %dma_wait3A_960, %dma_wait3A_961] : memref<9x32x128xf32, #tpu.memory_space<vmem>> -> memref<1x32x128xf32, #tpu.memory_space<vmem>>
      %dma_wait3A_963 = tpu.memref_squeeze %dma_wait3A_962 : memref<1x32x128xf32, #tpu.memory_space<vmem>> -> memref<32x128xf32, #tpu.memory_space<vmem>>
      %dma_wait3A_964 = arith.constant 0 : i32
      %dma_wait3A_965 = arith.constant 0 : i32
      %dma_wait3A_966 = tpu.memref_slice %arg6[%dma_wait3A_964, %dma_wait3A_965] : memref<32x1000000xf32, #tpu.memory_space<hbm>> -> memref<32x128xf32, #tpu.memory_space<hbm>>
      %dma_wait3A_967 = tpu.memref_slice %arg17[%dma_wait3A_959] : memref<8x!tpu.dma_semaphore, #tpu.memory_space<semaphore_mem>> -> memref<1x!tpu.dma_semaphore, #tpu.memory_space<semaphore_mem>>
      %dma_wait3A_968 = tpu.memref_squeeze %dma_wait3A_967 : memref<1x!tpu.dma_semaphore, #tpu.memory_space<semaphore_mem>> -> memref<!tpu.dma_semaphore, #tpu.memory_space<semaphore_mem>>
      %dma_wait3A_969 = arith.constant 0 : i32
      %dma_wait3A_970 = arith.constant 0 : i32
      %dma_wait3A_971 = tpu.memref_slice %arg15[%dma_wait3A_958, %dma_wait3A_969, %dma_wait3A_970] : memref<9x32x128xf32, #tpu.memory_space<vmem>> -> memref<1x32x128xf32, #tpu.memory_space<vmem>>
      %dma_wait3A_972 = tpu.memref_squeeze %dma_wait3A_971 : memref<1x32x128xf32, #tpu.memory_space<vmem>> -> memref<32x128xf32, #tpu.memory_space<vmem>>
      %dma_wait3A_973 = arith.constant 0 : i32
      %dma_wait3A_974 = arith.constant 0 : i32
      %dma_wait3A_975 = tpu.memref_slice %arg6[%dma_wait3A_973, %dma_wait3A_974] : memref<32x1000000xf32, #tpu.memory_space<hbm>> -> memref<32x128xf32, #tpu.memory_space<hbm>>
      tpu.wait_dma2 semaphore(%dma_wait3A_968 : memref<!tpu.dma_semaphore, #tpu.memory_space<semaphore_mem>>) src(%dma_wait3A_975 : memref<32x128xf32, #tpu.memory_space<hbm>>) dst(%dma_wait3A_972 : memref<32x128xf32, #tpu.memory_space<vmem>>)
      %slice3A_976 = vector.extract_strided_slice %get3A_414 {offsets = [4], sizes = [1], strides = [1]} : vector<16xi32> to vector<1xi32>
      %squeeze3A_977 = vector.extract %slice3A_976[0] : i32 from vector<1xi32>
      %slice3A_978 = vector.extract_strided_slice %get3A_416 {offsets = [4], sizes = [1], strides = [1]} : vector<16xi32> to vector<1xi32>
      %squeeze3A_979 = vector.extract %slice3A_978[0] : i32 from vector<1xi32>
      %ge3A_980 = arith.constant 999936 : i32
      %ge3A_981 = arith.cmpi sge, %squeeze3A_977, %ge3A_980 : i32
      %ge3A_982 = arith.constant 999936 : i32
      %ge3A_983 = arith.cmpi sge, %squeeze3A_979, %ge3A_982 : i32
      %jit3A_984 = arith.constant 8 : i32
      %jit3A_985 = arith.constant 4 : i32
      %select_n3A_986 = arith.select %ge3A_981, %jit3A_984, %jit3A_985 : i32
      %broadcast_in_dim3A_987 = vector.broadcast %select_n3A_986 : i32 to vector<16xi32>
      %jit3A_988 = arith.constant 8 : i32
      %jit3A_989 = arith.constant 4 : i32
      %select_n3A_990 = arith.select %ge3A_983, %jit3A_988, %jit3A_989 : i32
      %broadcast_in_dim3A_991 = vector.broadcast %select_n3A_990 : i32 to vector<16xi32>
      %sub3A_992 = arith.constant 999872 : i32
      %sub3A_993 = arith.subi %squeeze3A_977, %sub3A_992 : i32
      %and3A_994 = arith.constant 127 : i32
      %and3A_995 = arith.andi %squeeze3A_977, %and3A_994 : i32
      %select_n3A_996 = arith.select %ge3A_981, %sub3A_993, %and3A_995 : i32
      %broadcast_in_dim3A_997 = vector.broadcast %select_n3A_996 : i32 to vector<16xi32>
      %sub3A_998 = arith.constant 999872 : i32
      %sub3A_999 = arith.subi %squeeze3A_979, %sub3A_998 : i32
      %and3A_1000 = arith.constant 127 : i32
      %and3A_1001 = arith.andi %squeeze3A_979, %and3A_1000 : i32
      %select_n3A_1002 = arith.select %ge3A_983, %sub3A_999, %and3A_1001 : i32
      %broadcast_in_dim3A_1003 = vector.broadcast %select_n3A_1002 : i32 to vector<16xi32>
      %gather3A_1004 = tpu.vector_load_idx %arg14[%broadcast_in_dim3A_987, %iota3A, %broadcast_in_dim3A_997] : memref<9x32x128xf32, #tpu.memory_space<vmem>>[vector<16xi32>, vector<16xi32>, vector<16xi32>], vector<16xf32>,
      %gather3A_1005 = tpu.vector_load_idx %arg14[%broadcast_in_dim3A_987, %add3A_6, %broadcast_in_dim3A_997] : memref<9x32x128xf32, #tpu.memory_space<vmem>>[vector<16xi32>, vector<16xi32>, vector<16xi32>], vector<16xf32>,
      %gather3A_1006 = tpu.vector_load_idx %arg15[%broadcast_in_dim3A_991, %iota3A, %broadcast_in_dim3A_1003] : memref<9x32x128xf32, #tpu.memory_space<vmem>>[vector<16xi32>, vector<16xi32>, vector<16xi32>], vector<16xf32>,
      %gather3A_1007 = tpu.vector_load_idx %arg15[%broadcast_in_dim3A_991, %add3A_6, %broadcast_in_dim3A_1003] : memref<9x32x128xf32, #tpu.memory_space<vmem>>[vector<16xi32>, vector<16xi32>, vector<16xi32>], vector<16xf32>,
      %mul3A_1008 = arith.mulf %gather3A_1004, %gather3A_1006 : vector<16xf32>
      %mul3A_1009 = arith.mulf %gather3A_1005, %gather3A_1007 : vector<16xf32>
      %add3A_1010 = arith.addf %mul3A_1008, %mul3A_1009 : vector<16xf32>
      %reduce_sum3A_1011 = arith.constant true
      %reduce_sum3A_1012 = vector.broadcast %reduce_sum3A_1011 : i1 to vector<16xi1>
      %reduce_sum3A_1013 = tpu.scan <sum>, %add3A_1010 masked %reduce_sum3A_1012 : vector<16xf32>, vector<16xi1> -> vector<16xf32>
      %reduce_sum3A_1014 = vector.extract %reduce_sum3A_1013[15] : f32 from vector<16xf32>
      %eq3A_1015 = arith.constant 4 : i32
      %eq3A_1016 = vector.broadcast %eq3A_1015 : i32 to vector<16xi32>
      %eq3A_1017 = arith.cmpi eq, %iota3A, %eq3A_1016 : vector<16xi32>
      %broadcast_in_dim3A_1018 = vector.broadcast %reduce_sum3A_1014 : f32 to vector<16xf32>
      %select_n3A_1019 = arith.select %eq3A_1017, %broadcast_in_dim3A_1018, %select_n3A_889 : vector<16xi1>, vector<16xf32>
      %slice3A_1020 = vector.extract_strided_slice %get3A_414 {offsets = [12], sizes = [1], strides = [1]} : vector<16xi32> to vector<1xi32>
      %squeeze3A_1021 = vector.extract %slice3A_1020[0] : i32 from vector<1xi32>
      %shift_right_arithmetic3A_1022 = arith.constant 7 : i32
      %shift_right_arithmetic3A_1023 = arith.shrsi %squeeze3A_1021, %shift_right_arithmetic3A_1022 : i32
      %min3A_1024 = arith.constant 7811 : i32
      %min3A_1025 = arith.minsi %shift_right_arithmetic3A_1023, %min3A_1024 : i32
      %mul3A_1026 = arith.constant 128 : i32
      %mul3A_1027 = arith.muli %min3A_1025, %mul3A_1026 : i32
      %multiple_of3A_1028 = tpu.assume_multiple %mul3A_1027, 128 : i32
      %dma_start3A_1029 = arith.constant 4 : i32
      %dma_start3A_1030 = arith.constant 4 : i32
      %dma_start3A_1031 = arith.constant 0 : i32
      %dma_start3A_1032 = arith.constant 0 : i32
      %dma_start3A_1033 = tpu.memref_slice %arg14[%dma_start3A_1029, %dma_start3A_1031, %dma_start3A_1032] : memref<9x32x128xf32, #tpu.memory_space<vmem>> -> memref<1x32x128xf32, #tpu.memory_space<vmem>>
      %dma_start3A_1034 = tpu.memref_squeeze %dma_start3A_1033 : memref<1x32x128xf32, #tpu.memory_space<vmem>> -> memref<32x128xf32, #tpu.memory_space<vmem>>
      %dma_start3A_1035 = arith.constant 0 : i32
      %dma_start3A_1036 = tpu.memref_slice %arg5[%dma_start3A_1035, %multiple_of3A_1028] : memref<32x1000000xf32, #tpu.memory_space<hbm>> -> memref<32x128xf32, #tpu.memory_space<hbm>>
      %dma_start3A_1037 = tpu.memref_slice %arg16[%dma_start3A_1030] : memref<8x!tpu.dma_semaphore, #tpu.memory_space<semaphore_mem>> -> memref<1x!tpu.dma_semaphore, #tpu.memory_space<semaphore_mem>>
      %dma_start3A_1038 = tpu.memref_squeeze %dma_start3A_1037 : memref<1x!tpu.dma_semaphore, #tpu.memory_space<semaphore_mem>> -> memref<!tpu.dma_semaphore, #tpu.memory_space<semaphore_mem>>
      %dma_start3A_1039 = arith.constant 0 : i32
      %dma_start3A_1040 = arith.constant 0 : i32
      %dma_start3A_1041 = tpu.memref_slice %arg14[%dma_start3A_1029, %dma_start3A_1039, %dma_start3A_1040] : memref<9x32x128xf32, #tpu.memory_space<vmem>> -> memref<1x32x128xf32, #tpu.memory_space<vmem>>
      %dma_start3A_1042 = tpu.memref_squeeze %dma_start3A_1041 : memref<1x32x128xf32, #tpu.memory_space<vmem>> -> memref<32x128xf32, #tpu.memory_space<vmem>>
      %dma_start3A_1043 = arith.constant 0 : i32
      %dma_start3A_1044 = tpu.memref_slice %arg5[%dma_start3A_1043, %multiple_of3A_1028] : memref<32x1000000xf32, #tpu.memory_space<hbm>> -> memref<32x128xf32, #tpu.memory_space<hbm>>
      tpu.enqueue_dma source(%dma_start3A_1044 : memref<32x128xf32, #tpu.memory_space<hbm>>) target(%dma_start3A_1042 : memref<32x128xf32, #tpu.memory_space<vmem>>) target_semaphore(%dma_start3A_1038 : memref<!tpu.dma_semaphore, #tpu.memory_space<semaphore_mem>>)
      %slice3A_1045 = vector.extract_strided_slice %get3A_416 {offsets = [12], sizes = [1], strides = [1]} : vector<16xi32> to vector<1xi32>
      %squeeze3A_1046 = vector.extract %slice3A_1045[0] : i32 from vector<1xi32>
      %shift_right_arithmetic3A_1047 = arith.constant 7 : i32
      %shift_right_arithmetic3A_1048 = arith.shrsi %squeeze3A_1046, %shift_right_arithmetic3A_1047 : i32
      %min3A_1049 = arith.constant 7811 : i32
      %min3A_1050 = arith.minsi %shift_right_arithmetic3A_1048, %min3A_1049 : i32
      %mul3A_1051 = arith.constant 128 : i32
      %mul3A_1052 = arith.muli %min3A_1050, %mul3A_1051 : i32
      %multiple_of3A_1053 = tpu.assume_multiple %mul3A_1052, 128 : i32
      %dma_start3A_1054 = arith.constant 4 : i32
      %dma_start3A_1055 = arith.constant 4 : i32
      %dma_start3A_1056 = arith.constant 0 : i32
      %dma_start3A_1057 = arith.constant 0 : i32
      %dma_start3A_1058 = tpu.memref_slice %arg15[%dma_start3A_1054, %dma_start3A_1056, %dma_start3A_1057] : memref<9x32x128xf32, #tpu.memory_space<vmem>> -> memref<1x32x128xf32, #tpu.memory_space<vmem>>
      %dma_start3A_1059 = tpu.memref_squeeze %dma_start3A_1058 : memref<1x32x128xf32, #tpu.memory_space<vmem>> -> memref<32x128xf32, #tpu.memory_space<vmem>>
      %dma_start3A_1060 = arith.constant 0 : i32
      %dma_start3A_1061 = tpu.memref_slice %arg6[%dma_start3A_1060, %multiple_of3A_1053] : memref<32x1000000xf32, #tpu.memory_space<hbm>> -> memref<32x128xf32, #tpu.memory_space<hbm>>
      %dma_start3A_1062 = tpu.memref_slice %arg17[%dma_start3A_1055] : memref<8x!tpu.dma_semaphore, #tpu.memory_space<semaphore_mem>> -> memref<1x!tpu.dma_semaphore, #tpu.memory_space<semaphore_mem>>
      %dma_start3A_1063 = tpu.memref_squeeze %dma_start3A_1062 : memref<1x!tpu.dma_semaphore, #tpu.memory_space<semaphore_mem>> -> memref<!tpu.dma_semaphore, #tpu.memory_space<semaphore_mem>>
      %dma_start3A_1064 = arith.constant 0 : i32
      %dma_start3A_1065 = arith.constant 0 : i32
      %dma_start3A_1066 = tpu.memref_slice %arg15[%dma_start3A_1054, %dma_start3A_1064, %dma_start3A_1065] : memref<9x32x128xf32, #tpu.memory_space<vmem>> -> memref<1x32x128xf32, #tpu.memory_space<vmem>>
      %dma_start3A_1067 = tpu.memref_squeeze %dma_start3A_1066 : memref<1x32x128xf32, #tpu.memory_space<vmem>> -> memref<32x128xf32, #tpu.memory_space<vmem>>
      %dma_start3A_1068 = arith.constant 0 : i32
      %dma_start3A_1069 = tpu.memref_slice %arg6[%dma_start3A_1068, %multiple_of3A_1053] : memref<32x1000000xf32, #tpu.memory_space<hbm>> -> memref<32x128xf32, #tpu.memory_space<hbm>>
      tpu.enqueue_dma source(%dma_start3A_1069 : memref<32x128xf32, #tpu.memory_space<hbm>>) target(%dma_start3A_1067 : memref<32x128xf32, #tpu.memory_space<vmem>>) target_semaphore(%dma_start3A_1063 : memref<!tpu.dma_semaphore, #tpu.memory_space<semaphore_mem>>)
      %dma_wait3A_1070 = arith.constant 5 : i32
      %dma_wait3A_1071 = arith.constant 5 : i32
      %dma_wait3A_1072 = arith.constant 0 : i32
      %dma_wait3A_1073 = arith.constant 0 : i32
      %dma_wait3A_1074 = tpu.memref_slice %arg14[%dma_wait3A_1070, %dma_wait3A_1072, %dma_wait3A_1073] : memref<9x32x128xf32, #tpu.memory_space<vmem>> -> memref<1x32x128xf32, #tpu.memory_space<vmem>>
      %dma_wait3A_1075 = tpu.memref_squeeze %dma_wait3A_1074 : memref<1x32x128xf32, #tpu.memory_space<vmem>> -> memref<32x128xf32, #tpu.memory_space<vmem>>
      %dma_wait3A_1076 = arith.constant 0 : i32
      %dma_wait3A_1077 = arith.constant 0 : i32
      %dma_wait3A_1078 = tpu.memref_slice %arg5[%dma_wait3A_1076, %dma_wait3A_1077] : memref<32x1000000xf32, #tpu.memory_space<hbm>> -> memref<32x128xf32, #tpu.memory_space<hbm>>
      %dma_wait3A_1079 = tpu.memref_slice %arg16[%dma_wait3A_1071] : memref<8x!tpu.dma_semaphore, #tpu.memory_space<semaphore_mem>> -> memref<1x!tpu.dma_semaphore, #tpu.memory_space<semaphore_mem>>
      %dma_wait3A_1080 = tpu.memref_squeeze %dma_wait3A_1079 : memref<1x!tpu.dma_semaphore, #tpu.memory_space<semaphore_mem>> -> memref<!tpu.dma_semaphore, #tpu.memory_space<semaphore_mem>>
      %dma_wait3A_1081 = arith.constant 0 : i32
      %dma_wait3A_1082 = arith.constant 0 : i32
      %dma_wait3A_1083 = tpu.memref_slice %arg14[%dma_wait3A_1070, %dma_wait3A_1081, %dma_wait3A_1082] : memref<9x32x128xf32, #tpu.memory_space<vmem>> -> memref<1x32x128xf32, #tpu.memory_space<vmem>>
      %dma_wait3A_1084 = tpu.memref_squeeze %dma_wait3A_1083 : memref<1x32x128xf32, #tpu.memory_space<vmem>> -> memref<32x128xf32, #tpu.memory_space<vmem>>
      %dma_wait3A_1085 = arith.constant 0 : i32
      %dma_wait3A_1086 = arith.constant 0 : i32
      %dma_wait3A_1087 = tpu.memref_slice %arg5[%dma_wait3A_1085, %dma_wait3A_1086] : memref<32x1000000xf32, #tpu.memory_space<hbm>> -> memref<32x128xf32, #tpu.memory_space<hbm>>
      tpu.wait_dma2 semaphore(%dma_wait3A_1080 : memref<!tpu.dma_semaphore, #tpu.memory_space<semaphore_mem>>) src(%dma_wait3A_1087 : memref<32x128xf32, #tpu.memory_space<hbm>>) dst(%dma_wait3A_1084 : memref<32x128xf32, #tpu.memory_space<vmem>>)
      %dma_wait3A_1088 = arith.constant 5 : i32
      %dma_wait3A_1089 = arith.constant 5 : i32
      %dma_wait3A_1090 = arith.constant 0 : i32
      %dma_wait3A_1091 = arith.constant 0 : i32
      %dma_wait3A_1092 = tpu.memref_slice %arg15[%dma_wait3A_1088, %dma_wait3A_1090, %dma_wait3A_1091] : memref<9x32x128xf32, #tpu.memory_space<vmem>> -> memref<1x32x128xf32, #tpu.memory_space<vmem>>
      %dma_wait3A_1093 = tpu.memref_squeeze %dma_wait3A_1092 : memref<1x32x128xf32, #tpu.memory_space<vmem>> -> memref<32x128xf32, #tpu.memory_space<vmem>>
      %dma_wait3A_1094 = arith.constant 0 : i32
      %dma_wait3A_1095 = arith.constant 0 : i32
      %dma_wait3A_1096 = tpu.memref_slice %arg6[%dma_wait3A_1094, %dma_wait3A_1095] : memref<32x1000000xf32, #tpu.memory_space<hbm>> -> memref<32x128xf32, #tpu.memory_space<hbm>>
      %dma_wait3A_1097 = tpu.memref_slice %arg17[%dma_wait3A_1089] : memref<8x!tpu.dma_semaphore, #tpu.memory_space<semaphore_mem>> -> memref<1x!tpu.dma_semaphore, #tpu.memory_space<semaphore_mem>>
      %dma_wait3A_1098 = tpu.memref_squeeze %dma_wait3A_1097 : memref<1x!tpu.dma_semaphore, #tpu.memory_space<semaphore_mem>> -> memref<!tpu.dma_semaphore, #tpu.memory_space<semaphore_mem>>
      %dma_wait3A_1099 = arith.constant 0 : i32
      %dma_wait3A_1100 = arith.constant 0 : i32
      %dma_wait3A_1101 = tpu.memref_slice %arg15[%dma_wait3A_1088, %dma_wait3A_1099, %dma_wait3A_1100] : memref<9x32x128xf32, #tpu.memory_space<vmem>> -> memref<1x32x128xf32, #tpu.memory_space<vmem>>
      %dma_wait3A_1102 = tpu.memref_squeeze %dma_wait3A_1101 : memref<1x32x128xf32, #tpu.memory_space<vmem>> -> memref<32x128xf32, #tpu.memory_space<vmem>>
      %dma_wait3A_1103 = arith.constant 0 : i32
      %dma_wait3A_1104 = arith.constant 0 : i32
      %dma_wait3A_1105 = tpu.memref_slice %arg6[%dma_wait3A_1103, %dma_wait3A_1104] : memref<32x1000000xf32, #tpu.memory_space<hbm>> -> memref<32x128xf32, #tpu.memory_space<hbm>>
      tpu.wait_dma2 semaphore(%dma_wait3A_1098 : memref<!tpu.dma_semaphore, #tpu.memory_space<semaphore_mem>>) src(%dma_wait3A_1105 : memref<32x128xf32, #tpu.memory_space<hbm>>) dst(%dma_wait3A_1102 : memref<32x128xf32, #tpu.memory_space<vmem>>)
      %slice3A_1106 = vector.extract_strided_slice %get3A_414 {offsets = [5], sizes = [1], strides = [1]} : vector<16xi32> to vector<1xi32>
      %squeeze3A_1107 = vector.extract %slice3A_1106[0] : i32 from vector<1xi32>
      %slice3A_1108 = vector.extract_strided_slice %get3A_416 {offsets = [5], sizes = [1], strides = [1]} : vector<16xi32> to vector<1xi32>
      %squeeze3A_1109 = vector.extract %slice3A_1108[0] : i32 from vector<1xi32>
      %ge3A_1110 = arith.constant 999936 : i32
      %ge3A_1111 = arith.cmpi sge, %squeeze3A_1107, %ge3A_1110 : i32
      %ge3A_1112 = arith.constant 999936 : i32
      %ge3A_1113 = arith.cmpi sge, %squeeze3A_1109, %ge3A_1112 : i32
      %jit3A_1114 = arith.constant 8 : i32
      %jit3A_1115 = arith.constant 5 : i32
      %select_n3A_1116 = arith.select %ge3A_1111, %jit3A_1114, %jit3A_1115 : i32
      %broadcast_in_dim3A_1117 = vector.broadcast %select_n3A_1116 : i32 to vector<16xi32>
      %jit3A_1118 = arith.constant 8 : i32
      %jit3A_1119 = arith.constant 5 : i32
      %select_n3A_1120 = arith.select %ge3A_1113, %jit3A_1118, %jit3A_1119 : i32
      %broadcast_in_dim3A_1121 = vector.broadcast %select_n3A_1120 : i32 to vector<16xi32>
      %sub3A_1122 = arith.constant 999872 : i32
      %sub3A_1123 = arith.subi %squeeze3A_1107, %sub3A_1122 : i32
      %and3A_1124 = arith.constant 127 : i32
      %and3A_1125 = arith.andi %squeeze3A_1107, %and3A_1124 : i32
      %select_n3A_1126 = arith.select %ge3A_1111, %sub3A_1123, %and3A_1125 : i32
      %broadcast_in_dim3A_1127 = vector.broadcast %select_n3A_1126 : i32 to vector<16xi32>
      %sub3A_1128 = arith.constant 999872 : i32
      %sub3A_1129 = arith.subi %squeeze3A_1109, %sub3A_1128 : i32
      %and3A_1130 = arith.constant 127 : i32
      %and3A_1131 = arith.andi %squeeze3A_1109, %and3A_1130 : i32
      %select_n3A_1132 = arith.select %ge3A_1113, %sub3A_1129, %and3A_1131 : i32
      %broadcast_in_dim3A_1133 = vector.broadcast %select_n3A_1132 : i32 to vector<16xi32>
      %gather3A_1134 = tpu.vector_load_idx %arg14[%broadcast_in_dim3A_1117, %iota3A, %broadcast_in_dim3A_1127] : memref<9x32x128xf32, #tpu.memory_space<vmem>>[vector<16xi32>, vector<16xi32>, vector<16xi32>], vector<16xf32>,
      %gather3A_1135 = tpu.vector_load_idx %arg14[%broadcast_in_dim3A_1117, %add3A_6, %broadcast_in_dim3A_1127] : memref<9x32x128xf32, #tpu.memory_space<vmem>>[vector<16xi32>, vector<16xi32>, vector<16xi32>], vector<16xf32>,
      %gather3A_1136 = tpu.vector_load_idx %arg15[%broadcast_in_dim3A_1121, %iota3A, %broadcast_in_dim3A_1133] : memref<9x32x128xf32, #tpu.memory_space<vmem>>[vector<16xi32>, vector<16xi32>, vector<16xi32>], vector<16xf32>,
      %gather3A_1137 = tpu.vector_load_idx %arg15[%broadcast_in_dim3A_1121, %add3A_6, %broadcast_in_dim3A_1133] : memref<9x32x128xf32, #tpu.memory_space<vmem>>[vector<16xi32>, vector<16xi32>, vector<16xi32>], vector<16xf32>,
      %mul3A_1138 = arith.mulf %gather3A_1134, %gather3A_1136 : vector<16xf32>
      %mul3A_1139 = arith.mulf %gather3A_1135, %gather3A_1137 : vector<16xf32>
      %add3A_1140 = arith.addf %mul3A_1138, %mul3A_1139 : vector<16xf32>
      %reduce_sum3A_1141 = arith.constant true
      %reduce_sum3A_1142 = vector.broadcast %reduce_sum3A_1141 : i1 to vector<16xi1>
      %reduce_sum3A_1143 = tpu.scan <sum>, %add3A_1140 masked %reduce_sum3A_1142 : vector<16xf32>, vector<16xi1> -> vector<16xf32>
      %reduce_sum3A_1144 = vector.extract %reduce_sum3A_1143[15] : f32 from vector<16xf32>
      %eq3A_1145 = arith.constant 5 : i32
      %eq3A_1146 = vector.broadcast %eq3A_1145 : i32 to vector<16xi32>
      %eq3A_1147 = arith.cmpi eq, %iota3A, %eq3A_1146 : vector<16xi32>
      %broadcast_in_dim3A_1148 = vector.broadcast %reduce_sum3A_1144 : f32 to vector<16xf32>
      %select_n3A_1149 = arith.select %eq3A_1147, %broadcast_in_dim3A_1148, %select_n3A_1019 : vector<16xi1>, vector<16xf32>
      %slice3A_1150 = vector.extract_strided_slice %get3A_414 {offsets = [13], sizes = [1], strides = [1]} : vector<16xi32> to vector<1xi32>
      %squeeze3A_1151 = vector.extract %slice3A_1150[0] : i32 from vector<1xi32>
      %shift_right_arithmetic3A_1152 = arith.constant 7 : i32
      %shift_right_arithmetic3A_1153 = arith.shrsi %squeeze3A_1151, %shift_right_arithmetic3A_1152 : i32
      %min3A_1154 = arith.constant 7811 : i32
      %min3A_1155 = arith.minsi %shift_right_arithmetic3A_1153, %min3A_1154 : i32
      %mul3A_1156 = arith.constant 128 : i32
      %mul3A_1157 = arith.muli %min3A_1155, %mul3A_1156 : i32
      %multiple_of3A_1158 = tpu.assume_multiple %mul3A_1157, 128 : i32
      %dma_start3A_1159 = arith.constant 5 : i32
      %dma_start3A_1160 = arith.constant 5 : i32
      %dma_start3A_1161 = arith.constant 0 : i32
      %dma_start3A_1162 = arith.constant 0 : i32
      %dma_start3A_1163 = tpu.memref_slice %arg14[%dma_start3A_1159, %dma_start3A_1161, %dma_start3A_1162] : memref<9x32x128xf32, #tpu.memory_space<vmem>> -> memref<1x32x128xf32, #tpu.memory_space<vmem>>
      %dma_start3A_1164 = tpu.memref_squeeze %dma_start3A_1163 : memref<1x32x128xf32, #tpu.memory_space<vmem>> -> memref<32x128xf32, #tpu.memory_space<vmem>>
      %dma_start3A_1165 = arith.constant 0 : i32
      %dma_start3A_1166 = tpu.memref_slice %arg5[%dma_start3A_1165, %multiple_of3A_1158] : memref<32x1000000xf32, #tpu.memory_space<hbm>> -> memref<32x128xf32, #tpu.memory_space<hbm>>
      %dma_start3A_1167 = tpu.memref_slice %arg16[%dma_start3A_1160] : memref<8x!tpu.dma_semaphore, #tpu.memory_space<semaphore_mem>> -> memref<1x!tpu.dma_semaphore, #tpu.memory_space<semaphore_mem>>
      %dma_start3A_1168 = tpu.memref_squeeze %dma_start3A_1167 : memref<1x!tpu.dma_semaphore, #tpu.memory_space<semaphore_mem>> -> memref<!tpu.dma_semaphore, #tpu.memory_space<semaphore_mem>>
      %dma_start3A_1169 = arith.constant 0 : i32
      %dma_start3A_1170 = arith.constant 0 : i32
      %dma_start3A_1171 = tpu.memref_slice %arg14[%dma_start3A_1159, %dma_start3A_1169, %dma_start3A_1170] : memref<9x32x128xf32, #tpu.memory_space<vmem>> -> memref<1x32x128xf32, #tpu.memory_space<vmem>>
      %dma_start3A_1172 = tpu.memref_squeeze %dma_start3A_1171 : memref<1x32x128xf32, #tpu.memory_space<vmem>> -> memref<32x128xf32, #tpu.memory_space<vmem>>
      %dma_start3A_1173 = arith.constant 0 : i32
      %dma_start3A_1174 = tpu.memref_slice %arg5[%dma_start3A_1173, %multiple_of3A_1158] : memref<32x1000000xf32, #tpu.memory_space<hbm>> -> memref<32x128xf32, #tpu.memory_space<hbm>>
      tpu.enqueue_dma source(%dma_start3A_1174 : memref<32x128xf32, #tpu.memory_space<hbm>>) target(%dma_start3A_1172 : memref<32x128xf32, #tpu.memory_space<vmem>>) target_semaphore(%dma_start3A_1168 : memref<!tpu.dma_semaphore, #tpu.memory_space<semaphore_mem>>)
      %slice3A_1175 = vector.extract_strided_slice %get3A_416 {offsets = [13], sizes = [1], strides = [1]} : vector<16xi32> to vector<1xi32>
      %squeeze3A_1176 = vector.extract %slice3A_1175[0] : i32 from vector<1xi32>
      %shift_right_arithmetic3A_1177 = arith.constant 7 : i32
      %shift_right_arithmetic3A_1178 = arith.shrsi %squeeze3A_1176, %shift_right_arithmetic3A_1177 : i32
      %min3A_1179 = arith.constant 7811 : i32
      %min3A_1180 = arith.minsi %shift_right_arithmetic3A_1178, %min3A_1179 : i32
      %mul3A_1181 = arith.constant 128 : i32
      %mul3A_1182 = arith.muli %min3A_1180, %mul3A_1181 : i32
      %multiple_of3A_1183 = tpu.assume_multiple %mul3A_1182, 128 : i32
      %dma_start3A_1184 = arith.constant 5 : i32
      %dma_start3A_1185 = arith.constant 5 : i32
      %dma_start3A_1186 = arith.constant 0 : i32
      %dma_start3A_1187 = arith.constant 0 : i32
      %dma_start3A_1188 = tpu.memref_slice %arg15[%dma_start3A_1184, %dma_start3A_1186, %dma_start3A_1187] : memref<9x32x128xf32, #tpu.memory_space<vmem>> -> memref<1x32x128xf32, #tpu.memory_space<vmem>>
      %dma_start3A_1189 = tpu.memref_squeeze %dma_start3A_1188 : memref<1x32x128xf32, #tpu.memory_space<vmem>> -> memref<32x128xf32, #tpu.memory_space<vmem>>
      %dma_start3A_1190 = arith.constant 0 : i32
      %dma_start3A_1191 = tpu.memref_slice %arg6[%dma_start3A_1190, %multiple_of3A_1183] : memref<32x1000000xf32, #tpu.memory_space<hbm>> -> memref<32x128xf32, #tpu.memory_space<hbm>>
      %dma_start3A_1192 = tpu.memref_slice %arg17[%dma_start3A_1185] : memref<8x!tpu.dma_semaphore, #tpu.memory_space<semaphore_mem>> -> memref<1x!tpu.dma_semaphore, #tpu.memory_space<semaphore_mem>>
      %dma_start3A_1193 = tpu.memref_squeeze %dma_start3A_1192 : memref<1x!tpu.dma_semaphore, #tpu.memory_space<semaphore_mem>> -> memref<!tpu.dma_semaphore, #tpu.memory_space<semaphore_mem>>
      %dma_start3A_1194 = arith.constant 0 : i32
      %dma_start3A_1195 = arith.constant 0 : i32
      %dma_start3A_1196 = tpu.memref_slice %arg15[%dma_start3A_1184, %dma_start3A_1194, %dma_start3A_1195] : memref<9x32x128xf32, #tpu.memory_space<vmem>> -> memref<1x32x128xf32, #tpu.memory_space<vmem>>
      %dma_start3A_1197 = tpu.memref_squeeze %dma_start3A_1196 : memref<1x32x128xf32, #tpu.memory_space<vmem>> -> memref<32x128xf32, #tpu.memory_space<vmem>>
      %dma_start3A_1198 = arith.constant 0 : i32
      %dma_start3A_1199 = tpu.memref_slice %arg6[%dma_start3A_1198, %multiple_of3A_1183] : memref<32x1000000xf32, #tpu.memory_space<hbm>> -> memref<32x128xf32, #tpu.memory_space<hbm>>
      tpu.enqueue_dma source(%dma_start3A_1199 : memref<32x128xf32, #tpu.memory_space<hbm>>) target(%dma_start3A_1197 : memref<32x128xf32, #tpu.memory_space<vmem>>) target_semaphore(%dma_start3A_1193 : memref<!tpu.dma_semaphore, #tpu.memory_space<semaphore_mem>>)
      %dma_wait3A_1200 = arith.constant 6 : i32
      %dma_wait3A_1201 = arith.constant 6 : i32
      %dma_wait3A_1202 = arith.constant 0 : i32
      %dma_wait3A_1203 = arith.constant 0 : i32
      %dma_wait3A_1204 = tpu.memref_slice %arg14[%dma_wait3A_1200, %dma_wait3A_1202, %dma_wait3A_1203] : memref<9x32x128xf32, #tpu.memory_space<vmem>> -> memref<1x32x128xf32, #tpu.memory_space<vmem>>
      %dma_wait3A_1205 = tpu.memref_squeeze %dma_wait3A_1204 : memref<1x32x128xf32, #tpu.memory_space<vmem>> -> memref<32x128xf32, #tpu.memory_space<vmem>>
      %dma_wait3A_1206 = arith.constant 0 : i32
      %dma_wait3A_1207 = arith.constant 0 : i32
      %dma_wait3A_1208 = tpu.memref_slice %arg5[%dma_wait3A_1206, %dma_wait3A_1207] : memref<32x1000000xf32, #tpu.memory_space<hbm>> -> memref<32x128xf32, #tpu.memory_space<hbm>>
      %dma_wait3A_1209 = tpu.memref_slice %arg16[%dma_wait3A_1201] : memref<8x!tpu.dma_semaphore, #tpu.memory_space<semaphore_mem>> -> memref<1x!tpu.dma_semaphore, #tpu.memory_space<semaphore_mem>>
      %dma_wait3A_1210 = tpu.memref_squeeze %dma_wait3A_1209 : memref<1x!tpu.dma_semaphore, #tpu.memory_space<semaphore_mem>> -> memref<!tpu.dma_semaphore, #tpu.memory_space<semaphore_mem>>
      %dma_wait3A_1211 = arith.constant 0 : i32
      %dma_wait3A_1212 = arith.constant 0 : i32
      %dma_wait3A_1213 = tpu.memref_slice %arg14[%dma_wait3A_1200, %dma_wait3A_1211, %dma_wait3A_1212] : memref<9x32x128xf32, #tpu.memory_space<vmem>> -> memref<1x32x128xf32, #tpu.memory_space<vmem>>
      %dma_wait3A_1214 = tpu.memref_squeeze %dma_wait3A_1213 : memref<1x32x128xf32, #tpu.memory_space<vmem>> -> memref<32x128xf32, #tpu.memory_space<vmem>>
      %dma_wait3A_1215 = arith.constant 0 : i32
      %dma_wait3A_1216 = arith.constant 0 : i32
      %dma_wait3A_1217 = tpu.memref_slice %arg5[%dma_wait3A_1215, %dma_wait3A_1216] : memref<32x1000000xf32, #tpu.memory_space<hbm>> -> memref<32x128xf32, #tpu.memory_space<hbm>>
      tpu.wait_dma2 semaphore(%dma_wait3A_1210 : memref<!tpu.dma_semaphore, #tpu.memory_space<semaphore_mem>>) src(%dma_wait3A_1217 : memref<32x128xf32, #tpu.memory_space<hbm>>) dst(%dma_wait3A_1214 : memref<32x128xf32, #tpu.memory_space<vmem>>)
      %dma_wait3A_1218 = arith.constant 6 : i32
      %dma_wait3A_1219 = arith.constant 6 : i32
      %dma_wait3A_1220 = arith.constant 0 : i32
      %dma_wait3A_1221 = arith.constant 0 : i32
      %dma_wait3A_1222 = tpu.memref_slice %arg15[%dma_wait3A_1218, %dma_wait3A_1220, %dma_wait3A_1221] : memref<9x32x128xf32, #tpu.memory_space<vmem>> -> memref<1x32x128xf32, #tpu.memory_space<vmem>>
      %dma_wait3A_1223 = tpu.memref_squeeze %dma_wait3A_1222 : memref<1x32x128xf32, #tpu.memory_space<vmem>> -> memref<32x128xf32, #tpu.memory_space<vmem>>
      %dma_wait3A_1224 = arith.constant 0 : i32
      %dma_wait3A_1225 = arith.constant 0 : i32
      %dma_wait3A_1226 = tpu.memref_slice %arg6[%dma_wait3A_1224, %dma_wait3A_1225] : memref<32x1000000xf32, #tpu.memory_space<hbm>> -> memref<32x128xf32, #tpu.memory_space<hbm>>
      %dma_wait3A_1227 = tpu.memref_slice %arg17[%dma_wait3A_1219] : memref<8x!tpu.dma_semaphore, #tpu.memory_space<semaphore_mem>> -> memref<1x!tpu.dma_semaphore, #tpu.memory_space<semaphore_mem>>
      %dma_wait3A_1228 = tpu.memref_squeeze %dma_wait3A_1227 : memref<1x!tpu.dma_semaphore, #tpu.memory_space<semaphore_mem>> -> memref<!tpu.dma_semaphore, #tpu.memory_space<semaphore_mem>>
      %dma_wait3A_1229 = arith.constant 0 : i32
      %dma_wait3A_1230 = arith.constant 0 : i32
      %dma_wait3A_1231 = tpu.memref_slice %arg15[%dma_wait3A_1218, %dma_wait3A_1229, %dma_wait3A_1230] : memref<9x32x128xf32, #tpu.memory_space<vmem>> -> memref<1x32x128xf32, #tpu.memory_space<vmem>>
      %dma_wait3A_1232 = tpu.memref_squeeze %dma_wait3A_1231 : memref<1x32x128xf32, #tpu.memory_space<vmem>> -> memref<32x128xf32, #tpu.memory_space<vmem>>
      %dma_wait3A_1233 = arith.constant 0 : i32
      %dma_wait3A_1234 = arith.constant 0 : i32
      %dma_wait3A_1235 = tpu.memref_slice %arg6[%dma_wait3A_1233, %dma_wait3A_1234] : memref<32x1000000xf32, #tpu.memory_space<hbm>> -> memref<32x128xf32, #tpu.memory_space<hbm>>
      tpu.wait_dma2 semaphore(%dma_wait3A_1228 : memref<!tpu.dma_semaphore, #tpu.memory_space<semaphore_mem>>) src(%dma_wait3A_1235 : memref<32x128xf32, #tpu.memory_space<hbm>>) dst(%dma_wait3A_1232 : memref<32x128xf32, #tpu.memory_space<vmem>>)
      %slice3A_1236 = vector.extract_strided_slice %get3A_414 {offsets = [6], sizes = [1], strides = [1]} : vector<16xi32> to vector<1xi32>
      %squeeze3A_1237 = vector.extract %slice3A_1236[0] : i32 from vector<1xi32>
      %slice3A_1238 = vector.extract_strided_slice %get3A_416 {offsets = [6], sizes = [1], strides = [1]} : vector<16xi32> to vector<1xi32>
      %squeeze3A_1239 = vector.extract %slice3A_1238[0] : i32 from vector<1xi32>
      %ge3A_1240 = arith.constant 999936 : i32
      %ge3A_1241 = arith.cmpi sge, %squeeze3A_1237, %ge3A_1240 : i32
      %ge3A_1242 = arith.constant 999936 : i32
      %ge3A_1243 = arith.cmpi sge, %squeeze3A_1239, %ge3A_1242 : i32
      %jit3A_1244 = arith.constant 8 : i32
      %jit3A_1245 = arith.constant 6 : i32
      %select_n3A_1246 = arith.select %ge3A_1241, %jit3A_1244, %jit3A_1245 : i32
      %broadcast_in_dim3A_1247 = vector.broadcast %select_n3A_1246 : i32 to vector<16xi32>
      %jit3A_1248 = arith.constant 8 : i32
      %jit3A_1249 = arith.constant 6 : i32
      %select_n3A_1250 = arith.select %ge3A_1243, %jit3A_1248, %jit3A_1249 : i32
      %broadcast_in_dim3A_1251 = vector.broadcast %select_n3A_1250 : i32 to vector<16xi32>
      %sub3A_1252 = arith.constant 999872 : i32
      %sub3A_1253 = arith.subi %squeeze3A_1237, %sub3A_1252 : i32
      %and3A_1254 = arith.constant 127 : i32
      %and3A_1255 = arith.andi %squeeze3A_1237, %and3A_1254 : i32
      %select_n3A_1256 = arith.select %ge3A_1241, %sub3A_1253, %and3A_1255 : i32
      %broadcast_in_dim3A_1257 = vector.broadcast %select_n3A_1256 : i32 to vector<16xi32>
      %sub3A_1258 = arith.constant 999872 : i32
      %sub3A_1259 = arith.subi %squeeze3A_1239, %sub3A_1258 : i32
      %and3A_1260 = arith.constant 127 : i32
      %and3A_1261 = arith.andi %squeeze3A_1239, %and3A_1260 : i32
      %select_n3A_1262 = arith.select %ge3A_1243, %sub3A_1259, %and3A_1261 : i32
      %broadcast_in_dim3A_1263 = vector.broadcast %select_n3A_1262 : i32 to vector<16xi32>
      %gather3A_1264 = tpu.vector_load_idx %arg14[%broadcast_in_dim3A_1247, %iota3A, %broadcast_in_dim3A_1257] : memref<9x32x128xf32, #tpu.memory_space<vmem>>[vector<16xi32>, vector<16xi32>, vector<16xi32>], vector<16xf32>,
      %gather3A_1265 = tpu.vector_load_idx %arg14[%broadcast_in_dim3A_1247, %add3A_6, %broadcast_in_dim3A_1257] : memref<9x32x128xf32, #tpu.memory_space<vmem>>[vector<16xi32>, vector<16xi32>, vector<16xi32>], vector<16xf32>,
      %gather3A_1266 = tpu.vector_load_idx %arg15[%broadcast_in_dim3A_1251, %iota3A, %broadcast_in_dim3A_1263] : memref<9x32x128xf32, #tpu.memory_space<vmem>>[vector<16xi32>, vector<16xi32>, vector<16xi32>], vector<16xf32>,
      %gather3A_1267 = tpu.vector_load_idx %arg15[%broadcast_in_dim3A_1251, %add3A_6, %broadcast_in_dim3A_1263] : memref<9x32x128xf32, #tpu.memory_space<vmem>>[vector<16xi32>, vector<16xi32>, vector<16xi32>], vector<16xf32>,
      %mul3A_1268 = arith.mulf %gather3A_1264, %gather3A_1266 : vector<16xf32>
      %mul3A_1269 = arith.mulf %gather3A_1265, %gather3A_1267 : vector<16xf32>
      %add3A_1270 = arith.addf %mul3A_1268, %mul3A_1269 : vector<16xf32>
      %reduce_sum3A_1271 = arith.constant true
      %reduce_sum3A_1272 = vector.broadcast %reduce_sum3A_1271 : i1 to vector<16xi1>
      %reduce_sum3A_1273 = tpu.scan <sum>, %add3A_1270 masked %reduce_sum3A_1272 : vector<16xf32>, vector<16xi1> -> vector<16xf32>
      %reduce_sum3A_1274 = vector.extract %reduce_sum3A_1273[15] : f32 from vector<16xf32>
      %eq3A_1275 = arith.constant 6 : i32
      %eq3A_1276 = vector.broadcast %eq3A_1275 : i32 to vector<16xi32>
      %eq3A_1277 = arith.cmpi eq, %iota3A, %eq3A_1276 : vector<16xi32>
      %broadcast_in_dim3A_1278 = vector.broadcast %reduce_sum3A_1274 : f32 to vector<16xf32>
      %select_n3A_1279 = arith.select %eq3A_1277, %broadcast_in_dim3A_1278, %select_n3A_1149 : vector<16xi1>, vector<16xf32>
      %slice3A_1280 = vector.extract_strided_slice %get3A_414 {offsets = [14], sizes = [1], strides = [1]} : vector<16xi32> to vector<1xi32>
      %squeeze3A_1281 = vector.extract %slice3A_1280[0] : i32 from vector<1xi32>
      %shift_right_arithmetic3A_1282 = arith.constant 7 : i32
      %shift_right_arithmetic3A_1283 = arith.shrsi %squeeze3A_1281, %shift_right_arithmetic3A_1282 : i32
      %min3A_1284 = arith.constant 7811 : i32
      %min3A_1285 = arith.minsi %shift_right_arithmetic3A_1283, %min3A_1284 : i32
      %mul3A_1286 = arith.constant 128 : i32
      %mul3A_1287 = arith.muli %min3A_1285, %mul3A_1286 : i32
      %multiple_of3A_1288 = tpu.assume_multiple %mul3A_1287, 128 : i32
      %dma_start3A_1289 = arith.constant 6 : i32
      %dma_start3A_1290 = arith.constant 6 : i32
      %dma_start3A_1291 = arith.constant 0 : i32
      %dma_start3A_1292 = arith.constant 0 : i32
      %dma_start3A_1293 = tpu.memref_slice %arg14[%dma_start3A_1289, %dma_start3A_1291, %dma_start3A_1292] : memref<9x32x128xf32, #tpu.memory_space<vmem>> -> memref<1x32x128xf32, #tpu.memory_space<vmem>>
      %dma_start3A_1294 = tpu.memref_squeeze %dma_start3A_1293 : memref<1x32x128xf32, #tpu.memory_space<vmem>> -> memref<32x128xf32, #tpu.memory_space<vmem>>
      %dma_start3A_1295 = arith.constant 0 : i32
      %dma_start3A_1296 = tpu.memref_slice %arg5[%dma_start3A_1295, %multiple_of3A_1288] : memref<32x1000000xf32, #tpu.memory_space<hbm>> -> memref<32x128xf32, #tpu.memory_space<hbm>>
      %dma_start3A_1297 = tpu.memref_slice %arg16[%dma_start3A_1290] : memref<8x!tpu.dma_semaphore, #tpu.memory_space<semaphore_mem>> -> memref<1x!tpu.dma_semaphore, #tpu.memory_space<semaphore_mem>>
      %dma_start3A_1298 = tpu.memref_squeeze %dma_start3A_1297 : memref<1x!tpu.dma_semaphore, #tpu.memory_space<semaphore_mem>> -> memref<!tpu.dma_semaphore, #tpu.memory_space<semaphore_mem>>
      %dma_start3A_1299 = arith.constant 0 : i32
      %dma_start3A_1300 = arith.constant 0 : i32
      %dma_start3A_1301 = tpu.memref_slice %arg14[%dma_start3A_1289, %dma_start3A_1299, %dma_start3A_1300] : memref<9x32x128xf32, #tpu.memory_space<vmem>> -> memref<1x32x128xf32, #tpu.memory_space<vmem>>
      %dma_start3A_1302 = tpu.memref_squeeze %dma_start3A_1301 : memref<1x32x128xf32, #tpu.memory_space<vmem>> -> memref<32x128xf32, #tpu.memory_space<vmem>>
      %dma_start3A_1303 = arith.constant 0 : i32
      %dma_start3A_1304 = tpu.memref_slice %arg5[%dma_start3A_1303, %multiple_of3A_1288] : memref<32x1000000xf32, #tpu.memory_space<hbm>> -> memref<32x128xf32, #tpu.memory_space<hbm>>
      tpu.enqueue_dma source(%dma_start3A_1304 : memref<32x128xf32, #tpu.memory_space<hbm>>) target(%dma_start3A_1302 : memref<32x128xf32, #tpu.memory_space<vmem>>) target_semaphore(%dma_start3A_1298 : memref<!tpu.dma_semaphore, #tpu.memory_space<semaphore_mem>>)
      %slice3A_1305 = vector.extract_strided_slice %get3A_416 {offsets = [14], sizes = [1], strides = [1]} : vector<16xi32> to vector<1xi32>
      %squeeze3A_1306 = vector.extract %slice3A_1305[0] : i32 from vector<1xi32>
      %shift_right_arithmetic3A_1307 = arith.constant 7 : i32
      %shift_right_arithmetic3A_1308 = arith.shrsi %squeeze3A_1306, %shift_right_arithmetic3A_1307 : i32
      %min3A_1309 = arith.constant 7811 : i32
      %min3A_1310 = arith.minsi %shift_right_arithmetic3A_1308, %min3A_1309 : i32
      %mul3A_1311 = arith.constant 128 : i32
      %mul3A_1312 = arith.muli %min3A_1310, %mul3A_1311 : i32
      %multiple_of3A_1313 = tpu.assume_multiple %mul3A_1312, 128 : i32
      %dma_start3A_1314 = arith.constant 6 : i32
      %dma_start3A_1315 = arith.constant 6 : i32
      %dma_start3A_1316 = arith.constant 0 : i32
      %dma_start3A_1317 = arith.constant 0 : i32
      %dma_start3A_1318 = tpu.memref_slice %arg15[%dma_start3A_1314, %dma_start3A_1316, %dma_start3A_1317] : memref<9x32x128xf32, #tpu.memory_space<vmem>> -> memref<1x32x128xf32, #tpu.memory_space<vmem>>
      %dma_start3A_1319 = tpu.memref_squeeze %dma_start3A_1318 : memref<1x32x128xf32, #tpu.memory_space<vmem>> -> memref<32x128xf32, #tpu.memory_space<vmem>>
      %dma_start3A_1320 = arith.constant 0 : i32
      %dma_start3A_1321 = tpu.memref_slice %arg6[%dma_start3A_1320, %multiple_of3A_1313] : memref<32x1000000xf32, #tpu.memory_space<hbm>> -> memref<32x128xf32, #tpu.memory_space<hbm>>
      %dma_start3A_1322 = tpu.memref_slice %arg17[%dma_start3A_1315] : memref<8x!tpu.dma_semaphore, #tpu.memory_space<semaphore_mem>> -> memref<1x!tpu.dma_semaphore, #tpu.memory_space<semaphore_mem>>
      %dma_start3A_1323 = tpu.memref_squeeze %dma_start3A_1322 : memref<1x!tpu.dma_semaphore, #tpu.memory_space<semaphore_mem>> -> memref<!tpu.dma_semaphore, #tpu.memory_space<semaphore_mem>>
      %dma_start3A_1324 = arith.constant 0 : i32
      %dma_start3A_1325 = arith.constant 0 : i32
      %dma_start3A_1326 = tpu.memref_slice %arg15[%dma_start3A_1314, %dma_start3A_1324, %dma_start3A_1325] : memref<9x32x128xf32, #tpu.memory_space<vmem>> -> memref<1x32x128xf32, #tpu.memory_space<vmem>>
      %dma_start3A_1327 = tpu.memref_squeeze %dma_start3A_1326 : memref<1x32x128xf32, #tpu.memory_space<vmem>> -> memref<32x128xf32, #tpu.memory_space<vmem>>
      %dma_start3A_1328 = arith.constant 0 : i32
      %dma_start3A_1329 = tpu.memref_slice %arg6[%dma_start3A_1328, %multiple_of3A_1313] : memref<32x1000000xf32, #tpu.memory_space<hbm>> -> memref<32x128xf32, #tpu.memory_space<hbm>>
      tpu.enqueue_dma source(%dma_start3A_1329 : memref<32x128xf32, #tpu.memory_space<hbm>>) target(%dma_start3A_1327 : memref<32x128xf32, #tpu.memory_space<vmem>>) target_semaphore(%dma_start3A_1323 : memref<!tpu.dma_semaphore, #tpu.memory_space<semaphore_mem>>)
      %dma_wait3A_1330 = arith.constant 7 : i32
      %dma_wait3A_1331 = arith.constant 7 : i32
      %dma_wait3A_1332 = arith.constant 0 : i32
      %dma_wait3A_1333 = arith.constant 0 : i32
      %dma_wait3A_1334 = tpu.memref_slice %arg14[%dma_wait3A_1330, %dma_wait3A_1332, %dma_wait3A_1333] : memref<9x32x128xf32, #tpu.memory_space<vmem>> -> memref<1x32x128xf32, #tpu.memory_space<vmem>>
      %dma_wait3A_1335 = tpu.memref_squeeze %dma_wait3A_1334 : memref<1x32x128xf32, #tpu.memory_space<vmem>> -> memref<32x128xf32, #tpu.memory_space<vmem>>
      %dma_wait3A_1336 = arith.constant 0 : i32
      %dma_wait3A_1337 = arith.constant 0 : i32
      %dma_wait3A_1338 = tpu.memref_slice %arg5[%dma_wait3A_1336, %dma_wait3A_1337] : memref<32x1000000xf32, #tpu.memory_space<hbm>> -> memref<32x128xf32, #tpu.memory_space<hbm>>
      %dma_wait3A_1339 = tpu.memref_slice %arg16[%dma_wait3A_1331] : memref<8x!tpu.dma_semaphore, #tpu.memory_space<semaphore_mem>> -> memref<1x!tpu.dma_semaphore, #tpu.memory_space<semaphore_mem>>
      %dma_wait3A_1340 = tpu.memref_squeeze %dma_wait3A_1339 : memref<1x!tpu.dma_semaphore, #tpu.memory_space<semaphore_mem>> -> memref<!tpu.dma_semaphore, #tpu.memory_space<semaphore_mem>>
      %dma_wait3A_1341 = arith.constant 0 : i32
      %dma_wait3A_1342 = arith.constant 0 : i32
      %dma_wait3A_1343 = tpu.memref_slice %arg14[%dma_wait3A_1330, %dma_wait3A_1341, %dma_wait3A_1342] : memref<9x32x128xf32, #tpu.memory_space<vmem>> -> memref<1x32x128xf32, #tpu.memory_space<vmem>>
      %dma_wait3A_1344 = tpu.memref_squeeze %dma_wait3A_1343 : memref<1x32x128xf32, #tpu.memory_space<vmem>> -> memref<32x128xf32, #tpu.memory_space<vmem>>
      %dma_wait3A_1345 = arith.constant 0 : i32
      %dma_wait3A_1346 = arith.constant 0 : i32
      %dma_wait3A_1347 = tpu.memref_slice %arg5[%dma_wait3A_1345, %dma_wait3A_1346] : memref<32x1000000xf32, #tpu.memory_space<hbm>> -> memref<32x128xf32, #tpu.memory_space<hbm>>
      tpu.wait_dma2 semaphore(%dma_wait3A_1340 : memref<!tpu.dma_semaphore, #tpu.memory_space<semaphore_mem>>) src(%dma_wait3A_1347 : memref<32x128xf32, #tpu.memory_space<hbm>>) dst(%dma_wait3A_1344 : memref<32x128xf32, #tpu.memory_space<vmem>>)
      %dma_wait3A_1348 = arith.constant 7 : i32
      %dma_wait3A_1349 = arith.constant 7 : i32
      %dma_wait3A_1350 = arith.constant 0 : i32
      %dma_wait3A_1351 = arith.constant 0 : i32
      %dma_wait3A_1352 = tpu.memref_slice %arg15[%dma_wait3A_1348, %dma_wait3A_1350, %dma_wait3A_1351] : memref<9x32x128xf32, #tpu.memory_space<vmem>> -> memref<1x32x128xf32, #tpu.memory_space<vmem>>
      %dma_wait3A_1353 = tpu.memref_squeeze %dma_wait3A_1352 : memref<1x32x128xf32, #tpu.memory_space<vmem>> -> memref<32x128xf32, #tpu.memory_space<vmem>>
      %dma_wait3A_1354 = arith.constant 0 : i32
      %dma_wait3A_1355 = arith.constant 0 : i32
      %dma_wait3A_1356 = tpu.memref_slice %arg6[%dma_wait3A_1354, %dma_wait3A_1355] : memref<32x1000000xf32, #tpu.memory_space<hbm>> -> memref<32x128xf32, #tpu.memory_space<hbm>>
      %dma_wait3A_1357 = tpu.memref_slice %arg17[%dma_wait3A_1349] : memref<8x!tpu.dma_semaphore, #tpu.memory_space<semaphore_mem>> -> memref<1x!tpu.dma_semaphore, #tpu.memory_space<semaphore_mem>>
      %dma_wait3A_1358 = tpu.memref_squeeze %dma_wait3A_1357 : memref<1x!tpu.dma_semaphore, #tpu.memory_space<semaphore_mem>> -> memref<!tpu.dma_semaphore, #tpu.memory_space<semaphore_mem>>
      %dma_wait3A_1359 = arith.constant 0 : i32
      %dma_wait3A_1360 = arith.constant 0 : i32
      %dma_wait3A_1361 = tpu.memref_slice %arg15[%dma_wait3A_1348, %dma_wait3A_1359, %dma_wait3A_1360] : memref<9x32x128xf32, #tpu.memory_space<vmem>> -> memref<1x32x128xf32, #tpu.memory_space<vmem>>
      %dma_wait3A_1362 = tpu.memref_squeeze %dma_wait3A_1361 : memref<1x32x128xf32, #tpu.memory_space<vmem>> -> memref<32x128xf32, #tpu.memory_space<vmem>>
      %dma_wait3A_1363 = arith.constant 0 : i32
      %dma_wait3A_1364 = arith.constant 0 : i32
      %dma_wait3A_1365 = tpu.memref_slice %arg6[%dma_wait3A_1363, %dma_wait3A_1364] : memref<32x1000000xf32, #tpu.memory_space<hbm>> -> memref<32x128xf32, #tpu.memory_space<hbm>>
      tpu.wait_dma2 semaphore(%dma_wait3A_1358 : memref<!tpu.dma_semaphore, #tpu.memory_space<semaphore_mem>>) src(%dma_wait3A_1365 : memref<32x128xf32, #tpu.memory_space<hbm>>) dst(%dma_wait3A_1362 : memref<32x128xf32, #tpu.memory_space<vmem>>)
      %slice3A_1366 = vector.extract_strided_slice %get3A_414 {offsets = [7], sizes = [1], strides = [1]} : vector<16xi32> to vector<1xi32>
      %squeeze3A_1367 = vector.extract %slice3A_1366[0] : i32 from vector<1xi32>
      %slice3A_1368 = vector.extract_strided_slice %get3A_416 {offsets = [7], sizes = [1], strides = [1]} : vector<16xi32> to vector<1xi32>
      %squeeze3A_1369 = vector.extract %slice3A_1368[0] : i32 from vector<1xi32>
      %ge3A_1370 = arith.constant 999936 : i32
      %ge3A_1371 = arith.cmpi sge, %squeeze3A_1367, %ge3A_1370 : i32
      %ge3A_1372 = arith.constant 999936 : i32
      %ge3A_1373 = arith.cmpi sge, %squeeze3A_1369, %ge3A_1372 : i32
      %jit3A_1374 = arith.constant 8 : i32
      %jit3A_1375 = arith.constant 7 : i32
      %select_n3A_1376 = arith.select %ge3A_1371, %jit3A_1374, %jit3A_1375 : i32
      %broadcast_in_dim3A_1377 = vector.broadcast %select_n3A_1376 : i32 to vector<16xi32>
      %jit3A_1378 = arith.constant 8 : i32
      %jit3A_1379 = arith.constant 7 : i32
      %select_n3A_1380 = arith.select %ge3A_1373, %jit3A_1378, %jit3A_1379 : i32
      %broadcast_in_dim3A_1381 = vector.broadcast %select_n3A_1380 : i32 to vector<16xi32>
      %sub3A_1382 = arith.constant 999872 : i32
      %sub3A_1383 = arith.subi %squeeze3A_1367, %sub3A_1382 : i32
      %and3A_1384 = arith.constant 127 : i32
      %and3A_1385 = arith.andi %squeeze3A_1367, %and3A_1384 : i32
      %select_n3A_1386 = arith.select %ge3A_1371, %sub3A_1383, %and3A_1385 : i32
      %broadcast_in_dim3A_1387 = vector.broadcast %select_n3A_1386 : i32 to vector<16xi32>
      %sub3A_1388 = arith.constant 999872 : i32
      %sub3A_1389 = arith.subi %squeeze3A_1369, %sub3A_1388 : i32
      %and3A_1390 = arith.constant 127 : i32
      %and3A_1391 = arith.andi %squeeze3A_1369, %and3A_1390 : i32
      %select_n3A_1392 = arith.select %ge3A_1373, %sub3A_1389, %and3A_1391 : i32
      %broadcast_in_dim3A_1393 = vector.broadcast %select_n3A_1392 : i32 to vector<16xi32>
      %gather3A_1394 = tpu.vector_load_idx %arg14[%broadcast_in_dim3A_1377, %iota3A, %broadcast_in_dim3A_1387] : memref<9x32x128xf32, #tpu.memory_space<vmem>>[vector<16xi32>, vector<16xi32>, vector<16xi32>], vector<16xf32>,
      %gather3A_1395 = tpu.vector_load_idx %arg14[%broadcast_in_dim3A_1377, %add3A_6, %broadcast_in_dim3A_1387] : memref<9x32x128xf32, #tpu.memory_space<vmem>>[vector<16xi32>, vector<16xi32>, vector<16xi32>], vector<16xf32>,
      %gather3A_1396 = tpu.vector_load_idx %arg15[%broadcast_in_dim3A_1381, %iota3A, %broadcast_in_dim3A_1393] : memref<9x32x128xf32, #tpu.memory_space<vmem>>[vector<16xi32>, vector<16xi32>, vector<16xi32>], vector<16xf32>,
      %gather3A_1397 = tpu.vector_load_idx %arg15[%broadcast_in_dim3A_1381, %add3A_6, %broadcast_in_dim3A_1393] : memref<9x32x128xf32, #tpu.memory_space<vmem>>[vector<16xi32>, vector<16xi32>, vector<16xi32>], vector<16xf32>,
      %mul3A_1398 = arith.mulf %gather3A_1394, %gather3A_1396 : vector<16xf32>
      %mul3A_1399 = arith.mulf %gather3A_1395, %gather3A_1397 : vector<16xf32>
      %add3A_1400 = arith.addf %mul3A_1398, %mul3A_1399 : vector<16xf32>
      %reduce_sum3A_1401 = arith.constant true
      %reduce_sum3A_1402 = vector.broadcast %reduce_sum3A_1401 : i1 to vector<16xi1>
      %reduce_sum3A_1403 = tpu.scan <sum>, %add3A_1400 masked %reduce_sum3A_1402 : vector<16xf32>, vector<16xi1> -> vector<16xf32>
      %reduce_sum3A_1404 = vector.extract %reduce_sum3A_1403[15] : f32 from vector<16xf32>
      %eq3A_1405 = arith.constant 7 : i32
      %eq3A_1406 = vector.broadcast %eq3A_1405 : i32 to vector<16xi32>
      %eq3A_1407 = arith.cmpi eq, %iota3A, %eq3A_1406 : vector<16xi32>
      %broadcast_in_dim3A_1408 = vector.broadcast %reduce_sum3A_1404 : f32 to vector<16xf32>
      %select_n3A_1409 = arith.select %eq3A_1407, %broadcast_in_dim3A_1408, %select_n3A_1279 : vector<16xi1>, vector<16xf32>
      %slice3A_1410 = vector.extract_strided_slice %get3A_414 {offsets = [15], sizes = [1], strides = [1]} : vector<16xi32> to vector<1xi32>
      %squeeze3A_1411 = vector.extract %slice3A_1410[0] : i32 from vector<1xi32>
      %shift_right_arithmetic3A_1412 = arith.constant 7 : i32
      %shift_right_arithmetic3A_1413 = arith.shrsi %squeeze3A_1411, %shift_right_arithmetic3A_1412 : i32
      %min3A_1414 = arith.constant 7811 : i32
      %min3A_1415 = arith.minsi %shift_right_arithmetic3A_1413, %min3A_1414 : i32
      %mul3A_1416 = arith.constant 128 : i32
      %mul3A_1417 = arith.muli %min3A_1415, %mul3A_1416 : i32
      %multiple_of3A_1418 = tpu.assume_multiple %mul3A_1417, 128 : i32
      %dma_start3A_1419 = arith.constant 7 : i32
      %dma_start3A_1420 = arith.constant 7 : i32
      %dma_start3A_1421 = arith.constant 0 : i32
      %dma_start3A_1422 = arith.constant 0 : i32
      %dma_start3A_1423 = tpu.memref_slice %arg14[%dma_start3A_1419, %dma_start3A_1421, %dma_start3A_1422] : memref<9x32x128xf32, #tpu.memory_space<vmem>> -> memref<1x32x128xf32, #tpu.memory_space<vmem>>
      %dma_start3A_1424 = tpu.memref_squeeze %dma_start3A_1423 : memref<1x32x128xf32, #tpu.memory_space<vmem>> -> memref<32x128xf32, #tpu.memory_space<vmem>>
      %dma_start3A_1425 = arith.constant 0 : i32
      %dma_start3A_1426 = tpu.memref_slice %arg5[%dma_start3A_1425, %multiple_of3A_1418] : memref<32x1000000xf32, #tpu.memory_space<hbm>> -> memref<32x128xf32, #tpu.memory_space<hbm>>
      %dma_start3A_1427 = tpu.memref_slice %arg16[%dma_start3A_1420] : memref<8x!tpu.dma_semaphore, #tpu.memory_space<semaphore_mem>> -> memref<1x!tpu.dma_semaphore, #tpu.memory_space<semaphore_mem>>
      %dma_start3A_1428 = tpu.memref_squeeze %dma_start3A_1427 : memref<1x!tpu.dma_semaphore, #tpu.memory_space<semaphore_mem>> -> memref<!tpu.dma_semaphore, #tpu.memory_space<semaphore_mem>>
      %dma_start3A_1429 = arith.constant 0 : i32
      %dma_start3A_1430 = arith.constant 0 : i32
      %dma_start3A_1431 = tpu.memref_slice %arg14[%dma_start3A_1419, %dma_start3A_1429, %dma_start3A_1430] : memref<9x32x128xf32, #tpu.memory_space<vmem>> -> memref<1x32x128xf32, #tpu.memory_space<vmem>>
      %dma_start3A_1432 = tpu.memref_squeeze %dma_start3A_1431 : memref<1x32x128xf32, #tpu.memory_space<vmem>> -> memref<32x128xf32, #tpu.memory_space<vmem>>
      %dma_start3A_1433 = arith.constant 0 : i32
      %dma_start3A_1434 = tpu.memref_slice %arg5[%dma_start3A_1433, %multiple_of3A_1418] : memref<32x1000000xf32, #tpu.memory_space<hbm>> -> memref<32x128xf32, #tpu.memory_space<hbm>>
      tpu.enqueue_dma source(%dma_start3A_1434 : memref<32x128xf32, #tpu.memory_space<hbm>>) target(%dma_start3A_1432 : memref<32x128xf32, #tpu.memory_space<vmem>>) target_semaphore(%dma_start3A_1428 : memref<!tpu.dma_semaphore, #tpu.memory_space<semaphore_mem>>)
      %slice3A_1435 = vector.extract_strided_slice %get3A_416 {offsets = [15], sizes = [1], strides = [1]} : vector<16xi32> to vector<1xi32>
      %squeeze3A_1436 = vector.extract %slice3A_1435[0] : i32 from vector<1xi32>
      %shift_right_arithmetic3A_1437 = arith.constant 7 : i32
      %shift_right_arithmetic3A_1438 = arith.shrsi %squeeze3A_1436, %shift_right_arithmetic3A_1437 : i32
      %min3A_1439 = arith.constant 7811 : i32
      %min3A_1440 = arith.minsi %shift_right_arithmetic3A_1438, %min3A_1439 : i32
      %mul3A_1441 = arith.constant 128 : i32
      %mul3A_1442 = arith.muli %min3A_1440, %mul3A_1441 : i32
      %multiple_of3A_1443 = tpu.assume_multiple %mul3A_1442, 128 : i32
      %dma_start3A_1444 = arith.constant 7 : i32
      %dma_start3A_1445 = arith.constant 7 : i32
      %dma_start3A_1446 = arith.constant 0 : i32
      %dma_start3A_1447 = arith.constant 0 : i32
      %dma_start3A_1448 = tpu.memref_slice %arg15[%dma_start3A_1444, %dma_start3A_1446, %dma_start3A_1447] : memref<9x32x128xf32, #tpu.memory_space<vmem>> -> memref<1x32x128xf32, #tpu.memory_space<vmem>>
      %dma_start3A_1449 = tpu.memref_squeeze %dma_start3A_1448 : memref<1x32x128xf32, #tpu.memory_space<vmem>> -> memref<32x128xf32, #tpu.memory_space<vmem>>
      %dma_start3A_1450 = arith.constant 0 : i32
      %dma_start3A_1451 = tpu.memref_slice %arg6[%dma_start3A_1450, %multiple_of3A_1443] : memref<32x1000000xf32, #tpu.memory_space<hbm>> -> memref<32x128xf32, #tpu.memory_space<hbm>>
      %dma_start3A_1452 = tpu.memref_slice %arg17[%dma_start3A_1445] : memref<8x!tpu.dma_semaphore, #tpu.memory_space<semaphore_mem>> -> memref<1x!tpu.dma_semaphore, #tpu.memory_space<semaphore_mem>>
      %dma_start3A_1453 = tpu.memref_squeeze %dma_start3A_1452 : memref<1x!tpu.dma_semaphore, #tpu.memory_space<semaphore_mem>> -> memref<!tpu.dma_semaphore, #tpu.memory_space<semaphore_mem>>
      %dma_start3A_1454 = arith.constant 0 : i32
      %dma_start3A_1455 = arith.constant 0 : i32
      %dma_start3A_1456 = tpu.memref_slice %arg15[%dma_start3A_1444, %dma_start3A_1454, %dma_start3A_1455] : memref<9x32x128xf32, #tpu.memory_space<vmem>> -> memref<1x32x128xf32, #tpu.memory_space<vmem>>
      %dma_start3A_1457 = tpu.memref_squeeze %dma_start3A_1456 : memref<1x32x128xf32, #tpu.memory_space<vmem>> -> memref<32x128xf32, #tpu.memory_space<vmem>>
      %dma_start3A_1458 = arith.constant 0 : i32
      %dma_start3A_1459 = tpu.memref_slice %arg6[%dma_start3A_1458, %multiple_of3A_1443] : memref<32x1000000xf32, #tpu.memory_space<hbm>> -> memref<32x128xf32, #tpu.memory_space<hbm>>
      tpu.enqueue_dma source(%dma_start3A_1459 : memref<32x128xf32, #tpu.memory_space<hbm>>) target(%dma_start3A_1457 : memref<32x128xf32, #tpu.memory_space<vmem>>) target_semaphore(%dma_start3A_1453 : memref<!tpu.dma_semaphore, #tpu.memory_space<semaphore_mem>>)
      %dma_wait3A_1460 = arith.constant 0 : i32
      %dma_wait3A_1461 = arith.constant 0 : i32
      %dma_wait3A_1462 = arith.constant 0 : i32
      %dma_wait3A_1463 = arith.constant 0 : i32
      %dma_wait3A_1464 = tpu.memref_slice %arg14[%dma_wait3A_1460, %dma_wait3A_1462, %dma_wait3A_1463] : memref<9x32x128xf32, #tpu.memory_space<vmem>> -> memref<1x32x128xf32, #tpu.memory_space<vmem>>
      %dma_wait3A_1465 = tpu.memref_squeeze %dma_wait3A_1464 : memref<1x32x128xf32, #tpu.memory_space<vmem>> -> memref<32x128xf32, #tpu.memory_space<vmem>>
      %dma_wait3A_1466 = arith.constant 0 : i32
      %dma_wait3A_1467 = arith.constant 0 : i32
      %dma_wait3A_1468 = tpu.memref_slice %arg5[%dma_wait3A_1466, %dma_wait3A_1467] : memref<32x1000000xf32, #tpu.memory_space<hbm>> -> memref<32x128xf32, #tpu.memory_space<hbm>>
      %dma_wait3A_1469 = tpu.memref_slice %arg16[%dma_wait3A_1461] : memref<8x!tpu.dma_semaphore, #tpu.memory_space<semaphore_mem>> -> memref<1x!tpu.dma_semaphore, #tpu.memory_space<semaphore_mem>>
      %dma_wait3A_1470 = tpu.memref_squeeze %dma_wait3A_1469 : memref<1x!tpu.dma_semaphore, #tpu.memory_space<semaphore_mem>> -> memref<!tpu.dma_semaphore, #tpu.memory_space<semaphore_mem>>
      %dma_wait3A_1471 = arith.constant 0 : i32
      %dma_wait3A_1472 = arith.constant 0 : i32
      %dma_wait3A_1473 = tpu.memref_slice %arg14[%dma_wait3A_1460, %dma_wait3A_1471, %dma_wait3A_1472] : memref<9x32x128xf32, #tpu.memory_space<vmem>> -> memref<1x32x128xf32, #tpu.memory_space<vmem>>
      %dma_wait3A_1474 = tpu.memref_squeeze %dma_wait3A_1473 : memref<1x32x128xf32, #tpu.memory_space<vmem>> -> memref<32x128xf32, #tpu.memory_space<vmem>>
      %dma_wait3A_1475 = arith.constant 0 : i32
      %dma_wait3A_1476 = arith.constant 0 : i32
      %dma_wait3A_1477 = tpu.memref_slice %arg5[%dma_wait3A_1475, %dma_wait3A_1476] : memref<32x1000000xf32, #tpu.memory_space<hbm>> -> memref<32x128xf32, #tpu.memory_space<hbm>>
      tpu.wait_dma2 semaphore(%dma_wait3A_1470 : memref<!tpu.dma_semaphore, #tpu.memory_space<semaphore_mem>>) src(%dma_wait3A_1477 : memref<32x128xf32, #tpu.memory_space<hbm>>) dst(%dma_wait3A_1474 : memref<32x128xf32, #tpu.memory_space<vmem>>)
      %dma_wait3A_1478 = arith.constant 0 : i32
      %dma_wait3A_1479 = arith.constant 0 : i32
      %dma_wait3A_1480 = arith.constant 0 : i32
      %dma_wait3A_1481 = arith.constant 0 : i32
      %dma_wait3A_1482 = tpu.memref_slice %arg15[%dma_wait3A_1478, %dma_wait3A_1480, %dma_wait3A_1481] : memref<9x32x128xf32, #tpu.memory_space<vmem>> -> memref<1x32x128xf32, #tpu.memory_space<vmem>>
      %dma_wait3A_1483 = tpu.memref_squeeze %dma_wait3A_1482 : memref<1x32x128xf32, #tpu.memory_space<vmem>> -> memref<32x128xf32, #tpu.memory_space<vmem>>
      %dma_wait3A_1484 = arith.constant 0 : i32
      %dma_wait3A_1485 = arith.constant 0 : i32
      %dma_wait3A_1486 = tpu.memref_slice %arg6[%dma_wait3A_1484, %dma_wait3A_1485] : memref<32x1000000xf32, #tpu.memory_space<hbm>> -> memref<32x128xf32, #tpu.memory_space<hbm>>
      %dma_wait3A_1487 = tpu.memref_slice %arg17[%dma_wait3A_1479] : memref<8x!tpu.dma_semaphore, #tpu.memory_space<semaphore_mem>> -> memref<1x!tpu.dma_semaphore, #tpu.memory_space<semaphore_mem>>
      %dma_wait3A_1488 = tpu.memref_squeeze %dma_wait3A_1487 : memref<1x!tpu.dma_semaphore, #tpu.memory_space<semaphore_mem>> -> memref<!tpu.dma_semaphore, #tpu.memory_space<semaphore_mem>>
      %dma_wait3A_1489 = arith.constant 0 : i32
      %dma_wait3A_1490 = arith.constant 0 : i32
      %dma_wait3A_1491 = tpu.memref_slice %arg15[%dma_wait3A_1478, %dma_wait3A_1489, %dma_wait3A_1490] : memref<9x32x128xf32, #tpu.memory_space<vmem>> -> memref<1x32x128xf32, #tpu.memory_space<vmem>>
      %dma_wait3A_1492 = tpu.memref_squeeze %dma_wait3A_1491 : memref<1x32x128xf32, #tpu.memory_space<vmem>> -> memref<32x128xf32, #tpu.memory_space<vmem>>
      %dma_wait3A_1493 = arith.constant 0 : i32
      %dma_wait3A_1494 = arith.constant 0 : i32
      %dma_wait3A_1495 = tpu.memref_slice %arg6[%dma_wait3A_1493, %dma_wait3A_1494] : memref<32x1000000xf32, #tpu.memory_space<hbm>> -> memref<32x128xf32, #tpu.memory_space<hbm>>
      tpu.wait_dma2 semaphore(%dma_wait3A_1488 : memref<!tpu.dma_semaphore, #tpu.memory_space<semaphore_mem>>) src(%dma_wait3A_1495 : memref<32x128xf32, #tpu.memory_space<hbm>>) dst(%dma_wait3A_1492 : memref<32x128xf32, #tpu.memory_space<vmem>>)
      %slice3A_1496 = vector.extract_strided_slice %get3A_414 {offsets = [8], sizes = [1], strides = [1]} : vector<16xi32> to vector<1xi32>
      %squeeze3A_1497 = vector.extract %slice3A_1496[0] : i32 from vector<1xi32>
      %slice3A_1498 = vector.extract_strided_slice %get3A_416 {offsets = [8], sizes = [1], strides = [1]} : vector<16xi32> to vector<1xi32>
      %squeeze3A_1499 = vector.extract %slice3A_1498[0] : i32 from vector<1xi32>
      %ge3A_1500 = arith.constant 999936 : i32
      %ge3A_1501 = arith.cmpi sge, %squeeze3A_1497, %ge3A_1500 : i32
      %ge3A_1502 = arith.constant 999936 : i32
      %ge3A_1503 = arith.cmpi sge, %squeeze3A_1499, %ge3A_1502 : i32
      %jit3A_1504 = arith.constant 8 : i32
      %jit3A_1505 = arith.constant 0 : i32
      %select_n3A_1506 = arith.select %ge3A_1501, %jit3A_1504, %jit3A_1505 : i32
      %broadcast_in_dim3A_1507 = vector.broadcast %select_n3A_1506 : i32 to vector<16xi32>
      %jit3A_1508 = arith.constant 8 : i32
      %jit3A_1509 = arith.constant 0 : i32
      %select_n3A_1510 = arith.select %ge3A_1503, %jit3A_1508, %jit3A_1509 : i32
      %broadcast_in_dim3A_1511 = vector.broadcast %select_n3A_1510 : i32 to vector<16xi32>
      %sub3A_1512 = arith.constant 999872 : i32
      %sub3A_1513 = arith.subi %squeeze3A_1497, %sub3A_1512 : i32
      %and3A_1514 = arith.constant 127 : i32
      %and3A_1515 = arith.andi %squeeze3A_1497, %and3A_1514 : i32
      %select_n3A_1516 = arith.select %ge3A_1501, %sub3A_1513, %and3A_1515 : i32
      %broadcast_in_dim3A_1517 = vector.broadcast %select_n3A_1516 : i32 to vector<16xi32>
      %sub3A_1518 = arith.constant 999872 : i32
      %sub3A_1519 = arith.subi %squeeze3A_1499, %sub3A_1518 : i32
      %and3A_1520 = arith.constant 127 : i32
      %and3A_1521 = arith.andi %squeeze3A_1499, %and3A_1520 : i32
      %select_n3A_1522 = arith.select %ge3A_1503, %sub3A_1519, %and3A_1521 : i32
      %broadcast_in_dim3A_1523 = vector.broadcast %select_n3A_1522 : i32 to vector<16xi32>
      %gather3A_1524 = tpu.vector_load_idx %arg14[%broadcast_in_dim3A_1507, %iota3A, %broadcast_in_dim3A_1517] : memref<9x32x128xf32, #tpu.memory_space<vmem>>[vector<16xi32>, vector<16xi32>, vector<16xi32>], vector<16xf32>,
      %gather3A_1525 = tpu.vector_load_idx %arg14[%broadcast_in_dim3A_1507, %add3A_6, %broadcast_in_dim3A_1517] : memref<9x32x128xf32, #tpu.memory_space<vmem>>[vector<16xi32>, vector<16xi32>, vector<16xi32>], vector<16xf32>,
      %gather3A_1526 = tpu.vector_load_idx %arg15[%broadcast_in_dim3A_1511, %iota3A, %broadcast_in_dim3A_1523] : memref<9x32x128xf32, #tpu.memory_space<vmem>>[vector<16xi32>, vector<16xi32>, vector<16xi32>], vector<16xf32>,
      %gather3A_1527 = tpu.vector_load_idx %arg15[%broadcast_in_dim3A_1511, %add3A_6, %broadcast_in_dim3A_1523] : memref<9x32x128xf32, #tpu.memory_space<vmem>>[vector<16xi32>, vector<16xi32>, vector<16xi32>], vector<16xf32>,
      %mul3A_1528 = arith.mulf %gather3A_1524, %gather3A_1526 : vector<16xf32>
      %mul3A_1529 = arith.mulf %gather3A_1525, %gather3A_1527 : vector<16xf32>
      %add3A_1530 = arith.addf %mul3A_1528, %mul3A_1529 : vector<16xf32>
      %reduce_sum3A_1531 = arith.constant true
      %reduce_sum3A_1532 = vector.broadcast %reduce_sum3A_1531 : i1 to vector<16xi1>
      %reduce_sum3A_1533 = tpu.scan <sum>, %add3A_1530 masked %reduce_sum3A_1532 : vector<16xf32>, vector<16xi1> -> vector<16xf32>
      %reduce_sum3A_1534 = vector.extract %reduce_sum3A_1533[15] : f32 from vector<16xf32>
      %eq3A_1535 = arith.constant 8 : i32
      %eq3A_1536 = vector.broadcast %eq3A_1535 : i32 to vector<16xi32>
      %eq3A_1537 = arith.cmpi eq, %iota3A, %eq3A_1536 : vector<16xi32>
      %broadcast_in_dim3A_1538 = vector.broadcast %reduce_sum3A_1534 : f32 to vector<16xf32>
      %select_n3A_1539 = arith.select %eq3A_1537, %broadcast_in_dim3A_1538, %select_n3A_1409 : vector<16xi1>, vector<16xf32>
      %lt3A = arith.constant 31 : i32
      %lt3A_1540 = arith.cmpi slt, %scan3A_409, %lt3A : i32
      %convert_element_type3A = arith.extui %lt3A_1540 : i1 to i32
      %cond3A = arith.constant 0 : i32
      %cond3A_1541 = arith.cmpi ne, %convert_element_type3A, %cond3A : i32
      scf.if %cond3A_1541 {
        %slice3A_2148 = vector.extract_strided_slice %get3A_425 {offsets = [0], sizes = [1], strides = [1]} : vector<16xi32> to vector<1xi32>
        %squeeze3A_2149 = vector.extract %slice3A_2148[0] : i32 from vector<1xi32>
        %shift_right_arithmetic3A_2150 = arith.constant 7 : i32
        %shift_right_arithmetic3A_2151 = arith.shrsi %squeeze3A_2149, %shift_right_arithmetic3A_2150 : i32
        %min3A_2152 = arith.constant 7811 : i32
        %min3A_2153 = arith.minsi %shift_right_arithmetic3A_2151, %min3A_2152 : i32
        %mul3A_2154 = arith.constant 128 : i32
        %mul3A_2155 = arith.muli %min3A_2153, %mul3A_2154 : i32
        %multiple_of3A_2156 = tpu.assume_multiple %mul3A_2155, 128 : i32
        %dma_start3A_2157 = arith.constant 0 : i32
        %dma_start3A_2158 = arith.constant 0 : i32
        %dma_start3A_2159 = arith.constant 0 : i32
        %dma_start3A_2160 = arith.constant 0 : i32
        %dma_start3A_2161 = tpu.memref_slice %arg14[%dma_start3A_2157, %dma_start3A_2159, %dma_start3A_2160] : memref<9x32x128xf32, #tpu.memory_space<vmem>> -> memref<1x32x128xf32, #tpu.memory_space<vmem>>
        %dma_start3A_2162 = tpu.memref_squeeze %dma_start3A_2161 : memref<1x32x128xf32, #tpu.memory_space<vmem>> -> memref<32x128xf32, #tpu.memory_space<vmem>>
        %dma_start3A_2163 = arith.constant 0 : i32
        %dma_start3A_2164 = tpu.memref_slice %arg5[%dma_start3A_2163, %multiple_of3A_2156] : memref<32x1000000xf32, #tpu.memory_space<hbm>> -> memref<32x128xf32, #tpu.memory_space<hbm>>
        %dma_start3A_2165 = tpu.memref_slice %arg16[%dma_start3A_2158] : memref<8x!tpu.dma_semaphore, #tpu.memory_space<semaphore_mem>> -> memref<1x!tpu.dma_semaphore, #tpu.memory_space<semaphore_mem>>
        %dma_start3A_2166 = tpu.memref_squeeze %dma_start3A_2165 : memref<1x!tpu.dma_semaphore, #tpu.memory_space<semaphore_mem>> -> memref<!tpu.dma_semaphore, #tpu.memory_space<semaphore_mem>>
        %dma_start3A_2167 = arith.constant 0 : i32
        %dma_start3A_2168 = arith.constant 0 : i32
        %dma_start3A_2169 = tpu.memref_slice %arg14[%dma_start3A_2157, %dma_start3A_2167, %dma_start3A_2168] : memref<9x32x128xf32, #tpu.memory_space<vmem>> -> memref<1x32x128xf32, #tpu.memory_space<vmem>>
        %dma_start3A_2170 = tpu.memref_squeeze %dma_start3A_2169 : memref<1x32x128xf32, #tpu.memory_space<vmem>> -> memref<32x128xf32, #tpu.memory_space<vmem>>
        %dma_start3A_2171 = arith.constant 0 : i32
        %dma_start3A_2172 = tpu.memref_slice %arg5[%dma_start3A_2171, %multiple_of3A_2156] : memref<32x1000000xf32, #tpu.memory_space<hbm>> -> memref<32x128xf32, #tpu.memory_space<hbm>>
        tpu.enqueue_dma source(%dma_start3A_2172 : memref<32x128xf32, #tpu.memory_space<hbm>>) target(%dma_start3A_2170 : memref<32x128xf32, #tpu.memory_space<vmem>>) target_semaphore(%dma_start3A_2166 : memref<!tpu.dma_semaphore, #tpu.memory_space<semaphore_mem>>)
        %slice3A_2173 = vector.extract_strided_slice %get3A_427 {offsets = [0], sizes = [1], strides = [1]} : vector<16xi32> to vector<1xi32>
        %squeeze3A_2174 = vector.extract %slice3A_2173[0] : i32 from vector<1xi32>
        %shift_right_arithmetic3A_2175 = arith.constant 7 : i32
        %shift_right_arithmetic3A_2176 = arith.shrsi %squeeze3A_2174, %shift_right_arithmetic3A_2175 : i32
        %min3A_2177 = arith.constant 7811 : i32
        %min3A_2178 = arith.minsi %shift_right_arithmetic3A_2176, %min3A_2177 : i32
        %mul3A_2179 = arith.constant 128 : i32
        %mul3A_2180 = arith.muli %min3A_2178, %mul3A_2179 : i32
        %multiple_of3A_2181 = tpu.assume_multiple %mul3A_2180, 128 : i32
        %dma_start3A_2182 = arith.constant 0 : i32
        %dma_start3A_2183 = arith.constant 0 : i32
        %dma_start3A_2184 = arith.constant 0 : i32
        %dma_start3A_2185 = arith.constant 0 : i32
        %dma_start3A_2186 = tpu.memref_slice %arg15[%dma_start3A_2182, %dma_start3A_2184, %dma_start3A_2185] : memref<9x32x128xf32, #tpu.memory_space<vmem>> -> memref<1x32x128xf32, #tpu.memory_space<vmem>>
        %dma_start3A_2187 = tpu.memref_squeeze %dma_start3A_2186 : memref<1x32x128xf32, #tpu.memory_space<vmem>> -> memref<32x128xf32, #tpu.memory_space<vmem>>
        %dma_start3A_2188 = arith.constant 0 : i32
        %dma_start3A_2189 = tpu.memref_slice %arg6[%dma_start3A_2188, %multiple_of3A_2181] : memref<32x1000000xf32, #tpu.memory_space<hbm>> -> memref<32x128xf32, #tpu.memory_space<hbm>>
        %dma_start3A_2190 = tpu.memref_slice %arg17[%dma_start3A_2183] : memref<8x!tpu.dma_semaphore, #tpu.memory_space<semaphore_mem>> -> memref<1x!tpu.dma_semaphore, #tpu.memory_space<semaphore_mem>>
        %dma_start3A_2191 = tpu.memref_squeeze %dma_start3A_2190 : memref<1x!tpu.dma_semaphore, #tpu.memory_space<semaphore_mem>> -> memref<!tpu.dma_semaphore, #tpu.memory_space<semaphore_mem>>
        %dma_start3A_2192 = arith.constant 0 : i32
        %dma_start3A_2193 = arith.constant 0 : i32
        %dma_start3A_2194 = tpu.memref_slice %arg15[%dma_start3A_2182, %dma_start3A_2192, %dma_start3A_2193] : memref<9x32x128xf32, #tpu.memory_space<vmem>> -> memref<1x32x128xf32, #tpu.memory_space<vmem>>
        %dma_start3A_2195 = tpu.memref_squeeze %dma_start3A_2194 : memref<1x32x128xf32, #tpu.memory_space<vmem>> -> memref<32x128xf32, #tpu.memory_space<vmem>>
        %dma_start3A_2196 = arith.constant 0 : i32
        %dma_start3A_2197 = tpu.memref_slice %arg6[%dma_start3A_2196, %multiple_of3A_2181] : memref<32x1000000xf32, #tpu.memory_space<hbm>> -> memref<32x128xf32, #tpu.memory_space<hbm>>
        tpu.enqueue_dma source(%dma_start3A_2197 : memref<32x128xf32, #tpu.memory_space<hbm>>) target(%dma_start3A_2195 : memref<32x128xf32, #tpu.memory_space<vmem>>) target_semaphore(%dma_start3A_2191 : memref<!tpu.dma_semaphore, #tpu.memory_space<semaphore_mem>>)
      } else {
      }
      %dma_wait3A_1542 = arith.constant 1 : i32
      %dma_wait3A_1543 = arith.constant 1 : i32
      %dma_wait3A_1544 = arith.constant 0 : i32
      %dma_wait3A_1545 = arith.constant 0 : i32
      %dma_wait3A_1546 = tpu.memref_slice %arg14[%dma_wait3A_1542, %dma_wait3A_1544, %dma_wait3A_1545] : memref<9x32x128xf32, #tpu.memory_space<vmem>> -> memref<1x32x128xf32, #tpu.memory_space<vmem>>
      %dma_wait3A_1547 = tpu.memref_squeeze %dma_wait3A_1546 : memref<1x32x128xf32, #tpu.memory_space<vmem>> -> memref<32x128xf32, #tpu.memory_space<vmem>>
      %dma_wait3A_1548 = arith.constant 0 : i32
      %dma_wait3A_1549 = arith.constant 0 : i32
      %dma_wait3A_1550 = tpu.memref_slice %arg5[%dma_wait3A_1548, %dma_wait3A_1549] : memref<32x1000000xf32, #tpu.memory_space<hbm>> -> memref<32x128xf32, #tpu.memory_space<hbm>>
      %dma_wait3A_1551 = tpu.memref_slice %arg16[%dma_wait3A_1543] : memref<8x!tpu.dma_semaphore, #tpu.memory_space<semaphore_mem>> -> memref<1x!tpu.dma_semaphore, #tpu.memory_space<semaphore_mem>>
      %dma_wait3A_1552 = tpu.memref_squeeze %dma_wait3A_1551 : memref<1x!tpu.dma_semaphore, #tpu.memory_space<semaphore_mem>> -> memref<!tpu.dma_semaphore, #tpu.memory_space<semaphore_mem>>
      %dma_wait3A_1553 = arith.constant 0 : i32
      %dma_wait3A_1554 = arith.constant 0 : i32
      %dma_wait3A_1555 = tpu.memref_slice %arg14[%dma_wait3A_1542, %dma_wait3A_1553, %dma_wait3A_1554] : memref<9x32x128xf32, #tpu.memory_space<vmem>> -> memref<1x32x128xf32, #tpu.memory_space<vmem>>
      %dma_wait3A_1556 = tpu.memref_squeeze %dma_wait3A_1555 : memref<1x32x128xf32, #tpu.memory_space<vmem>> -> memref<32x128xf32, #tpu.memory_space<vmem>>
      %dma_wait3A_1557 = arith.constant 0 : i32
      %dma_wait3A_1558 = arith.constant 0 : i32
      %dma_wait3A_1559 = tpu.memref_slice %arg5[%dma_wait3A_1557, %dma_wait3A_1558] : memref<32x1000000xf32, #tpu.memory_space<hbm>> -> memref<32x128xf32, #tpu.memory_space<hbm>>
      tpu.wait_dma2 semaphore(%dma_wait3A_1552 : memref<!tpu.dma_semaphore, #tpu.memory_space<semaphore_mem>>) src(%dma_wait3A_1559 : memref<32x128xf32, #tpu.memory_space<hbm>>) dst(%dma_wait3A_1556 : memref<32x128xf32, #tpu.memory_space<vmem>>)
      %dma_wait3A_1560 = arith.constant 1 : i32
      %dma_wait3A_1561 = arith.constant 1 : i32
      %dma_wait3A_1562 = arith.constant 0 : i32
      %dma_wait3A_1563 = arith.constant 0 : i32
      %dma_wait3A_1564 = tpu.memref_slice %arg15[%dma_wait3A_1560, %dma_wait3A_1562, %dma_wait3A_1563] : memref<9x32x128xf32, #tpu.memory_space<vmem>> -> memref<1x32x128xf32, #tpu.memory_space<vmem>>
      %dma_wait3A_1565 = tpu.memref_squeeze %dma_wait3A_1564 : memref<1x32x128xf32, #tpu.memory_space<vmem>> -> memref<32x128xf32, #tpu.memory_space<vmem>>
      %dma_wait3A_1566 = arith.constant 0 : i32
      %dma_wait3A_1567 = arith.constant 0 : i32
      %dma_wait3A_1568 = tpu.memref_slice %arg6[%dma_wait3A_1566, %dma_wait3A_1567] : memref<32x1000000xf32, #tpu.memory_space<hbm>> -> memref<32x128xf32, #tpu.memory_space<hbm>>
      %dma_wait3A_1569 = tpu.memref_slice %arg17[%dma_wait3A_1561] : memref<8x!tpu.dma_semaphore, #tpu.memory_space<semaphore_mem>> -> memref<1x!tpu.dma_semaphore, #tpu.memory_space<semaphore_mem>>
      %dma_wait3A_1570 = tpu.memref_squeeze %dma_wait3A_1569 : memref<1x!tpu.dma_semaphore, #tpu.memory_space<semaphore_mem>> -> memref<!tpu.dma_semaphore, #tpu.memory_space<semaphore_mem>>
      %dma_wait3A_1571 = arith.constant 0 : i32
      %dma_wait3A_1572 = arith.constant 0 : i32
      %dma_wait3A_1573 = tpu.memref_slice %arg15[%dma_wait3A_1560, %dma_wait3A_1571, %dma_wait3A_1572] : memref<9x32x128xf32, #tpu.memory_space<vmem>> -> memref<1x32x128xf32, #tpu.memory_space<vmem>>
      %dma_wait3A_1574 = tpu.memref_squeeze %dma_wait3A_1573 : memref<1x32x128xf32, #tpu.memory_space<vmem>> -> memref<32x128xf32, #tpu.memory_space<vmem>>
      %dma_wait3A_1575 = arith.constant 0 : i32
      %dma_wait3A_1576 = arith.constant 0 : i32
      %dma_wait3A_1577 = tpu.memref_slice %arg6[%dma_wait3A_1575, %dma_wait3A_1576] : memref<32x1000000xf32, #tpu.memory_space<hbm>> -> memref<32x128xf32, #tpu.memory_space<hbm>>
      tpu.wait_dma2 semaphore(%dma_wait3A_1570 : memref<!tpu.dma_semaphore, #tpu.memory_space<semaphore_mem>>) src(%dma_wait3A_1577 : memref<32x128xf32, #tpu.memory_space<hbm>>) dst(%dma_wait3A_1574 : memref<32x128xf32, #tpu.memory_space<vmem>>)
      %slice3A_1578 = vector.extract_strided_slice %get3A_414 {offsets = [9], sizes = [1], strides = [1]} : vector<16xi32> to vector<1xi32>
      %squeeze3A_1579 = vector.extract %slice3A_1578[0] : i32 from vector<1xi32>
      %slice3A_1580 = vector.extract_strided_slice %get3A_416 {offsets = [9], sizes = [1], strides = [1]} : vector<16xi32> to vector<1xi32>
      %squeeze3A_1581 = vector.extract %slice3A_1580[0] : i32 from vector<1xi32>
      %ge3A_1582 = arith.constant 999936 : i32
      %ge3A_1583 = arith.cmpi sge, %squeeze3A_1579, %ge3A_1582 : i32
      %ge3A_1584 = arith.constant 999936 : i32
      %ge3A_1585 = arith.cmpi sge, %squeeze3A_1581, %ge3A_1584 : i32
      %jit3A_1586 = arith.constant 8 : i32
      %jit3A_1587 = arith.constant 1 : i32
      %select_n3A_1588 = arith.select %ge3A_1583, %jit3A_1586, %jit3A_1587 : i32
      %broadcast_in_dim3A_1589 = vector.broadcast %select_n3A_1588 : i32 to vector<16xi32>
      %jit3A_1590 = arith.constant 8 : i32
      %jit3A_1591 = arith.constant 1 : i32
      %select_n3A_1592 = arith.select %ge3A_1585, %jit3A_1590, %jit3A_1591 : i32
      %broadcast_in_dim3A_1593 = vector.broadcast %select_n3A_1592 : i32 to vector<16xi32>
      %sub3A_1594 = arith.constant 999872 : i32
      %sub3A_1595 = arith.subi %squeeze3A_1579, %sub3A_1594 : i32
      %and3A_1596 = arith.constant 127 : i32
      %and3A_1597 = arith.andi %squeeze3A_1579, %and3A_1596 : i32
      %select_n3A_1598 = arith.select %ge3A_1583, %sub3A_1595, %and3A_1597 : i32
      %broadcast_in_dim3A_1599 = vector.broadcast %select_n3A_1598 : i32 to vector<16xi32>
      %sub3A_1600 = arith.constant 999872 : i32
      %sub3A_1601 = arith.subi %squeeze3A_1581, %sub3A_1600 : i32
      %and3A_1602 = arith.constant 127 : i32
      %and3A_1603 = arith.andi %squeeze3A_1581, %and3A_1602 : i32
      %select_n3A_1604 = arith.select %ge3A_1585, %sub3A_1601, %and3A_1603 : i32
      %broadcast_in_dim3A_1605 = vector.broadcast %select_n3A_1604 : i32 to vector<16xi32>
      %gather3A_1606 = tpu.vector_load_idx %arg14[%broadcast_in_dim3A_1589, %iota3A, %broadcast_in_dim3A_1599] : memref<9x32x128xf32, #tpu.memory_space<vmem>>[vector<16xi32>, vector<16xi32>, vector<16xi32>], vector<16xf32>,
      %gather3A_1607 = tpu.vector_load_idx %arg14[%broadcast_in_dim3A_1589, %add3A_6, %broadcast_in_dim3A_1599] : memref<9x32x128xf32, #tpu.memory_space<vmem>>[vector<16xi32>, vector<16xi32>, vector<16xi32>], vector<16xf32>,
      %gather3A_1608 = tpu.vector_load_idx %arg15[%broadcast_in_dim3A_1593, %iota3A, %broadcast_in_dim3A_1605] : memref<9x32x128xf32, #tpu.memory_space<vmem>>[vector<16xi32>, vector<16xi32>, vector<16xi32>], vector<16xf32>,
      %gather3A_1609 = tpu.vector_load_idx %arg15[%broadcast_in_dim3A_1593, %add3A_6, %broadcast_in_dim3A_1605] : memref<9x32x128xf32, #tpu.memory_space<vmem>>[vector<16xi32>, vector<16xi32>, vector<16xi32>], vector<16xf32>,
      %mul3A_1610 = arith.mulf %gather3A_1606, %gather3A_1608 : vector<16xf32>
      %mul3A_1611 = arith.mulf %gather3A_1607, %gather3A_1609 : vector<16xf32>
      %add3A_1612 = arith.addf %mul3A_1610, %mul3A_1611 : vector<16xf32>
      %reduce_sum3A_1613 = arith.constant true
      %reduce_sum3A_1614 = vector.broadcast %reduce_sum3A_1613 : i1 to vector<16xi1>
      %reduce_sum3A_1615 = tpu.scan <sum>, %add3A_1612 masked %reduce_sum3A_1614 : vector<16xf32>, vector<16xi1> -> vector<16xf32>
      %reduce_sum3A_1616 = vector.extract %reduce_sum3A_1615[15] : f32 from vector<16xf32>
      %eq3A_1617 = arith.constant 9 : i32
      %eq3A_1618 = vector.broadcast %eq3A_1617 : i32 to vector<16xi32>
      %eq3A_1619 = arith.cmpi eq, %iota3A, %eq3A_1618 : vector<16xi32>
      %broadcast_in_dim3A_1620 = vector.broadcast %reduce_sum3A_1616 : f32 to vector<16xf32>
      %select_n3A_1621 = arith.select %eq3A_1619, %broadcast_in_dim3A_1620, %select_n3A_1539 : vector<16xi1>, vector<16xf32>
      %lt3A_1622 = arith.constant 31 : i32
      %lt3A_1623 = arith.cmpi slt, %scan3A_409, %lt3A_1622 : i32
      %convert_element_type3A_1624 = arith.extui %lt3A_1623 : i1 to i32
      %cond3A_1625 = arith.constant 0 : i32
      %cond3A_1626 = arith.cmpi ne, %convert_element_type3A_1624, %cond3A_1625 : i32
      scf.if %cond3A_1626 {
        %slice3A_2148 = vector.extract_strided_slice %get3A_425 {offsets = [1], sizes = [1], strides = [1]} : vector<16xi32> to vector<1xi32>
        %squeeze3A_2149 = vector.extract %slice3A_2148[0] : i32 from vector<1xi32>
        %shift_right_arithmetic3A_2150 = arith.constant 7 : i32
        %shift_right_arithmetic3A_2151 = arith.shrsi %squeeze3A_2149, %shift_right_arithmetic3A_2150 : i32
        %min3A_2152 = arith.constant 7811 : i32
        %min3A_2153 = arith.minsi %shift_right_arithmetic3A_2151, %min3A_2152 : i32
        %mul3A_2154 = arith.constant 128 : i32
        %mul3A_2155 = arith.muli %min3A_2153, %mul3A_2154 : i32
        %multiple_of3A_2156 = tpu.assume_multiple %mul3A_2155, 128 : i32
        %dma_start3A_2157 = arith.constant 1 : i32
        %dma_start3A_2158 = arith.constant 1 : i32
        %dma_start3A_2159 = arith.constant 0 : i32
        %dma_start3A_2160 = arith.constant 0 : i32
        %dma_start3A_2161 = tpu.memref_slice %arg14[%dma_start3A_2157, %dma_start3A_2159, %dma_start3A_2160] : memref<9x32x128xf32, #tpu.memory_space<vmem>> -> memref<1x32x128xf32, #tpu.memory_space<vmem>>
        %dma_start3A_2162 = tpu.memref_squeeze %dma_start3A_2161 : memref<1x32x128xf32, #tpu.memory_space<vmem>> -> memref<32x128xf32, #tpu.memory_space<vmem>>
        %dma_start3A_2163 = arith.constant 0 : i32
        %dma_start3A_2164 = tpu.memref_slice %arg5[%dma_start3A_2163, %multiple_of3A_2156] : memref<32x1000000xf32, #tpu.memory_space<hbm>> -> memref<32x128xf32, #tpu.memory_space<hbm>>
        %dma_start3A_2165 = tpu.memref_slice %arg16[%dma_start3A_2158] : memref<8x!tpu.dma_semaphore, #tpu.memory_space<semaphore_mem>> -> memref<1x!tpu.dma_semaphore, #tpu.memory_space<semaphore_mem>>
        %dma_start3A_2166 = tpu.memref_squeeze %dma_start3A_2165 : memref<1x!tpu.dma_semaphore, #tpu.memory_space<semaphore_mem>> -> memref<!tpu.dma_semaphore, #tpu.memory_space<semaphore_mem>>
        %dma_start3A_2167 = arith.constant 0 : i32
        %dma_start3A_2168 = arith.constant 0 : i32
        %dma_start3A_2169 = tpu.memref_slice %arg14[%dma_start3A_2157, %dma_start3A_2167, %dma_start3A_2168] : memref<9x32x128xf32, #tpu.memory_space<vmem>> -> memref<1x32x128xf32, #tpu.memory_space<vmem>>
        %dma_start3A_2170 = tpu.memref_squeeze %dma_start3A_2169 : memref<1x32x128xf32, #tpu.memory_space<vmem>> -> memref<32x128xf32, #tpu.memory_space<vmem>>
        %dma_start3A_2171 = arith.constant 0 : i32
        %dma_start3A_2172 = tpu.memref_slice %arg5[%dma_start3A_2171, %multiple_of3A_2156] : memref<32x1000000xf32, #tpu.memory_space<hbm>> -> memref<32x128xf32, #tpu.memory_space<hbm>>
        tpu.enqueue_dma source(%dma_start3A_2172 : memref<32x128xf32, #tpu.memory_space<hbm>>) target(%dma_start3A_2170 : memref<32x128xf32, #tpu.memory_space<vmem>>) target_semaphore(%dma_start3A_2166 : memref<!tpu.dma_semaphore, #tpu.memory_space<semaphore_mem>>)
        %slice3A_2173 = vector.extract_strided_slice %get3A_427 {offsets = [1], sizes = [1], strides = [1]} : vector<16xi32> to vector<1xi32>
        %squeeze3A_2174 = vector.extract %slice3A_2173[0] : i32 from vector<1xi32>
        %shift_right_arithmetic3A_2175 = arith.constant 7 : i32
        %shift_right_arithmetic3A_2176 = arith.shrsi %squeeze3A_2174, %shift_right_arithmetic3A_2175 : i32
        %min3A_2177 = arith.constant 7811 : i32
        %min3A_2178 = arith.minsi %shift_right_arithmetic3A_2176, %min3A_2177 : i32
        %mul3A_2179 = arith.constant 128 : i32
        %mul3A_2180 = arith.muli %min3A_2178, %mul3A_2179 : i32
        %multiple_of3A_2181 = tpu.assume_multiple %mul3A_2180, 128 : i32
        %dma_start3A_2182 = arith.constant 1 : i32
        %dma_start3A_2183 = arith.constant 1 : i32
        %dma_start3A_2184 = arith.constant 0 : i32
        %dma_start3A_2185 = arith.constant 0 : i32
        %dma_start3A_2186 = tpu.memref_slice %arg15[%dma_start3A_2182, %dma_start3A_2184, %dma_start3A_2185] : memref<9x32x128xf32, #tpu.memory_space<vmem>> -> memref<1x32x128xf32, #tpu.memory_space<vmem>>
        %dma_start3A_2187 = tpu.memref_squeeze %dma_start3A_2186 : memref<1x32x128xf32, #tpu.memory_space<vmem>> -> memref<32x128xf32, #tpu.memory_space<vmem>>
        %dma_start3A_2188 = arith.constant 0 : i32
        %dma_start3A_2189 = tpu.memref_slice %arg6[%dma_start3A_2188, %multiple_of3A_2181] : memref<32x1000000xf32, #tpu.memory_space<hbm>> -> memref<32x128xf32, #tpu.memory_space<hbm>>
        %dma_start3A_2190 = tpu.memref_slice %arg17[%dma_start3A_2183] : memref<8x!tpu.dma_semaphore, #tpu.memory_space<semaphore_mem>> -> memref<1x!tpu.dma_semaphore, #tpu.memory_space<semaphore_mem>>
        %dma_start3A_2191 = tpu.memref_squeeze %dma_start3A_2190 : memref<1x!tpu.dma_semaphore, #tpu.memory_space<semaphore_mem>> -> memref<!tpu.dma_semaphore, #tpu.memory_space<semaphore_mem>>
        %dma_start3A_2192 = arith.constant 0 : i32
        %dma_start3A_2193 = arith.constant 0 : i32
        %dma_start3A_2194 = tpu.memref_slice %arg15[%dma_start3A_2182, %dma_start3A_2192, %dma_start3A_2193] : memref<9x32x128xf32, #tpu.memory_space<vmem>> -> memref<1x32x128xf32, #tpu.memory_space<vmem>>
        %dma_start3A_2195 = tpu.memref_squeeze %dma_start3A_2194 : memref<1x32x128xf32, #tpu.memory_space<vmem>> -> memref<32x128xf32, #tpu.memory_space<vmem>>
        %dma_start3A_2196 = arith.constant 0 : i32
        %dma_start3A_2197 = tpu.memref_slice %arg6[%dma_start3A_2196, %multiple_of3A_2181] : memref<32x1000000xf32, #tpu.memory_space<hbm>> -> memref<32x128xf32, #tpu.memory_space<hbm>>
        tpu.enqueue_dma source(%dma_start3A_2197 : memref<32x128xf32, #tpu.memory_space<hbm>>) target(%dma_start3A_2195 : memref<32x128xf32, #tpu.memory_space<vmem>>) target_semaphore(%dma_start3A_2191 : memref<!tpu.dma_semaphore, #tpu.memory_space<semaphore_mem>>)
      } else {
      }
      %dma_wait3A_1627 = arith.constant 2 : i32
      %dma_wait3A_1628 = arith.constant 2 : i32
      %dma_wait3A_1629 = arith.constant 0 : i32
      %dma_wait3A_1630 = arith.constant 0 : i32
      %dma_wait3A_1631 = tpu.memref_slice %arg14[%dma_wait3A_1627, %dma_wait3A_1629, %dma_wait3A_1630] : memref<9x32x128xf32, #tpu.memory_space<vmem>> -> memref<1x32x128xf32, #tpu.memory_space<vmem>>
      %dma_wait3A_1632 = tpu.memref_squeeze %dma_wait3A_1631 : memref<1x32x128xf32, #tpu.memory_space<vmem>> -> memref<32x128xf32, #tpu.memory_space<vmem>>
      %dma_wait3A_1633 = arith.constant 0 : i32
      %dma_wait3A_1634 = arith.constant 0 : i32
      %dma_wait3A_1635 = tpu.memref_slice %arg5[%dma_wait3A_1633, %dma_wait3A_1634] : memref<32x1000000xf32, #tpu.memory_space<hbm>> -> memref<32x128xf32, #tpu.memory_space<hbm>>
      %dma_wait3A_1636 = tpu.memref_slice %arg16[%dma_wait3A_1628] : memref<8x!tpu.dma_semaphore, #tpu.memory_space<semaphore_mem>> -> memref<1x!tpu.dma_semaphore, #tpu.memory_space<semaphore_mem>>
      %dma_wait3A_1637 = tpu.memref_squeeze %dma_wait3A_1636 : memref<1x!tpu.dma_semaphore, #tpu.memory_space<semaphore_mem>> -> memref<!tpu.dma_semaphore, #tpu.memory_space<semaphore_mem>>
      %dma_wait3A_1638 = arith.constant 0 : i32
      %dma_wait3A_1639 = arith.constant 0 : i32
      %dma_wait3A_1640 = tpu.memref_slice %arg14[%dma_wait3A_1627, %dma_wait3A_1638, %dma_wait3A_1639] : memref<9x32x128xf32, #tpu.memory_space<vmem>> -> memref<1x32x128xf32, #tpu.memory_space<vmem>>
      %dma_wait3A_1641 = tpu.memref_squeeze %dma_wait3A_1640 : memref<1x32x128xf32, #tpu.memory_space<vmem>> -> memref<32x128xf32, #tpu.memory_space<vmem>>
      %dma_wait3A_1642 = arith.constant 0 : i32
      %dma_wait3A_1643 = arith.constant 0 : i32
      %dma_wait3A_1644 = tpu.memref_slice %arg5[%dma_wait3A_1642, %dma_wait3A_1643] : memref<32x1000000xf32, #tpu.memory_space<hbm>> -> memref<32x128xf32, #tpu.memory_space<hbm>>
      tpu.wait_dma2 semaphore(%dma_wait3A_1637 : memref<!tpu.dma_semaphore, #tpu.memory_space<semaphore_mem>>) src(%dma_wait3A_1644 : memref<32x128xf32, #tpu.memory_space<hbm>>) dst(%dma_wait3A_1641 : memref<32x128xf32, #tpu.memory_space<vmem>>)
      %dma_wait3A_1645 = arith.constant 2 : i32
      %dma_wait3A_1646 = arith.constant 2 : i32
      %dma_wait3A_1647 = arith.constant 0 : i32
      %dma_wait3A_1648 = arith.constant 0 : i32
      %dma_wait3A_1649 = tpu.memref_slice %arg15[%dma_wait3A_1645, %dma_wait3A_1647, %dma_wait3A_1648] : memref<9x32x128xf32, #tpu.memory_space<vmem>> -> memref<1x32x128xf32, #tpu.memory_space<vmem>>
      %dma_wait3A_1650 = tpu.memref_squeeze %dma_wait3A_1649 : memref<1x32x128xf32, #tpu.memory_space<vmem>> -> memref<32x128xf32, #tpu.memory_space<vmem>>
      %dma_wait3A_1651 = arith.constant 0 : i32
      %dma_wait3A_1652 = arith.constant 0 : i32
      %dma_wait3A_1653 = tpu.memref_slice %arg6[%dma_wait3A_1651, %dma_wait3A_1652] : memref<32x1000000xf32, #tpu.memory_space<hbm>> -> memref<32x128xf32, #tpu.memory_space<hbm>>
      %dma_wait3A_1654 = tpu.memref_slice %arg17[%dma_wait3A_1646] : memref<8x!tpu.dma_semaphore, #tpu.memory_space<semaphore_mem>> -> memref<1x!tpu.dma_semaphore, #tpu.memory_space<semaphore_mem>>
      %dma_wait3A_1655 = tpu.memref_squeeze %dma_wait3A_1654 : memref<1x!tpu.dma_semaphore, #tpu.memory_space<semaphore_mem>> -> memref<!tpu.dma_semaphore, #tpu.memory_space<semaphore_mem>>
      %dma_wait3A_1656 = arith.constant 0 : i32
      %dma_wait3A_1657 = arith.constant 0 : i32
      %dma_wait3A_1658 = tpu.memref_slice %arg15[%dma_wait3A_1645, %dma_wait3A_1656, %dma_wait3A_1657] : memref<9x32x128xf32, #tpu.memory_space<vmem>> -> memref<1x32x128xf32, #tpu.memory_space<vmem>>
      %dma_wait3A_1659 = tpu.memref_squeeze %dma_wait3A_1658 : memref<1x32x128xf32, #tpu.memory_space<vmem>> -> memref<32x128xf32, #tpu.memory_space<vmem>>
      %dma_wait3A_1660 = arith.constant 0 : i32
      %dma_wait3A_1661 = arith.constant 0 : i32
      %dma_wait3A_1662 = tpu.memref_slice %arg6[%dma_wait3A_1660, %dma_wait3A_1661] : memref<32x1000000xf32, #tpu.memory_space<hbm>> -> memref<32x128xf32, #tpu.memory_space<hbm>>
      tpu.wait_dma2 semaphore(%dma_wait3A_1655 : memref<!tpu.dma_semaphore, #tpu.memory_space<semaphore_mem>>) src(%dma_wait3A_1662 : memref<32x128xf32, #tpu.memory_space<hbm>>) dst(%dma_wait3A_1659 : memref<32x128xf32, #tpu.memory_space<vmem>>)
      %slice3A_1663 = vector.extract_strided_slice %get3A_414 {offsets = [10], sizes = [1], strides = [1]} : vector<16xi32> to vector<1xi32>
      %squeeze3A_1664 = vector.extract %slice3A_1663[0] : i32 from vector<1xi32>
      %slice3A_1665 = vector.extract_strided_slice %get3A_416 {offsets = [10], sizes = [1], strides = [1]} : vector<16xi32> to vector<1xi32>
      %squeeze3A_1666 = vector.extract %slice3A_1665[0] : i32 from vector<1xi32>
      %ge3A_1667 = arith.constant 999936 : i32
      %ge3A_1668 = arith.cmpi sge, %squeeze3A_1664, %ge3A_1667 : i32
      %ge3A_1669 = arith.constant 999936 : i32
      %ge3A_1670 = arith.cmpi sge, %squeeze3A_1666, %ge3A_1669 : i32
      %jit3A_1671 = arith.constant 8 : i32
      %jit3A_1672 = arith.constant 2 : i32
      %select_n3A_1673 = arith.select %ge3A_1668, %jit3A_1671, %jit3A_1672 : i32
      %broadcast_in_dim3A_1674 = vector.broadcast %select_n3A_1673 : i32 to vector<16xi32>
      %jit3A_1675 = arith.constant 8 : i32
      %jit3A_1676 = arith.constant 2 : i32
      %select_n3A_1677 = arith.select %ge3A_1670, %jit3A_1675, %jit3A_1676 : i32
      %broadcast_in_dim3A_1678 = vector.broadcast %select_n3A_1677 : i32 to vector<16xi32>
      %sub3A_1679 = arith.constant 999872 : i32
      %sub3A_1680 = arith.subi %squeeze3A_1664, %sub3A_1679 : i32
      %and3A_1681 = arith.constant 127 : i32
      %and3A_1682 = arith.andi %squeeze3A_1664, %and3A_1681 : i32
      %select_n3A_1683 = arith.select %ge3A_1668, %sub3A_1680, %and3A_1682 : i32
      %broadcast_in_dim3A_1684 = vector.broadcast %select_n3A_1683 : i32 to vector<16xi32>
      %sub3A_1685 = arith.constant 999872 : i32
      %sub3A_1686 = arith.subi %squeeze3A_1666, %sub3A_1685 : i32
      %and3A_1687 = arith.constant 127 : i32
      %and3A_1688 = arith.andi %squeeze3A_1666, %and3A_1687 : i32
      %select_n3A_1689 = arith.select %ge3A_1670, %sub3A_1686, %and3A_1688 : i32
      %broadcast_in_dim3A_1690 = vector.broadcast %select_n3A_1689 : i32 to vector<16xi32>
      %gather3A_1691 = tpu.vector_load_idx %arg14[%broadcast_in_dim3A_1674, %iota3A, %broadcast_in_dim3A_1684] : memref<9x32x128xf32, #tpu.memory_space<vmem>>[vector<16xi32>, vector<16xi32>, vector<16xi32>], vector<16xf32>,
      %gather3A_1692 = tpu.vector_load_idx %arg14[%broadcast_in_dim3A_1674, %add3A_6, %broadcast_in_dim3A_1684] : memref<9x32x128xf32, #tpu.memory_space<vmem>>[vector<16xi32>, vector<16xi32>, vector<16xi32>], vector<16xf32>,
      %gather3A_1693 = tpu.vector_load_idx %arg15[%broadcast_in_dim3A_1678, %iota3A, %broadcast_in_dim3A_1690] : memref<9x32x128xf32, #tpu.memory_space<vmem>>[vector<16xi32>, vector<16xi32>, vector<16xi32>], vector<16xf32>,
      %gather3A_1694 = tpu.vector_load_idx %arg15[%broadcast_in_dim3A_1678, %add3A_6, %broadcast_in_dim3A_1690] : memref<9x32x128xf32, #tpu.memory_space<vmem>>[vector<16xi32>, vector<16xi32>, vector<16xi32>], vector<16xf32>,
      %mul3A_1695 = arith.mulf %gather3A_1691, %gather3A_1693 : vector<16xf32>
      %mul3A_1696 = arith.mulf %gather3A_1692, %gather3A_1694 : vector<16xf32>
      %add3A_1697 = arith.addf %mul3A_1695, %mul3A_1696 : vector<16xf32>
      %reduce_sum3A_1698 = arith.constant true
      %reduce_sum3A_1699 = vector.broadcast %reduce_sum3A_1698 : i1 to vector<16xi1>
      %reduce_sum3A_1700 = tpu.scan <sum>, %add3A_1697 masked %reduce_sum3A_1699 : vector<16xf32>, vector<16xi1> -> vector<16xf32>
      %reduce_sum3A_1701 = vector.extract %reduce_sum3A_1700[15] : f32 from vector<16xf32>
      %eq3A_1702 = arith.constant 10 : i32
      %eq3A_1703 = vector.broadcast %eq3A_1702 : i32 to vector<16xi32>
      %eq3A_1704 = arith.cmpi eq, %iota3A, %eq3A_1703 : vector<16xi32>
      %broadcast_in_dim3A_1705 = vector.broadcast %reduce_sum3A_1701 : f32 to vector<16xf32>
      %select_n3A_1706 = arith.select %eq3A_1704, %broadcast_in_dim3A_1705, %select_n3A_1621 : vector<16xi1>, vector<16xf32>
      %lt3A_1707 = arith.constant 31 : i32
      %lt3A_1708 = arith.cmpi slt, %scan3A_409, %lt3A_1707 : i32
      %convert_element_type3A_1709 = arith.extui %lt3A_1708 : i1 to i32
      %cond3A_1710 = arith.constant 0 : i32
      %cond3A_1711 = arith.cmpi ne, %convert_element_type3A_1709, %cond3A_1710 : i32
      scf.if %cond3A_1711 {
        %slice3A_2148 = vector.extract_strided_slice %get3A_425 {offsets = [2], sizes = [1], strides = [1]} : vector<16xi32> to vector<1xi32>
        %squeeze3A_2149 = vector.extract %slice3A_2148[0] : i32 from vector<1xi32>
        %shift_right_arithmetic3A_2150 = arith.constant 7 : i32
        %shift_right_arithmetic3A_2151 = arith.shrsi %squeeze3A_2149, %shift_right_arithmetic3A_2150 : i32
        %min3A_2152 = arith.constant 7811 : i32
        %min3A_2153 = arith.minsi %shift_right_arithmetic3A_2151, %min3A_2152 : i32
        %mul3A_2154 = arith.constant 128 : i32
        %mul3A_2155 = arith.muli %min3A_2153, %mul3A_2154 : i32
        %multiple_of3A_2156 = tpu.assume_multiple %mul3A_2155, 128 : i32
        %dma_start3A_2157 = arith.constant 2 : i32
        %dma_start3A_2158 = arith.constant 2 : i32
        %dma_start3A_2159 = arith.constant 0 : i32
        %dma_start3A_2160 = arith.constant 0 : i32
        %dma_start3A_2161 = tpu.memref_slice %arg14[%dma_start3A_2157, %dma_start3A_2159, %dma_start3A_2160] : memref<9x32x128xf32, #tpu.memory_space<vmem>> -> memref<1x32x128xf32, #tpu.memory_space<vmem>>
        %dma_start3A_2162 = tpu.memref_squeeze %dma_start3A_2161 : memref<1x32x128xf32, #tpu.memory_space<vmem>> -> memref<32x128xf32, #tpu.memory_space<vmem>>
        %dma_start3A_2163 = arith.constant 0 : i32
        %dma_start3A_2164 = tpu.memref_slice %arg5[%dma_start3A_2163, %multiple_of3A_2156] : memref<32x1000000xf32, #tpu.memory_space<hbm>> -> memref<32x128xf32, #tpu.memory_space<hbm>>
        %dma_start3A_2165 = tpu.memref_slice %arg16[%dma_start3A_2158] : memref<8x!tpu.dma_semaphore, #tpu.memory_space<semaphore_mem>> -> memref<1x!tpu.dma_semaphore, #tpu.memory_space<semaphore_mem>>
        %dma_start3A_2166 = tpu.memref_squeeze %dma_start3A_2165 : memref<1x!tpu.dma_semaphore, #tpu.memory_space<semaphore_mem>> -> memref<!tpu.dma_semaphore, #tpu.memory_space<semaphore_mem>>
        %dma_start3A_2167 = arith.constant 0 : i32
        %dma_start3A_2168 = arith.constant 0 : i32
        %dma_start3A_2169 = tpu.memref_slice %arg14[%dma_start3A_2157, %dma_start3A_2167, %dma_start3A_2168] : memref<9x32x128xf32, #tpu.memory_space<vmem>> -> memref<1x32x128xf32, #tpu.memory_space<vmem>>
        %dma_start3A_2170 = tpu.memref_squeeze %dma_start3A_2169 : memref<1x32x128xf32, #tpu.memory_space<vmem>> -> memref<32x128xf32, #tpu.memory_space<vmem>>
        %dma_start3A_2171 = arith.constant 0 : i32
        %dma_start3A_2172 = tpu.memref_slice %arg5[%dma_start3A_2171, %multiple_of3A_2156] : memref<32x1000000xf32, #tpu.memory_space<hbm>> -> memref<32x128xf32, #tpu.memory_space<hbm>>
        tpu.enqueue_dma source(%dma_start3A_2172 : memref<32x128xf32, #tpu.memory_space<hbm>>) target(%dma_start3A_2170 : memref<32x128xf32, #tpu.memory_space<vmem>>) target_semaphore(%dma_start3A_2166 : memref<!tpu.dma_semaphore, #tpu.memory_space<semaphore_mem>>)
        %slice3A_2173 = vector.extract_strided_slice %get3A_427 {offsets = [2], sizes = [1], strides = [1]} : vector<16xi32> to vector<1xi32>
        %squeeze3A_2174 = vector.extract %slice3A_2173[0] : i32 from vector<1xi32>
        %shift_right_arithmetic3A_2175 = arith.constant 7 : i32
        %shift_right_arithmetic3A_2176 = arith.shrsi %squeeze3A_2174, %shift_right_arithmetic3A_2175 : i32
        %min3A_2177 = arith.constant 7811 : i32
        %min3A_2178 = arith.minsi %shift_right_arithmetic3A_2176, %min3A_2177 : i32
        %mul3A_2179 = arith.constant 128 : i32
        %mul3A_2180 = arith.muli %min3A_2178, %mul3A_2179 : i32
        %multiple_of3A_2181 = tpu.assume_multiple %mul3A_2180, 128 : i32
        %dma_start3A_2182 = arith.constant 2 : i32
        %dma_start3A_2183 = arith.constant 2 : i32
        %dma_start3A_2184 = arith.constant 0 : i32
        %dma_start3A_2185 = arith.constant 0 : i32
        %dma_start3A_2186 = tpu.memref_slice %arg15[%dma_start3A_2182, %dma_start3A_2184, %dma_start3A_2185] : memref<9x32x128xf32, #tpu.memory_space<vmem>> -> memref<1x32x128xf32, #tpu.memory_space<vmem>>
        %dma_start3A_2187 = tpu.memref_squeeze %dma_start3A_2186 : memref<1x32x128xf32, #tpu.memory_space<vmem>> -> memref<32x128xf32, #tpu.memory_space<vmem>>
        %dma_start3A_2188 = arith.constant 0 : i32
        %dma_start3A_2189 = tpu.memref_slice %arg6[%dma_start3A_2188, %multiple_of3A_2181] : memref<32x1000000xf32, #tpu.memory_space<hbm>> -> memref<32x128xf32, #tpu.memory_space<hbm>>
        %dma_start3A_2190 = tpu.memref_slice %arg17[%dma_start3A_2183] : memref<8x!tpu.dma_semaphore, #tpu.memory_space<semaphore_mem>> -> memref<1x!tpu.dma_semaphore, #tpu.memory_space<semaphore_mem>>
        %dma_start3A_2191 = tpu.memref_squeeze %dma_start3A_2190 : memref<1x!tpu.dma_semaphore, #tpu.memory_space<semaphore_mem>> -> memref<!tpu.dma_semaphore, #tpu.memory_space<semaphore_mem>>
        %dma_start3A_2192 = arith.constant 0 : i32
        %dma_start3A_2193 = arith.constant 0 : i32
        %dma_start3A_2194 = tpu.memref_slice %arg15[%dma_start3A_2182, %dma_start3A_2192, %dma_start3A_2193] : memref<9x32x128xf32, #tpu.memory_space<vmem>> -> memref<1x32x128xf32, #tpu.memory_space<vmem>>
        %dma_start3A_2195 = tpu.memref_squeeze %dma_start3A_2194 : memref<1x32x128xf32, #tpu.memory_space<vmem>> -> memref<32x128xf32, #tpu.memory_space<vmem>>
        %dma_start3A_2196 = arith.constant 0 : i32
        %dma_start3A_2197 = tpu.memref_slice %arg6[%dma_start3A_2196, %multiple_of3A_2181] : memref<32x1000000xf32, #tpu.memory_space<hbm>> -> memref<32x128xf32, #tpu.memory_space<hbm>>
        tpu.enqueue_dma source(%dma_start3A_2197 : memref<32x128xf32, #tpu.memory_space<hbm>>) target(%dma_start3A_2195 : memref<32x128xf32, #tpu.memory_space<vmem>>) target_semaphore(%dma_start3A_2191 : memref<!tpu.dma_semaphore, #tpu.memory_space<semaphore_mem>>)
      } else {
      }
      %dma_wait3A_1712 = arith.constant 3 : i32
      %dma_wait3A_1713 = arith.constant 3 : i32
      %dma_wait3A_1714 = arith.constant 0 : i32
      %dma_wait3A_1715 = arith.constant 0 : i32
      %dma_wait3A_1716 = tpu.memref_slice %arg14[%dma_wait3A_1712, %dma_wait3A_1714, %dma_wait3A_1715] : memref<9x32x128xf32, #tpu.memory_space<vmem>> -> memref<1x32x128xf32, #tpu.memory_space<vmem>>
      %dma_wait3A_1717 = tpu.memref_squeeze %dma_wait3A_1716 : memref<1x32x128xf32, #tpu.memory_space<vmem>> -> memref<32x128xf32, #tpu.memory_space<vmem>>
      %dma_wait3A_1718 = arith.constant 0 : i32
      %dma_wait3A_1719 = arith.constant 0 : i32
      %dma_wait3A_1720 = tpu.memref_slice %arg5[%dma_wait3A_1718, %dma_wait3A_1719] : memref<32x1000000xf32, #tpu.memory_space<hbm>> -> memref<32x128xf32, #tpu.memory_space<hbm>>
      %dma_wait3A_1721 = tpu.memref_slice %arg16[%dma_wait3A_1713] : memref<8x!tpu.dma_semaphore, #tpu.memory_space<semaphore_mem>> -> memref<1x!tpu.dma_semaphore, #tpu.memory_space<semaphore_mem>>
      %dma_wait3A_1722 = tpu.memref_squeeze %dma_wait3A_1721 : memref<1x!tpu.dma_semaphore, #tpu.memory_space<semaphore_mem>> -> memref<!tpu.dma_semaphore, #tpu.memory_space<semaphore_mem>>
      %dma_wait3A_1723 = arith.constant 0 : i32
      %dma_wait3A_1724 = arith.constant 0 : i32
      %dma_wait3A_1725 = tpu.memref_slice %arg14[%dma_wait3A_1712, %dma_wait3A_1723, %dma_wait3A_1724] : memref<9x32x128xf32, #tpu.memory_space<vmem>> -> memref<1x32x128xf32, #tpu.memory_space<vmem>>
      %dma_wait3A_1726 = tpu.memref_squeeze %dma_wait3A_1725 : memref<1x32x128xf32, #tpu.memory_space<vmem>> -> memref<32x128xf32, #tpu.memory_space<vmem>>
      %dma_wait3A_1727 = arith.constant 0 : i32
      %dma_wait3A_1728 = arith.constant 0 : i32
      %dma_wait3A_1729 = tpu.memref_slice %arg5[%dma_wait3A_1727, %dma_wait3A_1728] : memref<32x1000000xf32, #tpu.memory_space<hbm>> -> memref<32x128xf32, #tpu.memory_space<hbm>>
      tpu.wait_dma2 semaphore(%dma_wait3A_1722 : memref<!tpu.dma_semaphore, #tpu.memory_space<semaphore_mem>>) src(%dma_wait3A_1729 : memref<32x128xf32, #tpu.memory_space<hbm>>) dst(%dma_wait3A_1726 : memref<32x128xf32, #tpu.memory_space<vmem>>)
      %dma_wait3A_1730 = arith.constant 3 : i32
      %dma_wait3A_1731 = arith.constant 3 : i32
      %dma_wait3A_1732 = arith.constant 0 : i32
      %dma_wait3A_1733 = arith.constant 0 : i32
      %dma_wait3A_1734 = tpu.memref_slice %arg15[%dma_wait3A_1730, %dma_wait3A_1732, %dma_wait3A_1733] : memref<9x32x128xf32, #tpu.memory_space<vmem>> -> memref<1x32x128xf32, #tpu.memory_space<vmem>>
      %dma_wait3A_1735 = tpu.memref_squeeze %dma_wait3A_1734 : memref<1x32x128xf32, #tpu.memory_space<vmem>> -> memref<32x128xf32, #tpu.memory_space<vmem>>
      %dma_wait3A_1736 = arith.constant 0 : i32
      %dma_wait3A_1737 = arith.constant 0 : i32
      %dma_wait3A_1738 = tpu.memref_slice %arg6[%dma_wait3A_1736, %dma_wait3A_1737] : memref<32x1000000xf32, #tpu.memory_space<hbm>> -> memref<32x128xf32, #tpu.memory_space<hbm>>
      %dma_wait3A_1739 = tpu.memref_slice %arg17[%dma_wait3A_1731] : memref<8x!tpu.dma_semaphore, #tpu.memory_space<semaphore_mem>> -> memref<1x!tpu.dma_semaphore, #tpu.memory_space<semaphore_mem>>
      %dma_wait3A_1740 = tpu.memref_squeeze %dma_wait3A_1739 : memref<1x!tpu.dma_semaphore, #tpu.memory_space<semaphore_mem>> -> memref<!tpu.dma_semaphore, #tpu.memory_space<semaphore_mem>>
      %dma_wait3A_1741 = arith.constant 0 : i32
      %dma_wait3A_1742 = arith.constant 0 : i32
      %dma_wait3A_1743 = tpu.memref_slice %arg15[%dma_wait3A_1730, %dma_wait3A_1741, %dma_wait3A_1742] : memref<9x32x128xf32, #tpu.memory_space<vmem>> -> memref<1x32x128xf32, #tpu.memory_space<vmem>>
      %dma_wait3A_1744 = tpu.memref_squeeze %dma_wait3A_1743 : memref<1x32x128xf32, #tpu.memory_space<vmem>> -> memref<32x128xf32, #tpu.memory_space<vmem>>
      %dma_wait3A_1745 = arith.constant 0 : i32
      %dma_wait3A_1746 = arith.constant 0 : i32
      %dma_wait3A_1747 = tpu.memref_slice %arg6[%dma_wait3A_1745, %dma_wait3A_1746] : memref<32x1000000xf32, #tpu.memory_space<hbm>> -> memref<32x128xf32, #tpu.memory_space<hbm>>
      tpu.wait_dma2 semaphore(%dma_wait3A_1740 : memref<!tpu.dma_semaphore, #tpu.memory_space<semaphore_mem>>) src(%dma_wait3A_1747 : memref<32x128xf32, #tpu.memory_space<hbm>>) dst(%dma_wait3A_1744 : memref<32x128xf32, #tpu.memory_space<vmem>>)
      %slice3A_1748 = vector.extract_strided_slice %get3A_414 {offsets = [11], sizes = [1], strides = [1]} : vector<16xi32> to vector<1xi32>
      %squeeze3A_1749 = vector.extract %slice3A_1748[0] : i32 from vector<1xi32>
      %slice3A_1750 = vector.extract_strided_slice %get3A_416 {offsets = [11], sizes = [1], strides = [1]} : vector<16xi32> to vector<1xi32>
      %squeeze3A_1751 = vector.extract %slice3A_1750[0] : i32 from vector<1xi32>
      %ge3A_1752 = arith.constant 999936 : i32
      %ge3A_1753 = arith.cmpi sge, %squeeze3A_1749, %ge3A_1752 : i32
      %ge3A_1754 = arith.constant 999936 : i32
      %ge3A_1755 = arith.cmpi sge, %squeeze3A_1751, %ge3A_1754 : i32
      %jit3A_1756 = arith.constant 8 : i32
      %jit3A_1757 = arith.constant 3 : i32
      %select_n3A_1758 = arith.select %ge3A_1753, %jit3A_1756, %jit3A_1757 : i32
      %broadcast_in_dim3A_1759 = vector.broadcast %select_n3A_1758 : i32 to vector<16xi32>
      %jit3A_1760 = arith.constant 8 : i32
      %jit3A_1761 = arith.constant 3 : i32
      %select_n3A_1762 = arith.select %ge3A_1755, %jit3A_1760, %jit3A_1761 : i32
      %broadcast_in_dim3A_1763 = vector.broadcast %select_n3A_1762 : i32 to vector<16xi32>
      %sub3A_1764 = arith.constant 999872 : i32
      %sub3A_1765 = arith.subi %squeeze3A_1749, %sub3A_1764 : i32
      %and3A_1766 = arith.constant 127 : i32
      %and3A_1767 = arith.andi %squeeze3A_1749, %and3A_1766 : i32
      %select_n3A_1768 = arith.select %ge3A_1753, %sub3A_1765, %and3A_1767 : i32
      %broadcast_in_dim3A_1769 = vector.broadcast %select_n3A_1768 : i32 to vector<16xi32>
      %sub3A_1770 = arith.constant 999872 : i32
      %sub3A_1771 = arith.subi %squeeze3A_1751, %sub3A_1770 : i32
      %and3A_1772 = arith.constant 127 : i32
      %and3A_1773 = arith.andi %squeeze3A_1751, %and3A_1772 : i32
      %select_n3A_1774 = arith.select %ge3A_1755, %sub3A_1771, %and3A_1773 : i32
      %broadcast_in_dim3A_1775 = vector.broadcast %select_n3A_1774 : i32 to vector<16xi32>
      %gather3A_1776 = tpu.vector_load_idx %arg14[%broadcast_in_dim3A_1759, %iota3A, %broadcast_in_dim3A_1769] : memref<9x32x128xf32, #tpu.memory_space<vmem>>[vector<16xi32>, vector<16xi32>, vector<16xi32>], vector<16xf32>,
      %gather3A_1777 = tpu.vector_load_idx %arg14[%broadcast_in_dim3A_1759, %add3A_6, %broadcast_in_dim3A_1769] : memref<9x32x128xf32, #tpu.memory_space<vmem>>[vector<16xi32>, vector<16xi32>, vector<16xi32>], vector<16xf32>,
      %gather3A_1778 = tpu.vector_load_idx %arg15[%broadcast_in_dim3A_1763, %iota3A, %broadcast_in_dim3A_1775] : memref<9x32x128xf32, #tpu.memory_space<vmem>>[vector<16xi32>, vector<16xi32>, vector<16xi32>], vector<16xf32>,
      %gather3A_1779 = tpu.vector_load_idx %arg15[%broadcast_in_dim3A_1763, %add3A_6, %broadcast_in_dim3A_1775] : memref<9x32x128xf32, #tpu.memory_space<vmem>>[vector<16xi32>, vector<16xi32>, vector<16xi32>], vector<16xf32>,
      %mul3A_1780 = arith.mulf %gather3A_1776, %gather3A_1778 : vector<16xf32>
      %mul3A_1781 = arith.mulf %gather3A_1777, %gather3A_1779 : vector<16xf32>
      %add3A_1782 = arith.addf %mul3A_1780, %mul3A_1781 : vector<16xf32>
      %reduce_sum3A_1783 = arith.constant true
      %reduce_sum3A_1784 = vector.broadcast %reduce_sum3A_1783 : i1 to vector<16xi1>
      %reduce_sum3A_1785 = tpu.scan <sum>, %add3A_1782 masked %reduce_sum3A_1784 : vector<16xf32>, vector<16xi1> -> vector<16xf32>
      %reduce_sum3A_1786 = vector.extract %reduce_sum3A_1785[15] : f32 from vector<16xf32>
      %eq3A_1787 = arith.constant 11 : i32
      %eq3A_1788 = vector.broadcast %eq3A_1787 : i32 to vector<16xi32>
      %eq3A_1789 = arith.cmpi eq, %iota3A, %eq3A_1788 : vector<16xi32>
      %broadcast_in_dim3A_1790 = vector.broadcast %reduce_sum3A_1786 : f32 to vector<16xf32>
      %select_n3A_1791 = arith.select %eq3A_1789, %broadcast_in_dim3A_1790, %select_n3A_1706 : vector<16xi1>, vector<16xf32>
      %lt3A_1792 = arith.constant 31 : i32
      %lt3A_1793 = arith.cmpi slt, %scan3A_409, %lt3A_1792 : i32
      %convert_element_type3A_1794 = arith.extui %lt3A_1793 : i1 to i32
      %cond3A_1795 = arith.constant 0 : i32
      %cond3A_1796 = arith.cmpi ne, %convert_element_type3A_1794, %cond3A_1795 : i32
      scf.if %cond3A_1796 {
        %slice3A_2148 = vector.extract_strided_slice %get3A_425 {offsets = [3], sizes = [1], strides = [1]} : vector<16xi32> to vector<1xi32>
        %squeeze3A_2149 = vector.extract %slice3A_2148[0] : i32 from vector<1xi32>
        %shift_right_arithmetic3A_2150 = arith.constant 7 : i32
        %shift_right_arithmetic3A_2151 = arith.shrsi %squeeze3A_2149, %shift_right_arithmetic3A_2150 : i32
        %min3A_2152 = arith.constant 7811 : i32
        %min3A_2153 = arith.minsi %shift_right_arithmetic3A_2151, %min3A_2152 : i32
        %mul3A_2154 = arith.constant 128 : i32
        %mul3A_2155 = arith.muli %min3A_2153, %mul3A_2154 : i32
        %multiple_of3A_2156 = tpu.assume_multiple %mul3A_2155, 128 : i32
        %dma_start3A_2157 = arith.constant 3 : i32
        %dma_start3A_2158 = arith.constant 3 : i32
        %dma_start3A_2159 = arith.constant 0 : i32
        %dma_start3A_2160 = arith.constant 0 : i32
        %dma_start3A_2161 = tpu.memref_slice %arg14[%dma_start3A_2157, %dma_start3A_2159, %dma_start3A_2160] : memref<9x32x128xf32, #tpu.memory_space<vmem>> -> memref<1x32x128xf32, #tpu.memory_space<vmem>>
        %dma_start3A_2162 = tpu.memref_squeeze %dma_start3A_2161 : memref<1x32x128xf32, #tpu.memory_space<vmem>> -> memref<32x128xf32, #tpu.memory_space<vmem>>
        %dma_start3A_2163 = arith.constant 0 : i32
        %dma_start3A_2164 = tpu.memref_slice %arg5[%dma_start3A_2163, %multiple_of3A_2156] : memref<32x1000000xf32, #tpu.memory_space<hbm>> -> memref<32x128xf32, #tpu.memory_space<hbm>>
        %dma_start3A_2165 = tpu.memref_slice %arg16[%dma_start3A_2158] : memref<8x!tpu.dma_semaphore, #tpu.memory_space<semaphore_mem>> -> memref<1x!tpu.dma_semaphore, #tpu.memory_space<semaphore_mem>>
        %dma_start3A_2166 = tpu.memref_squeeze %dma_start3A_2165 : memref<1x!tpu.dma_semaphore, #tpu.memory_space<semaphore_mem>> -> memref<!tpu.dma_semaphore, #tpu.memory_space<semaphore_mem>>
        %dma_start3A_2167 = arith.constant 0 : i32
        %dma_start3A_2168 = arith.constant 0 : i32
        %dma_start3A_2169 = tpu.memref_slice %arg14[%dma_start3A_2157, %dma_start3A_2167, %dma_start3A_2168] : memref<9x32x128xf32, #tpu.memory_space<vmem>> -> memref<1x32x128xf32, #tpu.memory_space<vmem>>
        %dma_start3A_2170 = tpu.memref_squeeze %dma_start3A_2169 : memref<1x32x128xf32, #tpu.memory_space<vmem>> -> memref<32x128xf32, #tpu.memory_space<vmem>>
        %dma_start3A_2171 = arith.constant 0 : i32
        %dma_start3A_2172 = tpu.memref_slice %arg5[%dma_start3A_2171, %multiple_of3A_2156] : memref<32x1000000xf32, #tpu.memory_space<hbm>> -> memref<32x128xf32, #tpu.memory_space<hbm>>
        tpu.enqueue_dma source(%dma_start3A_2172 : memref<32x128xf32, #tpu.memory_space<hbm>>) target(%dma_start3A_2170 : memref<32x128xf32, #tpu.memory_space<vmem>>) target_semaphore(%dma_start3A_2166 : memref<!tpu.dma_semaphore, #tpu.memory_space<semaphore_mem>>)
        %slice3A_2173 = vector.extract_strided_slice %get3A_427 {offsets = [3], sizes = [1], strides = [1]} : vector<16xi32> to vector<1xi32>
        %squeeze3A_2174 = vector.extract %slice3A_2173[0] : i32 from vector<1xi32>
        %shift_right_arithmetic3A_2175 = arith.constant 7 : i32
        %shift_right_arithmetic3A_2176 = arith.shrsi %squeeze3A_2174, %shift_right_arithmetic3A_2175 : i32
        %min3A_2177 = arith.constant 7811 : i32
        %min3A_2178 = arith.minsi %shift_right_arithmetic3A_2176, %min3A_2177 : i32
        %mul3A_2179 = arith.constant 128 : i32
        %mul3A_2180 = arith.muli %min3A_2178, %mul3A_2179 : i32
        %multiple_of3A_2181 = tpu.assume_multiple %mul3A_2180, 128 : i32
        %dma_start3A_2182 = arith.constant 3 : i32
        %dma_start3A_2183 = arith.constant 3 : i32
        %dma_start3A_2184 = arith.constant 0 : i32
        %dma_start3A_2185 = arith.constant 0 : i32
        %dma_start3A_2186 = tpu.memref_slice %arg15[%dma_start3A_2182, %dma_start3A_2184, %dma_start3A_2185] : memref<9x32x128xf32, #tpu.memory_space<vmem>> -> memref<1x32x128xf32, #tpu.memory_space<vmem>>
        %dma_start3A_2187 = tpu.memref_squeeze %dma_start3A_2186 : memref<1x32x128xf32, #tpu.memory_space<vmem>> -> memref<32x128xf32, #tpu.memory_space<vmem>>
        %dma_start3A_2188 = arith.constant 0 : i32
        %dma_start3A_2189 = tpu.memref_slice %arg6[%dma_start3A_2188, %multiple_of3A_2181] : memref<32x1000000xf32, #tpu.memory_space<hbm>> -> memref<32x128xf32, #tpu.memory_space<hbm>>
        %dma_start3A_2190 = tpu.memref_slice %arg17[%dma_start3A_2183] : memref<8x!tpu.dma_semaphore, #tpu.memory_space<semaphore_mem>> -> memref<1x!tpu.dma_semaphore, #tpu.memory_space<semaphore_mem>>
        %dma_start3A_2191 = tpu.memref_squeeze %dma_start3A_2190 : memref<1x!tpu.dma_semaphore, #tpu.memory_space<semaphore_mem>> -> memref<!tpu.dma_semaphore, #tpu.memory_space<semaphore_mem>>
        %dma_start3A_2192 = arith.constant 0 : i32
        %dma_start3A_2193 = arith.constant 0 : i32
        %dma_start3A_2194 = tpu.memref_slice %arg15[%dma_start3A_2182, %dma_start3A_2192, %dma_start3A_2193] : memref<9x32x128xf32, #tpu.memory_space<vmem>> -> memref<1x32x128xf32, #tpu.memory_space<vmem>>
        %dma_start3A_2195 = tpu.memref_squeeze %dma_start3A_2194 : memref<1x32x128xf32, #tpu.memory_space<vmem>> -> memref<32x128xf32, #tpu.memory_space<vmem>>
        %dma_start3A_2196 = arith.constant 0 : i32
        %dma_start3A_2197 = tpu.memref_slice %arg6[%dma_start3A_2196, %multiple_of3A_2181] : memref<32x1000000xf32, #tpu.memory_space<hbm>> -> memref<32x128xf32, #tpu.memory_space<hbm>>
        tpu.enqueue_dma source(%dma_start3A_2197 : memref<32x128xf32, #tpu.memory_space<hbm>>) target(%dma_start3A_2195 : memref<32x128xf32, #tpu.memory_space<vmem>>) target_semaphore(%dma_start3A_2191 : memref<!tpu.dma_semaphore, #tpu.memory_space<semaphore_mem>>)
      } else {
      }
      %dma_wait3A_1797 = arith.constant 4 : i32
      %dma_wait3A_1798 = arith.constant 4 : i32
      %dma_wait3A_1799 = arith.constant 0 : i32
      %dma_wait3A_1800 = arith.constant 0 : i32
      %dma_wait3A_1801 = tpu.memref_slice %arg14[%dma_wait3A_1797, %dma_wait3A_1799, %dma_wait3A_1800] : memref<9x32x128xf32, #tpu.memory_space<vmem>> -> memref<1x32x128xf32, #tpu.memory_space<vmem>>
      %dma_wait3A_1802 = tpu.memref_squeeze %dma_wait3A_1801 : memref<1x32x128xf32, #tpu.memory_space<vmem>> -> memref<32x128xf32, #tpu.memory_space<vmem>>
      %dma_wait3A_1803 = arith.constant 0 : i32
      %dma_wait3A_1804 = arith.constant 0 : i32
      %dma_wait3A_1805 = tpu.memref_slice %arg5[%dma_wait3A_1803, %dma_wait3A_1804] : memref<32x1000000xf32, #tpu.memory_space<hbm>> -> memref<32x128xf32, #tpu.memory_space<hbm>>
      %dma_wait3A_1806 = tpu.memref_slice %arg16[%dma_wait3A_1798] : memref<8x!tpu.dma_semaphore, #tpu.memory_space<semaphore_mem>> -> memref<1x!tpu.dma_semaphore, #tpu.memory_space<semaphore_mem>>
      %dma_wait3A_1807 = tpu.memref_squeeze %dma_wait3A_1806 : memref<1x!tpu.dma_semaphore, #tpu.memory_space<semaphore_mem>> -> memref<!tpu.dma_semaphore, #tpu.memory_space<semaphore_mem>>
      %dma_wait3A_1808 = arith.constant 0 : i32
      %dma_wait3A_1809 = arith.constant 0 : i32
      %dma_wait3A_1810 = tpu.memref_slice %arg14[%dma_wait3A_1797, %dma_wait3A_1808, %dma_wait3A_1809] : memref<9x32x128xf32, #tpu.memory_space<vmem>> -> memref<1x32x128xf32, #tpu.memory_space<vmem>>
      %dma_wait3A_1811 = tpu.memref_squeeze %dma_wait3A_1810 : memref<1x32x128xf32, #tpu.memory_space<vmem>> -> memref<32x128xf32, #tpu.memory_space<vmem>>
      %dma_wait3A_1812 = arith.constant 0 : i32
      %dma_wait3A_1813 = arith.constant 0 : i32
      %dma_wait3A_1814 = tpu.memref_slice %arg5[%dma_wait3A_1812, %dma_wait3A_1813] : memref<32x1000000xf32, #tpu.memory_space<hbm>> -> memref<32x128xf32, #tpu.memory_space<hbm>>
      tpu.wait_dma2 semaphore(%dma_wait3A_1807 : memref<!tpu.dma_semaphore, #tpu.memory_space<semaphore_mem>>) src(%dma_wait3A_1814 : memref<32x128xf32, #tpu.memory_space<hbm>>) dst(%dma_wait3A_1811 : memref<32x128xf32, #tpu.memory_space<vmem>>)
      %dma_wait3A_1815 = arith.constant 4 : i32
      %dma_wait3A_1816 = arith.constant 4 : i32
      %dma_wait3A_1817 = arith.constant 0 : i32
      %dma_wait3A_1818 = arith.constant 0 : i32
      %dma_wait3A_1819 = tpu.memref_slice %arg15[%dma_wait3A_1815, %dma_wait3A_1817, %dma_wait3A_1818] : memref<9x32x128xf32, #tpu.memory_space<vmem>> -> memref<1x32x128xf32, #tpu.memory_space<vmem>>
      %dma_wait3A_1820 = tpu.memref_squeeze %dma_wait3A_1819 : memref<1x32x128xf32, #tpu.memory_space<vmem>> -> memref<32x128xf32, #tpu.memory_space<vmem>>
      %dma_wait3A_1821 = arith.constant 0 : i32
      %dma_wait3A_1822 = arith.constant 0 : i32
      %dma_wait3A_1823 = tpu.memref_slice %arg6[%dma_wait3A_1821, %dma_wait3A_1822] : memref<32x1000000xf32, #tpu.memory_space<hbm>> -> memref<32x128xf32, #tpu.memory_space<hbm>>
      %dma_wait3A_1824 = tpu.memref_slice %arg17[%dma_wait3A_1816] : memref<8x!tpu.dma_semaphore, #tpu.memory_space<semaphore_mem>> -> memref<1x!tpu.dma_semaphore, #tpu.memory_space<semaphore_mem>>
      %dma_wait3A_1825 = tpu.memref_squeeze %dma_wait3A_1824 : memref<1x!tpu.dma_semaphore, #tpu.memory_space<semaphore_mem>> -> memref<!tpu.dma_semaphore, #tpu.memory_space<semaphore_mem>>
      %dma_wait3A_1826 = arith.constant 0 : i32
      %dma_wait3A_1827 = arith.constant 0 : i32
      %dma_wait3A_1828 = tpu.memref_slice %arg15[%dma_wait3A_1815, %dma_wait3A_1826, %dma_wait3A_1827] : memref<9x32x128xf32, #tpu.memory_space<vmem>> -> memref<1x32x128xf32, #tpu.memory_space<vmem>>
      %dma_wait3A_1829 = tpu.memref_squeeze %dma_wait3A_1828 : memref<1x32x128xf32, #tpu.memory_space<vmem>> -> memref<32x128xf32, #tpu.memory_space<vmem>>
      %dma_wait3A_1830 = arith.constant 0 : i32
      %dma_wait3A_1831 = arith.constant 0 : i32
      %dma_wait3A_1832 = tpu.memref_slice %arg6[%dma_wait3A_1830, %dma_wait3A_1831] : memref<32x1000000xf32, #tpu.memory_space<hbm>> -> memref<32x128xf32, #tpu.memory_space<hbm>>
      tpu.wait_dma2 semaphore(%dma_wait3A_1825 : memref<!tpu.dma_semaphore, #tpu.memory_space<semaphore_mem>>) src(%dma_wait3A_1832 : memref<32x128xf32, #tpu.memory_space<hbm>>) dst(%dma_wait3A_1829 : memref<32x128xf32, #tpu.memory_space<vmem>>)
      %slice3A_1833 = vector.extract_strided_slice %get3A_414 {offsets = [12], sizes = [1], strides = [1]} : vector<16xi32> to vector<1xi32>
      %squeeze3A_1834 = vector.extract %slice3A_1833[0] : i32 from vector<1xi32>
      %slice3A_1835 = vector.extract_strided_slice %get3A_416 {offsets = [12], sizes = [1], strides = [1]} : vector<16xi32> to vector<1xi32>
      %squeeze3A_1836 = vector.extract %slice3A_1835[0] : i32 from vector<1xi32>
      %ge3A_1837 = arith.constant 999936 : i32
      %ge3A_1838 = arith.cmpi sge, %squeeze3A_1834, %ge3A_1837 : i32
      %ge3A_1839 = arith.constant 999936 : i32
      %ge3A_1840 = arith.cmpi sge, %squeeze3A_1836, %ge3A_1839 : i32
      %jit3A_1841 = arith.constant 8 : i32
      %jit3A_1842 = arith.constant 4 : i32
      %select_n3A_1843 = arith.select %ge3A_1838, %jit3A_1841, %jit3A_1842 : i32
      %broadcast_in_dim3A_1844 = vector.broadcast %select_n3A_1843 : i32 to vector<16xi32>
      %jit3A_1845 = arith.constant 8 : i32
      %jit3A_1846 = arith.constant 4 : i32
      %select_n3A_1847 = arith.select %ge3A_1840, %jit3A_1845, %jit3A_1846 : i32
      %broadcast_in_dim3A_1848 = vector.broadcast %select_n3A_1847 : i32 to vector<16xi32>
      %sub3A_1849 = arith.constant 999872 : i32
      %sub3A_1850 = arith.subi %squeeze3A_1834, %sub3A_1849 : i32
      %and3A_1851 = arith.constant 127 : i32
      %and3A_1852 = arith.andi %squeeze3A_1834, %and3A_1851 : i32
      %select_n3A_1853 = arith.select %ge3A_1838, %sub3A_1850, %and3A_1852 : i32
      %broadcast_in_dim3A_1854 = vector.broadcast %select_n3A_1853 : i32 to vector<16xi32>
      %sub3A_1855 = arith.constant 999872 : i32
      %sub3A_1856 = arith.subi %squeeze3A_1836, %sub3A_1855 : i32
      %and3A_1857 = arith.constant 127 : i32
      %and3A_1858 = arith.andi %squeeze3A_1836, %and3A_1857 : i32
      %select_n3A_1859 = arith.select %ge3A_1840, %sub3A_1856, %and3A_1858 : i32
      %broadcast_in_dim3A_1860 = vector.broadcast %select_n3A_1859 : i32 to vector<16xi32>
      %gather3A_1861 = tpu.vector_load_idx %arg14[%broadcast_in_dim3A_1844, %iota3A, %broadcast_in_dim3A_1854] : memref<9x32x128xf32, #tpu.memory_space<vmem>>[vector<16xi32>, vector<16xi32>, vector<16xi32>], vector<16xf32>,
      %gather3A_1862 = tpu.vector_load_idx %arg14[%broadcast_in_dim3A_1844, %add3A_6, %broadcast_in_dim3A_1854] : memref<9x32x128xf32, #tpu.memory_space<vmem>>[vector<16xi32>, vector<16xi32>, vector<16xi32>], vector<16xf32>,
      %gather3A_1863 = tpu.vector_load_idx %arg15[%broadcast_in_dim3A_1848, %iota3A, %broadcast_in_dim3A_1860] : memref<9x32x128xf32, #tpu.memory_space<vmem>>[vector<16xi32>, vector<16xi32>, vector<16xi32>], vector<16xf32>,
      %gather3A_1864 = tpu.vector_load_idx %arg15[%broadcast_in_dim3A_1848, %add3A_6, %broadcast_in_dim3A_1860] : memref<9x32x128xf32, #tpu.memory_space<vmem>>[vector<16xi32>, vector<16xi32>, vector<16xi32>], vector<16xf32>,
      %mul3A_1865 = arith.mulf %gather3A_1861, %gather3A_1863 : vector<16xf32>
      %mul3A_1866 = arith.mulf %gather3A_1862, %gather3A_1864 : vector<16xf32>
      %add3A_1867 = arith.addf %mul3A_1865, %mul3A_1866 : vector<16xf32>
      %reduce_sum3A_1868 = arith.constant true
      %reduce_sum3A_1869 = vector.broadcast %reduce_sum3A_1868 : i1 to vector<16xi1>
      %reduce_sum3A_1870 = tpu.scan <sum>, %add3A_1867 masked %reduce_sum3A_1869 : vector<16xf32>, vector<16xi1> -> vector<16xf32>
      %reduce_sum3A_1871 = vector.extract %reduce_sum3A_1870[15] : f32 from vector<16xf32>
      %eq3A_1872 = arith.constant 12 : i32
      %eq3A_1873 = vector.broadcast %eq3A_1872 : i32 to vector<16xi32>
      %eq3A_1874 = arith.cmpi eq, %iota3A, %eq3A_1873 : vector<16xi32>
      %broadcast_in_dim3A_1875 = vector.broadcast %reduce_sum3A_1871 : f32 to vector<16xf32>
      %select_n3A_1876 = arith.select %eq3A_1874, %broadcast_in_dim3A_1875, %select_n3A_1791 : vector<16xi1>, vector<16xf32>
      %lt3A_1877 = arith.constant 31 : i32
      %lt3A_1878 = arith.cmpi slt, %scan3A_409, %lt3A_1877 : i32
      %convert_element_type3A_1879 = arith.extui %lt3A_1878 : i1 to i32
      %cond3A_1880 = arith.constant 0 : i32
      %cond3A_1881 = arith.cmpi ne, %convert_element_type3A_1879, %cond3A_1880 : i32
      scf.if %cond3A_1881 {
        %slice3A_2148 = vector.extract_strided_slice %get3A_425 {offsets = [4], sizes = [1], strides = [1]} : vector<16xi32> to vector<1xi32>
        %squeeze3A_2149 = vector.extract %slice3A_2148[0] : i32 from vector<1xi32>
        %shift_right_arithmetic3A_2150 = arith.constant 7 : i32
        %shift_right_arithmetic3A_2151 = arith.shrsi %squeeze3A_2149, %shift_right_arithmetic3A_2150 : i32
        %min3A_2152 = arith.constant 7811 : i32
        %min3A_2153 = arith.minsi %shift_right_arithmetic3A_2151, %min3A_2152 : i32
        %mul3A_2154 = arith.constant 128 : i32
        %mul3A_2155 = arith.muli %min3A_2153, %mul3A_2154 : i32
        %multiple_of3A_2156 = tpu.assume_multiple %mul3A_2155, 128 : i32
        %dma_start3A_2157 = arith.constant 4 : i32
        %dma_start3A_2158 = arith.constant 4 : i32
        %dma_start3A_2159 = arith.constant 0 : i32
        %dma_start3A_2160 = arith.constant 0 : i32
        %dma_start3A_2161 = tpu.memref_slice %arg14[%dma_start3A_2157, %dma_start3A_2159, %dma_start3A_2160] : memref<9x32x128xf32, #tpu.memory_space<vmem>> -> memref<1x32x128xf32, #tpu.memory_space<vmem>>
        %dma_start3A_2162 = tpu.memref_squeeze %dma_start3A_2161 : memref<1x32x128xf32, #tpu.memory_space<vmem>> -> memref<32x128xf32, #tpu.memory_space<vmem>>
        %dma_start3A_2163 = arith.constant 0 : i32
        %dma_start3A_2164 = tpu.memref_slice %arg5[%dma_start3A_2163, %multiple_of3A_2156] : memref<32x1000000xf32, #tpu.memory_space<hbm>> -> memref<32x128xf32, #tpu.memory_space<hbm>>
        %dma_start3A_2165 = tpu.memref_slice %arg16[%dma_start3A_2158] : memref<8x!tpu.dma_semaphore, #tpu.memory_space<semaphore_mem>> -> memref<1x!tpu.dma_semaphore, #tpu.memory_space<semaphore_mem>>
        %dma_start3A_2166 = tpu.memref_squeeze %dma_start3A_2165 : memref<1x!tpu.dma_semaphore, #tpu.memory_space<semaphore_mem>> -> memref<!tpu.dma_semaphore, #tpu.memory_space<semaphore_mem>>
        %dma_start3A_2167 = arith.constant 0 : i32
        %dma_start3A_2168 = arith.constant 0 : i32
        %dma_start3A_2169 = tpu.memref_slice %arg14[%dma_start3A_2157, %dma_start3A_2167, %dma_start3A_2168] : memref<9x32x128xf32, #tpu.memory_space<vmem>> -> memref<1x32x128xf32, #tpu.memory_space<vmem>>
        %dma_start3A_2170 = tpu.memref_squeeze %dma_start3A_2169 : memref<1x32x128xf32, #tpu.memory_space<vmem>> -> memref<32x128xf32, #tpu.memory_space<vmem>>
        %dma_start3A_2171 = arith.constant 0 : i32
        %dma_start3A_2172 = tpu.memref_slice %arg5[%dma_start3A_2171, %multiple_of3A_2156] : memref<32x1000000xf32, #tpu.memory_space<hbm>> -> memref<32x128xf32, #tpu.memory_space<hbm>>
        tpu.enqueue_dma source(%dma_start3A_2172 : memref<32x128xf32, #tpu.memory_space<hbm>>) target(%dma_start3A_2170 : memref<32x128xf32, #tpu.memory_space<vmem>>) target_semaphore(%dma_start3A_2166 : memref<!tpu.dma_semaphore, #tpu.memory_space<semaphore_mem>>)
        %slice3A_2173 = vector.extract_strided_slice %get3A_427 {offsets = [4], sizes = [1], strides = [1]} : vector<16xi32> to vector<1xi32>
        %squeeze3A_2174 = vector.extract %slice3A_2173[0] : i32 from vector<1xi32>
        %shift_right_arithmetic3A_2175 = arith.constant 7 : i32
        %shift_right_arithmetic3A_2176 = arith.shrsi %squeeze3A_2174, %shift_right_arithmetic3A_2175 : i32
        %min3A_2177 = arith.constant 7811 : i32
        %min3A_2178 = arith.minsi %shift_right_arithmetic3A_2176, %min3A_2177 : i32
        %mul3A_2179 = arith.constant 128 : i32
        %mul3A_2180 = arith.muli %min3A_2178, %mul3A_2179 : i32
        %multiple_of3A_2181 = tpu.assume_multiple %mul3A_2180, 128 : i32
        %dma_start3A_2182 = arith.constant 4 : i32
        %dma_start3A_2183 = arith.constant 4 : i32
        %dma_start3A_2184 = arith.constant 0 : i32
        %dma_start3A_2185 = arith.constant 0 : i32
        %dma_start3A_2186 = tpu.memref_slice %arg15[%dma_start3A_2182, %dma_start3A_2184, %dma_start3A_2185] : memref<9x32x128xf32, #tpu.memory_space<vmem>> -> memref<1x32x128xf32, #tpu.memory_space<vmem>>
        %dma_start3A_2187 = tpu.memref_squeeze %dma_start3A_2186 : memref<1x32x128xf32, #tpu.memory_space<vmem>> -> memref<32x128xf32, #tpu.memory_space<vmem>>
        %dma_start3A_2188 = arith.constant 0 : i32
        %dma_start3A_2189 = tpu.memref_slice %arg6[%dma_start3A_2188, %multiple_of3A_2181] : memref<32x1000000xf32, #tpu.memory_space<hbm>> -> memref<32x128xf32, #tpu.memory_space<hbm>>
        %dma_start3A_2190 = tpu.memref_slice %arg17[%dma_start3A_2183] : memref<8x!tpu.dma_semaphore, #tpu.memory_space<semaphore_mem>> -> memref<1x!tpu.dma_semaphore, #tpu.memory_space<semaphore_mem>>
        %dma_start3A_2191 = tpu.memref_squeeze %dma_start3A_2190 : memref<1x!tpu.dma_semaphore, #tpu.memory_space<semaphore_mem>> -> memref<!tpu.dma_semaphore, #tpu.memory_space<semaphore_mem>>
        %dma_start3A_2192 = arith.constant 0 : i32
        %dma_start3A_2193 = arith.constant 0 : i32
        %dma_start3A_2194 = tpu.memref_slice %arg15[%dma_start3A_2182, %dma_start3A_2192, %dma_start3A_2193] : memref<9x32x128xf32, #tpu.memory_space<vmem>> -> memref<1x32x128xf32, #tpu.memory_space<vmem>>
        %dma_start3A_2195 = tpu.memref_squeeze %dma_start3A_2194 : memref<1x32x128xf32, #tpu.memory_space<vmem>> -> memref<32x128xf32, #tpu.memory_space<vmem>>
        %dma_start3A_2196 = arith.constant 0 : i32
        %dma_start3A_2197 = tpu.memref_slice %arg6[%dma_start3A_2196, %multiple_of3A_2181] : memref<32x1000000xf32, #tpu.memory_space<hbm>> -> memref<32x128xf32, #tpu.memory_space<hbm>>
        tpu.enqueue_dma source(%dma_start3A_2197 : memref<32x128xf32, #tpu.memory_space<hbm>>) target(%dma_start3A_2195 : memref<32x128xf32, #tpu.memory_space<vmem>>) target_semaphore(%dma_start3A_2191 : memref<!tpu.dma_semaphore, #tpu.memory_space<semaphore_mem>>)
      } else {
      }
      %dma_wait3A_1882 = arith.constant 5 : i32
      %dma_wait3A_1883 = arith.constant 5 : i32
      %dma_wait3A_1884 = arith.constant 0 : i32
      %dma_wait3A_1885 = arith.constant 0 : i32
      %dma_wait3A_1886 = tpu.memref_slice %arg14[%dma_wait3A_1882, %dma_wait3A_1884, %dma_wait3A_1885] : memref<9x32x128xf32, #tpu.memory_space<vmem>> -> memref<1x32x128xf32, #tpu.memory_space<vmem>>
      %dma_wait3A_1887 = tpu.memref_squeeze %dma_wait3A_1886 : memref<1x32x128xf32, #tpu.memory_space<vmem>> -> memref<32x128xf32, #tpu.memory_space<vmem>>
      %dma_wait3A_1888 = arith.constant 0 : i32
      %dma_wait3A_1889 = arith.constant 0 : i32
      %dma_wait3A_1890 = tpu.memref_slice %arg5[%dma_wait3A_1888, %dma_wait3A_1889] : memref<32x1000000xf32, #tpu.memory_space<hbm>> -> memref<32x128xf32, #tpu.memory_space<hbm>>
      %dma_wait3A_1891 = tpu.memref_slice %arg16[%dma_wait3A_1883] : memref<8x!tpu.dma_semaphore, #tpu.memory_space<semaphore_mem>> -> memref<1x!tpu.dma_semaphore, #tpu.memory_space<semaphore_mem>>
      %dma_wait3A_1892 = tpu.memref_squeeze %dma_wait3A_1891 : memref<1x!tpu.dma_semaphore, #tpu.memory_space<semaphore_mem>> -> memref<!tpu.dma_semaphore, #tpu.memory_space<semaphore_mem>>
      %dma_wait3A_1893 = arith.constant 0 : i32
      %dma_wait3A_1894 = arith.constant 0 : i32
      %dma_wait3A_1895 = tpu.memref_slice %arg14[%dma_wait3A_1882, %dma_wait3A_1893, %dma_wait3A_1894] : memref<9x32x128xf32, #tpu.memory_space<vmem>> -> memref<1x32x128xf32, #tpu.memory_space<vmem>>
      %dma_wait3A_1896 = tpu.memref_squeeze %dma_wait3A_1895 : memref<1x32x128xf32, #tpu.memory_space<vmem>> -> memref<32x128xf32, #tpu.memory_space<vmem>>
      %dma_wait3A_1897 = arith.constant 0 : i32
      %dma_wait3A_1898 = arith.constant 0 : i32
      %dma_wait3A_1899 = tpu.memref_slice %arg5[%dma_wait3A_1897, %dma_wait3A_1898] : memref<32x1000000xf32, #tpu.memory_space<hbm>> -> memref<32x128xf32, #tpu.memory_space<hbm>>
      tpu.wait_dma2 semaphore(%dma_wait3A_1892 : memref<!tpu.dma_semaphore, #tpu.memory_space<semaphore_mem>>) src(%dma_wait3A_1899 : memref<32x128xf32, #tpu.memory_space<hbm>>) dst(%dma_wait3A_1896 : memref<32x128xf32, #tpu.memory_space<vmem>>)
      %dma_wait3A_1900 = arith.constant 5 : i32
      %dma_wait3A_1901 = arith.constant 5 : i32
      %dma_wait3A_1902 = arith.constant 0 : i32
      %dma_wait3A_1903 = arith.constant 0 : i32
      %dma_wait3A_1904 = tpu.memref_slice %arg15[%dma_wait3A_1900, %dma_wait3A_1902, %dma_wait3A_1903] : memref<9x32x128xf32, #tpu.memory_space<vmem>> -> memref<1x32x128xf32, #tpu.memory_space<vmem>>
      %dma_wait3A_1905 = tpu.memref_squeeze %dma_wait3A_1904 : memref<1x32x128xf32, #tpu.memory_space<vmem>> -> memref<32x128xf32, #tpu.memory_space<vmem>>
      %dma_wait3A_1906 = arith.constant 0 : i32
      %dma_wait3A_1907 = arith.constant 0 : i32
      %dma_wait3A_1908 = tpu.memref_slice %arg6[%dma_wait3A_1906, %dma_wait3A_1907] : memref<32x1000000xf32, #tpu.memory_space<hbm>> -> memref<32x128xf32, #tpu.memory_space<hbm>>
      %dma_wait3A_1909 = tpu.memref_slice %arg17[%dma_wait3A_1901] : memref<8x!tpu.dma_semaphore, #tpu.memory_space<semaphore_mem>> -> memref<1x!tpu.dma_semaphore, #tpu.memory_space<semaphore_mem>>
      %dma_wait3A_1910 = tpu.memref_squeeze %dma_wait3A_1909 : memref<1x!tpu.dma_semaphore, #tpu.memory_space<semaphore_mem>> -> memref<!tpu.dma_semaphore, #tpu.memory_space<semaphore_mem>>
      %dma_wait3A_1911 = arith.constant 0 : i32
      %dma_wait3A_1912 = arith.constant 0 : i32
      %dma_wait3A_1913 = tpu.memref_slice %arg15[%dma_wait3A_1900, %dma_wait3A_1911, %dma_wait3A_1912] : memref<9x32x128xf32, #tpu.memory_space<vmem>> -> memref<1x32x128xf32, #tpu.memory_space<vmem>>
      %dma_wait3A_1914 = tpu.memref_squeeze %dma_wait3A_1913 : memref<1x32x128xf32, #tpu.memory_space<vmem>> -> memref<32x128xf32, #tpu.memory_space<vmem>>
      %dma_wait3A_1915 = arith.constant 0 : i32
      %dma_wait3A_1916 = arith.constant 0 : i32
      %dma_wait3A_1917 = tpu.memref_slice %arg6[%dma_wait3A_1915, %dma_wait3A_1916] : memref<32x1000000xf32, #tpu.memory_space<hbm>> -> memref<32x128xf32, #tpu.memory_space<hbm>>
      tpu.wait_dma2 semaphore(%dma_wait3A_1910 : memref<!tpu.dma_semaphore, #tpu.memory_space<semaphore_mem>>) src(%dma_wait3A_1917 : memref<32x128xf32, #tpu.memory_space<hbm>>) dst(%dma_wait3A_1914 : memref<32x128xf32, #tpu.memory_space<vmem>>)
      %slice3A_1918 = vector.extract_strided_slice %get3A_414 {offsets = [13], sizes = [1], strides = [1]} : vector<16xi32> to vector<1xi32>
      %squeeze3A_1919 = vector.extract %slice3A_1918[0] : i32 from vector<1xi32>
      %slice3A_1920 = vector.extract_strided_slice %get3A_416 {offsets = [13], sizes = [1], strides = [1]} : vector<16xi32> to vector<1xi32>
      %squeeze3A_1921 = vector.extract %slice3A_1920[0] : i32 from vector<1xi32>
      %ge3A_1922 = arith.constant 999936 : i32
      %ge3A_1923 = arith.cmpi sge, %squeeze3A_1919, %ge3A_1922 : i32
      %ge3A_1924 = arith.constant 999936 : i32
      %ge3A_1925 = arith.cmpi sge, %squeeze3A_1921, %ge3A_1924 : i32
      %jit3A_1926 = arith.constant 8 : i32
      %jit3A_1927 = arith.constant 5 : i32
      %select_n3A_1928 = arith.select %ge3A_1923, %jit3A_1926, %jit3A_1927 : i32
      %broadcast_in_dim3A_1929 = vector.broadcast %select_n3A_1928 : i32 to vector<16xi32>
      %jit3A_1930 = arith.constant 8 : i32
      %jit3A_1931 = arith.constant 5 : i32
      %select_n3A_1932 = arith.select %ge3A_1925, %jit3A_1930, %jit3A_1931 : i32
      %broadcast_in_dim3A_1933 = vector.broadcast %select_n3A_1932 : i32 to vector<16xi32>
      %sub3A_1934 = arith.constant 999872 : i32
      %sub3A_1935 = arith.subi %squeeze3A_1919, %sub3A_1934 : i32
      %and3A_1936 = arith.constant 127 : i32
      %and3A_1937 = arith.andi %squeeze3A_1919, %and3A_1936 : i32
      %select_n3A_1938 = arith.select %ge3A_1923, %sub3A_1935, %and3A_1937 : i32
      %broadcast_in_dim3A_1939 = vector.broadcast %select_n3A_1938 : i32 to vector<16xi32>
      %sub3A_1940 = arith.constant 999872 : i32
      %sub3A_1941 = arith.subi %squeeze3A_1921, %sub3A_1940 : i32
      %and3A_1942 = arith.constant 127 : i32
      %and3A_1943 = arith.andi %squeeze3A_1921, %and3A_1942 : i32
      %select_n3A_1944 = arith.select %ge3A_1925, %sub3A_1941, %and3A_1943 : i32
      %broadcast_in_dim3A_1945 = vector.broadcast %select_n3A_1944 : i32 to vector<16xi32>
      %gather3A_1946 = tpu.vector_load_idx %arg14[%broadcast_in_dim3A_1929, %iota3A, %broadcast_in_dim3A_1939] : memref<9x32x128xf32, #tpu.memory_space<vmem>>[vector<16xi32>, vector<16xi32>, vector<16xi32>], vector<16xf32>,
      %gather3A_1947 = tpu.vector_load_idx %arg14[%broadcast_in_dim3A_1929, %add3A_6, %broadcast_in_dim3A_1939] : memref<9x32x128xf32, #tpu.memory_space<vmem>>[vector<16xi32>, vector<16xi32>, vector<16xi32>], vector<16xf32>,
      %gather3A_1948 = tpu.vector_load_idx %arg15[%broadcast_in_dim3A_1933, %iota3A, %broadcast_in_dim3A_1945] : memref<9x32x128xf32, #tpu.memory_space<vmem>>[vector<16xi32>, vector<16xi32>, vector<16xi32>], vector<16xf32>,
      %gather3A_1949 = tpu.vector_load_idx %arg15[%broadcast_in_dim3A_1933, %add3A_6, %broadcast_in_dim3A_1945] : memref<9x32x128xf32, #tpu.memory_space<vmem>>[vector<16xi32>, vector<16xi32>, vector<16xi32>], vector<16xf32>,
      %mul3A_1950 = arith.mulf %gather3A_1946, %gather3A_1948 : vector<16xf32>
      %mul3A_1951 = arith.mulf %gather3A_1947, %gather3A_1949 : vector<16xf32>
      %add3A_1952 = arith.addf %mul3A_1950, %mul3A_1951 : vector<16xf32>
      %reduce_sum3A_1953 = arith.constant true
      %reduce_sum3A_1954 = vector.broadcast %reduce_sum3A_1953 : i1 to vector<16xi1>
      %reduce_sum3A_1955 = tpu.scan <sum>, %add3A_1952 masked %reduce_sum3A_1954 : vector<16xf32>, vector<16xi1> -> vector<16xf32>
      %reduce_sum3A_1956 = vector.extract %reduce_sum3A_1955[15] : f32 from vector<16xf32>
      %eq3A_1957 = arith.constant 13 : i32
      %eq3A_1958 = vector.broadcast %eq3A_1957 : i32 to vector<16xi32>
      %eq3A_1959 = arith.cmpi eq, %iota3A, %eq3A_1958 : vector<16xi32>
      %broadcast_in_dim3A_1960 = vector.broadcast %reduce_sum3A_1956 : f32 to vector<16xf32>
      %select_n3A_1961 = arith.select %eq3A_1959, %broadcast_in_dim3A_1960, %select_n3A_1876 : vector<16xi1>, vector<16xf32>
      %lt3A_1962 = arith.constant 31 : i32
      %lt3A_1963 = arith.cmpi slt, %scan3A_409, %lt3A_1962 : i32
      %convert_element_type3A_1964 = arith.extui %lt3A_1963 : i1 to i32
      %cond3A_1965 = arith.constant 0 : i32
      %cond3A_1966 = arith.cmpi ne, %convert_element_type3A_1964, %cond3A_1965 : i32
      scf.if %cond3A_1966 {
        %slice3A_2148 = vector.extract_strided_slice %get3A_425 {offsets = [5], sizes = [1], strides = [1]} : vector<16xi32> to vector<1xi32>
        %squeeze3A_2149 = vector.extract %slice3A_2148[0] : i32 from vector<1xi32>
        %shift_right_arithmetic3A_2150 = arith.constant 7 : i32
        %shift_right_arithmetic3A_2151 = arith.shrsi %squeeze3A_2149, %shift_right_arithmetic3A_2150 : i32
        %min3A_2152 = arith.constant 7811 : i32
        %min3A_2153 = arith.minsi %shift_right_arithmetic3A_2151, %min3A_2152 : i32
        %mul3A_2154 = arith.constant 128 : i32
        %mul3A_2155 = arith.muli %min3A_2153, %mul3A_2154 : i32
        %multiple_of3A_2156 = tpu.assume_multiple %mul3A_2155, 128 : i32
        %dma_start3A_2157 = arith.constant 5 : i32
        %dma_start3A_2158 = arith.constant 5 : i32
        %dma_start3A_2159 = arith.constant 0 : i32
        %dma_start3A_2160 = arith.constant 0 : i32
        %dma_start3A_2161 = tpu.memref_slice %arg14[%dma_start3A_2157, %dma_start3A_2159, %dma_start3A_2160] : memref<9x32x128xf32, #tpu.memory_space<vmem>> -> memref<1x32x128xf32, #tpu.memory_space<vmem>>
        %dma_start3A_2162 = tpu.memref_squeeze %dma_start3A_2161 : memref<1x32x128xf32, #tpu.memory_space<vmem>> -> memref<32x128xf32, #tpu.memory_space<vmem>>
        %dma_start3A_2163 = arith.constant 0 : i32
        %dma_start3A_2164 = tpu.memref_slice %arg5[%dma_start3A_2163, %multiple_of3A_2156] : memref<32x1000000xf32, #tpu.memory_space<hbm>> -> memref<32x128xf32, #tpu.memory_space<hbm>>
        %dma_start3A_2165 = tpu.memref_slice %arg16[%dma_start3A_2158] : memref<8x!tpu.dma_semaphore, #tpu.memory_space<semaphore_mem>> -> memref<1x!tpu.dma_semaphore, #tpu.memory_space<semaphore_mem>>
        %dma_start3A_2166 = tpu.memref_squeeze %dma_start3A_2165 : memref<1x!tpu.dma_semaphore, #tpu.memory_space<semaphore_mem>> -> memref<!tpu.dma_semaphore, #tpu.memory_space<semaphore_mem>>
        %dma_start3A_2167 = arith.constant 0 : i32
        %dma_start3A_2168 = arith.constant 0 : i32
        %dma_start3A_2169 = tpu.memref_slice %arg14[%dma_start3A_2157, %dma_start3A_2167, %dma_start3A_2168] : memref<9x32x128xf32, #tpu.memory_space<vmem>> -> memref<1x32x128xf32, #tpu.memory_space<vmem>>
        %dma_start3A_2170 = tpu.memref_squeeze %dma_start3A_2169 : memref<1x32x128xf32, #tpu.memory_space<vmem>> -> memref<32x128xf32, #tpu.memory_space<vmem>>
        %dma_start3A_2171 = arith.constant 0 : i32
        %dma_start3A_2172 = tpu.memref_slice %arg5[%dma_start3A_2171, %multiple_of3A_2156] : memref<32x1000000xf32, #tpu.memory_space<hbm>> -> memref<32x128xf32, #tpu.memory_space<hbm>>
        tpu.enqueue_dma source(%dma_start3A_2172 : memref<32x128xf32, #tpu.memory_space<hbm>>) target(%dma_start3A_2170 : memref<32x128xf32, #tpu.memory_space<vmem>>) target_semaphore(%dma_start3A_2166 : memref<!tpu.dma_semaphore, #tpu.memory_space<semaphore_mem>>)
        %slice3A_2173 = vector.extract_strided_slice %get3A_427 {offsets = [5], sizes = [1], strides = [1]} : vector<16xi32> to vector<1xi32>
        %squeeze3A_2174 = vector.extract %slice3A_2173[0] : i32 from vector<1xi32>
        %shift_right_arithmetic3A_2175 = arith.constant 7 : i32
        %shift_right_arithmetic3A_2176 = arith.shrsi %squeeze3A_2174, %shift_right_arithmetic3A_2175 : i32
        %min3A_2177 = arith.constant 7811 : i32
        %min3A_2178 = arith.minsi %shift_right_arithmetic3A_2176, %min3A_2177 : i32
        %mul3A_2179 = arith.constant 128 : i32
        %mul3A_2180 = arith.muli %min3A_2178, %mul3A_2179 : i32
        %multiple_of3A_2181 = tpu.assume_multiple %mul3A_2180, 128 : i32
        %dma_start3A_2182 = arith.constant 5 : i32
        %dma_start3A_2183 = arith.constant 5 : i32
        %dma_start3A_2184 = arith.constant 0 : i32
        %dma_start3A_2185 = arith.constant 0 : i32
        %dma_start3A_2186 = tpu.memref_slice %arg15[%dma_start3A_2182, %dma_start3A_2184, %dma_start3A_2185] : memref<9x32x128xf32, #tpu.memory_space<vmem>> -> memref<1x32x128xf32, #tpu.memory_space<vmem>>
        %dma_start3A_2187 = tpu.memref_squeeze %dma_start3A_2186 : memref<1x32x128xf32, #tpu.memory_space<vmem>> -> memref<32x128xf32, #tpu.memory_space<vmem>>
        %dma_start3A_2188 = arith.constant 0 : i32
        %dma_start3A_2189 = tpu.memref_slice %arg6[%dma_start3A_2188, %multiple_of3A_2181] : memref<32x1000000xf32, #tpu.memory_space<hbm>> -> memref<32x128xf32, #tpu.memory_space<hbm>>
        %dma_start3A_2190 = tpu.memref_slice %arg17[%dma_start3A_2183] : memref<8x!tpu.dma_semaphore, #tpu.memory_space<semaphore_mem>> -> memref<1x!tpu.dma_semaphore, #tpu.memory_space<semaphore_mem>>
        %dma_start3A_2191 = tpu.memref_squeeze %dma_start3A_2190 : memref<1x!tpu.dma_semaphore, #tpu.memory_space<semaphore_mem>> -> memref<!tpu.dma_semaphore, #tpu.memory_space<semaphore_mem>>
        %dma_start3A_2192 = arith.constant 0 : i32
        %dma_start3A_2193 = arith.constant 0 : i32
        %dma_start3A_2194 = tpu.memref_slice %arg15[%dma_start3A_2182, %dma_start3A_2192, %dma_start3A_2193] : memref<9x32x128xf32, #tpu.memory_space<vmem>> -> memref<1x32x128xf32, #tpu.memory_space<vmem>>
        %dma_start3A_2195 = tpu.memref_squeeze %dma_start3A_2194 : memref<1x32x128xf32, #tpu.memory_space<vmem>> -> memref<32x128xf32, #tpu.memory_space<vmem>>
        %dma_start3A_2196 = arith.constant 0 : i32
        %dma_start3A_2197 = tpu.memref_slice %arg6[%dma_start3A_2196, %multiple_of3A_2181] : memref<32x1000000xf32, #tpu.memory_space<hbm>> -> memref<32x128xf32, #tpu.memory_space<hbm>>
        tpu.enqueue_dma source(%dma_start3A_2197 : memref<32x128xf32, #tpu.memory_space<hbm>>) target(%dma_start3A_2195 : memref<32x128xf32, #tpu.memory_space<vmem>>) target_semaphore(%dma_start3A_2191 : memref<!tpu.dma_semaphore, #tpu.memory_space<semaphore_mem>>)
      } else {
      }
      %dma_wait3A_1967 = arith.constant 6 : i32
      %dma_wait3A_1968 = arith.constant 6 : i32
      %dma_wait3A_1969 = arith.constant 0 : i32
      %dma_wait3A_1970 = arith.constant 0 : i32
      %dma_wait3A_1971 = tpu.memref_slice %arg14[%dma_wait3A_1967, %dma_wait3A_1969, %dma_wait3A_1970] : memref<9x32x128xf32, #tpu.memory_space<vmem>> -> memref<1x32x128xf32, #tpu.memory_space<vmem>>
      %dma_wait3A_1972 = tpu.memref_squeeze %dma_wait3A_1971 : memref<1x32x128xf32, #tpu.memory_space<vmem>> -> memref<32x128xf32, #tpu.memory_space<vmem>>
      %dma_wait3A_1973 = arith.constant 0 : i32
      %dma_wait3A_1974 = arith.constant 0 : i32
      %dma_wait3A_1975 = tpu.memref_slice %arg5[%dma_wait3A_1973, %dma_wait3A_1974] : memref<32x1000000xf32, #tpu.memory_space<hbm>> -> memref<32x128xf32, #tpu.memory_space<hbm>>
      %dma_wait3A_1976 = tpu.memref_slice %arg16[%dma_wait3A_1968] : memref<8x!tpu.dma_semaphore, #tpu.memory_space<semaphore_mem>> -> memref<1x!tpu.dma_semaphore, #tpu.memory_space<semaphore_mem>>
      %dma_wait3A_1977 = tpu.memref_squeeze %dma_wait3A_1976 : memref<1x!tpu.dma_semaphore, #tpu.memory_space<semaphore_mem>> -> memref<!tpu.dma_semaphore, #tpu.memory_space<semaphore_mem>>
      %dma_wait3A_1978 = arith.constant 0 : i32
      %dma_wait3A_1979 = arith.constant 0 : i32
      %dma_wait3A_1980 = tpu.memref_slice %arg14[%dma_wait3A_1967, %dma_wait3A_1978, %dma_wait3A_1979] : memref<9x32x128xf32, #tpu.memory_space<vmem>> -> memref<1x32x128xf32, #tpu.memory_space<vmem>>
      %dma_wait3A_1981 = tpu.memref_squeeze %dma_wait3A_1980 : memref<1x32x128xf32, #tpu.memory_space<vmem>> -> memref<32x128xf32, #tpu.memory_space<vmem>>
      %dma_wait3A_1982 = arith.constant 0 : i32
      %dma_wait3A_1983 = arith.constant 0 : i32
      %dma_wait3A_1984 = tpu.memref_slice %arg5[%dma_wait3A_1982, %dma_wait3A_1983] : memref<32x1000000xf32, #tpu.memory_space<hbm>> -> memref<32x128xf32, #tpu.memory_space<hbm>>
      tpu.wait_dma2 semaphore(%dma_wait3A_1977 : memref<!tpu.dma_semaphore, #tpu.memory_space<semaphore_mem>>) src(%dma_wait3A_1984 : memref<32x128xf32, #tpu.memory_space<hbm>>) dst(%dma_wait3A_1981 : memref<32x128xf32, #tpu.memory_space<vmem>>)
      %dma_wait3A_1985 = arith.constant 6 : i32
      %dma_wait3A_1986 = arith.constant 6 : i32
      %dma_wait3A_1987 = arith.constant 0 : i32
      %dma_wait3A_1988 = arith.constant 0 : i32
      %dma_wait3A_1989 = tpu.memref_slice %arg15[%dma_wait3A_1985, %dma_wait3A_1987, %dma_wait3A_1988] : memref<9x32x128xf32, #tpu.memory_space<vmem>> -> memref<1x32x128xf32, #tpu.memory_space<vmem>>
      %dma_wait3A_1990 = tpu.memref_squeeze %dma_wait3A_1989 : memref<1x32x128xf32, #tpu.memory_space<vmem>> -> memref<32x128xf32, #tpu.memory_space<vmem>>
      %dma_wait3A_1991 = arith.constant 0 : i32
      %dma_wait3A_1992 = arith.constant 0 : i32
      %dma_wait3A_1993 = tpu.memref_slice %arg6[%dma_wait3A_1991, %dma_wait3A_1992] : memref<32x1000000xf32, #tpu.memory_space<hbm>> -> memref<32x128xf32, #tpu.memory_space<hbm>>
      %dma_wait3A_1994 = tpu.memref_slice %arg17[%dma_wait3A_1986] : memref<8x!tpu.dma_semaphore, #tpu.memory_space<semaphore_mem>> -> memref<1x!tpu.dma_semaphore, #tpu.memory_space<semaphore_mem>>
      %dma_wait3A_1995 = tpu.memref_squeeze %dma_wait3A_1994 : memref<1x!tpu.dma_semaphore, #tpu.memory_space<semaphore_mem>> -> memref<!tpu.dma_semaphore, #tpu.memory_space<semaphore_mem>>
      %dma_wait3A_1996 = arith.constant 0 : i32
      %dma_wait3A_1997 = arith.constant 0 : i32
      %dma_wait3A_1998 = tpu.memref_slice %arg15[%dma_wait3A_1985, %dma_wait3A_1996, %dma_wait3A_1997] : memref<9x32x128xf32, #tpu.memory_space<vmem>> -> memref<1x32x128xf32, #tpu.memory_space<vmem>>
      %dma_wait3A_1999 = tpu.memref_squeeze %dma_wait3A_1998 : memref<1x32x128xf32, #tpu.memory_space<vmem>> -> memref<32x128xf32, #tpu.memory_space<vmem>>
      %dma_wait3A_2000 = arith.constant 0 : i32
      %dma_wait3A_2001 = arith.constant 0 : i32
      %dma_wait3A_2002 = tpu.memref_slice %arg6[%dma_wait3A_2000, %dma_wait3A_2001] : memref<32x1000000xf32, #tpu.memory_space<hbm>> -> memref<32x128xf32, #tpu.memory_space<hbm>>
      tpu.wait_dma2 semaphore(%dma_wait3A_1995 : memref<!tpu.dma_semaphore, #tpu.memory_space<semaphore_mem>>) src(%dma_wait3A_2002 : memref<32x128xf32, #tpu.memory_space<hbm>>) dst(%dma_wait3A_1999 : memref<32x128xf32, #tpu.memory_space<vmem>>)
      %slice3A_2003 = vector.extract_strided_slice %get3A_414 {offsets = [14], sizes = [1], strides = [1]} : vector<16xi32> to vector<1xi32>
      %squeeze3A_2004 = vector.extract %slice3A_2003[0] : i32 from vector<1xi32>
      %slice3A_2005 = vector.extract_strided_slice %get3A_416 {offsets = [14], sizes = [1], strides = [1]} : vector<16xi32> to vector<1xi32>
      %squeeze3A_2006 = vector.extract %slice3A_2005[0] : i32 from vector<1xi32>
      %ge3A_2007 = arith.constant 999936 : i32
      %ge3A_2008 = arith.cmpi sge, %squeeze3A_2004, %ge3A_2007 : i32
      %ge3A_2009 = arith.constant 999936 : i32
      %ge3A_2010 = arith.cmpi sge, %squeeze3A_2006, %ge3A_2009 : i32
      %jit3A_2011 = arith.constant 8 : i32
      %jit3A_2012 = arith.constant 6 : i32
      %select_n3A_2013 = arith.select %ge3A_2008, %jit3A_2011, %jit3A_2012 : i32
      %broadcast_in_dim3A_2014 = vector.broadcast %select_n3A_2013 : i32 to vector<16xi32>
      %jit3A_2015 = arith.constant 8 : i32
      %jit3A_2016 = arith.constant 6 : i32
      %select_n3A_2017 = arith.select %ge3A_2010, %jit3A_2015, %jit3A_2016 : i32
      %broadcast_in_dim3A_2018 = vector.broadcast %select_n3A_2017 : i32 to vector<16xi32>
      %sub3A_2019 = arith.constant 999872 : i32
      %sub3A_2020 = arith.subi %squeeze3A_2004, %sub3A_2019 : i32
      %and3A_2021 = arith.constant 127 : i32
      %and3A_2022 = arith.andi %squeeze3A_2004, %and3A_2021 : i32
      %select_n3A_2023 = arith.select %ge3A_2008, %sub3A_2020, %and3A_2022 : i32
      %broadcast_in_dim3A_2024 = vector.broadcast %select_n3A_2023 : i32 to vector<16xi32>
      %sub3A_2025 = arith.constant 999872 : i32
      %sub3A_2026 = arith.subi %squeeze3A_2006, %sub3A_2025 : i32
      %and3A_2027 = arith.constant 127 : i32
      %and3A_2028 = arith.andi %squeeze3A_2006, %and3A_2027 : i32
      %select_n3A_2029 = arith.select %ge3A_2010, %sub3A_2026, %and3A_2028 : i32
      %broadcast_in_dim3A_2030 = vector.broadcast %select_n3A_2029 : i32 to vector<16xi32>
      %gather3A_2031 = tpu.vector_load_idx %arg14[%broadcast_in_dim3A_2014, %iota3A, %broadcast_in_dim3A_2024] : memref<9x32x128xf32, #tpu.memory_space<vmem>>[vector<16xi32>, vector<16xi32>, vector<16xi32>], vector<16xf32>,
      %gather3A_2032 = tpu.vector_load_idx %arg14[%broadcast_in_dim3A_2014, %add3A_6, %broadcast_in_dim3A_2024] : memref<9x32x128xf32, #tpu.memory_space<vmem>>[vector<16xi32>, vector<16xi32>, vector<16xi32>], vector<16xf32>,
      %gather3A_2033 = tpu.vector_load_idx %arg15[%broadcast_in_dim3A_2018, %iota3A, %broadcast_in_dim3A_2030] : memref<9x32x128xf32, #tpu.memory_space<vmem>>[vector<16xi32>, vector<16xi32>, vector<16xi32>], vector<16xf32>,
      %gather3A_2034 = tpu.vector_load_idx %arg15[%broadcast_in_dim3A_2018, %add3A_6, %broadcast_in_dim3A_2030] : memref<9x32x128xf32, #tpu.memory_space<vmem>>[vector<16xi32>, vector<16xi32>, vector<16xi32>], vector<16xf32>,
      %mul3A_2035 = arith.mulf %gather3A_2031, %gather3A_2033 : vector<16xf32>
      %mul3A_2036 = arith.mulf %gather3A_2032, %gather3A_2034 : vector<16xf32>
      %add3A_2037 = arith.addf %mul3A_2035, %mul3A_2036 : vector<16xf32>
      %reduce_sum3A_2038 = arith.constant true
      %reduce_sum3A_2039 = vector.broadcast %reduce_sum3A_2038 : i1 to vector<16xi1>
      %reduce_sum3A_2040 = tpu.scan <sum>, %add3A_2037 masked %reduce_sum3A_2039 : vector<16xf32>, vector<16xi1> -> vector<16xf32>
      %reduce_sum3A_2041 = vector.extract %reduce_sum3A_2040[15] : f32 from vector<16xf32>
      %eq3A_2042 = arith.constant 14 : i32
      %eq3A_2043 = vector.broadcast %eq3A_2042 : i32 to vector<16xi32>
      %eq3A_2044 = arith.cmpi eq, %iota3A, %eq3A_2043 : vector<16xi32>
      %broadcast_in_dim3A_2045 = vector.broadcast %reduce_sum3A_2041 : f32 to vector<16xf32>
      %select_n3A_2046 = arith.select %eq3A_2044, %broadcast_in_dim3A_2045, %select_n3A_1961 : vector<16xi1>, vector<16xf32>
      %lt3A_2047 = arith.constant 31 : i32
      %lt3A_2048 = arith.cmpi slt, %scan3A_409, %lt3A_2047 : i32
      %convert_element_type3A_2049 = arith.extui %lt3A_2048 : i1 to i32
      %cond3A_2050 = arith.constant 0 : i32
      %cond3A_2051 = arith.cmpi ne, %convert_element_type3A_2049, %cond3A_2050 : i32
      scf.if %cond3A_2051 {
        %slice3A_2148 = vector.extract_strided_slice %get3A_425 {offsets = [6], sizes = [1], strides = [1]} : vector<16xi32> to vector<1xi32>
        %squeeze3A_2149 = vector.extract %slice3A_2148[0] : i32 from vector<1xi32>
        %shift_right_arithmetic3A_2150 = arith.constant 7 : i32
        %shift_right_arithmetic3A_2151 = arith.shrsi %squeeze3A_2149, %shift_right_arithmetic3A_2150 : i32
        %min3A_2152 = arith.constant 7811 : i32
        %min3A_2153 = arith.minsi %shift_right_arithmetic3A_2151, %min3A_2152 : i32
        %mul3A_2154 = arith.constant 128 : i32
        %mul3A_2155 = arith.muli %min3A_2153, %mul3A_2154 : i32
        %multiple_of3A_2156 = tpu.assume_multiple %mul3A_2155, 128 : i32
        %dma_start3A_2157 = arith.constant 6 : i32
        %dma_start3A_2158 = arith.constant 6 : i32
        %dma_start3A_2159 = arith.constant 0 : i32
        %dma_start3A_2160 = arith.constant 0 : i32
        %dma_start3A_2161 = tpu.memref_slice %arg14[%dma_start3A_2157, %dma_start3A_2159, %dma_start3A_2160] : memref<9x32x128xf32, #tpu.memory_space<vmem>> -> memref<1x32x128xf32, #tpu.memory_space<vmem>>
        %dma_start3A_2162 = tpu.memref_squeeze %dma_start3A_2161 : memref<1x32x128xf32, #tpu.memory_space<vmem>> -> memref<32x128xf32, #tpu.memory_space<vmem>>
        %dma_start3A_2163 = arith.constant 0 : i32
        %dma_start3A_2164 = tpu.memref_slice %arg5[%dma_start3A_2163, %multiple_of3A_2156] : memref<32x1000000xf32, #tpu.memory_space<hbm>> -> memref<32x128xf32, #tpu.memory_space<hbm>>
        %dma_start3A_2165 = tpu.memref_slice %arg16[%dma_start3A_2158] : memref<8x!tpu.dma_semaphore, #tpu.memory_space<semaphore_mem>> -> memref<1x!tpu.dma_semaphore, #tpu.memory_space<semaphore_mem>>
        %dma_start3A_2166 = tpu.memref_squeeze %dma_start3A_2165 : memref<1x!tpu.dma_semaphore, #tpu.memory_space<semaphore_mem>> -> memref<!tpu.dma_semaphore, #tpu.memory_space<semaphore_mem>>
        %dma_start3A_2167 = arith.constant 0 : i32
        %dma_start3A_2168 = arith.constant 0 : i32
        %dma_start3A_2169 = tpu.memref_slice %arg14[%dma_start3A_2157, %dma_start3A_2167, %dma_start3A_2168] : memref<9x32x128xf32, #tpu.memory_space<vmem>> -> memref<1x32x128xf32, #tpu.memory_space<vmem>>
        %dma_start3A_2170 = tpu.memref_squeeze %dma_start3A_2169 : memref<1x32x128xf32, #tpu.memory_space<vmem>> -> memref<32x128xf32, #tpu.memory_space<vmem>>
        %dma_start3A_2171 = arith.constant 0 : i32
        %dma_start3A_2172 = tpu.memref_slice %arg5[%dma_start3A_2171, %multiple_of3A_2156] : memref<32x1000000xf32, #tpu.memory_space<hbm>> -> memref<32x128xf32, #tpu.memory_space<hbm>>
        tpu.enqueue_dma source(%dma_start3A_2172 : memref<32x128xf32, #tpu.memory_space<hbm>>) target(%dma_start3A_2170 : memref<32x128xf32, #tpu.memory_space<vmem>>) target_semaphore(%dma_start3A_2166 : memref<!tpu.dma_semaphore, #tpu.memory_space<semaphore_mem>>)
        %slice3A_2173 = vector.extract_strided_slice %get3A_427 {offsets = [6], sizes = [1], strides = [1]} : vector<16xi32> to vector<1xi32>
        %squeeze3A_2174 = vector.extract %slice3A_2173[0] : i32 from vector<1xi32>
        %shift_right_arithmetic3A_2175 = arith.constant 7 : i32
        %shift_right_arithmetic3A_2176 = arith.shrsi %squeeze3A_2174, %shift_right_arithmetic3A_2175 : i32
        %min3A_2177 = arith.constant 7811 : i32
        %min3A_2178 = arith.minsi %shift_right_arithmetic3A_2176, %min3A_2177 : i32
        %mul3A_2179 = arith.constant 128 : i32
        %mul3A_2180 = arith.muli %min3A_2178, %mul3A_2179 : i32
        %multiple_of3A_2181 = tpu.assume_multiple %mul3A_2180, 128 : i32
        %dma_start3A_2182 = arith.constant 6 : i32
        %dma_start3A_2183 = arith.constant 6 : i32
        %dma_start3A_2184 = arith.constant 0 : i32
        %dma_start3A_2185 = arith.constant 0 : i32
        %dma_start3A_2186 = tpu.memref_slice %arg15[%dma_start3A_2182, %dma_start3A_2184, %dma_start3A_2185] : memref<9x32x128xf32, #tpu.memory_space<vmem>> -> memref<1x32x128xf32, #tpu.memory_space<vmem>>
        %dma_start3A_2187 = tpu.memref_squeeze %dma_start3A_2186 : memref<1x32x128xf32, #tpu.memory_space<vmem>> -> memref<32x128xf32, #tpu.memory_space<vmem>>
        %dma_start3A_2188 = arith.constant 0 : i32
        %dma_start3A_2189 = tpu.memref_slice %arg6[%dma_start3A_2188, %multiple_of3A_2181] : memref<32x1000000xf32, #tpu.memory_space<hbm>> -> memref<32x128xf32, #tpu.memory_space<hbm>>
        %dma_start3A_2190 = tpu.memref_slice %arg17[%dma_start3A_2183] : memref<8x!tpu.dma_semaphore, #tpu.memory_space<semaphore_mem>> -> memref<1x!tpu.dma_semaphore, #tpu.memory_space<semaphore_mem>>
        %dma_start3A_2191 = tpu.memref_squeeze %dma_start3A_2190 : memref<1x!tpu.dma_semaphore, #tpu.memory_space<semaphore_mem>> -> memref<!tpu.dma_semaphore, #tpu.memory_space<semaphore_mem>>
        %dma_start3A_2192 = arith.constant 0 : i32
        %dma_start3A_2193 = arith.constant 0 : i32
        %dma_start3A_2194 = tpu.memref_slice %arg15[%dma_start3A_2182, %dma_start3A_2192, %dma_start3A_2193] : memref<9x32x128xf32, #tpu.memory_space<vmem>> -> memref<1x32x128xf32, #tpu.memory_space<vmem>>
        %dma_start3A_2195 = tpu.memref_squeeze %dma_start3A_2194 : memref<1x32x128xf32, #tpu.memory_space<vmem>> -> memref<32x128xf32, #tpu.memory_space<vmem>>
        %dma_start3A_2196 = arith.constant 0 : i32
        %dma_start3A_2197 = tpu.memref_slice %arg6[%dma_start3A_2196, %multiple_of3A_2181] : memref<32x1000000xf32, #tpu.memory_space<hbm>> -> memref<32x128xf32, #tpu.memory_space<hbm>>
        tpu.enqueue_dma source(%dma_start3A_2197 : memref<32x128xf32, #tpu.memory_space<hbm>>) target(%dma_start3A_2195 : memref<32x128xf32, #tpu.memory_space<vmem>>) target_semaphore(%dma_start3A_2191 : memref<!tpu.dma_semaphore, #tpu.memory_space<semaphore_mem>>)
      } else {
      }
      %dma_wait3A_2052 = arith.constant 7 : i32
      %dma_wait3A_2053 = arith.constant 7 : i32
      %dma_wait3A_2054 = arith.constant 0 : i32
      %dma_wait3A_2055 = arith.constant 0 : i32
      %dma_wait3A_2056 = tpu.memref_slice %arg14[%dma_wait3A_2052, %dma_wait3A_2054, %dma_wait3A_2055] : memref<9x32x128xf32, #tpu.memory_space<vmem>> -> memref<1x32x128xf32, #tpu.memory_space<vmem>>
      %dma_wait3A_2057 = tpu.memref_squeeze %dma_wait3A_2056 : memref<1x32x128xf32, #tpu.memory_space<vmem>> -> memref<32x128xf32, #tpu.memory_space<vmem>>
      %dma_wait3A_2058 = arith.constant 0 : i32
      %dma_wait3A_2059 = arith.constant 0 : i32
      %dma_wait3A_2060 = tpu.memref_slice %arg5[%dma_wait3A_2058, %dma_wait3A_2059] : memref<32x1000000xf32, #tpu.memory_space<hbm>> -> memref<32x128xf32, #tpu.memory_space<hbm>>
      %dma_wait3A_2061 = tpu.memref_slice %arg16[%dma_wait3A_2053] : memref<8x!tpu.dma_semaphore, #tpu.memory_space<semaphore_mem>> -> memref<1x!tpu.dma_semaphore, #tpu.memory_space<semaphore_mem>>
      %dma_wait3A_2062 = tpu.memref_squeeze %dma_wait3A_2061 : memref<1x!tpu.dma_semaphore, #tpu.memory_space<semaphore_mem>> -> memref<!tpu.dma_semaphore, #tpu.memory_space<semaphore_mem>>
      %dma_wait3A_2063 = arith.constant 0 : i32
      %dma_wait3A_2064 = arith.constant 0 : i32
      %dma_wait3A_2065 = tpu.memref_slice %arg14[%dma_wait3A_2052, %dma_wait3A_2063, %dma_wait3A_2064] : memref<9x32x128xf32, #tpu.memory_space<vmem>> -> memref<1x32x128xf32, #tpu.memory_space<vmem>>
      %dma_wait3A_2066 = tpu.memref_squeeze %dma_wait3A_2065 : memref<1x32x128xf32, #tpu.memory_space<vmem>> -> memref<32x128xf32, #tpu.memory_space<vmem>>
      %dma_wait3A_2067 = arith.constant 0 : i32
      %dma_wait3A_2068 = arith.constant 0 : i32
      %dma_wait3A_2069 = tpu.memref_slice %arg5[%dma_wait3A_2067, %dma_wait3A_2068] : memref<32x1000000xf32, #tpu.memory_space<hbm>> -> memref<32x128xf32, #tpu.memory_space<hbm>>
      tpu.wait_dma2 semaphore(%dma_wait3A_2062 : memref<!tpu.dma_semaphore, #tpu.memory_space<semaphore_mem>>) src(%dma_wait3A_2069 : memref<32x128xf32, #tpu.memory_space<hbm>>) dst(%dma_wait3A_2066 : memref<32x128xf32, #tpu.memory_space<vmem>>)
      %dma_wait3A_2070 = arith.constant 7 : i32
      %dma_wait3A_2071 = arith.constant 7 : i32
      %dma_wait3A_2072 = arith.constant 0 : i32
      %dma_wait3A_2073 = arith.constant 0 : i32
      %dma_wait3A_2074 = tpu.memref_slice %arg15[%dma_wait3A_2070, %dma_wait3A_2072, %dma_wait3A_2073] : memref<9x32x128xf32, #tpu.memory_space<vmem>> -> memref<1x32x128xf32, #tpu.memory_space<vmem>>
      %dma_wait3A_2075 = tpu.memref_squeeze %dma_wait3A_2074 : memref<1x32x128xf32, #tpu.memory_space<vmem>> -> memref<32x128xf32, #tpu.memory_space<vmem>>
      %dma_wait3A_2076 = arith.constant 0 : i32
      %dma_wait3A_2077 = arith.constant 0 : i32
      %dma_wait3A_2078 = tpu.memref_slice %arg6[%dma_wait3A_2076, %dma_wait3A_2077] : memref<32x1000000xf32, #tpu.memory_space<hbm>> -> memref<32x128xf32, #tpu.memory_space<hbm>>
      %dma_wait3A_2079 = tpu.memref_slice %arg17[%dma_wait3A_2071] : memref<8x!tpu.dma_semaphore, #tpu.memory_space<semaphore_mem>> -> memref<1x!tpu.dma_semaphore, #tpu.memory_space<semaphore_mem>>
      %dma_wait3A_2080 = tpu.memref_squeeze %dma_wait3A_2079 : memref<1x!tpu.dma_semaphore, #tpu.memory_space<semaphore_mem>> -> memref<!tpu.dma_semaphore, #tpu.memory_space<semaphore_mem>>
      %dma_wait3A_2081 = arith.constant 0 : i32
      %dma_wait3A_2082 = arith.constant 0 : i32
      %dma_wait3A_2083 = tpu.memref_slice %arg15[%dma_wait3A_2070, %dma_wait3A_2081, %dma_wait3A_2082] : memref<9x32x128xf32, #tpu.memory_space<vmem>> -> memref<1x32x128xf32, #tpu.memory_space<vmem>>
      %dma_wait3A_2084 = tpu.memref_squeeze %dma_wait3A_2083 : memref<1x32x128xf32, #tpu.memory_space<vmem>> -> memref<32x128xf32, #tpu.memory_space<vmem>>
      %dma_wait3A_2085 = arith.constant 0 : i32
      %dma_wait3A_2086 = arith.constant 0 : i32
      %dma_wait3A_2087 = tpu.memref_slice %arg6[%dma_wait3A_2085, %dma_wait3A_2086] : memref<32x1000000xf32, #tpu.memory_space<hbm>> -> memref<32x128xf32, #tpu.memory_space<hbm>>
      tpu.wait_dma2 semaphore(%dma_wait3A_2080 : memref<!tpu.dma_semaphore, #tpu.memory_space<semaphore_mem>>) src(%dma_wait3A_2087 : memref<32x128xf32, #tpu.memory_space<hbm>>) dst(%dma_wait3A_2084 : memref<32x128xf32, #tpu.memory_space<vmem>>)
      %slice3A_2088 = vector.extract_strided_slice %get3A_414 {offsets = [15], sizes = [1], strides = [1]} : vector<16xi32> to vector<1xi32>
      %squeeze3A_2089 = vector.extract %slice3A_2088[0] : i32 from vector<1xi32>
      %slice3A_2090 = vector.extract_strided_slice %get3A_416 {offsets = [15], sizes = [1], strides = [1]} : vector<16xi32> to vector<1xi32>
      %squeeze3A_2091 = vector.extract %slice3A_2090[0] : i32 from vector<1xi32>
      %ge3A_2092 = arith.constant 999936 : i32
      %ge3A_2093 = arith.cmpi sge, %squeeze3A_2089, %ge3A_2092 : i32
      %ge3A_2094 = arith.constant 999936 : i32
      %ge3A_2095 = arith.cmpi sge, %squeeze3A_2091, %ge3A_2094 : i32
      %jit3A_2096 = arith.constant 8 : i32
      %jit3A_2097 = arith.constant 7 : i32
      %select_n3A_2098 = arith.select %ge3A_2093, %jit3A_2096, %jit3A_2097 : i32
      %broadcast_in_dim3A_2099 = vector.broadcast %select_n3A_2098 : i32 to vector<16xi32>
      %jit3A_2100 = arith.constant 8 : i32
      %jit3A_2101 = arith.constant 7 : i32
      %select_n3A_2102 = arith.select %ge3A_2095, %jit3A_2100, %jit3A_2101 : i32
      %broadcast_in_dim3A_2103 = vector.broadcast %select_n3A_2102 : i32 to vector<16xi32>
      %sub3A_2104 = arith.constant 999872 : i32
      %sub3A_2105 = arith.subi %squeeze3A_2089, %sub3A_2104 : i32
      %and3A_2106 = arith.constant 127 : i32
      %and3A_2107 = arith.andi %squeeze3A_2089, %and3A_2106 : i32
      %select_n3A_2108 = arith.select %ge3A_2093, %sub3A_2105, %and3A_2107 : i32
      %broadcast_in_dim3A_2109 = vector.broadcast %select_n3A_2108 : i32 to vector<16xi32>
      %sub3A_2110 = arith.constant 999872 : i32
      %sub3A_2111 = arith.subi %squeeze3A_2091, %sub3A_2110 : i32
      %and3A_2112 = arith.constant 127 : i32
      %and3A_2113 = arith.andi %squeeze3A_2091, %and3A_2112 : i32
      %select_n3A_2114 = arith.select %ge3A_2095, %sub3A_2111, %and3A_2113 : i32
      %broadcast_in_dim3A_2115 = vector.broadcast %select_n3A_2114 : i32 to vector<16xi32>
      %gather3A_2116 = tpu.vector_load_idx %arg14[%broadcast_in_dim3A_2099, %iota3A, %broadcast_in_dim3A_2109] : memref<9x32x128xf32, #tpu.memory_space<vmem>>[vector<16xi32>, vector<16xi32>, vector<16xi32>], vector<16xf32>,
      %gather3A_2117 = tpu.vector_load_idx %arg14[%broadcast_in_dim3A_2099, %add3A_6, %broadcast_in_dim3A_2109] : memref<9x32x128xf32, #tpu.memory_space<vmem>>[vector<16xi32>, vector<16xi32>, vector<16xi32>], vector<16xf32>,
      %gather3A_2118 = tpu.vector_load_idx %arg15[%broadcast_in_dim3A_2103, %iota3A, %broadcast_in_dim3A_2115] : memref<9x32x128xf32, #tpu.memory_space<vmem>>[vector<16xi32>, vector<16xi32>, vector<16xi32>], vector<16xf32>,
      %gather3A_2119 = tpu.vector_load_idx %arg15[%broadcast_in_dim3A_2103, %add3A_6, %broadcast_in_dim3A_2115] : memref<9x32x128xf32, #tpu.memory_space<vmem>>[vector<16xi32>, vector<16xi32>, vector<16xi32>], vector<16xf32>,
      %mul3A_2120 = arith.mulf %gather3A_2116, %gather3A_2118 : vector<16xf32>
      %mul3A_2121 = arith.mulf %gather3A_2117, %gather3A_2119 : vector<16xf32>
      %add3A_2122 = arith.addf %mul3A_2120, %mul3A_2121 : vector<16xf32>
      %reduce_sum3A_2123 = arith.constant true
      %reduce_sum3A_2124 = vector.broadcast %reduce_sum3A_2123 : i1 to vector<16xi1>
      %reduce_sum3A_2125 = tpu.scan <sum>, %add3A_2122 masked %reduce_sum3A_2124 : vector<16xf32>, vector<16xi1> -> vector<16xf32>
      %reduce_sum3A_2126 = vector.extract %reduce_sum3A_2125[15] : f32 from vector<16xf32>
      %eq3A_2127 = arith.constant 15 : i32
      %eq3A_2128 = vector.broadcast %eq3A_2127 : i32 to vector<16xi32>
      %eq3A_2129 = arith.cmpi eq, %iota3A, %eq3A_2128 : vector<16xi32>
      %broadcast_in_dim3A_2130 = vector.broadcast %reduce_sum3A_2126 : f32 to vector<16xf32>
      %select_n3A_2131 = arith.select %eq3A_2129, %broadcast_in_dim3A_2130, %select_n3A_2046 : vector<16xi1>, vector<16xf32>
      %lt3A_2132 = arith.constant 31 : i32
      %lt3A_2133 = arith.cmpi slt, %scan3A_409, %lt3A_2132 : i32
      %convert_element_type3A_2134 = arith.extui %lt3A_2133 : i1 to i32
      %cond3A_2135 = arith.constant 0 : i32
      %cond3A_2136 = arith.cmpi ne, %convert_element_type3A_2134, %cond3A_2135 : i32
      scf.if %cond3A_2136 {
        %slice3A_2148 = vector.extract_strided_slice %get3A_425 {offsets = [7], sizes = [1], strides = [1]} : vector<16xi32> to vector<1xi32>
        %squeeze3A_2149 = vector.extract %slice3A_2148[0] : i32 from vector<1xi32>
        %shift_right_arithmetic3A_2150 = arith.constant 7 : i32
        %shift_right_arithmetic3A_2151 = arith.shrsi %squeeze3A_2149, %shift_right_arithmetic3A_2150 : i32
        %min3A_2152 = arith.constant 7811 : i32
        %min3A_2153 = arith.minsi %shift_right_arithmetic3A_2151, %min3A_2152 : i32
        %mul3A_2154 = arith.constant 128 : i32
        %mul3A_2155 = arith.muli %min3A_2153, %mul3A_2154 : i32
        %multiple_of3A_2156 = tpu.assume_multiple %mul3A_2155, 128 : i32
        %dma_start3A_2157 = arith.constant 7 : i32
        %dma_start3A_2158 = arith.constant 7 : i32
        %dma_start3A_2159 = arith.constant 0 : i32
        %dma_start3A_2160 = arith.constant 0 : i32
        %dma_start3A_2161 = tpu.memref_slice %arg14[%dma_start3A_2157, %dma_start3A_2159, %dma_start3A_2160] : memref<9x32x128xf32, #tpu.memory_space<vmem>> -> memref<1x32x128xf32, #tpu.memory_space<vmem>>
        %dma_start3A_2162 = tpu.memref_squeeze %dma_start3A_2161 : memref<1x32x128xf32, #tpu.memory_space<vmem>> -> memref<32x128xf32, #tpu.memory_space<vmem>>
        %dma_start3A_2163 = arith.constant 0 : i32
        %dma_start3A_2164 = tpu.memref_slice %arg5[%dma_start3A_2163, %multiple_of3A_2156] : memref<32x1000000xf32, #tpu.memory_space<hbm>> -> memref<32x128xf32, #tpu.memory_space<hbm>>
        %dma_start3A_2165 = tpu.memref_slice %arg16[%dma_start3A_2158] : memref<8x!tpu.dma_semaphore, #tpu.memory_space<semaphore_mem>> -> memref<1x!tpu.dma_semaphore, #tpu.memory_space<semaphore_mem>>
        %dma_start3A_2166 = tpu.memref_squeeze %dma_start3A_2165 : memref<1x!tpu.dma_semaphore, #tpu.memory_space<semaphore_mem>> -> memref<!tpu.dma_semaphore, #tpu.memory_space<semaphore_mem>>
        %dma_start3A_2167 = arith.constant 0 : i32
        %dma_start3A_2168 = arith.constant 0 : i32
        %dma_start3A_2169 = tpu.memref_slice %arg14[%dma_start3A_2157, %dma_start3A_2167, %dma_start3A_2168] : memref<9x32x128xf32, #tpu.memory_space<vmem>> -> memref<1x32x128xf32, #tpu.memory_space<vmem>>
        %dma_start3A_2170 = tpu.memref_squeeze %dma_start3A_2169 : memref<1x32x128xf32, #tpu.memory_space<vmem>> -> memref<32x128xf32, #tpu.memory_space<vmem>>
        %dma_start3A_2171 = arith.constant 0 : i32
        %dma_start3A_2172 = tpu.memref_slice %arg5[%dma_start3A_2171, %multiple_of3A_2156] : memref<32x1000000xf32, #tpu.memory_space<hbm>> -> memref<32x128xf32, #tpu.memory_space<hbm>>
        tpu.enqueue_dma source(%dma_start3A_2172 : memref<32x128xf32, #tpu.memory_space<hbm>>) target(%dma_start3A_2170 : memref<32x128xf32, #tpu.memory_space<vmem>>) target_semaphore(%dma_start3A_2166 : memref<!tpu.dma_semaphore, #tpu.memory_space<semaphore_mem>>)
        %slice3A_2173 = vector.extract_strided_slice %get3A_427 {offsets = [7], sizes = [1], strides = [1]} : vector<16xi32> to vector<1xi32>
        %squeeze3A_2174 = vector.extract %slice3A_2173[0] : i32 from vector<1xi32>
        %shift_right_arithmetic3A_2175 = arith.constant 7 : i32
        %shift_right_arithmetic3A_2176 = arith.shrsi %squeeze3A_2174, %shift_right_arithmetic3A_2175 : i32
        %min3A_2177 = arith.constant 7811 : i32
        %min3A_2178 = arith.minsi %shift_right_arithmetic3A_2176, %min3A_2177 : i32
        %mul3A_2179 = arith.constant 128 : i32
        %mul3A_2180 = arith.muli %min3A_2178, %mul3A_2179 : i32
        %multiple_of3A_2181 = tpu.assume_multiple %mul3A_2180, 128 : i32
        %dma_start3A_2182 = arith.constant 7 : i32
        %dma_start3A_2183 = arith.constant 7 : i32
        %dma_start3A_2184 = arith.constant 0 : i32
        %dma_start3A_2185 = arith.constant 0 : i32
        %dma_start3A_2186 = tpu.memref_slice %arg15[%dma_start3A_2182, %dma_start3A_2184, %dma_start3A_2185] : memref<9x32x128xf32, #tpu.memory_space<vmem>> -> memref<1x32x128xf32, #tpu.memory_space<vmem>>
        %dma_start3A_2187 = tpu.memref_squeeze %dma_start3A_2186 : memref<1x32x128xf32, #tpu.memory_space<vmem>> -> memref<32x128xf32, #tpu.memory_space<vmem>>
        %dma_start3A_2188 = arith.constant 0 : i32
        %dma_start3A_2189 = tpu.memref_slice %arg6[%dma_start3A_2188, %multiple_of3A_2181] : memref<32x1000000xf32, #tpu.memory_space<hbm>> -> memref<32x128xf32, #tpu.memory_space<hbm>>
        %dma_start3A_2190 = tpu.memref_slice %arg17[%dma_start3A_2183] : memref<8x!tpu.dma_semaphore, #tpu.memory_space<semaphore_mem>> -> memref<1x!tpu.dma_semaphore, #tpu.memory_space<semaphore_mem>>
        %dma_start3A_2191 = tpu.memref_squeeze %dma_start3A_2190 : memref<1x!tpu.dma_semaphore, #tpu.memory_space<semaphore_mem>> -> memref<!tpu.dma_semaphore, #tpu.memory_space<semaphore_mem>>
        %dma_start3A_2192 = arith.constant 0 : i32
        %dma_start3A_2193 = arith.constant 0 : i32
        %dma_start3A_2194 = tpu.memref_slice %arg15[%dma_start3A_2182, %dma_start3A_2192, %dma_start3A_2193] : memref<9x32x128xf32, #tpu.memory_space<vmem>> -> memref<1x32x128xf32, #tpu.memory_space<vmem>>
        %dma_start3A_2195 = tpu.memref_squeeze %dma_start3A_2194 : memref<1x32x128xf32, #tpu.memory_space<vmem>> -> memref<32x128xf32, #tpu.memory_space<vmem>>
        %dma_start3A_2196 = arith.constant 0 : i32
        %dma_start3A_2197 = tpu.memref_slice %arg6[%dma_start3A_2196, %multiple_of3A_2181] : memref<32x1000000xf32, #tpu.memory_space<hbm>> -> memref<32x128xf32, #tpu.memory_space<hbm>>
        tpu.enqueue_dma source(%dma_start3A_2197 : memref<32x128xf32, #tpu.memory_space<hbm>>) target(%dma_start3A_2195 : memref<32x128xf32, #tpu.memory_space<vmem>>) target_semaphore(%dma_start3A_2191 : memref<!tpu.dma_semaphore, #tpu.memory_space<semaphore_mem>>)
      } else {
      }
      %get3A_2137 = arith.index_cast %multiple_of3A_412 : i32 to index
      %get3A_2138 = tpu.vector_load %arg12[%get3A_2137] {strides = array<i32>} : memref<512xf32, #tpu.memory_space<vmem>>, vector<16xf32>,
      %mul3A_2139 = arith.mulf %select_n3A_2131, %get3A_2138 : vector<16xf32>
      %neg3A = arith.constant 0.000000e+00 : f32
      %neg3A_2140 = vector.broadcast %neg3A : f32 to vector<16xf32>
      %neg3A_2141 = arith.subf %neg3A_2140, %mul3A_2139 : vector<16xf32>
      %exp3A = math.exp %neg3A_2141 : vector<16xf32>
      %add3A_2142 = arith.constant 1.000000e+00 : f32
      %add3A_2143 = vector.broadcast %add3A_2142 : f32 to vector<16xf32>
      %add3A_2144 = arith.addf %add3A_2143, %exp3A : vector<16xf32>
      %div3A = arith.constant 1.000000e+00 : f32
      %div3A_2145 = vector.broadcast %div3A : f32 to vector<16xf32>
      %div3A_2146 = arith.divf %div3A_2145, %add3A_2144 : vector<16xf32>
      %swap3A = arith.index_cast %multiple_of3A_412 : i32 to index
      %swap3A_2147 = tpu.vector_load %arg13[%swap3A] {strides = array<i32>} : memref<512xf32, #tpu.memory_space<vmem>>, vector<16xf32>,
      tpu.vector_store %arg13[%swap3A], %div3A_2146 {strides = array<i32>} : memref<512xf32, #tpu.memory_space<vmem>>, vector<16xf32>,
    }
    %scan3A_408 = arith.constant 32 : i32
    "tpu.region"() ({
      %run_scoped3A_409 = tpu.sem_alloc : memref<!tpu.dma_semaphore, #tpu.memory_space<semaphore_mem>>
      %dma_start3A_410 = tpu.memref_slice %arg9[%mul3A_2] : memref<16384xf32, #tpu.memory_space<hbm>> -> memref<512xf32, #tpu.memory_space<hbm>>
      %dma_start3A_411 = tpu.memref_slice %arg9[%mul3A_2] : memref<16384xf32, #tpu.memory_space<hbm>> -> memref<512xf32, #tpu.memory_space<hbm>>
      tpu.enqueue_dma source(%arg13 : memref<512xf32, #tpu.memory_space<vmem>>) target(%dma_start3A_411 : memref<512xf32, #tpu.memory_space<hbm>>) target_semaphore(%run_scoped3A_409 : memref<!tpu.dma_semaphore, #tpu.memory_space<semaphore_mem>>)
      %dma_wait3A = tpu.memref_slice %arg9[%mul3A_2] : memref<16384xf32, #tpu.memory_space<hbm>> -> memref<512xf32, #tpu.memory_space<hbm>>
      %dma_wait3A_412 = tpu.memref_slice %arg9[%mul3A_2] : memref<16384xf32, #tpu.memory_space<hbm>> -> memref<512xf32, #tpu.memory_space<hbm>>
      tpu.wait_dma2 semaphore(%run_scoped3A_409 : memref<!tpu.dma_semaphore, #tpu.memory_space<semaphore_mem>>) src(%arg13 : memref<512xf32, #tpu.memory_space<vmem>>) dst(%dma_wait3A_412 : memref<512xf32, #tpu.memory_space<hbm>>)
      tpu.yield
    }) : () -> ()
    return
  }
}

</mosaic_0001>

<sc_bundles>
// kernel: kernel.3.cloned.1.call-start
scs
__scs_entry_jumppad:
0x0: {  	(pc) =	sbr.rel $0x88, $3  }
0x1: {  	(tag) =	ssettag $0x0;
	lr =	simm.s32 $0x1  }
0x2: {  	[smem:$0x3F9C] =	sst lr;
	_ =	strace $0xD0000000  }
0x3: {  	_ = 	snop  }
0x4: {  	_ = 	snop  }
0x5: {  	_ = 	snop  }
0x6: {  	_ = 	snop  }
0x7: {  	_ = 	snop  }
__scs_overlays_trampoline_lowered:
0x8: {  	[smem:$0x3FAB] =	sst s0  }
0x9: {  	[smem:$0x3FAC] =	sst s1  }
0xa: {  	[smem:$0x3FAD] =	sst s2  }
0xb: {  	[smem:$0x3FAE] =	sst s3  }
0xc: {  	[smem:$0x3FAF] =	sst s4  }
0xd: {  	[smem:$0x3FB0] =	sst s5  }
0xe: {  	[smem:$0x3FB1] =	sst s6  }
0xf: {  	[smem:$0x3FB2] =	sst s7  }
0x10: {  	[smem:$0x3FB3] =	sst s8  }
0x11: {  	[smem:$0x3FB4] =	sst s9;
	s0 =	simm.s32 @!p0 $0x0  }
0x12: {  	s1 =	sld [smem:$0x3F9A];
	s0 =	simm.s32 @p0 $0x1  }
0x13: {  	[smem:$0x3FB5] =	sst s0;
	s0 =	simm.s32 @!p1 $0x0  }
0x14: {  	s2 =	sld [smem:$0x3F99];
	s0 =	simm.s32 @p1 $0x1  }
0x15: {  	[smem:$0x3FB6] =	sst s0;
	s0 =	simm.s32 @!p2 $0x0  }
0x16: {  	s3 =	sld [smem:$0x3FDB];
	s0 =	simm.s32 @p2 $0x1  }
0x17: {  	s4 =	simm.s32 $0x1BF5;
	[smem:$0x3FB8] =	sst s0  }
0x18: {  	s0 =	sld [smem:$0x3F9B];
	_ =	swait.ge [sflag:s4], $0x0  }
0x19: {  	s7 =	sld [smem:$0x3F9C]  }
0x1a: {  	s8 =	sadd.s32 $0xFFFFE003, lr  }
0x1b: {  	s9 =	sadd.s32 $0xFFFFFEF7, lr;
	s5 =	simm.s32 $0xFFFFFFFF;
	p2 =	slt.u32 s8, $0xFFFFF086  }
0x1c: {  	p1 =	slt.u32 s9, $0xF7A;
	s5 =	simm.s32 @!p2 $0x0  }
0x1d: {  	s5 =	simm.s32 @p1 $0x1;
	p0 =	seq.s32 s7, s2  }
0x1e: {  	s7 =	smul.u32 @!p0 $0xF7A, s2;
	p2 =	seq.s32 @!p0 s5, $0x0  }
0x1f: {  	s9 =	smul.u32 $0xF7A, s1;
	s8 =	simm.s32 @!p0 $0x1BF5;
	p2 =	por !p2, p0  }
0x20: {  	[sflag:s8] =	ssyncset.s32 @!p0 $0xFFFFF086;
	s6 =	sadd.s32 @!p0 s3, s7;
	s7 =	simm.s32 @!p0 $0x108  }
0x21: {  	s3 =	sadd.s32 s3, s9;
	s6 =	sadd.s32 @!p0 $0x88, s6;
	s7 =	simm.s32 @p2 $0x1082  }
0x22: {  	[simem:s7], [sflag:s8] =	dma.local @!p0 [hbm:s6], $0xF7A  }
0x23: {  	s9 =	sor.u32 $0xD0000000, s2;
	s6 =	simm.s32 $0x108;
	_ =	swait.ge @!p0 [sflag:s8], $0x0  }
0x24: {  	s3 =	sadd.s32 $0x88, s3;
	s6 =	simm.s32 @!p1 $0x1082;
	[sflag:s4] =	ssyncset.s32 $0xFFFFF086  }
0x25: {  	[simem:s6], [sflag:s4] =	dma.local [hbm:s3], $0xF7A  }
0x26: {  	[smem:$0x3F9C] =	sst s1;
	(tag) =	ssettag s2;
	_ =	strace s9  }
0x27: {  	s1 =	sld [smem:$0x3FAC]  }
0x28: {  	s2 =	sld [smem:$0x3FAD]  }
0x29: {  	s4 =	sld [smem:$0x3FAF]  }
0x2a: {  	p0 =	seq.s32 s5, $0x0;
	s5 =	sld [smem:$0x3FB0]  }
0x2b: {  	s6 =	sld [smem:$0x3FB1]  }
0x2c: {  	s7 =	sld [smem:$0x3FB2]  }
0x2d: {  	s3 =	simm.s32 $0x108;
	s8 =	sld [smem:$0x3FB3]  }
0x2e: {  	s3 =	simm.s32 @!p0 $0x1082;
	s9 =	sld [smem:$0x3FB4]  }
0x2f: {  	lr =	sadd.s32 s0, s3;
	s0 =	sld [smem:$0x3FAB]  }
0x30: {  	s3 =	sld [smem:$0x3FAE]  }
0x31: {  	[smem:$0x3FB7] =	sst s10  }
0x32: {  	s10 =	sld [smem:$0x3FB5];
	_ =	sdelay $0x3  }
0x33: {  	p0 =	seq.s32 s10, $0x1;
	s10 =	sld [smem:$0x3FB7];
	_ =	sdelay $0x3  }
0x34: {  	[smem:$0x3FB7] =	sst s10  }
0x35: {  	s10 =	sld [smem:$0x3FB6];
	_ =	sdelay $0x3  }
0x36: {  	p1 =	seq.s32 s10, $0x1;
	s10 =	sld [smem:$0x3FB7];
	_ =	sdelay $0x3  }
0x37: {  	[smem:$0x3FB7] =	sst s10  }
0x38: {  	s10 =	sld [smem:$0x3FB8]  }
0x39: {  	_ = 	snop;
	(pc) =	sbr.ind lr, $3  }
0x3a: {  	_ = 	snop  }
0x3b: {  	_ = 	snop  }
0x3c: {  	p2 =	seq.s32 s10, $0x1;
	s10 =	sld [smem:$0x3FB7]  }
0x3d: {  	_ =	shalt  }
0x3e: {  	_ =	shalt  }
0x3f: {  	_ =	shalt  }
0x40: {  	_ =	shalt  }
0x41: {  	_ =	shalt  }
0x42: {  	_ =	shalt  }
0x43: {  	_ =	shalt  }
0x44: {  	_ =	shalt  }
0x45: {  	_ =	shalt  }
0x46: {  	_ =	shalt  }
0x47: {  	_ =	shalt  }
0x48: {  	_ =	shalt  }
0x49: {  	_ =	shalt  }
0x4a: {  	_ =	shalt  }
0x4b: {  	_ =	shalt  }
0x4c: {  	_ =	shalt  }
0x4d: {  	_ =	shalt  }
0x4e: {  	_ =	shalt  }
0x4f: {  	_ =	shalt  }
0x50: {  	_ =	shalt  }
0x51: {  	_ =	shalt  }
0x52: {  	_ =	shalt  }
0x53: {  	_ =	shalt  }
0x54: {  	_ =	shalt  }
0x55: {  	_ =	shalt  }
0x56: {  	_ =	shalt  }
0x57: {  	_ =	shalt  }
0x58: {  	_ =	shalt  }
0x59: {  	_ =	shalt  }
0x5a: {  	_ =	shalt  }
0x5b: {  	_ =	shalt  }
0x5c: {  	_ =	shalt  }
0x5d: {  	_ =	shalt  }
0x5e: {  	_ =	shalt  }
0x5f: {  	_ =	shalt  }
0x60: {  	_ =	shalt  }
0x61: {  	_ =	shalt  }
0x62: {  	_ =	shalt  }
0x63: {  	_ =	shalt  }
0x64: {  	_ =	shalt  }
0x65: {  	_ =	shalt  }
0x66: {  	_ =	shalt  }
0x67: {  	_ =	shalt  }
0x68: {  	_ =	shalt  }
0x69: {  	_ =	shalt  }
0x6a: {  	_ =	shalt  }
0x6b: {  	_ =	shalt  }
0x6c: {  	_ =	shalt  }
0x6d: {  	_ =	shalt  }
0x6e: {  	_ =	shalt  }
0x6f: {  	_ =	shalt  }
0x70: {  	_ =	shalt  }
0x71: {  	_ =	shalt  }
0x72: {  	_ =	shalt  }
0x73: {  	_ =	shalt  }
0x74: {  	_ =	shalt  }
0x75: {  	_ =	shalt  }
0x76: {  	_ =	shalt  }
0x77: {  	_ =	shalt  }
0x78: {  	_ =	shalt  }
0x79: {  	_ =	shalt  }
0x7a: {  	_ =	shalt  }
0x7b: {  	_ =	shalt  }
0x7c: {  	_ =	shalt  }
0x7d: {  	_ =	shalt  }
0x7e: {  	_ =	shalt  }
0x7f: {  	_ =	shalt  }
0x80: {  	_ =	shalt  }
0x81: {  	_ =	shalt  }
0x82: {  	_ =	shalt  }
0x83: {  	_ =	shalt  }
0x84: {  	_ =	shalt  }
0x85: {  	_ =	shalt  }
0x86: {  	_ =	shalt  }
0x87: {  	_ =	shalt  }
.Lfunc_end0:
.L_simem_size_0:
called_computation_lowered:
.L_overlay_start_0:
0x88: {  	s2 =	sld [smem:$0x3FD9]  }
0x89: {  	s3 =	sld [smem:$0x3FFE];
	_ =	sdelay $0x1  }
0x8a: {  	s1 =	srdreg.scid  }
0x8b: {  	s0 =	sand.u32 $0x1, s1  }
0x8c: {  	s17 =	sshll.u32 s0, $0xA;
	s2 =	sadd.s32 s3, s2  }
0x8d: {  	s2 =	sadd.s32 s2, s17  }
0x8e: {  	[smem:$0x3FC3] =	sst s2  }
0x8f: {  	_ = 	snop  }
0x90: {  	s2 =	sld [smem:$0x3FC9]  }
0x91: {  	s18 =	sld [smem:$0x3FC8]  }
0x92: {  	s4 =	sld [smem:$0x3FC7]  }
0x93: {  	s5 =	sld [smem:$0x3FC6]  }
0x94: {  	s6 =	sld [smem:$0x3FC5]  }
0x95: {  	s7 =	sld [smem:$0x3FD0];
	(tm) =	ssettm $0x1  }
0x96: {  	s8 =	sld [smem:$0x3FFB];
	_ =	sdelay $0x3  }
0x97: {  	_ =	strace s8  }
0x98: {  	s8 =	sld [smem:$0x3FFC];
	_ =	sdelay $0x3  }
0x99: {  	_ =	strace s8  }
0x9a: {  	s8 =	sld [smem:$0x3FFD];
	_ =	sdelay $0x3  }
0x9b: {  	_ =	strace s8  }
0x9c: {  	_ =	strace $0x8FFFFFFF  }
0x9d: {  	s19 =	sld [smem:$0x3FDB];
	_ =	sdelay $0x1  }
0x9e: {  	s9 =	simm.s32 $_scs_section_size  }
0x9f: {  	s10 =	simm.s32 $_size__tile_overlayer_lowered;
	s11 =	simm.s32 $_tile_overlayer_lowered  }
0xa0: {  	s22 =	simm.s32 $0x1BFF;
	s21 =	sshll.u32 s11, $0x1;
	s8 =	sadd.s32 s9, s19  }
0xa1: {  	s12 =	simm.s32 $0x0;
	s20 =	sshll.u32 s10, $0x1;
	s10 =	sadd.s32 s21, s8  }
0xa2: {  	[timem:s12], [sflag:s22] =	dma.local [hbm:s10], s20  }
0xa3: {  	_ =	swait.ge [sflag:s22], s20  }
0xa4: {  	s9 =	ssub.s32 $0x0, s20;
	[sflag:s22] =	ssyncset.done $0x0  }
0xa5: {  	[sflag:s22] =	ssyncadd.s32 s9;
	_ =	sdelay $0x1  }
0xa6: {  	s23 =	simm.s32 $0x1B8B  }
0xa7: {  	_ =	swait.ge [sflag:s23], $0x1  }
0xa8: {  	[sflag:s23] =	ssyncset.done $0x0  }
0xa9: {  	s25 =	simm.s32 $0x1B8E;
	s24 =	sld [smem:$0x3FFE];
	[sflag:s23] =	ssyncadd.s32 $0xFFFFFFFF  }
0xaa: {  	s26 =	simm.s32 $execute0_lowered;
	[smem:$0x3FD2] =	sst s25  }
0xab: {  	s10 =	sshll.u32 s26, $0x1;
	_ =	strace $0x80000046;
	[dreg:$0x1] =	wrdreg $0xFFFFFFFF  }
0xac: {  	s28 =	simm.s32 $_size_execute0_lowered;
	s8 =	sadd.s32 s8, s10;
	[dreg:$0x0] =	wrdreg $0x0  }
0xad: {  	s10 =	sshll.u32 s28, $0x1;
	[dreg:$0x2] =	wrdreg s8  }
0xae: {  	[dreg:$0x3] =	wrdreg s10  }
0xaf: {  	[dreg:$0x4] =	wrdreg $0xC0  }
0xb0: {  	_ =	task [dreg:s12], $0x5FFFF  }
0xb1: {  	[dreg:$0x1] =	wrdreg $0xFFFFFFFF  }
0xb2: {  	[dreg:$0x0] =	wrdreg $0x60  }
0xb3: {  	[dreg:$0x2] =	wrdreg s2  }
0xb4: {  	[dreg:$0x3] =	wrdreg s18  }
0xb5: {  	[dreg:$0x4] =	wrdreg s4  }
0xb6: {  	[dreg:$0x5] =	wrdreg s5  }
0xb7: {  	[dreg:$0x6] =	wrdreg s6  }
0xb8: {  	[dreg:$0x7] =	wrdreg s24  }
0xb9: {  	[dreg:$0x8] =	wrdreg s7  }
0xba: {  	[dreg:$0x9] =	wrdreg $0x9  }
0xbb: {  	_ =	task.clear_ibuf [dreg:s12], $0xAFFFF;
	_ =	strace $0x90000046  }
0xbc: {  	s29 =	simm.s32 $0x9;
	_ =	strace $0x80000048  }
0xbd: {  	_ =	swait.ge [sflag:s29], $0x1  }
0xbe: {  	[sflag:s29] =	ssyncadd.s32 $0xFFFFFFFF  }
0xbf: {  	_ =	strace $0x90000048  }
0xc0: {  	_ =	sfence  }
0xc1: {  	s30 =	sld [smem:$0x0];
	_ =	sdelay $0x2  }
0xc2: {  	s31 =	sshll.u32 s1, $0xD;
	s1 =	sshrl.u32 s1, $0x2  }
0xc3: {  	s3 =	sand.u32 $0x4000, s31;
	s1 =	sadd.s32 s1, s30  }
0xc4: {  	s0 =	sor.u32 s3, s0;
	s1 =	sshll.u32 s1, $0x11  }
0xc5: {  	s0 =	sor.u32 s1, s0  }
0xc6: {  	s0 =	sadd.s32 $0x8F2B, s0  }
0xc7: {  	[sflag:s0] =	ssyncadd.remote.s32 $0x1  }
0xc8: {  	_ =	sfence.sel $0xFFFF  }
0xc9: {  	[dreg:$0x0] =	wrdreg $0xFFFFFFFF;
	(pc) =	sbr.abs _section_cstart, $3  }
0xca: {  	[dreg:$0x1] =	wrdreg $0xFFFFFFFF  }
0xcb: {  	_ =	task.clear_ibuf [dreg:s12], $0x2FFFF;
	_ =	strace $0x9FFFFFFF  }
0xcc: {  	(tm) =	ssettm $0x7FFFFFFF  }
0xcd: {  	_ =	shalt  }
tec
execute0_lowered:
.L_overlay_start_1:
0x0: {  	(tag) =	ssettag $0x1  }
0x1: {  	s0 =	rddreg [dreg:$0x0]  }
0x2: {  	s3 =	rddreg [dreg:$0x1]  }
0x3: {  	s4 =	rddreg [dreg:$0x2]  }
0x4: {  	s1 =	rddreg [dreg:$0x3]  }
0x5: {  	s2 =	rddreg [dreg:$0x4]  }
0x6: {  	s5 =	rddreg [dreg:$0x5]  }
0x7: {  	s6 =	rddreg [dreg:$0x6];
	s10 =	simm.s32 $0x0;
	s7 =	srdreg.scid  }
0x8: {  	s9 =	stileid.u32;
	s14 =	simm.s32 $0x7A1400;
	s16 =	simm.s32 $0x800  }
0x9: {  	s17 =	simm.s32 $0x9800;
	s11 =	simm.s32 $0xB800;
	s12 =	simm.s32 $0x3800  }
0xa: {  	s18 =	simm.s32 $0xC800;
	s19 =	simm.s32 $0x4800;
	s20 =	simm.s32 $0xD800  }
0xb: {  	s31 =	simm.s32 $0x5800;
	s13 =	simm.s32 $0xF800;
	s21 =	simm.s32 $0x1  }
0xc: {  	s22 =	simm.s32 $0x9;
	s15 =	simm.s32 $0x400;
	s28 =	simm.s32 $0x7  }
0xd: {  	[smem:$0x7FF] =	sst s10;
	s8 =	sadd.s32 $0x400, s5;
	s7 =	sand.u32 $0x1, s7  }
0xe: {  	s9 =	sshll.u32 s9, $0x7;
	s5 =	sadd.s32 $0x600, s5;
	_ =	strace $0x80000047  }
0xf: {  	[dreg:$0x8] =	wrdreg s8;
	s23 =	ssub.s32 $0x2, s7;
	s7 =	sshll.u32 s7, $0x6  }
0x10: {  	[dreg:$0x9] =	wrdreg s5;
	s8 =	simm.s32 $0xE800;
	s24 =	sshrl.u32 s23, $0x1  }
0x11: {  	s7 =	sor.u32 s7, s9;
	s9 =	simm.s32 $0x6800;
	s5 =	ssub.s32 s23, s24  }
0x12: {  	v0 =	vlaneseq.u32;
	vm0 =	vmmov $0x1;
	vm1 =	vmmov $0x3;
	s0 =	sadd.s32 s0, s7;
	s25 =	sadd.s32 s3, s7;
	s26 =	sadd.s32 s4, s7  }
0x13: {  	vm2 =	vmmov $0x7;
	vm3 =	vmmov $0xf;
	vm4 =	vmmov $0x1f;
	s29 =	sadd.s32 s6, s7;
	s3 =	simm.s32 $0x11;
	[dreg:$0xa] =	wrdreg s0  }
0x14: {  	vm5 =	vmmov $0x3f;
	vm6 =	vmmov $0x7f;
	vm7 =	vmmov $0xff;
	s6 =	simm.s32 $0xA800;
	s7 =	simm.s32 $0x2800;
	[dreg:$0xb] =	wrdreg s25  }
0x15: {  	vm8 =	vcmask $0x2724;
	vm9 =	vcmask $0x2B28;
	v0 =	vmul.u32 $0x80, v0;
	s24 =	simm.s32 $0x7800;
	s4 =	simm.s32 $0x0;
	[dreg:$0xc] =	wrdreg s26  }
0x16: {  	vm10 =	vcmask $0x2F2C;
	vm11 =	vcmask $0x3330;
	vm12 =	vcmask $0x3734;
	[dreg:$0xd] =	wrdreg s29;
	s30 =	smax.u32 s5, $0x1;
	s5 =	simm.s32 $0x1800  }
0x17: {  	vm13 =	vcmask $0x3B38;
	vm14 =	vmmov $0x7fff;
	v1 =	vor.u32 $0x800, v0;
	s25 =	simm.s32 $0x10800;
	s26 =	simm.s32 $0x6;
	[dreg:$0xe] =	wrdreg s30  }
.LBB2_1:
0x18: {  	[dreg:$0xf] =	wrdreg s4  }
0x19: {  	s0 =	rddreg [dreg:$0xa]  }
0x1a: {  	[tilespmem:s10], [sflag:$0x11] =	stream.linear.gather [hbm4b:s0+s10], $0x200, $0x38;
	[tilespmem:$0x12800] =	vst v63  }
0x1b: {  	_ =	swait.ge [sflag:s3], $0x200  }
0x1c: {  	[sflag:s3] =	ssyncset.done $0x0  }
0x1d: {  	s23 =	simm.s32 $0x200;
	s30 =	rddreg [dreg:$0xb];
	[sflag:s3] =	ssyncadd.s32 $0xFFFFFE00  }
0x1e: {  	[tilespmem:s23], [sflag:$0x11] =	stream.linear.gather [hbm4b:s30+s10], $0x200, $0x38;
	[tilespmem:$0x12800] =	vst v63  }
0x1f: {  	_ =	swait.ge [sflag:s3], $0x200  }
0x20: {  	[sflag:s3] =	ssyncset.done $0x0  }
0x21: {  	s4 =	rddreg [dreg:$0xc];
	[sflag:s3] =	ssyncadd.s32 $0xFFFFFE00  }
0x22: {  	[tilespmem:s15], [sflag:$0x11] =	stream.linear.gather [hbm4b:s4+s10], $0x200, $0x38;
	[tilespmem:$0x12800] =	vst v63  }
0x23: {  	_ =	swait.ge [sflag:s3], $0x200  }
0x24: {  	[sflag:s3] =	ssyncset.done $0x0  }
0x25: {  	s30 =	simm.s32 $0x8800;
	s29 =	rddreg [dreg:$0x8];
	[sflag:s3] =	ssyncadd.s32 $0xFFFFFE00  }
0x26: {  	[tilespmem:s30], [sflag:$0x11] =	stream.linear.gather [hbm4b:s29+s10], $0x1000, $0x38;
	[tilespmem:$0x12800] =	vst v63  }
0x27: {  	_ =	swait.ge [sflag:s3], $0x1000  }
0x28: {  	[sflag:s3] =	ssyncset.done $0x0  }
0x29: {  	s30 =	simm.s32 $0x11800;
	s29 =	rddreg [dreg:$0x9];
	[sflag:s3] =	ssyncadd.s32 $0xFFFFF000  }
0x2a: {  	[tilespmem:s30], [sflag:$0x11] =	stream.linear.gather [hbm4b:s29+s10], $0x1000, $0x38;
	[tilespmem:$0x12800] =	vst v63  }
0x2b: {  	_ =	swait.ge [sflag:s3], $0x1000  }
0x2c: {  	[sflag:s3] =	ssyncset.done $0x0  }
0x2d: {  	[sflag:s3] =	ssyncadd.s32 $0xFFFFF000  }
0x2e: {  	v2 =	vld [tilespmem:$0x0];
	_ =	sdelay $0x4  }
0x2f: {  	v2 =	vshra.s32 v2, $0x7  }
0x30: {  	(v2sf) =	vpush v2, $0x0  }
0x31: {  	v3 =	vld [tilespmem:$0x200];
	_ =	sdelay $0x4  }
0x32: {  	v3 =	vshra.s32 v3, $0x7  }
0x33: {  	(v2sf) =	vpush v3, $0x0;
	_ =	sdelay $0x6  }
0x34: {  	(v2sf) =	vpush v2, $0x1  }
0x35: {  	s0 =	spop (v2sf)  }
0x36: {  	p0 =	slt.s32 s0, $0x1E83  }
0x37: {  	s0 =	simm.s32 @!p0 $0x1E83  }
0x38: {  	s0 =	sshll.u32 s0, $0x7  }
0x39: {  	s0 =	sand.u32 $0x1FFFFF80, s0  }
0x3a: {  	s0 =	sadd.s32 s1, s0  }
0x3b: {  	(v2sf) =	vpush v3, $0x1;
	[tilespmem:s16], [sflag:$0x1] =	stream.strided.gather [hbm4b:s0+s15], $0x1000, s14, s15, $0x38;
	[tilespmem:$0x12800] =	vst v63  }
0x3c: {  	s0 =	spop (v2sf)  }
0x3d: {  	p0 =	slt.s32 s0, $0x1E83  }
0x3e: {  	s0 =	simm.s32 @!p0 $0x1E83  }
0x3f: {  	s0 =	sshll.u32 s0, $0x7  }
0x40: {  	s0 =	sand.u32 $0x1FFFFF80, s0  }
0x41: {  	s0 =	sadd.s32 s2, s0  }
0x42: {  	(v2sf) =	vpush v2, $0x2;
	[tilespmem:s17], [sflag:$0x9] =	stream.strided.gather [hbm4b:s0+s15], $0x1000, s14, s15, $0x38;
	[tilespmem:$0x12800] =	vst v63  }
0x43: {  	s0 =	spop (v2sf)  }
0x44: {  	p0 =	slt.s32 s0, $0x1E83  }
0x45: {  	s0 =	simm.s32 @!p0 $0x1E83  }
0x46: {  	s0 =	sshll.u32 s0, $0x7  }
0x47: {  	s0 =	sand.u32 $0x1FFFFF80, s0  }
0x48: {  	s0 =	sadd.s32 s1, s0  }
0x49: {  	(v2sf) =	vpush v3, $0x2;
	[tilespmem:s5], [sflag:$0x2] =	stream.strided.gather [hbm4b:s0+s15], $0x1000, s14, s15, $0x38;
	[tilespmem:$0x12800] =	vst v63  }
0x4a: {  	s0 =	spop (v2sf)  }
0x4b: {  	p0 =	slt.s32 s0, $0x1E83  }
0x4c: {  	s0 =	simm.s32 @!p0 $0x1E83  }
0x4d: {  	s0 =	sshll.u32 s0, $0x7  }
0x4e: {  	s0 =	sand.u32 $0x1FFFFF80, s0  }
0x4f: {  	s0 =	sadd.s32 s2, s0  }
0x50: {  	(v2sf) =	vpush v2, $0x3;
	[tilespmem:s6], [sflag:$0xA] =	stream.strided.gather [hbm4b:s0+s15], $0x1000, s14, s15, $0x38;
	[tilespmem:$0x12800] =	vst v63  }
0x51: {  	s0 =	spop (v2sf)  }
0x52: {  	p0 =	slt.s32 s0, $0x1E83  }
0x53: {  	s0 =	simm.s32 @!p0 $0x1E83  }
0x54: {  	s0 =	sshll.u32 s0, $0x7  }
0x55: {  	s0 =	sand.u32 $0x1FFFFF80, s0  }
0x56: {  	s0 =	sadd.s32 s1, s0  }
0x57: {  	(v2sf) =	vpush v3, $0x3;
	[tilespmem:s7], [sflag:$0x3] =	stream.strided.gather [hbm4b:s0+s15], $0x1000, s14, s15, $0x38;
	[tilespmem:$0x12800] =	vst v63  }
0x58: {  	s0 =	spop (v2sf)  }
0x59: {  	p0 =	slt.s32 s0, $0x1E83  }
0x5a: {  	s0 =	simm.s32 @!p0 $0x1E83  }
0x5b: {  	s0 =	sshll.u32 s0, $0x7  }
0x5c: {  	s0 =	sand.u32 $0x1FFFFF80, s0  }
0x5d: {  	s0 =	sadd.s32 s2, s0  }
0x5e: {  	(v2sf) =	vpush v2, $0x4;
	[tilespmem:s11], [sflag:$0xB] =	stream.strided.gather [hbm4b:s0+s15], $0x1000, s14, s15, $0x38;
	[tilespmem:$0x12800] =	vst v63  }
0x5f: {  	s0 =	spop (v2sf)  }
0x60: {  	p0 =	slt.s32 s0, $0x1E83  }
0x61: {  	s0 =	simm.s32 @!p0 $0x1E83  }
0x62: {  	s0 =	sshll.u32 s0, $0x7  }
0x63: {  	s0 =	sand.u32 $0x1FFFFF80, s0  }
0x64: {  	s0 =	sadd.s32 s1, s0  }
0x65: {  	(v2sf) =	vpush v3, $0x4;
	[tilespmem:s12], [sflag:$0x4] =	stream.strided.gather [hbm4b:s0+s15], $0x1000, s14, s15, $0x38;
	[tilespmem:$0x12800] =	vst v63  }
0x66: {  	s0 =	spop (v2sf)  }
0x67: {  	p0 =	slt.s32 s0, $0x1E83  }
0x68: {  	s0 =	simm.s32 @!p0 $0x1E83  }
0x69: {  	s0 =	sshll.u32 s0, $0x7  }
0x6a: {  	s0 =	sand.u32 $0x1FFFFF80, s0  }
0x6b: {  	s0 =	sadd.s32 s2, s0  }
0x6c: {  	(v2sf) =	vpush v2, $0x5;
	[tilespmem:s18], [sflag:$0xC] =	stream.strided.gather [hbm4b:s0+s15], $0x1000, s14, s15, $0x38;
	[tilespmem:$0x12800] =	vst v63  }
0x6d: {  	s0 =	spop (v2sf)  }
0x6e: {  	p0 =	slt.s32 s0, $0x1E83  }
0x6f: {  	s0 =	simm.s32 @!p0 $0x1E83  }
0x70: {  	s0 =	sshll.u32 s0, $0x7  }
0x71: {  	s0 =	sand.u32 $0x1FFFFF80, s0  }
0x72: {  	s0 =	sadd.s32 s1, s0  }
0x73: {  	(v2sf) =	vpush v3, $0x5;
	[tilespmem:s19], [sflag:$0x5] =	stream.strided.gather [hbm4b:s0+s15], $0x1000, s14, s15, $0x38;
	[tilespmem:$0x12800] =	vst v63  }
0x74: {  	s0 =	spop (v2sf)  }
0x75: {  	p0 =	slt.s32 s0, $0x1E83  }
0x76: {  	s0 =	simm.s32 @!p0 $0x1E83  }
0x77: {  	s0 =	sshll.u32 s0, $0x7  }
0x78: {  	s0 =	sand.u32 $0x1FFFFF80, s0  }
0x79: {  	s0 =	sadd.s32 s2, s0  }
0x7a: {  	(v2sf) =	vpush v2, $0x6;
	[tilespmem:s20], [sflag:$0xD] =	stream.strided.gather [hbm4b:s0+s15], $0x1000, s14, s15, $0x38;
	[tilespmem:$0x12800] =	vst v63  }
0x7b: {  	s0 =	spop (v2sf)  }
0x7c: {  	p0 =	slt.s32 s0, $0x1E83  }
0x7d: {  	(v2sf) =	vpush v3, $0x6;
	s0 =	simm.s32 @!p0 $0x1E83  }
0x7e: {  	s0 =	sshll.u32 s0, $0x7  }
0x7f: {  	s0 =	sand.u32 $0x1FFFFF80, s0  }
0x80: {  	s0 =	sadd.s32 s1, s0  }
0x81: {  	[tilespmem:s31], [sflag:$0x6] =	stream.strided.gather [hbm4b:s0+s15], $0x1000, s14, s15, $0x38;
	[tilespmem:$0x12800] =	vst v63  }
0x82: {  	s0 =	spop (v2sf)  }
0x83: {  	(v2sf) =	vpush v2, $0x7;
	p0 =	slt.s32 s0, $0x1E83  }
0x84: {  	s0 =	simm.s32 @!p0 $0x1E83  }
0x85: {  	s0 =	sshll.u32 s0, $0x7  }
0x86: {  	s0 =	sand.u32 $0x1FFFFF80, s0  }
0x87: {  	s0 =	sadd.s32 s2, s0  }
0x88: {  	[tilespmem:s8], [sflag:$0xE] =	stream.strided.gather [hbm4b:s0+s15], $0x1000, s14, s15, $0x38;
	[tilespmem:$0x12800] =	vst v63  }
0x89: {  	s0 =	spop (v2sf)  }
0x8a: {  	p0 =	slt.s32 s0, $0x1E83  }
0x8b: {  	(v2sf) =	vpush v3, $0x7;
	s0 =	simm.s32 @!p0 $0x1E83  }
0x8c: {  	s0 =	sshll.u32 s0, $0x7;
	s3 =	spop (v2sf)  }
0x8d: {  	s0 =	sand.u32 $0x1FFFFF80, s0;
	p0 =	slt.s32 s3, $0x1E83  }
0x8e: {  	s0 =	sadd.s32 s1, s0;
	s3 =	simm.s32 @!p0 $0x1E83  }
0x8f: {  	[tilespmem:s9], [sflag:$0x7] =	stream.strided.gather [hbm4b:s0+s15], $0x1000, s14, s15, $0x38;
	[tilespmem:$0x12800] =	vst v63  }
0x90: {  	s29 =	sshll.u32 s3, $0x7  }
0x91: {  	s0 =	sand.u32 $0x1FFFFF80, s29  }
0x92: {  	s0 =	sadd.s32 s2, s0;
	s3 =	spop (v2sf)  }
0x93: {  	[tilespmem:s13], [sflag:$0xF] =	stream.strided.gather [hbm4b:s0+s15], $0x1000, s14, s15, $0x38;
	[tilespmem:$0x12800] =	vst v63  }
0x94: {  	p0 =	slt.s32 s3, $0x1E83  }
0x95: {  	s3 =	simm.s32 @!p0 $0x1E83  }
0x96: {  	s30 =	sshll.u32 s3, $0x7  }
0x97: {  	s0 =	sand.u32 $0x1FFFFF80, s30  }
0x98: {  	s0 =	sadd.s32 s1, s0  }
0x99: {  	[tilespmem:s24], [sflag:$0x8] =	stream.strided.gather [hbm4b:s0+s15], $0x1000, s14, s15, $0x38;
	[tilespmem:$0x12800] =	vst v63  }
0x9a: {  	s0 =	spop (v2sf)  }
0x9b: {  	p0 =	slt.s32 s0, $0x1E83  }
0x9c: {  	s0 =	simm.s32 @!p0 $0x1E83  }
0x9d: {  	s4 =	simm.s32 $0x0;
	s0 =	sshll.u32 s0, $0x7  }
0x9e: {  	s10 =	simm.s32 $0xC;
	s9 =	simm.s32 $0xB;
	s0 =	sand.u32 $0x1FFFFF80, s0  }
0x9f: {  	s3 =	simm.s32 $0x400;
	s24 =	simm.s32 $0xFFFFFFE0;
	s0 =	sadd.s32 s2, s0  }
0xa0: {  	[tilespmem:s25], [sflag:$0x10] =	stream.strided.gather [hbm4b:s0+s15], $0x1000, s14, s15, $0x38;
	[tilespmem:$0x12800] =	vst v63  }
0xa1: {  	s0 =	simm.s32 $0x600;
	s14 =	simm.s32 $0x7A1400;
	s25 =	simm.s32 $0x400  }
.LBB2_2:
0xa2: {  	[dreg:$0x13] =	wrdreg s4;
	s15 =	sadd.s32 $0x21, s24  }
0xa3: {  	[dreg:$0x11] =	wrdreg s0;
	v12 =	vld [tilespmem:s4+$0x0];
	s0 =	smin.u32 s15, $0x1F  }
0xa4: {  	[dreg:$0x12] =	wrdreg s3;
	v11 =	vld [tilespmem:s23+$0x0];
	s0 =	sshll.u32 s0, $0x4  }
0xa5: {  	[dreg:$0x10] =	wrdreg s23;
	v3 =	vld [tilespmem:s0+$0x0]  }
0xa6: {  	v2 =	vld [tilespmem:s0+$0x200];
	_ =	swait.ge [sflag:s21], $0x1000  }
0xa7: {  	[sflag:s21] =	ssyncset.done $0x0  }
0xa8: {  	[sflag:s21] =	ssyncadd.s32 $0xFFFFF000  }
0xa9: {  	_ =	swait.ge [sflag:s22], $0x1000  }
0xaa: {  	(v2sf) =	vpush v12, $0x0  }
0xab: {  	(v2sf) =	vpush v11, $0x0;
	_ =	sdelay $0xd  }
0xac: {  	s29 =	spop (v2sf)  }
0xad: {  	s30 =	spop (v2sf)  }
0xae: {  	p0 =	sgt.s32 s29, $0xF41FF;
	s4 =	sadd.s32 $0xFFF0BE40, s29;
	s0 =	sand.u32 $0x7F, s29  }
0xaf: {  	p1 =	sgt.s32 s30, $0xF41FF;
	s0 =	smov.u32 @p0 s4  }
0xb0: {  	s4 =	simm.s32 $0x8000;
	s3 =	sand.u32 $0x7F, s30;
	v4 =	vmov s0;
	s0 =	sadd.s32 $0xFFF0BE40, s30  }
0xb1: {  	(v2sf) =	vpush v12, $0x8;
	s4 =	simm.s32 @!p0 $0x0;
	s3 =	smov.u32 @p1 s0;
	v5 =	vand.u32 $0xFFFFFF80, v4  }
0xb2: {  	s0 =	simm.s32 $0x8000;
	v4 =	vand.u32 $0x7F, v4;
	v6 =	vmov s3;
	v5 =	vadd.s32 s4, v5  }
0xb3: {  	s0 =	simm.s32 @!p1 $0x0;
	v4 =	vor.u32 v4, v5;
	v39 =	vand.u32 $0xFFFFFF80, v6  }
0xb4: {  	v6 =	vand.u32 $0x7F, v6;
	v7 =	vadd.s32 v0, v4;
	v5 =	vadd.s32 s0, v39  }
0xb5: {  	v4 =	vadd.s32 v1, v4;
	v5 =	vor.u32 v6, v5  }
0xb6: {  	v6 =	vadd.s32 v0, v5  }
0xb7: {  	[sflag:s22] =	ssyncset.done $0x0;
	v5 =	vadd.s32 v1, v5  }
0xb8: {  	[sflag:s22] =	ssyncadd.s32 $0xFFFFF000;
	(v2sf) =	vpush v11, $0x8  }
0xb9: {  	v7 =	vld.idx.msk [tilespmem:v7+s16+$0x0], $0xffff  }
0xba: {  	v4 =	vld.idx.msk [tilespmem:v4+s16+$0x0], $0xffff  }
0xbb: {  	v6 =	vld.idx.msk [tilespmem:v6+s17+$0x0], $0xffff  }
0xbc: {  	v5 =	vld.idx.msk [tilespmem:v5+s17+$0x0], $0xffff;
	_ =	sdelay $0x4  }
0xbd: {  	s29 =	spop (v2sf);
	v6 =	vmul.f32 v6, v7;
	v4 =	vmul.f32 v5, v4  }
0xbe: {  	s0 =	sshra.s32 s29, $0x7  }
0xbf: {  	p0 =	slt.s32 s0, $0x1E83;
	v4 =	vadd.f32 v4, v6  }
0xc0: {  	s0 =	simm.s32 @!p0 $0x1E83  }
0xc1: {  	s0 =	sshll.u32 s0, $0x7;
	(xrf2) =	vadd.scan.msk.f32 $0xffff, v4  }
0xc2: {  	s0 =	sand.u32 $0x1FFFFF80, s0  }
0xc3: {  	s30 =	spop (v2sf);
	s0 =	sadd.s32 s1, s0  }
0xc4: {  	[tilespmem:s16], [sflag:$0x1] =	stream.strided.gather [hbm4b:s0+s25], $0x1000, s14, s25, $0x38;
	[tilespmem:$0x12800] =	vst v63  }
0xc5: {  	s0 =	sshra.s32 s30, $0x7  }
0xc6: {  	p0 =	slt.s32 s0, $0x1E83  }
0xc7: {  	s0 =	simm.s32 @!p0 $0x1E83  }
0xc8: {  	s0 =	sshll.u32 s0, $0x7  }
0xc9: {  	s0 =	sand.u32 $0x1FFFFF80, s0  }
0xca: {  	s23 =	simm.s32 $0x2;
	s0 =	sadd.s32 s2, s0  }
0xcb: {  	[tilespmem:s17], [sflag:$0x9] =	stream.strided.gather [hbm4b:s0+s25], $0x1000, s14, s25, $0x38;
	v4, _, _ =	vpop (xrf2);
	[tilespmem:$0x12800] =	vst v63  }
0xcc: {  	_ =	swait.ge [sflag:s23], $0x1000  }
0xcd: {  	[sflag:s23] =	ssyncset.done $0x0  }
0xce: {  	s8 =	simm.s32 $0xA;
	[sflag:s23] =	ssyncadd.s32 $0xFFFFF000  }
0xcf: {  	_ =	swait.ge [sflag:s8], $0x1000  }
0xd0: {  	(v2sf) =	vpush v12, $0x1  }
0xd1: {  	(v2sf) =	vpush v11, $0x1;
	_ =	sdelay $0xd  }
0xd2: {  	s0 =	spop (v2sf)  }
0xd3: {  	s13 =	spop (v2sf)  }
0xd4: {  	p0 =	sgt.s32 s0, $0xF41FF;
	s4 =	sadd.s32 $0xFFF0BE40, s0;
	s0 =	sand.u32 $0x7F, s0  }
0xd5: {  	p1 =	sgt.s32 s13, $0xF41FF;
	s0 =	smov.u32 @p0 s4  }
0xd6: {  	s4 =	simm.s32 $0x8000;
	s3 =	sand.u32 $0x7F, s13;
	v40 =	vmov s0;
	s0 =	sadd.s32 $0xFFF0BE40, s13  }
0xd7: {  	(v2sf) =	vpush v12, $0x9;
	s4 =	simm.s32 @!p0 $0x1000;
	s3 =	smov.u32 @p1 s0;
	v41 =	vand.u32 $0xFFFFFF80, v40  }
0xd8: {  	s0 =	simm.s32 $0x8000;
	v5 =	vand.u32 $0x7F, v40;
	v42 =	vmov s3;
	v6 =	vadd.s32 s4, v41  }
0xd9: {  	s0 =	simm.s32 @!p1 $0x1000;
	v5 =	vor.u32 v5, v6;
	v43 =	vand.u32 $0xFFFFFF80, v42  }
0xda: {  	v7 =	vand.u32 $0x7F, v42;
	v8 =	vadd.s32 v0, v5;
	v6 =	vadd.s32 s0, v43  }
0xdb: {  	v5 =	vadd.s32 v1, v5;
	v6 =	vor.u32 v7, v6  }
0xdc: {  	s15 =	simm.s32 $0xA;
	v7 =	vadd.s32 v0, v6  }
0xdd: {  	[sflag:s15] =	ssyncset.done $0x0;
	v6 =	vadd.s32 v1, v6  }
0xde: {  	[sflag:s15] =	ssyncadd.s32 $0xFFFFF000;
	(v2sf) =	vpush v11, $0x9  }
0xdf: {  	v8 =	vld.idx.msk [tilespmem:v8+s16+$0x0], $0xffff  }
0xe0: {  	v5 =	vld.idx.msk [tilespmem:v5+s16+$0x0], $0xffff  }
0xe1: {  	v7 =	vld.idx.msk [tilespmem:v7+s17+$0x0], $0xffff  }
0xe2: {  	v6 =	vld.idx.msk [tilespmem:v6+s17+$0x0], $0xffff;
	_ =	sdelay $0x4  }
0xe3: {  	s0 =	spop (v2sf);
	v7 =	vmul.f32 v7, v8;
	v5 =	vmul.f32 v6, v5  }
0xe4: {  	s3 =	sshra.s32 s0, $0x7  }
0xe5: {  	p0 =	slt.s32 s3, $0x1E83;
	v5 =	vadd.f32 v5, v7  }
0xe6: {  	s3 =	simm.s32 @!p0 $0x1E83  }
0xe7: {  	s3 =	sshll.u32 s3, $0x7;
	(xrf2) =	vadd.scan.msk.f32 $0xffff, v5  }
0xe8: {  	s3 =	sand.u32 $0x1FFFFF80, s3  }
0xe9: {  	s8 =	spop (v2sf);
	s3 =	sadd.s32 s1, s3  }
0xea: {  	[tilespmem:s5], [sflag:$0x2] =	stream.strided.gather [hbm4b:s3+s25], $0x1000, s14, s25, $0x38;
	[tilespmem:$0x12800] =	vst v63  }
0xeb: {  	s3 =	sshra.s32 s8, $0x7  }
0xec: {  	p0 =	slt.s32 s3, $0x1E83  }
0xed: {  	s3 =	simm.s32 @!p0 $0x1E83  }
0xee: {  	s3 =	sshll.u32 s3, $0x7  }
0xef: {  	s3 =	sand.u32 $0x1FFFFF80, s3  }
0xf0: {  	s15 =	simm.s32 $0x3;
	s3 =	sadd.s32 s2, s3  }
0xf1: {  	[tilespmem:s6], [sflag:$0xA] =	stream.strided.gather [hbm4b:s3+s25], $0x1000, s14, s25, $0x38;
	v5, _, _ =	vpop (xrf2);
	[tilespmem:$0x12800] =	vst v63  }
0xf2: {  	_ =	swait.ge [sflag:s15], $0x1000  }
0xf3: {  	[sflag:s15] =	ssyncset.done $0x0  }
0xf4: {  	[sflag:s15] =	ssyncadd.s32 $0xFFFFF000  }
0xf5: {  	_ =	swait.ge [sflag:s9], $0x1000  }
0xf6: {  	(v2sf) =	vpush v12, $0x2  }
0xf7: {  	(v2sf) =	vpush v11, $0x2;
	_ =	sdelay $0xd  }
0xf8: {  	s21 =	spop (v2sf)  }
0xf9: {  	s22 =	spop (v2sf)  }
0xfa: {  	p0 =	sgt.s32 s21, $0xF41FF;
	s5 =	sadd.s32 $0xFFF0BE40, s21;
	s3 =	sand.u32 $0x7F, s21  }
0xfb: {  	p1 =	sgt.s32 s22, $0xF41FF;
	s3 =	smov.u32 @p0 s5  }
0xfc: {  	s5 =	simm.s32 $0x8000;
	s4 =	sand.u32 $0x7F, s22;
	v44 =	vmov s3;
	s3 =	sadd.s32 $0xFFF0BE40, s22  }
0xfd: {  	(v2sf) =	vpush v12, $0xA;
	s5 =	simm.s32 @!p0 $0x2000;
	s4 =	smov.u32 @p1 s3;
	v45 =	vand.u32 $0xFFFFFF80, v44  }
0xfe: {  	s3 =	simm.s32 $0x8000;
	v6 =	vand.u32 $0x7F, v44;
	v46 =	vmov s4;
	v7 =	vadd.s32 s5, v45  }
0xff: {  	s3 =	simm.s32 @!p1 $0x2000;
	v6 =	vor.u32 v6, v7;
	v47 =	vand.u32 $0xFFFFFF80, v46  }
0x100: {  	v8 =	vand.u32 $0x7F, v46;
	v9 =	vadd.s32 v0, v6;
	v7 =	vadd.s32 s3, v47  }
0x101: {  	v6 =	vadd.s32 v1, v6;
	v7 =	vor.u32 v8, v7  }
0x102: {  	v8 =	vadd.s32 v0, v7  }
0x103: {  	[sflag:s9] =	ssyncset.done $0x0;
	v7 =	vadd.s32 v1, v7  }
0x104: {  	[sflag:s9] =	ssyncadd.s32 $0xFFFFF000;
	(v2sf) =	vpush v11, $0xA  }
0x105: {  	v9 =	vld.idx.msk [tilespmem:v9+s16+$0x0], $0xffff  }
0x106: {  	v6 =	vld.idx.msk [tilespmem:v6+s16+$0x0], $0xffff  }
0x107: {  	v8 =	vld.idx.msk [tilespmem:v8+s17+$0x0], $0xffff  }
0x108: {  	v7 =	vld.idx.msk [tilespmem:v7+s17+$0x0], $0xffff;
	_ =	sdelay $0x4  }
0x109: {  	s4 =	spop (v2sf);
	v8 =	vmul.f32 v8, v9;
	v6 =	vmul.f32 v7, v6  }
0x10a: {  	s3 =	sshra.s32 s4, $0x7  }
0x10b: {  	p0 =	slt.s32 s3, $0x1E83;
	v6 =	vadd.f32 v6, v8  }
0x10c: {  	s3 =	simm.s32 @!p0 $0x1E83  }
0x10d: {  	s3 =	sshll.u32 s3, $0x7;
	(xrf2) =	vadd.scan.msk.f32 $0xffff, v6  }
0x10e: {  	s3 =	sand.u32 $0x1FFFFF80, s3  }
0x10f: {  	s9 =	spop (v2sf);
	s3 =	sadd.s32 s1, s3  }
0x110: {  	[tilespmem:s7], [sflag:$0x3] =	stream.strided.gather [hbm4b:s3+s25], $0x1000, s14, s25, $0x38;
	[tilespmem:$0x12800] =	vst v63  }
0x111: {  	s3 =	sshra.s32 s9, $0x7  }
0x112: {  	p0 =	slt.s32 s3, $0x1E83  }
0x113: {  	s3 =	simm.s32 @!p0 $0x1E83  }
0x114: {  	s3 =	sshll.u32 s3, $0x7  }
0x115: {  	s3 =	sand.u32 $0x1FFFFF80, s3  }
0x116: {  	s21 =	simm.s32 $0x4;
	s3 =	sadd.s32 s2, s3  }
0x117: {  	[tilespmem:s11], [sflag:$0xB] =	stream.strided.gather [hbm4b:s3+s25], $0x1000, s14, s25, $0x38;
	v6, _, _ =	vpop (xrf2);
	[tilespmem:$0x12800] =	vst v63  }
0x118: {  	_ =	swait.ge [sflag:s21], $0x1000  }
0x119: {  	[sflag:s21] =	ssyncset.done $0x0  }
0x11a: {  	[sflag:s21] =	ssyncadd.s32 $0xFFFFF000  }
0x11b: {  	_ =	swait.ge [sflag:s10], $0x1000  }
0x11c: {  	(v2sf) =	vpush v12, $0x3  }
0x11d: {  	(v2sf) =	vpush v11, $0x3;
	_ =	sdelay $0xd  }
0x11e: {  	s5 =	spop (v2sf)  }
0x11f: {  	s7 =	spop (v2sf)  }
0x120: {  	p0 =	sgt.s32 s5, $0xF41FF;
	s6 =	sadd.s32 $0xFFF0BE40, s5;
	s3 =	sand.u32 $0x7F, s5  }
0x121: {  	p1 =	sgt.s32 s7, $0xF41FF;
	s3 =	smov.u32 @p0 s6  }
0x122: {  	s6 =	simm.s32 $0x8000;
	s5 =	sand.u32 $0x7F, s7;
	v48 =	vmov s3;
	s3 =	sadd.s32 $0xFFF0BE40, s7  }
0x123: {  	(v2sf) =	vpush v12, $0xB;
	s6 =	simm.s32 @!p0 $0x3000;
	s5 =	smov.u32 @p1 s3;
	v49 =	vand.u32 $0xFFFFFF80, v48  }
0x124: {  	s3 =	simm.s32 $0x8000;
	v7 =	vand.u32 $0x7F, v48;
	v50 =	vmov s5;
	v8 =	vadd.s32 s6, v49  }
0x125: {  	s3 =	simm.s32 @!p1 $0x3000;
	v7 =	vor.u32 v7, v8;
	v51 =	vand.u32 $0xFFFFFF80, v50  }
0x126: {  	v9 =	vand.u32 $0x7F, v50;
	v10 =	vadd.s32 v0, v7;
	v8 =	vadd.s32 s3, v51  }
0x127: {  	v7 =	vadd.s32 v1, v7;
	v8 =	vor.u32 v9, v8  }
0x128: {  	v9 =	vadd.s32 v0, v8  }
0x129: {  	[sflag:s10] =	ssyncset.done $0x0;
	v8 =	vadd.s32 v1, v8  }
0x12a: {  	[sflag:s10] =	ssyncadd.s32 $0xFFFFF000;
	(v2sf) =	vpush v11, $0xB  }
0x12b: {  	v10 =	vld.idx.msk [tilespmem:v10+s16+$0x0], $0xffff  }
0x12c: {  	v7 =	vld.idx.msk [tilespmem:v7+s16+$0x0], $0xffff  }
0x12d: {  	v9 =	vld.idx.msk [tilespmem:v9+s17+$0x0], $0xffff  }
0x12e: {  	v8 =	vld.idx.msk [tilespmem:v8+s17+$0x0], $0xffff;
	_ =	sdelay $0x4  }
0x12f: {  	s13 =	spop (v2sf);
	v9 =	vmul.f32 v9, v10;
	v7 =	vmul.f32 v8, v7  }
0x130: {  	s3 =	sshra.s32 s13, $0x7  }
0x131: {  	p0 =	slt.s32 s3, $0x1E83;
	v7 =	vadd.f32 v7, v9  }
0x132: {  	s3 =	simm.s32 @!p0 $0x1E83  }
0x133: {  	s3 =	sshll.u32 s3, $0x7;
	(xrf2) =	vadd.scan.msk.f32 $0xffff, v7  }
0x134: {  	s3 =	sand.u32 $0x1FFFFF80, s3  }
0x135: {  	s10 =	spop (v2sf);
	s3 =	sadd.s32 s1, s3  }
0x136: {  	[tilespmem:s12], [sflag:$0x4] =	stream.strided.gather [hbm4b:s3+s25], $0x1000, s14, s25, $0x38;
	[tilespmem:$0x12800] =	vst v63  }
0x137: {  	s3 =	sshra.s32 s10, $0x7  }
0x138: {  	p0 =	slt.s32 s3, $0x1E83  }
0x139: {  	s3 =	simm.s32 @!p0 $0x1E83  }
0x13a: {  	s3 =	sshll.u32 s3, $0x7  }
0x13b: {  	s3 =	sand.u32 $0x1FFFFF80, s3  }
0x13c: {  	s22 =	simm.s32 $0x5;
	s3 =	sadd.s32 s2, s3  }
0x13d: {  	[tilespmem:s18], [sflag:$0xC] =	stream.strided.gather [hbm4b:s3+s25], $0x1000, s14, s25, $0x38;
	v7, _, _ =	vpop (xrf2);
	[tilespmem:$0x12800] =	vst v63  }
0x13e: {  	_ =	swait.ge [sflag:s22], $0x1000  }
0x13f: {  	[sflag:s22] =	ssyncset.done $0x0  }
0x140: {  	s11 =	simm.s32 $0xD;
	[sflag:s22] =	ssyncadd.s32 $0xFFFFF000  }
0x141: {  	_ =	swait.ge [sflag:s11], $0x1000  }
0x142: {  	(v2sf) =	vpush v12, $0x4  }
0x143: {  	(v2sf) =	vpush v11, $0x4;
	_ =	sdelay $0xd  }
0x144: {  	s3 =	spop (v2sf)  }
0x145: {  	s12 =	spop (v2sf)  }
0x146: {  	p0 =	sgt.s32 s3, $0xF41FF;
	s6 =	sadd.s32 $0xFFF0BE40, s3;
	s3 =	sand.u32 $0x7F, s3  }
0x147: {  	p1 =	sgt.s32 s12, $0xF41FF;
	s3 =	smov.u32 @p0 s6  }
0x148: {  	s6 =	simm.s32 $0x8000;
	s5 =	sand.u32 $0x7F, s12;
	v52 =	vmov s3;
	s3 =	sadd.s32 $0xFFF0BE40, s12  }
0x149: {  	(v2sf) =	vpush v12, $0xC;
	s6 =	simm.s32 @!p0 $0x4000;
	s5 =	smov.u32 @p1 s3;
	v53 =	vand.u32 $0xFFFFFF80, v52  }
0x14a: {  	s3 =	simm.s32 $0x8000;
	v8 =	vand.u32 $0x7F, v52;
	v54 =	vmov s5;
	v9 =	vadd.s32 s6, v53  }
0x14b: {  	s3 =	simm.s32 @!p1 $0x4000;
	v8 =	vor.u32 v8, v9;
	v55 =	vand.u32 $0xFFFFFF80, v54  }
0x14c: {  	v10 =	vand.u32 $0x7F, v54;
	v13 =	vadd.s32 v0, v8;
	v9 =	vadd.s32 s3, v55  }
0x14d: {  	v8 =	vadd.s32 v1, v8;
	v9 =	vor.u32 v10, v9  }
0x14e: {  	s18 =	simm.s32 $0xD;
	v10 =	vadd.s32 v0, v9  }
0x14f: {  	[sflag:s18] =	ssyncset.done $0x0;
	v9 =	vadd.s32 v1, v9  }
0x150: {  	[sflag:s18] =	ssyncadd.s32 $0xFFFFF000;
	(v2sf) =	vpush v11, $0xC  }
0x151: {  	v13 =	vld.idx.msk [tilespmem:v13+s16+$0x0], $0xffff  }
0x152: {  	v8 =	vld.idx.msk [tilespmem:v8+s16+$0x0], $0xffff  }
0x153: {  	v10 =	vld.idx.msk [tilespmem:v10+s17+$0x0], $0xffff  }
0x154: {  	v9 =	vld.idx.msk [tilespmem:v9+s17+$0x0], $0xffff;
	_ =	sdelay $0x4  }
0x155: {  	s5 =	spop (v2sf);
	v10 =	vmul.f32 v10, v13;
	v8 =	vmul.f32 v9, v8  }
0x156: {  	s3 =	sshra.s32 s5, $0x7  }
0x157: {  	p0 =	slt.s32 s3, $0x1E83;
	v8 =	vadd.f32 v8, v10  }
0x158: {  	s3 =	simm.s32 @!p0 $0x1E83  }
0x159: {  	s3 =	sshll.u32 s3, $0x7;
	(xrf2) =	vadd.scan.msk.f32 $0xffff, v8  }
0x15a: {  	s3 =	sand.u32 $0x1FFFFF80, s3  }
0x15b: {  	s11 =	spop (v2sf);
	s3 =	sadd.s32 s1, s3  }
0x15c: {  	[tilespmem:s19], [sflag:$0x5] =	stream.strided.gather [hbm4b:s3+s25], $0x1000, s14, s25, $0x38;
	[tilespmem:$0x12800] =	vst v63  }
0x15d: {  	s3 =	sshra.s32 s11, $0x7  }
0x15e: {  	p0 =	slt.s32 s3, $0x1E83  }
0x15f: {  	s3 =	simm.s32 @!p0 $0x1E83  }
0x160: {  	s3 =	sshll.u32 s3, $0x7  }
0x161: {  	s3 =	sand.u32 $0x1FFFFF80, s3  }
0x162: {  	s3 =	sadd.s32 s2, s3  }
0x163: {  	[tilespmem:s20], [sflag:$0xD] =	stream.strided.gather [hbm4b:s3+s25], $0x1000, s14, s25, $0x38;
	v8, _, _ =	vpop (xrf2);
	[tilespmem:$0x12800] =	vst v63  }
0x164: {  	_ =	swait.ge [sflag:s26], $0x1000  }
0x165: {  	[sflag:s26] =	ssyncset.done $0x0  }
0x166: {  	s19 =	simm.s32 $0xE;
	[sflag:s26] =	ssyncadd.s32 $0xFFFFF000  }
0x167: {  	_ =	swait.ge [sflag:s19], $0x1000  }
0x168: {  	(v2sf) =	vpush v12, $0x5  }
0x169: {  	(v2sf) =	vpush v11, $0x5;
	_ =	sdelay $0xd  }
0x16a: {  	s3 =	spop (v2sf)  }
0x16b: {  	s20 =	spop (v2sf)  }
0x16c: {  	p0 =	sgt.s32 s3, $0xF41FF;
	s7 =	sadd.s32 $0xFFF0BE40, s3;
	s3 =	sand.u32 $0x7F, s3  }
0x16d: {  	p1 =	sgt.s32 s20, $0xF41FF;
	s3 =	smov.u32 @p0 s7  }
0x16e: {  	s7 =	simm.s32 $0x8000;
	s6 =	sand.u32 $0x7F, s20;
	v56 =	vmov s3;
	s3 =	sadd.s32 $0xFFF0BE40, s20  }
0x16f: {  	(v2sf) =	vpush v12, $0xD;
	s7 =	simm.s32 @!p0 $0x5000;
	s6 =	smov.u32 @p1 s3;
	v57 =	vand.u32 $0xFFFFFF80, v56  }
0x170: {  	s3 =	simm.s32 $0x8000;
	v9 =	vand.u32 $0x7F, v56;
	v58 =	vmov s6;
	v10 =	vadd.s32 s7, v57  }
0x171: {  	s3 =	simm.s32 @!p1 $0x5000;
	v9 =	vor.u32 v9, v10;
	v59 =	vand.u32 $0xFFFFFF80, v58  }
0x172: {  	v13 =	vand.u32 $0x7F, v58;
	v14 =	vadd.s32 v0, v9;
	v10 =	vadd.s32 s3, v59  }
0x173: {  	v9 =	vadd.s32 v1, v9;
	v10 =	vor.u32 v13, v10  }
0x174: {  	s12 =	simm.s32 $0xE;
	v13 =	vadd.s32 v0, v10  }
0x175: {  	[sflag:s12] =	ssyncset.done $0x0;
	v10 =	vadd.s32 v1, v10  }
0x176: {  	[sflag:s12] =	ssyncadd.s32 $0xFFFFF000  }
0x177: {  	(v2sf) =	vpush v11, $0xD;
	v14 =	vld.idx.msk [tilespmem:v14+s16+$0x0], $0xffff  }
0x178: {  	v9 =	vld.idx.msk [tilespmem:v9+s16+$0x0], $0xffff  }
0x179: {  	v13 =	vld.idx.msk [tilespmem:v13+s17+$0x0], $0xffff  }
0x17a: {  	v10 =	vld.idx.msk [tilespmem:v10+s17+$0x0], $0xffff;
	_ =	sdelay $0x3  }
0x17b: {  	s6 =	spop (v2sf)  }
0x17c: {  	s3 =	sshra.s32 s6, $0x7;
	v13 =	vmul.f32 v13, v14;
	v9 =	vmul.f32 v10, v9  }
0x17d: {  	p0 =	slt.s32 s3, $0x1E83  }
0x17e: {  	s3 =	simm.s32 @!p0 $0x1E83;
	v9 =	vadd.f32 v9, v13  }
0x17f: {  	s3 =	sshll.u32 s3, $0x7  }
0x180: {  	s3 =	sand.u32 $0x1FFFFF80, s3;
	(xrf2) =	vadd.scan.msk.f32 $0xffff, v9  }
0x181: {  	s3 =	sadd.s32 s1, s3  }
0x182: {  	[tilespmem:s31], [sflag:$0x6] =	stream.strided.gather [hbm4b:s3+s25], $0x1000, s14, s25, $0x38;
	[tilespmem:$0x12800] =	vst v63  }
0x183: {  	s3 =	spop (v2sf)  }
0x184: {  	s7 =	sshra.s32 s3, $0x7  }
0x185: {  	p0 =	slt.s32 s7, $0x1E83  }
0x186: {  	s7 =	simm.s32 @!p0 $0x1E83  }
0x187: {  	s7 =	sshll.u32 s7, $0x7  }
0x188: {  	s7 =	sand.u32 $0x1FFFFF80, s7  }
0x189: {  	s18 =	simm.s32 $0xE800;
	s7 =	sadd.s32 s2, s7  }
0x18a: {  	[tilespmem:s18], [sflag:$0xE] =	stream.strided.gather [hbm4b:s7+s25], $0x1000, s14, s25, $0x38;
	v9, _, _ =	vpop (xrf2);
	[tilespmem:$0x12800] =	vst v63  }
0x18b: {  	_ =	swait.ge [sflag:s28], $0x1000  }
0x18c: {  	[sflag:s28] =	ssyncset.done $0x0  }
0x18d: {  	s19 =	simm.s32 $0xF;
	[sflag:s28] =	ssyncadd.s32 $0xFFFFF000  }
0x18e: {  	_ =	swait.ge [sflag:s19], $0x1000  }
0x18f: {  	(v2sf) =	vpush v12, $0x6  }
0x190: {  	(v2sf) =	vpush v11, $0x6;
	_ =	sdelay $0xd  }
0x191: {  	s7 =	spop (v2sf)  }
0x192: {  	s20 =	spop (v2sf)  }
0x193: {  	p0 =	sgt.s32 s7, $0xF41FF;
	s18 =	sadd.s32 $0xFFF0BE40, s7;
	s7 =	sand.u32 $0x7F, s7  }
0x194: {  	p1 =	sgt.s32 s20, $0xF41FF;
	s7 =	smov.u32 @p0 s18  }
0x195: {  	s18 =	simm.s32 $0x8000;
	s12 =	sand.u32 $0x7F, s20;
	v60 =	vmov s7;
	s7 =	sadd.s32 $0xFFF0BE40, s20  }
0x196: {  	(v2sf) =	vpush v12, $0xE;
	s18 =	simm.s32 @!p0 $0x6000;
	s12 =	smov.u32 @p1 s7;
	v61 =	vand.u32 $0xFFFFFF80, v60  }
0x197: {  	s7 =	simm.s32 $0x8000;
	v10 =	vand.u32 $0x7F, v60;
	v62 =	vmov s12;
	v13 =	vadd.s32 s18, v61  }
0x198: {  	s7 =	simm.s32 @!p1 $0x6000;
	v10 =	vor.u32 v10, v13;
	v63 =	vand.u32 $0xFFFFFF80, v62  }
0x199: {  	v14 =	vand.u32 $0x7F, v62;
	v15 =	vadd.s32 v0, v10;
	v13 =	vadd.s32 s7, v63  }
0x19a: {  	v10 =	vadd.s32 v1, v10;
	v13 =	vor.u32 v14, v13  }
0x19b: {  	s18 =	simm.s32 $0xF;
	v14 =	vadd.s32 v0, v13  }
0x19c: {  	[sflag:s18] =	ssyncset.done $0x0;
	v13 =	vadd.s32 v1, v13  }
0x19d: {  	[sflag:s18] =	ssyncadd.s32 $0xFFFFF000  }
0x19e: {  	(v2sf) =	vpush v11, $0xE;
	v15 =	vld.idx.msk [tilespmem:v15+s16+$0x0], $0xffff  }
0x19f: {  	v10 =	vld.idx.msk [tilespmem:v10+s16+$0x0], $0xffff  }
0x1a0: {  	v14 =	vld.idx.msk [tilespmem:v14+s17+$0x0], $0xffff  }
0x1a1: {  	v13 =	vld.idx.msk [tilespmem:v13+s17+$0x0], $0xffff;
	_ =	sdelay $0x3  }
0x1a2: {  	s7 =	spop (v2sf)  }
0x1a3: {  	s12 =	sshra.s32 s7, $0x7;
	v14 =	vmul.f32 v14, v15;
	v10 =	vmul.f32 v13, v10  }
0x1a4: {  	p0 =	slt.s32 s12, $0x1E83  }
0x1a5: {  	s12 =	simm.s32 @!p0 $0x1E83;
	v10 =	vadd.f32 v10, v14  }
0x1a6: {  	s12 =	sshll.u32 s12, $0x7  }
0x1a7: {  	s12 =	sand.u32 $0x1FFFFF80, s12;
	(xrf2) =	vadd.scan.msk.f32 $0xffff, v10  }
0x1a8: {  	s19 =	simm.s32 $0x6800;
	s12 =	sadd.s32 s1, s12  }
0x1a9: {  	[tilespmem:s19], [sflag:$0x7] =	stream.strided.gather [hbm4b:s12+s25], $0x1000, s14, s25, $0x38;
	[tilespmem:$0x12800] =	vst v63  }
0x1aa: {  	s12 =	spop (v2sf)  }
0x1ab: {  	s18 =	sshra.s32 s12, $0x7  }
0x1ac: {  	p0 =	slt.s32 s18, $0x1E83  }
0x1ad: {  	s18 =	simm.s32 @!p0 $0x1E83  }
0x1ae: {  	s18 =	sshll.u32 s18, $0x7  }
0x1af: {  	s18 =	sand.u32 $0x1FFFFF80, s18  }
0x1b0: {  	s20 =	simm.s32 $0xF800;
	s19 =	simm.s32 $0x8;
	s18 =	sadd.s32 s2, s18  }
0x1b1: {  	[tilespmem:s20], [sflag:$0xF] =	stream.strided.gather [hbm4b:s18+s25], $0x1000, s14, s25, $0x38;
	v10, _, _ =	vpop (xrf2);
	[tilespmem:$0x12800] =	vst v63  }
0x1b2: {  	_ =	swait.ge [sflag:s19], $0x1000  }
0x1b3: {  	[sflag:s19] =	ssyncset.done $0x0  }
0x1b4: {  	s20 =	simm.s32 $0x10;
	[sflag:s19] =	ssyncadd.s32 $0xFFFFF000  }
0x1b5: {  	_ =	swait.ge [sflag:s20], $0x1000  }
0x1b6: {  	(v2sf) =	vpush v12, $0x7  }
0x1b7: {  	(v2sf) =	vpush v11, $0x7;
	_ =	sdelay $0xd  }
0x1b8: {  	s18 =	spop (v2sf)  }
0x1b9: {  	s31 =	spop (v2sf)  }
0x1ba: {  	p0 =	sgt.s32 s18, $0xF41FF;
	s19 =	sadd.s32 $0xFFF0BE40, s18;
	s18 =	sand.u32 $0x7F, s18  }
0x1bb: {  	p1 =	sgt.s32 s31, $0xF41FF;
	s18 =	smov.u32 @p0 s19  }
0x1bc: {  	(v2sf) =	vpush v12, $0xF;
	s19 =	simm.s32 $0x8000;
	v16 =	vmov s18;
	s18 =	sadd.s32 $0xFFF0BE40, s31;
	s31 =	sand.u32 $0x7F, s31  }
0x1bd: {  	s19 =	simm.s32 @!p0 $0x7000;
	s31 =	smov.u32 @p1 s18;
	v17 =	vand.u32 $0xFFFFFF80, v16  }
0x1be: {  	s18 =	simm.s32 $0x8000;
	v13 =	vand.u32 $0x7F, v16;
	v18 =	vmov s31;
	v14 =	vadd.s32 s19, v17  }
0x1bf: {  	s18 =	simm.s32 @!p1 $0x7000;
	v13 =	vor.u32 v13, v14;
	v19 =	vand.u32 $0xFFFFFF80, v18  }
0x1c0: {  	v12 =	vand.u32 $0x7F, v18;
	v20 =	vadd.s32 v0, v13;
	v14 =	vadd.s32 s18, v19  }
0x1c1: {  	v13 =	vadd.s32 v1, v13;
	v12 =	vor.u32 v12, v14  }
0x1c2: {  	s19 =	simm.s32 $0x10;
	v14 =	vadd.s32 v0, v12  }
0x1c3: {  	[sflag:s19] =	ssyncset.done $0x0;
	v12 =	vadd.s32 v1, v12  }
0x1c4: {  	(v2sf) =	vpush v11, $0xF;
	[sflag:s19] =	ssyncadd.s32 $0xFFFFF000  }
0x1c5: {  	v15 =	vld.idx.msk [tilespmem:v20+s16+$0x0], $0xffff  }
0x1c6: {  	v21 =	vld.idx.msk [tilespmem:v13+s16+$0x0], $0xffff  }
0x1c7: {  	v22 =	vld.idx.msk [tilespmem:v14+s17+$0x0], $0xffff  }
0x1c8: {  	v12 =	vld.idx.msk [tilespmem:v12+s17+$0x0], $0xffff;
	_ =	sdelay $0x2  }
0x1c9: {  	s31 =	spop (v2sf)  }
0x1ca: {  	s18 =	sshra.s32 s31, $0x7  }
0x1cb: {  	p0 =	slt.s32 s18, $0x1E83;
	v13 =	vmul.f32 v22, v15;
	v11 =	vmul.f32 v12, v21  }
0x1cc: {  	s18 =	simm.s32 @!p0 $0x1E83  }
0x1cd: {  	s18 =	sshll.u32 s18, $0x7;
	v11 =	vadd.f32 v11, v13  }
0x1ce: {  	s18 =	sand.u32 $0x1FFFFF80, s18  }
0x1cf: {  	s20 =	simm.s32 $0x7800;
	s18 =	sadd.s32 s1, s18;
	(xrf2) =	vadd.scan.msk.f32 $0xffff, v11  }
0x1d0: {  	[tilespmem:s20], [sflag:$0x8] =	stream.strided.gather [hbm4b:s18+s25], $0x1000, s14, s25, $0x38;
	[tilespmem:$0x12800] =	vst v63  }
0x1d1: {  	s18 =	spop (v2sf)  }
0x1d2: {  	s19 =	sshra.s32 s18, $0x7  }
0x1d3: {  	p0 =	slt.s32 s19, $0x1E83  }
0x1d4: {  	s19 =	simm.s32 @!p0 $0x1E83  }
0x1d5: {  	s19 =	sshll.u32 s19, $0x7  }
0x1d6: {  	s19 =	sand.u32 $0x1FFFFF80, s19  }
0x1d7: {  	s20 =	simm.s32 $0x10800;
	s19 =	sadd.s32 s2, s19  }
0x1d8: {  	[tilespmem:s20], [sflag:$0x10] =	stream.strided.gather [hbm4b:s19+s25], $0x1000, s14, s25, $0x38;
	[tilespmem:$0x12800] =	vst v63  }
0x1d9: {  	s20 =	simm.s32 $0x1;
	v11, _, _ =	vpop (xrf2)  }
0x1da: {  	_ =	swait.ge [sflag:s20], $0x1000;
	s20 =	simm.s32 $0x1  }
0x1db: {  	p1 =	sgt.s32 s29, $0xF41FF;
	[sflag:s20] =	ssyncset.done $0x0;
	s20 =	simm.s32 $0x1  }
0x1dc: {  	p0 =	seq.s32 s24, $0xFFFFFFFF;
	[sflag:s20] =	ssyncadd.s32 $0xFFFFF000;
	s20 =	simm.s32 $0x9  }
0x1dd: {  	s19 =	sadd.s32 $0xFFF0BE40, s29;
	s29 =	sand.u32 $0x7F, s29;
	_ =	swait.ge [sflag:s20], $0x1000  }
0x1de: {  	p2 =	sgt.s32 s30, $0xF41FF;
	s29 =	smov.u32 @p1 s19;
	(v2sf) =	vpush @!p0 v3, $0x0  }
0x1df: {  	s19 =	simm.s32 $0x8000;
	v23 =	vmov s29;
	s29 =	sadd.s32 $0xFFF0BE40, s30;
	s30 =	sand.u32 $0x7F, s30  }
0x1e0: {  	s19 =	simm.s32 @!p1 $0x0;
	s30 =	smov.u32 @p2 s29;
	v24 =	vand.u32 $0xFFFFFF80, v23  }
0x1e1: {  	s29 =	simm.s32 $0x8000;
	v12 =	vand.u32 $0x7F, v23;
	v25 =	vmov s30;
	v13 =	vadd.s32 s19, v24  }
0x1e2: {  	s29 =	simm.s32 @!p2 $0x0;
	v12 =	vor.u32 v12, v13;
	v26 =	vand.u32 $0xFFFFFF80, v25  }
0x1e3: {  	v14 =	vand.u32 $0x7F, v25;
	v27 =	vadd.s32 v0, v12;
	v13 =	vadd.s32 s29, v26  }
0x1e4: {  	v12 =	vadd.s32 v1, v12;
	v13 =	vor.u32 v14, v13  }
0x1e5: {  	s29 =	simm.s32 $0x9;
	v14 =	vadd.s32 v0, v13  }
0x1e6: {  	s30 =	simm.s32 $0x9;
	v13 =	vadd.s32 v1, v13;
	[sflag:s29] =	ssyncset.done $0x0  }
0x1e7: {  	[sflag:s30] =	ssyncadd.s32 $0xFFFFF000;
	(v2sf) =	vpush @!p0 v2, $0x0  }
0x1e8: {  	v15 =	vld.idx.msk [tilespmem:v27+s16+$0x0], $0xffff  }
0x1e9: {  	v12 =	vld.idx.msk [tilespmem:v12+s16+$0x0], $0xffff  }
0x1ea: {  	v14 =	vld.idx.msk [tilespmem:v14+s17+$0x0], $0xffff  }
0x1eb: {  	v13 =	vld.idx.msk [tilespmem:v13+s17+$0x0], $0xffff;
	_ =	sdelay $0x1  }
0x1ec: {  	s19 =	spop @!p0 (v2sf)  }
0x1ed: {  	s19 =	sshra.s32 @!p0 s19, $0x7  }
0x1ee: {  	p1 =	slt.s32 @!p0 s19, $0x1E83  }
0x1ef: {  	v14 =	vmul.f32 v14, v15;
	v12 =	vmul.f32 v13, v12;
	p1 =	por !p1, p0  }
0x1f0: {  	s19 =	simm.s32 @p1 $0x1E83  }
0x1f1: {  	v12 =	vadd.f32 v12, v14;
	s19 =	sshll.u32 @!p0 s19, $0x7  }
0x1f2: {  	s20 =	simm.s32 @!p0 $0x800;
	s19 =	sand.u32 @!p0 $0x1FFFFF80, s19  }
0x1f3: {  	s29 =	simm.s32 @!p0 $0x400;
	s30 =	simm.s32 @!p0 $0x7A1400;
	(xrf2) =	vadd.scan.msk.f32 $0xffff, v12;
	s19 =	sadd.s32 @!p0 s1, s19  }
0x1f4: {  	[tilespmem:s20], [sflag:$0x1] =	stream.strided.gather @!p0 [hbm4b:s19+s29], $0x1000, s30, s29, $0x38;
	[tilespmem:$0x12800] =	vst v63  }
0x1f5: {  	s19 =	spop @!p0 (v2sf)  }
0x1f6: {  	s19 =	sshra.s32 @!p0 s19, $0x7  }
0x1f7: {  	p1 =	slt.s32 @!p0 s19, $0x1E83  }
0x1f8: {  	p1 =	por !p1, p0  }
0x1f9: {  	s19 =	simm.s32 @p1 $0x1E83  }
0x1fa: {  	s19 =	sshll.u32 @!p0 s19, $0x7  }
0x1fb: {  	s19 =	sand.u32 @!p0 $0x1FFFFF80, s19  }
0x1fc: {  	s20 =	simm.s32 @!p0 $0x9800;
	s19 =	sadd.s32 @!p0 s2, s19  }
0x1fd: {  	v12, _, _ =	vpop (xrf2);
	[tilespmem:s20], [sflag:$0x9] =	stream.strided.gather @!p0 [hbm4b:s19+s29], $0x1000, s30, s29, $0x38;
	[tilespmem:$0x12800] =	vst v63  }
0x1fe: {  	_ =	swait.ge [sflag:s23], $0x1000  }
0x1ff: {  	p1 =	sgt.s32 s0, $0xF41FF;
	[sflag:s23] =	ssyncset.done $0x0  }
0x200: {  	s19 =	simm.s32 $0xA;
	[sflag:s23] =	ssyncadd.s32 $0xFFFFF000;
	s23 =	rddreg [dreg:$0x10]  }
0x201: {  	_ =	swait.ge [sflag:s19], $0x1000;
	s19 =	sadd.s32 $0xFFF0BE40, s0;
	s0 =	sand.u32 $0x7F, s0  }
0x202: {  	p2 =	sgt.s32 s8, $0xF41FF;
	s0 =	smov.u32 @p1 s19;
	(v2sf) =	vpush @!p0 v3, $0x1  }
0x203: {  	s19 =	simm.s32 $0x8000;
	v28 =	vmov s0;
	s0 =	sadd.s32 $0xFFF0BE40, s8;
	s8 =	sand.u32 $0x7F, s8  }
0x204: {  	s19 =	simm.s32 @!p1 $0x1000;
	s8 =	smov.u32 @p2 s0;
	v29 =	vand.u32 $0xFFFFFF80, v28  }
0x205: {  	s0 =	simm.s32 $0x8000;
	v13 =	vand.u32 $0x7F, v28;
	v30 =	vmov s8;
	v14 =	vadd.s32 s19, v29  }
0x206: {  	s0 =	simm.s32 @!p2 $0x1000;
	v13 =	vor.u32 v13, v14;
	v31 =	vand.u32 $0xFFFFFF80, v30  }
0x207: {  	v15 =	vand.u32 $0x7F, v30;
	v16 =	vadd.s32 v0, v13;
	v14 =	vadd.s32 s0, v31  }
0x208: {  	v13 =	vadd.s32 v1, v13;
	v14 =	vor.u32 v15, v14  }
0x209: {  	s8 =	simm.s32 $0xA;
	v15 =	vadd.s32 v0, v14  }
0x20a: {  	[sflag:s8] =	ssyncset.done $0x0;
	v14 =	vadd.s32 v1, v14  }
0x20b: {  	(v2sf) =	vpush @!p0 v2, $0x1;
	[sflag:s8] =	ssyncadd.s32 $0xFFFFF000  }
0x20c: {  	v16 =	vld.idx.msk [tilespmem:v16+s16+$0x0], $0xffff  }
0x20d: {  	v13 =	vld.idx.msk [tilespmem:v13+s16+$0x0], $0xffff  }
0x20e: {  	v15 =	vld.idx.msk [tilespmem:v15+s17+$0x0], $0xffff  }
0x20f: {  	v14 =	vld.idx.msk [tilespmem:v14+s17+$0x0], $0xffff;
	_ =	sdelay $0x1  }
0x210: {  	s0 =	spop @!p0 (v2sf)  }
0x211: {  	s0 =	sshra.s32 @!p0 s0, $0x7  }
0x212: {  	p1 =	slt.s32 @!p0 s0, $0x1E83  }
0x213: {  	v15 =	vmul.f32 v15, v16;
	v13 =	vmul.f32 v14, v13;
	p1 =	por !p1, p0  }
0x214: {  	s0 =	simm.s32 @p1 $0x1E83  }
0x215: {  	v13 =	vadd.f32 v13, v15;
	s0 =	sshll.u32 @!p0 s0, $0x7  }
0x216: {  	s0 =	sand.u32 @!p0 $0x1FFFFF80, s0  }
0x217: {  	s8 =	simm.s32 @!p0 $0x1800;
	(xrf2) =	vadd.scan.msk.f32 $0xffff, v13;
	s0 =	sadd.s32 @!p0 s1, s0  }
0x218: {  	[tilespmem:s8], [sflag:$0x2] =	stream.strided.gather @!p0 [hbm4b:s0+s29], $0x1000, s30, s29, $0x38;
	[tilespmem:$0x12800] =	vst v63  }
0x219: {  	s0 =	spop @!p0 (v2sf)  }
0x21a: {  	s0 =	sshra.s32 @!p0 s0, $0x7  }
0x21b: {  	p1 =	slt.s32 @!p0 s0, $0x1E83  }
0x21c: {  	p1 =	por !p1, p0  }
0x21d: {  	s0 =	simm.s32 @p1 $0x1E83  }
0x21e: {  	s0 =	sshll.u32 @!p0 s0, $0x7  }
0x21f: {  	s0 =	sand.u32 @!p0 $0x1FFFFF80, s0  }
0x220: {  	s8 =	simm.s32 @!p0 $0xA800;
	s0 =	sadd.s32 @!p0 s2, s0  }
0x221: {  	[tilespmem:s8], [sflag:$0xA] =	stream.strided.gather @!p0 [hbm4b:s0+s29], $0x1000, s30, s29, $0x38;
	v13, _, _ =	vpop (xrf2);
	[tilespmem:$0x12800] =	vst v63  }
0x222: {  	_ =	swait.ge [sflag:s15], $0x1000  }
0x223: {  	[sflag:s15] =	ssyncset.done $0x0  }
0x224: {  	p1 =	sgt.s32 s4, $0xF41FF;
	[sflag:s15] =	ssyncadd.s32 $0xFFFFF000;
	s15 =	simm.s32 $0xB  }
0x225: {  	s0 =	sadd.s32 $0xFFF0BE40, s4;
	s4 =	sand.u32 $0x7F, s4;
	_ =	swait.ge [sflag:s15], $0x1000  }
0x226: {  	p2 =	sgt.s32 s9, $0xF41FF;
	s4 =	smov.u32 @p1 s0;
	(v2sf) =	vpush @!p0 v3, $0x2  }
0x227: {  	s8 =	sand.u32 $0x7F, s9;
	s0 =	simm.s32 $0x8000;
	v32 =	vmov s4;
	s4 =	sadd.s32 $0xFFF0BE40, s9  }
0x228: {  	s0 =	simm.s32 @!p1 $0x2000;
	s8 =	smov.u32 @p2 s4;
	v33 =	vand.u32 $0xFFFFFF80, v32  }
0x229: {  	s4 =	simm.s32 $0x8000;
	v14 =	vand.u32 $0x7F, v32;
	v34 =	vmov s8;
	v15 =	vadd.s32 s0, v33  }
0x22a: {  	s4 =	simm.s32 @!p2 $0x2000;
	v14 =	vor.u32 v14, v15;
	v35 =	vand.u32 $0xFFFFFF80, v34  }
0x22b: {  	v16 =	vand.u32 $0x7F, v34;
	v17 =	vadd.s32 v0, v14;
	v15 =	vadd.s32 s4, v35  }
0x22c: {  	v14 =	vadd.s32 v1, v14;
	v15 =	vor.u32 v16, v15  }
0x22d: {  	s9 =	simm.s32 $0xB;
	v16 =	vadd.s32 v0, v15  }
0x22e: {  	[sflag:s9] =	ssyncset.done $0x0;
	v15 =	vadd.s32 v1, v15  }
0x22f: {  	[sflag:s9] =	ssyncadd.s32 $0xFFFFF000;
	(v2sf) =	vpush @!p0 v2, $0x2  }
0x230: {  	v17 =	vld.idx.msk [tilespmem:v17+s16+$0x0], $0xffff  }
0x231: {  	v14 =	vld.idx.msk [tilespmem:v14+s16+$0x0], $0xffff  }
0x232: {  	v16 =	vld.idx.msk [tilespmem:v16+s17+$0x0], $0xffff  }
0x233: {  	v15 =	vld.idx.msk [tilespmem:v15+s17+$0x0], $0xffff;
	_ =	sdelay $0x1  }
0x234: {  	s0 =	spop @!p0 (v2sf)  }
0x235: {  	s0 =	sshra.s32 @!p0 s0, $0x7  }
0x236: {  	p1 =	slt.s32 @!p0 s0, $0x1E83  }
0x237: {  	v16 =	vmul.f32 v16, v17;
	v14 =	vmul.f32 v15, v14;
	p1 =	por !p1, p0  }
0x238: {  	s0 =	simm.s32 @p1 $0x1E83  }
0x239: {  	v14 =	vadd.f32 v14, v16;
	s0 =	sshll.u32 @!p0 s0, $0x7  }
0x23a: {  	s0 =	sand.u32 @!p0 $0x1FFFFF80, s0  }
0x23b: {  	s4 =	simm.s32 @!p0 $0x2800;
	(xrf2) =	vadd.scan.msk.f32 $0xffff, v14;
	s0 =	sadd.s32 @!p0 s1, s0  }
0x23c: {  	[tilespmem:s4], [sflag:$0x3] =	stream.strided.gather @!p0 [hbm4b:s0+s29], $0x1000, s30, s29, $0x38;
	[tilespmem:$0x12800] =	vst v63  }
0x23d: {  	s0 =	spop @!p0 (v2sf)  }
0x23e: {  	s0 =	sshra.s32 @!p0 s0, $0x7  }
0x23f: {  	p1 =	slt.s32 @!p0 s0, $0x1E83  }
0x240: {  	p1 =	por !p1, p0  }
0x241: {  	s0 =	simm.s32 @p1 $0x1E83  }
0x242: {  	s0 =	sshll.u32 @!p0 s0, $0x7  }
0x243: {  	s0 =	sand.u32 @!p0 $0x1FFFFF80, s0  }
0x244: {  	s4 =	simm.s32 @!p0 $0xB800;
	s0 =	sadd.s32 @!p0 s2, s0  }
0x245: {  	v14, _, _ =	vpop (xrf2);
	[tilespmem:s4], [sflag:$0xB] =	stream.strided.gather @!p0 [hbm4b:s0+s29], $0x1000, s30, s29, $0x38;
	[tilespmem:$0x12800] =	vst v63  }
0x246: {  	_ =	swait.ge [sflag:s21], $0x1000  }
0x247: {  	[sflag:s21] =	ssyncset.done $0x0  }
0x248: {  	s8 =	simm.s32 $0xC;
	p1 =	sgt.s32 s13, $0xF41FF;
	[sflag:s21] =	ssyncadd.s32 $0xFFFFF000  }
0x249: {  	s0 =	sadd.s32 $0xFFF0BE40, s13;
	s4 =	sand.u32 $0x7F, s13;
	_ =	swait.ge [sflag:s8], $0x1000  }
0x24a: {  	p2 =	sgt.s32 s10, $0xF41FF;
	s4 =	smov.u32 @p1 s0;
	(v2sf) =	vpush @!p0 v3, $0x3  }
0x24b: {  	s0 =	simm.s32 $0x8000;
	v36 =	vmov s4;
	s4 =	sadd.s32 $0xFFF0BE40, s10;
	s8 =	sand.u32 $0x7F, s10  }
0x24c: {  	s0 =	simm.s32 @!p1 $0x3000;
	v37 =	vand.u32 $0xFFFFFF80, v36;
	s8 =	smov.u32 @p2 s4  }
0x24d: {  	v15 =	vand.u32 $0x7F, v36;
	v16 =	vadd.s32 s0, v37;
	s4 =	simm.s32 $0x8000;
	v38 =	vmov s8  }
0x24e: {  	v15 =	vor.u32 v15, v16;
	s4 =	simm.s32 @!p2 $0x3000;
	v39 =	vand.u32 $0xFFFFFF80, v38  }
0x24f: {  	v18 =	vadd.s32 v0, v15;
	v17 =	vand.u32 $0x7F, v38;
	v16 =	vadd.s32 s4, v39  }
0x250: {  	v15 =	vadd.s32 v1, v15;
	v16 =	vor.u32 v17, v16  }
0x251: {  	s10 =	simm.s32 $0xC;
	v17 =	vadd.s32 v0, v16  }
0x252: {  	[sflag:s10] =	ssyncset.done $0x0;
	v16 =	vadd.s32 v1, v16  }
0x253: {  	[sflag:s10] =	ssyncadd.s32 $0xFFFFF000;
	(v2sf) =	vpush @!p0 v2, $0x3  }
0x254: {  	v18 =	vld.idx.msk [tilespmem:v18+s16+$0x0], $0xffff  }
0x255: {  	v15 =	vld.idx.msk [tilespmem:v15+s16+$0x0], $0xffff  }
0x256: {  	v17 =	vld.idx.msk [tilespmem:v17+s17+$0x0], $0xffff  }
0x257: {  	v16 =	vld.idx.msk [tilespmem:v16+s17+$0x0], $0xffff;
	_ =	sdelay $0x1  }
0x258: {  	s0 =	spop @!p0 (v2sf)  }
0x259: {  	s0 =	sshra.s32 @!p0 s0, $0x7  }
0x25a: {  	p1 =	slt.s32 @!p0 s0, $0x1E83  }
0x25b: {  	v17 =	vmul.f32 v17, v18;
	v15 =	vmul.f32 v16, v15;
	p1 =	por !p1, p0  }
0x25c: {  	s0 =	simm.s32 @p1 $0x1E83  }
0x25d: {  	v15 =	vadd.f32 v15, v17;
	s0 =	sshll.u32 @!p0 s0, $0x7  }
0x25e: {  	s0 =	sand.u32 @!p0 $0x1FFFFF80, s0  }
0x25f: {  	s4 =	simm.s32 @!p0 $0x3800;
	(xrf2) =	vadd.scan.msk.f32 $0xffff, v15;
	s0 =	sadd.s32 @!p0 s1, s0  }
0x260: {  	[tilespmem:s4], [sflag:$0x4] =	stream.strided.gather @!p0 [hbm4b:s0+s29], $0x1000, s30, s29, $0x38;
	[tilespmem:$0x12800] =	vst v63  }
0x261: {  	s0 =	spop @!p0 (v2sf)  }
0x262: {  	s0 =	sshra.s32 @!p0 s0, $0x7  }
0x263: {  	p1 =	slt.s32 @!p0 s0, $0x1E83  }
0x264: {  	p1 =	por !p1, p0  }
0x265: {  	s0 =	simm.s32 @p1 $0x1E83  }
0x266: {  	s0 =	sshll.u32 @!p0 s0, $0x7  }
0x267: {  	s0 =	sand.u32 @!p0 $0x1FFFFF80, s0  }
0x268: {  	s4 =	simm.s32 @!p0 $0xC800;
	s0 =	sadd.s32 @!p0 s2, s0  }
0x269: {  	v15, _, _ =	vpop (xrf2);
	[tilespmem:s4], [sflag:$0xC] =	stream.strided.gather @!p0 [hbm4b:s0+s29], $0x1000, s30, s29, $0x38;
	[tilespmem:$0x12800] =	vst v63  }
0x26a: {  	_ =	swait.ge [sflag:s22], $0x1000  }
0x26b: {  	[sflag:s22] =	ssyncset.done $0x0  }
0x26c: {  	s13 =	simm.s32 $0xD;
	p1 =	sgt.s32 s5, $0xF41FF;
	[sflag:s22] =	ssyncadd.s32 $0xFFFFF000  }
0x26d: {  	s0 =	sadd.s32 $0xFFF0BE40, s5;
	s4 =	sand.u32 $0x7F, s5;
	_ =	swait.ge [sflag:s13], $0x1000  }
0x26e: {  	p2 =	sgt.s32 s11, $0xF41FF;
	s4 =	smov.u32 @p1 s0;
	(v2sf) =	vpush @!p0 v3, $0x4  }
0x26f: {  	s5 =	sand.u32 $0x7F, s11;
	s0 =	simm.s32 $0x8000;
	v40 =	vmov s4;
	s4 =	sadd.s32 $0xFFF0BE40, s11  }
0x270: {  	s0 =	simm.s32 @!p1 $0x4000;
	s5 =	smov.u32 @p2 s4;
	v41 =	vand.u32 $0xFFFFFF80, v40  }
0x271: {  	s4 =	simm.s32 $0x8000;
	v16 =	vand.u32 $0x7F, v40;
	v42 =	vmov s5;
	v17 =	vadd.s32 s0, v41  }
0x272: {  	s4 =	simm.s32 @!p2 $0x4000;
	v16 =	vor.u32 v16, v17;
	v43 =	vand.u32 $0xFFFFFF80, v42  }
0x273: {  	v18 =	vand.u32 $0x7F, v42;
	v19 =	vadd.s32 v0, v16;
	v17 =	vadd.s32 s4, v43  }
0x274: {  	v16 =	vadd.s32 v1, v16;
	v17 =	vor.u32 v18, v17  }
0x275: {  	s15 =	simm.s32 $0xD;
	v18 =	vadd.s32 v0, v17  }
0x276: {  	[sflag:s15] =	ssyncset.done $0x0;
	v17 =	vadd.s32 v1, v17  }
0x277: {  	[sflag:s15] =	ssyncadd.s32 $0xFFFFF000;
	(v2sf) =	vpush @!p0 v2, $0x4  }
0x278: {  	v19 =	vld.idx.msk [tilespmem:v19+s16+$0x0], $0xffff  }
0x279: {  	v16 =	vld.idx.msk [tilespmem:v16+s16+$0x0], $0xffff  }
0x27a: {  	v18 =	vld.idx.msk [tilespmem:v18+s17+$0x0], $0xffff  }
0x27b: {  	v17 =	vld.idx.msk [tilespmem:v17+s17+$0x0], $0xffff;
	_ =	sdelay $0x1  }
0x27c: {  	s0 =	spop @!p0 (v2sf)  }
0x27d: {  	s0 =	sshra.s32 @!p0 s0, $0x7  }
0x27e: {  	p1 =	slt.s32 @!p0 s0, $0x1E83  }
0x27f: {  	v18 =	vmul.f32 v18, v19;
	v16 =	vmul.f32 v17, v16;
	p1 =	por !p1, p0  }
0x280: {  	s0 =	simm.s32 @p1 $0x1E83  }
0x281: {  	v16 =	vadd.f32 v16, v18;
	s0 =	sshll.u32 @!p0 s0, $0x7  }
0x282: {  	s0 =	sand.u32 @!p0 $0x1FFFFF80, s0  }
0x283: {  	s4 =	simm.s32 @!p0 $0x4800;
	(xrf2) =	vadd.scan.msk.f32 $0xffff, v16;
	s0 =	sadd.s32 @!p0 s1, s0  }
0x284: {  	[tilespmem:s4], [sflag:$0x5] =	stream.strided.gather @!p0 [hbm4b:s0+s29], $0x1000, s30, s29, $0x38;
	[tilespmem:$0x12800] =	vst v63  }
0x285: {  	s0 =	spop @!p0 (v2sf)  }
0x286: {  	s0 =	sshra.s32 @!p0 s0, $0x7  }
0x287: {  	p1 =	slt.s32 @!p0 s0, $0x1E83  }
0x288: {  	p1 =	por !p1, p0  }
0x289: {  	s0 =	simm.s32 @p1 $0x1E83  }
0x28a: {  	s0 =	sshll.u32 @!p0 s0, $0x7  }
0x28b: {  	s0 =	sand.u32 @!p0 $0x1FFFFF80, s0  }
0x28c: {  	s4 =	simm.s32 @!p0 $0xD800;
	s0 =	sadd.s32 @!p0 s2, s0  }
0x28d: {  	v16, _, _ =	vpop (xrf2);
	[tilespmem:s4], [sflag:$0xD] =	stream.strided.gather @!p0 [hbm4b:s0+s29], $0x1000, s30, s29, $0x38;
	[tilespmem:$0x12800] =	vst v63  }
0x28e: {  	_ =	swait.ge [sflag:s26], $0x1000  }
0x28f: {  	[sflag:s26] =	ssyncset.done $0x0  }
0x290: {  	s21 =	simm.s32 $0xE;
	p1 =	sgt.s32 s6, $0xF41FF;
	[sflag:s26] =	ssyncadd.s32 $0xFFFFF000  }
0x291: {  	s0 =	sadd.s32 $0xFFF0BE40, s6;
	s4 =	sand.u32 $0x7F, s6;
	_ =	swait.ge [sflag:s21], $0x1000  }
0x292: {  	p2 =	sgt.s32 s3, $0xF41FF;
	s4 =	smov.u32 @p1 s0;
	(v2sf) =	vpush @!p0 v3, $0x5  }
0x293: {  	s0 =	simm.s32 $0x8000;
	v44 =	vmov s4;
	s4 =	sadd.s32 $0xFFF0BE40, s3;
	s3 =	sand.u32 $0x7F, s3  }
0x294: {  	s0 =	simm.s32 @!p1 $0x5000;
	s3 =	smov.u32 @p2 s4;
	v45 =	vand.u32 $0xFFFFFF80, v44  }
0x295: {  	v17 =	vand.u32 $0x7F, v44;
	v46 =	vmov s3;
	s3 =	simm.s32 $0x8000;
	v18 =	vadd.s32 s0, v45  }
0x296: {  	s3 =	simm.s32 @!p2 $0x5000;
	v17 =	vor.u32 v17, v18;
	v47 =	vand.u32 $0xFFFFFF80, v46  }
0x297: {  	v19 =	vand.u32 $0x7F, v46;
	v20 =	vadd.s32 v0, v17;
	v18 =	vadd.s32 s3, v47  }
0x298: {  	v17 =	vadd.s32 v1, v17;
	v18 =	vor.u32 v19, v18  }
0x299: {  	s22 =	simm.s32 $0xE;
	v19 =	vadd.s32 v0, v18  }
0x29a: {  	[sflag:s22] =	ssyncset.done $0x0;
	v18 =	vadd.s32 v1, v18  }
0x29b: {  	[sflag:s22] =	ssyncadd.s32 $0xFFFFF000;
	(v2sf) =	vpush @!p0 v2, $0x5  }
0x29c: {  	v20 =	vld.idx.msk [tilespmem:v20+s16+$0x0], $0xffff  }
0x29d: {  	v17 =	vld.idx.msk [tilespmem:v17+s16+$0x0], $0xffff  }
0x29e: {  	v19 =	vld.idx.msk [tilespmem:v19+s17+$0x0], $0xffff  }
0x29f: {  	v18 =	vld.idx.msk [tilespmem:v18+s17+$0x0], $0xffff;
	_ =	sdelay $0x1  }
0x2a0: {  	s0 =	spop @!p0 (v2sf)  }
0x2a1: {  	s0 =	sshra.s32 @!p0 s0, $0x7  }
0x2a2: {  	p1 =	slt.s32 @!p0 s0, $0x1E83  }
0x2a3: {  	v19 =	vmul.f32 v19, v20;
	v17 =	vmul.f32 v18, v17;
	p1 =	por !p1, p0  }
0x2a4: {  	s0 =	simm.s32 @p1 $0x1E83  }
0x2a5: {  	v17 =	vadd.f32 v17, v19;
	s0 =	sshll.u32 @!p0 s0, $0x7  }
0x2a6: {  	s0 =	sand.u32 @!p0 $0x1FFFFF80, s0  }
0x2a7: {  	s3 =	simm.s32 @!p0 $0x5800;
	(xrf2) =	vadd.scan.msk.f32 $0xffff, v17;
	s0 =	sadd.s32 @!p0 s1, s0  }
0x2a8: {  	[tilespmem:s3], [sflag:$0x6] =	stream.strided.gather @!p0 [hbm4b:s0+s29], $0x1000, s30, s29, $0x38;
	[tilespmem:$0x12800] =	vst v63  }
0x2a9: {  	s0 =	spop @!p0 (v2sf)  }
0x2aa: {  	s0 =	sshra.s32 @!p0 s0, $0x7  }
0x2ab: {  	p1 =	slt.s32 @!p0 s0, $0x1E83  }
0x2ac: {  	p1 =	por !p1, p0  }
0x2ad: {  	s0 =	simm.s32 @p1 $0x1E83  }
0x2ae: {  	s0 =	sshll.u32 @!p0 s0, $0x7  }
0x2af: {  	s0 =	sand.u32 @!p0 $0x1FFFFF80, s0  }
0x2b0: {  	s3 =	simm.s32 @!p0 $0xE800;
	s0 =	sadd.s32 @!p0 s2, s0  }
0x2b1: {  	v17, _, _ =	vpop (xrf2);
	[tilespmem:s3], [sflag:$0xE] =	stream.strided.gather @!p0 [hbm4b:s0+s29], $0x1000, s30, s29, $0x38;
	[tilespmem:$0x12800] =	vst v63  }
0x2b2: {  	_ =	swait.ge [sflag:s28], $0x1000  }
0x2b3: {  	[sflag:s28] =	ssyncset.done $0x0  }
0x2b4: {  	p1 =	sgt.s32 s7, $0xF41FF;
	s3 =	simm.s32 $0xF;
	[sflag:s28] =	ssyncadd.s32 $0xFFFFF000  }
0x2b5: {  	s0 =	sadd.s32 $0xFFF0BE40, s7;
	_ =	swait.ge [sflag:s3], $0x1000;
	s3 =	sand.u32 $0x7F, s7  }
0x2b6: {  	s4 =	sand.u32 $0x7F, s12;
	s3 =	smov.u32 @p1 s0;
	(v2sf) =	vpush @!p0 v3, $0x6  }
0x2b7: {  	p2 =	sgt.s32 s12, $0xF41FF;
	s0 =	simm.s32 $0x8000;
	v48 =	vmov s3;
	s3 =	sadd.s32 $0xFFF0BE40, s12  }
0x2b8: {  	s0 =	simm.s32 @!p1 $0x6000;
	s4 =	smov.u32 @p2 s3;
	v49 =	vand.u32 $0xFFFFFF80, v48  }
0x2b9: {  	s3 =	simm.s32 $0x8000;
	v18 =	vand.u32 $0x7F, v48;
	v50 =	vmov s4;
	v19 =	vadd.s32 s0, v49  }
0x2ba: {  	s3 =	simm.s32 @!p2 $0x6000;
	v18 =	vor.u32 v18, v19;
	v51 =	vand.u32 $0xFFFFFF80, v50  }
0x2bb: {  	v20 =	vand.u32 $0x7F, v50;
	v21 =	vadd.s32 v0, v18;
	v19 =	vadd.s32 s3, v51  }
0x2bc: {  	v18 =	vadd.s32 v1, v18;
	v19 =	vor.u32 v20, v19  }
0x2bd: {  	s4 =	simm.s32 $0xF;
	v20 =	vadd.s32 v0, v19  }
0x2be: {  	[sflag:s4] =	ssyncset.done $0x0;
	v19 =	vadd.s32 v1, v19  }
0x2bf: {  	(v2sf) =	vpush @!p0 v2, $0x6;
	[sflag:s4] =	ssyncadd.s32 $0xFFFFF000  }
0x2c0: {  	v21 =	vld.idx.msk [tilespmem:v21+s16+$0x0], $0xffff  }
0x2c1: {  	v18 =	vld.idx.msk [tilespmem:v18+s16+$0x0], $0xffff  }
0x2c2: {  	v20 =	vld.idx.msk [tilespmem:v20+s17+$0x0], $0xffff  }
0x2c3: {  	v19 =	vld.idx.msk [tilespmem:v19+s17+$0x0], $0xffff;
	_ =	sdelay $0x1  }
0x2c4: {  	s0 =	spop @!p0 (v2sf)  }
0x2c5: {  	s0 =	sshra.s32 @!p0 s0, $0x7  }
0x2c6: {  	p1 =	slt.s32 @!p0 s0, $0x1E83  }
0x2c7: {  	v20 =	vmul.f32 v20, v21;
	v18 =	vmul.f32 v19, v18;
	p1 =	por !p1, p0  }
0x2c8: {  	s0 =	simm.s32 @p1 $0x1E83  }
0x2c9: {  	v18 =	vadd.f32 v18, v20;
	s0 =	sshll.u32 @!p0 s0, $0x7  }
0x2ca: {  	s0 =	sand.u32 @!p0 $0x1FFFFF80, s0  }
0x2cb: {  	s3 =	simm.s32 @!p0 $0x6800;
	(xrf2) =	vadd.scan.msk.f32 $0xffff, v18;
	s0 =	sadd.s32 @!p0 s1, s0  }
0x2cc: {  	[tilespmem:s3], [sflag:$0x7] =	stream.strided.gather @!p0 [hbm4b:s0+s29], $0x1000, s30, s29, $0x38;
	[tilespmem:$0x12800] =	vst v63  }
0x2cd: {  	s0 =	spop @!p0 (v2sf)  }
0x2ce: {  	s0 =	sshra.s32 @!p0 s0, $0x7  }
0x2cf: {  	p1 =	slt.s32 @!p0 s0, $0x1E83  }
0x2d0: {  	p1 =	por !p1, p0  }
0x2d1: {  	s0 =	simm.s32 @p1 $0x1E83  }
0x2d2: {  	s0 =	sshll.u32 @!p0 s0, $0x7  }
0x2d3: {  	s0 =	sand.u32 @!p0 $0x1FFFFF80, s0  }
0x2d4: {  	s8 =	simm.s32 $0x8;
	s3 =	simm.s32 @!p0 $0xF800;
	s0 =	sadd.s32 @!p0 s2, s0  }
0x2d5: {  	[tilespmem:s3], [sflag:$0xF] =	stream.strided.gather @!p0 [hbm4b:s0+s29], $0x1000, s30, s29, $0x38;
	v18, _, _ =	vpop (xrf2);
	[tilespmem:$0x12800] =	vst v63  }
0x2d6: {  	_ =	swait.ge [sflag:s8], $0x1000  }
0x2d7: {  	[sflag:s8] =	ssyncset.done $0x0  }
0x2d8: {  	s13 =	simm.s32 $0x10;
	[sflag:s8] =	ssyncadd.s32 $0xFFFFF000  }
0x2d9: {  	_ =	swait.ge [sflag:s13], $0x1000  }
0x2da: {  	(v2sf) =	vpush @!p0 v3, $0x7  }
0x2db: {  	p2 =	sgt.s32 s18, $0xF41FF  }
0x2dc: {  	p1 =	sgt.s32 s31, $0xF41FF;
	s0 =	sadd.s32 $0xFFF0BE40, s31;
	s3 =	sand.u32 $0x7F, s31  }
0x2dd: {  	s4 =	sand.u32 $0x7F, s18;
	s3 =	smov.u32 @p1 s0;
	s0 =	sadd.s32 $0xFFF0BE40, s18  }
0x2de: {  	s4 =	smov.u32 @p2 s0;
	s0 =	simm.s32 $0x8000;
	v3 =	vmov s3  }
0x2df: {  	s0 =	simm.s32 @!p1 $0x7000;
	v52 =	vmov s4;
	s3 =	simm.s32 $0x8000;
	v53 =	vand.u32 $0xFFFFFF80, v3  }
0x2e0: {  	v54 =	vand.u32 $0xFFFFFF80, v52;
	s3 =	simm.s32 @!p2 $0x7000;
	v3 =	vand.u32 $0x7F, v3;
	v20 =	vadd.s32 s0, v53  }
0x2e1: {  	v19 =	vand.u32 $0x7F, v52;
	v55 =	vadd.s32 s3, v54;
	v3 =	vor.u32 v3, v20  }
0x2e2: {  	v19 =	vor.u32 v19, v55;
	v56 =	vadd.s32 v0, v3  }
0x2e3: {  	(v2sf) =	vpush @!p0 v2, $0x7;
	v2 =	vadd.s32 v0, v19  }
0x2e4: {  	s22 =	simm.s32 $0x10;
	v3 =	vadd.s32 v1, v3  }
0x2e5: {  	[sflag:s22] =	ssyncset.done $0x0;
	v19 =	vadd.s32 v1, v19  }
0x2e6: {  	[sflag:s22] =	ssyncadd.s32 $0xFFFFF000  }
0x2e7: {  	v20 =	vld.idx.msk [tilespmem:v56+s16+$0x0], $0xffff  }
0x2e8: {  	v2 =	vld.idx.msk [tilespmem:v2+s17+$0x0], $0xffff  }
0x2e9: {  	v3 =	vld.idx.msk [tilespmem:v3+s16+$0x0], $0xffff;
	s0 =	spop @!p0 (v2sf)  }
0x2ea: {  	v19 =	vld.idx.msk [tilespmem:v19+s17+$0x0], $0xffff;
	s0 =	sshra.s32 @!p0 s0, $0x7  }
0x2eb: {  	p1 =	slt.s32 @!p0 s0, $0x1E83  }
0x2ec: {  	p1 =	por !p1, p0  }
0x2ed: {  	v4 =	vbroadcast v4, $0xF;
	s0 =	simm.s32 @p1 $0x1E83  }
0x2ee: {  	v5 =	vbroadcast v5, $0xF;
	v6 =	vbroadcast v6, $0xF;
	s0 =	sshll.u32 @!p0 s0, $0x7  }
0x2ef: {  	v2 =	vmul.f32 v2, v20;
	v3 =	vmul.f32 v19, v3;
	s0 =	sand.u32 @!p0 $0x1FFFFF80, s0  }
0x2f0: {  	v4 =	vsel vm0, v4, v5;
	v57 =	vbroadcast v7, $0xF;
	s3 =	simm.s32 @!p0 $0x7800;
	s0 =	sadd.s32 @!p0 s1, s0  }
0x2f1: {  	v4 =	vsel vm1, v4, v6;
	v2 =	vadd.f32 v3, v2;
	v3 =	vbroadcast v8, $0xF;
	[tilespmem:s3], [sflag:$0x8] =	stream.strided.gather @!p0 [hbm4b:s0+s29], $0x1000, s30, s29, $0x38;
	[tilespmem:$0x12800] =	vst v63  }
0x2f2: {  	v4 =	vsel vm2, v4, v57;
	v58 =	vbroadcast v9, $0xF;
	s0 =	spop @!p0 (v2sf)  }
0x2f3: {  	v3 =	vsel vm3, v4, v3;
	(xrf2) =	vadd.scan.msk.f32 $0xffff, v2;
	v2 =	vbroadcast v10, $0xF;
	s0 =	sshra.s32 @!p0 s0, $0x7  }
0x2f4: {  	v59 =	vbroadcast v11, $0xF;
	v3 =	vsel vm4, v3, v58;
	p1 =	slt.s32 @!p0 s0, $0x1E83  }
0x2f5: {  	v2 =	vsel vm5, v3, v2;
	v3 =	vbroadcast v12, $0xF;
	p1 =	por !p1, p0  }
0x2f6: {  	v60 =	vbroadcast v13, $0xF;
	v2 =	vsel vm6, v2, v59;
	s0 =	simm.s32 @p1 $0x1E83  }
0x2f7: {  	v2 =	vsel vm7, v2, v3;
	v3 =	vbroadcast v14, $0xF;
	s0 =	sshll.u32 @!p0 s0, $0x7  }
0x2f8: {  	v61 =	vbroadcast v15, $0xF;
	v2 =	vsel vm8, v60, v2;
	s0 =	sand.u32 @!p0 $0x1FFFFF80, s0  }
0x2f9: {  	s3 =	simm.s32 @!p0 $0x10800;
	v2 =	vsel vm9, v3, v2;
	v3 =	vbroadcast v16, $0xF;
	s0 =	sadd.s32 @!p0 s2, s0  }
0x2fa: {  	v2 =	vsel vm10, v61, v2;
	[tilespmem:s3], [sflag:$0x10] =	stream.strided.gather @!p0 [hbm4b:s0+s29], $0x1000, s30, s29, $0x38;
	[tilespmem:$0x12800] =	vst v63  }
0x2fb: {  	v2 =	vsel vm11, v3, v2;
	v3 =	vbroadcast v18, $0xF;
	s29 =	rddreg [dreg:$0x12]  }
0x2fc: {  	v62 =	vbroadcast v17, $0xF;
	v63 =	vld [tilespmem:s29+$0x0];
	_ =	sdelay $0x1  }
0x2fd: {  	v2 =	vsel vm12, v62, v2  }
0x2fe: {  	v2 =	vsel vm13, v3, v2;
	v3, _, _ =	vpop (xrf2)  }
0x2ff: {  	v2 =	vsel vm14, v2, v3  }
0x300: {  	v2 =	vmul.f32 v63, v2;
	_ =	sdelay $0x1  }
0x301: {  	v2 =	vsub.f32 $0.0e+00, v2;
	_ =	sdelay $0x1  }
0x302: {  	v2 =	vmul.f32 $1.442695020e+00, v2;
	_ =	sdelay $0x1  }
0x303: {  	(erf) = vpow2.f32 v2;
	_ =	sdelay $0x8  }
0x304: {  	v2 =	vpop (erf)  }
0x305: {  	v2 =	vadd.f32 $1.000000000e+00, v2;
	_ =	sdelay $0x1  }
0x306: {  	(erf) = vrcp.f32 v2;
	_ =	sdelay $0x3  }
0x307: {  	s24 =	sadd.s32 $0x1, s24;
	s20 =	simm.s32 $0xD800  }
0x308: {  	s23 =	sadd.s32 $0x10, s23;
	s19 =	simm.s32 $0x4800;
	p0 =	seq.s32 s24, $0x0  }
.Ltmp0:
0x309: {  	s11 =	simm.s32 $0xB800;
	s5 =	simm.s32 $0x1800;
	(pc) =	sbr.rel @!p0 .LBB2_2-.Ltmp0, $4  }
0x30a: {  	s6 =	simm.s32 $0xA800;
	s21 =	simm.s32 $0x1;
	s7 =	simm.s32 $0x2800  }
0x30b: {  	s12 =	simm.s32 $0x3800;
	s31 =	simm.s32 $0x5800;
	s15 =	rddreg [dreg:$0x13]  }
0x30c: {  	s18 =	simm.s32 $0xC800;
	s22 =	simm.s32 $0x9;
	s30 =	rddreg [dreg:$0x11];
	v2 =	vpop (erf)  }
0x30d: {  	s4 =	sadd.s32 $0x10, s15;
	s3 =	sadd.s32 $0x10, s29;
	s0 =	sadd.s32 $0x10, s30;
	[tilespmem:s30+$0x0] =	vst v2  }
0x30e: {  	s10 =	simm.s32 $0x0;
	s0 =	rddreg [dreg:$0xd];
	s3 =	simm.s32 $0x600  }
0x30f: {  	[hbm4b:s0+s10] =	stream.linear.scatter [tilespmem:s3], [sflag:$0x11], $0x200, $0x38;
	[tilespmem:$0x12800] =	vst v63  }
0x310: {  	s3 =	simm.s32 $0x11  }
0x311: {  	_ =	swait.ge [sflag:s3], $0x200  }
0x312: {  	s4 =	rddreg [dreg:$0xf]  }
0x313: {  	s30 =	rddreg [dreg:$0xe];
	s4 =	sadd.s32 $0x1, s4  }
0x314: {  	p0 =	sne.s32 s4, s30  }
.Ltmp1:
0x315: {  	_ = 	snop;
	(pc) =	sbr.rel @p0 .LBB2_1-.Ltmp1, $4  }
0x316: {  	_ = 	snop  }
0x317: {  	s8 =	simm.s32 $0xE800;
	s9 =	simm.s32 $0x6800;
	s13 =	simm.s32 $0xF800  }
0x318: {  	s24 =	simm.s32 $0x7800;
	s25 =	simm.s32 $0x10800;
	[sflag:s3] =	ssyncset.done $0x0  }
0x319: {  	s14 =	simm.s32 $0x7A1400;
	s15 =	simm.s32 $0x400;
	[sflag:s3] =	ssyncadd.s32 $0xFFFFFE00  }
0x31a: {  	_ =	sfence.sel $0x180000  }
0x31b: {  	[bflag:$0x0] =	sbarrier.arrive $0xFFFF  }
0x31c: {  	_ =	strace $0x90000047  }
0x31d: {  	s0 =	stileid.u32;
	[bflag:$0x2] =	sbarrier.arrive $0xFFFF  }
0x31e: {  	p0 =	sne.s32 s0, $0x0;
	s0 =	rddreg [dreg:$0x7]  }
0x31f: {  	s0 =	sadd.s32 @!p0 $0x100000, s0  }
0x320: {  	[sflag:s0] =	ssyncadd.tile.s32 @!p0 $0x1;
	_ =	shalt  }
.Lfunc_end2:
_tile_overlayer_lowered:
.L_overlay_start_2:
0x321: {  	(tag) =	ssettag $0x2  }
0x322: {  	s0 =	rddreg [dreg:$0x0];
	s2 =	stileid.u32  }
0x323: {  	s1 =	rddreg [dreg:$0x1];
	p0 =	sne.s32 s2, $0x0  }
0x324: {  	s3 =	rddreg [dreg:$0x2];
	[bflag:$0x3] =	sbarrier.arrive $0xFFFF;
	s2 =	simm.s32 @!p0 $0x1C11  }
0x325: {  	[timem:s3], [sflag:s2] =	dma.local @!p0 [hbm:s0], s1  }
0x326: {  	s0 =	simm.s32 @!p0 $0x11  }
0x327: {  	_ =	swait.ge @!p0 [sflag:s0], s1  }
0x328: {  	s1 =	ssub.s32 @!p0 $0x0, s1;
	[sflag:s0] =	ssyncset.done @!p0 $0x0  }
0x329: {  	[sflag:s0] =	ssyncadd.s32 @!p0 s1  }
0x32a: {  	[bflag:$0x3] =	sbarrier.arrive $0xFFFF  }
0x32b: {  	_ =	shalt  }

</sc_bundles>
